<compile_context>
chip_gen: v7x
topology: tpu7x:2x2x1
jax: 0.10.2.dev20260603
libtpu: 0.0.44.dev20260713+nightly
codegen_flags: <defaults>
</compile_context>

<pallas_src>
import functools

import jax
import jax.numpy as jnp
from jax import lax
from jax.experimental import pallas as pl
from jax.experimental.pallas import tpu as pltpu
from jax.experimental.pallas import tpu_sc as plsc

_B = 16384
_D = 32
_NC = 2
_NS = 16
_NW = _NC * _NS
_PW = _B // _NW
_K = 16
_NB = _PW // _K


@functools.partial(
    pl.kernel,
    mesh=plsc.VectorSubcoreMesh(core_axis_name="c", subcore_axis_name="s"),
    out_type=jax.ShapeDtypeStruct((2 * _D, _B), jnp.float32),
    compiler_params=pltpu.CompilerParams(
        use_tc_tiling_on_sc=True, needs_layout_passes=False),
    scratch_types=[
        pltpu.VMEM((_PW,), jnp.int32),
        pltpu.VMEM((_PW,), jnp.int32),
        pltpu.VMEM((_K, _D, 128), jnp.float32),
        pltpu.VMEM((_D, _PW), jnp.float32),
        pltpu.VMEM((_D, _PW), jnp.float32),
    ] + [pltpu.SemaphoreType.DMA] * _K,
)
def _edge_gather(src_hbm, dst_hbm, table_t_hbm, out_hbm,
                 idx_s, idx_d, win, cols_s, cols_d, *sems):
    wid = lax.axis_index("s") * _NC + lax.axis_index("c")
    pltpu.sync_copy(src_hbm.at[wid], idx_s)
    pltpu.sync_copy(dst_hbm.at[wid], idx_d)

    d_lo = lax.iota(jnp.int32, 16)
    d_hi = d_lo + 16

    def enqueue(i, j):
        t0 = pl.multiple_of((i >> 7) * 128, 128)
        pltpu.async_copy(
            table_t_hbm.at[:, pl.ds(t0, 128)], win.at[j], sems[j])

    def extract(cols_ref, i, e, j):
        pltpu.make_async_copy(
            table_t_hbm.at[:, pl.ds(0, 128)], win.at[j], sems[j]).wait()
        j16 = jnp.full((16,), j, jnp.int32)
        l16 = jnp.full((16,), i & 127, jnp.int32)
        e16 = jnp.full((16,), e, jnp.int32)
        v_lo = plsc.load_gather(win, [j16, d_lo, l16])
        v_hi = plsc.load_gather(win, [j16, d_hi, l16])
        plsc.store_scatter(cols_ref, [d_lo, e16], v_lo)
        plsc.store_scatter(cols_ref, [d_hi, e16], v_hi)

    def stream(idx_ref, cols_ref):
        iv0 = idx_ref[pl.ds(0, _K)]
        for j in range(_K):
            enqueue(iv0[j], j)

        def round_(b, carry):
            iv_prev = idx_ref[pl.ds((b - 1) * _K, _K)]
            iv_cur = idx_ref[pl.ds(b * _K, _K)]
            for j in range(_K):
                extract(cols_ref, iv_prev[j], (b - 1) * _K + j, j)
                enqueue(iv_cur[j], j)
            return carry

        lax.fori_loop(1, _NB, round_, 0)
        iv_last = idx_ref[pl.ds((_NB - 1) * _K, _K)]
        for j in range(_K):
            extract(cols_ref, iv_last[j], (_NB - 1) * _K + j, j)

    stream(idx_s, cols_s)
    stream(idx_d, cols_d)

    base = wid * _PW
    pltpu.sync_copy(cols_s, out_hbm.at[pl.ds(0, _D), pl.ds(base, _PW)])
    pltpu.sync_copy(cols_d, out_hbm.at[pl.ds(_D, _D), pl.ds(base, _PW)])


def kernel(source_node_input, destination_node_input, table):
    src = source_node_input.reshape(_NW, _PW)
    dst = destination_node_input.reshape(_NW, _PW)
    out_t = _edge_gather(src, dst, table.T)
    return out_t.T

# --- scband reference (transcript-rebuilt; emitter-appended) ---
"""Pipeline reference for scband-edge-embedding-87316685128120 (READ-ONLY COPY).

The authoritative reference and input builder live on the scoring server;
editing this copy changes nothing except your own understanding.
"""

import jax, jax.numpy as jnp
import numpy as np

NODES = 1000000
EMB = 32
BATCH = 16384

def setup_inputs(seed: int = 0) -> dict:
    key = jax.random.key(seed)
    k1, k2, k3 = jax.random.split(key, 3)
    source_node_input = jax.random.randint(k1, (BATCH, 1), 0, NODES, dtype=jnp.int64 if jax.config.jax_enable_x64 else jnp.int32).astype(jnp.int32)
    destination_node_input = jax.random.randint(k2, (BATCH, 1), 0, NODES, dtype=jnp.int32)
    table = jax.random.normal(k3, (NODES, EMB), dtype=jnp.float32) * 0.05
    return {"source_node_input": source_node_input, "destination_node_input": destination_node_input, "table": table}

def reference(source_node_input, destination_node_input, table):
    # Embedding lookup with input_length=1 -> [B, 1, EMB]
    src_emb = jnp.take(table, source_node_input.reshape(-1), axis=0)[:, None, :]
    dst_emb = jnp.take(table, destination_node_input.reshape(-1), axis=0)[:, None, :]
    # _call: concatenation edge embedding (ConcatenateEdgeEmbedding child)
    edge_emb = jnp.concatenate([src_emb, dst_emb], axis=-1)  # [B, 1, 2*EMB]
    # Flatten -> [B, 2*EMB]
    flat = edge_emb.reshape(edge_emb.shape[0], -1)
    # Dropout is identity at inference
    return flat

if __name__ == "__main__":
    import jax
    _d = setup_inputs()
    print(jax.jit(kernel)(*tuple(_d.values())))

</pallas_src>

<mosaic_0001>
#map = affine_map<(d0, d1) -> (0, 0)>
module attributes {stable_mosaic.version = 14 : i64} {
  func.func @_edge_gather(%arg0: i32, %arg1: i32, %arg2: memref<32x512xi32, #tpu.memory_space<hbm>>, %arg3: memref<32x512xi32, #tpu.memory_space<hbm>>, %arg4: memref<32x1000000xf32, #tpu.memory_space<hbm>>, %arg5: memref<64x16384xf32, #tpu.memory_space<hbm>>, %arg6: memref<512xi32, #tpu.memory_space<vmem>>, %arg7: memref<512xi32, #tpu.memory_space<vmem>>, %arg8: memref<16x32x128xf32, #tpu.memory_space<vmem>>, %arg9: memref<32x512xf32, #tpu.memory_space<vmem>>, %arg10: memref<32x512xf32, #tpu.memory_space<vmem>>, %arg11: memref<!tpu.dma_semaphore, #tpu.memory_space<semaphore_mem>>, %arg12: memref<!tpu.dma_semaphore, #tpu.memory_space<semaphore_mem>>, %arg13: memref<!tpu.dma_semaphore, #tpu.memory_space<semaphore_mem>>, %arg14: memref<!tpu.dma_semaphore, #tpu.memory_space<semaphore_mem>>, %arg15: memref<!tpu.dma_semaphore, #tpu.memory_space<semaphore_mem>>, %arg16: memref<!tpu.dma_semaphore, #tpu.memory_space<semaphore_mem>>, %arg17: memref<!tpu.dma_semaphore, #tpu.memory_space<semaphore_mem>>, %arg18: memref<!tpu.dma_semaphore, #tpu.memory_space<semaphore_mem>>, %arg19: memref<!tpu.dma_semaphore, #tpu.memory_space<semaphore_mem>>, %arg20: memref<!tpu.dma_semaphore, #tpu.memory_space<semaphore_mem>>, %arg21: memref<!tpu.dma_semaphore, #tpu.memory_space<semaphore_mem>>, %arg22: memref<!tpu.dma_semaphore, #tpu.memory_space<semaphore_mem>>, %arg23: memref<!tpu.dma_semaphore, #tpu.memory_space<semaphore_mem>>, %arg24: memref<!tpu.dma_semaphore, #tpu.memory_space<semaphore_mem>>, %arg25: memref<!tpu.dma_semaphore, #tpu.memory_space<semaphore_mem>>, %arg26: memref<!tpu.dma_semaphore, #tpu.memory_space<semaphore_mem>>) attributes {dimension_semantics = [#tpu.dimension_semantics<core_parallel>, #tpu.dimension_semantics<subcore_parallel>], iteration_bounds = array<i64: 2, 16>, scalar_prefetch = 0 : i64, scratch_operands = 21 : i64, tpu.core_type = #tpu.core_type<sc_vector_subcore>, window_params = [{transform_indices = #map}, {transform_indices = #map}, {transform_indices = #map}, {transform_indices = #map}]} {
    %mul3A = arith.constant 2 : i32
    %mul3A_0 = arith.muli %arg1, %mul3A : i32
    %add3A = arith.addi %mul3A_0, %arg0 : i32
    "tpu.region"() ({
      %run_scoped3A = tpu.sem_alloc : memref<!tpu.dma_semaphore, #tpu.memory_space<semaphore_mem>>
      %dma_start3A_1487 = arith.constant 0 : i32
      %dma_start3A_1488 = tpu.memref_slice %arg2[%add3A, %dma_start3A_1487] : memref<32x512xi32, #tpu.memory_space<hbm>> -> memref<1x512xi32, #tpu.memory_space<hbm>>
      %dma_start3A_1489 = tpu.memref_squeeze %dma_start3A_1488 : memref<1x512xi32, #tpu.memory_space<hbm>> -> memref<512xi32, #tpu.memory_space<hbm>>
      %dma_start3A_1490 = arith.constant 0 : i32
      %dma_start3A_1491 = tpu.memref_slice %arg2[%add3A, %dma_start3A_1490] : memref<32x512xi32, #tpu.memory_space<hbm>> -> memref<1x512xi32, #tpu.memory_space<hbm>>
      %dma_start3A_1492 = tpu.memref_squeeze %dma_start3A_1491 : memref<1x512xi32, #tpu.memory_space<hbm>> -> memref<512xi32, #tpu.memory_space<hbm>>
      tpu.enqueue_dma source(%dma_start3A_1492 : memref<512xi32, #tpu.memory_space<hbm>>) target(%arg6 : memref<512xi32, #tpu.memory_space<vmem>>) target_semaphore(%run_scoped3A : memref<!tpu.dma_semaphore, #tpu.memory_space<semaphore_mem>>)
      %dma_wait3A_1493 = arith.constant 0 : i32
      %dma_wait3A_1494 = tpu.memref_slice %arg2[%add3A, %dma_wait3A_1493] : memref<32x512xi32, #tpu.memory_space<hbm>> -> memref<1x512xi32, #tpu.memory_space<hbm>>
      %dma_wait3A_1495 = tpu.memref_squeeze %dma_wait3A_1494 : memref<1x512xi32, #tpu.memory_space<hbm>> -> memref<512xi32, #tpu.memory_space<hbm>>
      %dma_wait3A_1496 = arith.constant 0 : i32
      %dma_wait3A_1497 = tpu.memref_slice %arg2[%add3A, %dma_wait3A_1496] : memref<32x512xi32, #tpu.memory_space<hbm>> -> memref<1x512xi32, #tpu.memory_space<hbm>>
      %dma_wait3A_1498 = tpu.memref_squeeze %dma_wait3A_1497 : memref<1x512xi32, #tpu.memory_space<hbm>> -> memref<512xi32, #tpu.memory_space<hbm>>
      tpu.wait_dma2 semaphore(%run_scoped3A : memref<!tpu.dma_semaphore, #tpu.memory_space<semaphore_mem>>) src(%dma_wait3A_1498 : memref<512xi32, #tpu.memory_space<hbm>>) dst(%arg6 : memref<512xi32, #tpu.memory_space<vmem>>)
      tpu.yield
    }) : () -> ()
    "tpu.region"() ({
      %run_scoped3A = tpu.sem_alloc : memref<!tpu.dma_semaphore, #tpu.memory_space<semaphore_mem>>
      %dma_start3A_1487 = arith.constant 0 : i32
      %dma_start3A_1488 = tpu.memref_slice %arg3[%add3A, %dma_start3A_1487] : memref<32x512xi32, #tpu.memory_space<hbm>> -> memref<1x512xi32, #tpu.memory_space<hbm>>
      %dma_start3A_1489 = tpu.memref_squeeze %dma_start3A_1488 : memref<1x512xi32, #tpu.memory_space<hbm>> -> memref<512xi32, #tpu.memory_space<hbm>>
      %dma_start3A_1490 = arith.constant 0 : i32
      %dma_start3A_1491 = tpu.memref_slice %arg3[%add3A, %dma_start3A_1490] : memref<32x512xi32, #tpu.memory_space<hbm>> -> memref<1x512xi32, #tpu.memory_space<hbm>>
      %dma_start3A_1492 = tpu.memref_squeeze %dma_start3A_1491 : memref<1x512xi32, #tpu.memory_space<hbm>> -> memref<512xi32, #tpu.memory_space<hbm>>
      tpu.enqueue_dma source(%dma_start3A_1492 : memref<512xi32, #tpu.memory_space<hbm>>) target(%arg7 : memref<512xi32, #tpu.memory_space<vmem>>) target_semaphore(%run_scoped3A : memref<!tpu.dma_semaphore, #tpu.memory_space<semaphore_mem>>)
      %dma_wait3A_1493 = arith.constant 0 : i32
      %dma_wait3A_1494 = tpu.memref_slice %arg3[%add3A, %dma_wait3A_1493] : memref<32x512xi32, #tpu.memory_space<hbm>> -> memref<1x512xi32, #tpu.memory_space<hbm>>
      %dma_wait3A_1495 = tpu.memref_squeeze %dma_wait3A_1494 : memref<1x512xi32, #tpu.memory_space<hbm>> -> memref<512xi32, #tpu.memory_space<hbm>>
      %dma_wait3A_1496 = arith.constant 0 : i32
      %dma_wait3A_1497 = tpu.memref_slice %arg3[%add3A, %dma_wait3A_1496] : memref<32x512xi32, #tpu.memory_space<hbm>> -> memref<1x512xi32, #tpu.memory_space<hbm>>
      %dma_wait3A_1498 = tpu.memref_squeeze %dma_wait3A_1497 : memref<1x512xi32, #tpu.memory_space<hbm>> -> memref<512xi32, #tpu.memory_space<hbm>>
      tpu.wait_dma2 semaphore(%run_scoped3A : memref<!tpu.dma_semaphore, #tpu.memory_space<semaphore_mem>>) src(%dma_wait3A_1498 : memref<512xi32, #tpu.memory_space<hbm>>) dst(%arg7 : memref<512xi32, #tpu.memory_space<vmem>>)
      tpu.yield
    }) : () -> ()
    %iota3A = tpu.iota {dimensions = array<i32: 0>} : vector<16xi32>
    %add3A_1 = arith.constant 16 : i32
    %add3A_2 = vector.broadcast %add3A_1 : i32 to vector<16xi32>
    %add3A_3 = arith.addi %iota3A, %add3A_2 : vector<16xi32>
    %get3A = arith.constant 0 : index
    %get3A_4 = tpu.vector_load %arg6[%get3A] {strides = array<i32>} : memref<512xi32, #tpu.memory_space<vmem>>, vector<16xi32>,
    %slice3A = vector.extract_strided_slice %get3A_4 {offsets = [0], sizes = [1], strides = [1]} : vector<16xi32> to vector<1xi32>
    %squeeze3A = vector.extract %slice3A[0] : i32 from vector<1xi32>
    %shift_right_arithmetic3A = arith.constant 7 : i32
    %shift_right_arithmetic3A_5 = arith.shrsi %squeeze3A, %shift_right_arithmetic3A : i32
    %mul3A_6 = arith.constant 128 : i32
    %mul3A_7 = arith.muli %shift_right_arithmetic3A_5, %mul3A_6 : i32
    %multiple_of3A = tpu.assume_multiple %mul3A_7, 128 : i32
    %dma_start3A = arith.constant 0 : i32
    %dma_start3A_8 = arith.constant 0 : i32
    %dma_start3A_9 = arith.constant 0 : i32
    %dma_start3A_10 = tpu.memref_slice %arg8[%dma_start3A, %dma_start3A_8, %dma_start3A_9] : memref<16x32x128xf32, #tpu.memory_space<vmem>> -> memref<1x32x128xf32, #tpu.memory_space<vmem>>
    %dma_start3A_11 = tpu.memref_squeeze %dma_start3A_10 : memref<1x32x128xf32, #tpu.memory_space<vmem>> -> memref<32x128xf32, #tpu.memory_space<vmem>>
    %dma_start3A_12 = arith.constant 0 : i32
    %dma_start3A_13 = tpu.memref_slice %arg4[%dma_start3A_12, %multiple_of3A] : memref<32x1000000xf32, #tpu.memory_space<hbm>> -> memref<32x128xf32, #tpu.memory_space<hbm>>
    %dma_start3A_14 = arith.constant 0 : i32
    %dma_start3A_15 = arith.constant 0 : i32
    %dma_start3A_16 = tpu.memref_slice %arg8[%dma_start3A, %dma_start3A_14, %dma_start3A_15] : memref<16x32x128xf32, #tpu.memory_space<vmem>> -> memref<1x32x128xf32, #tpu.memory_space<vmem>>
    %dma_start3A_17 = tpu.memref_squeeze %dma_start3A_16 : memref<1x32x128xf32, #tpu.memory_space<vmem>> -> memref<32x128xf32, #tpu.memory_space<vmem>>
    %dma_start3A_18 = arith.constant 0 : i32
    %dma_start3A_19 = tpu.memref_slice %arg4[%dma_start3A_18, %multiple_of3A] : memref<32x1000000xf32, #tpu.memory_space<hbm>> -> memref<32x128xf32, #tpu.memory_space<hbm>>
    tpu.enqueue_dma source(%dma_start3A_19 : memref<32x128xf32, #tpu.memory_space<hbm>>) target(%dma_start3A_17 : memref<32x128xf32, #tpu.memory_space<vmem>>) target_semaphore(%arg11 : memref<!tpu.dma_semaphore, #tpu.memory_space<semaphore_mem>>)
    %slice3A_20 = vector.extract_strided_slice %get3A_4 {offsets = [1], sizes = [1], strides = [1]} : vector<16xi32> to vector<1xi32>
    %squeeze3A_21 = vector.extract %slice3A_20[0] : i32 from vector<1xi32>
    %shift_right_arithmetic3A_22 = arith.constant 7 : i32
    %shift_right_arithmetic3A_23 = arith.shrsi %squeeze3A_21, %shift_right_arithmetic3A_22 : i32
    %mul3A_24 = arith.constant 128 : i32
    %mul3A_25 = arith.muli %shift_right_arithmetic3A_23, %mul3A_24 : i32
    %multiple_of3A_26 = tpu.assume_multiple %mul3A_25, 128 : i32
    %dma_start3A_27 = arith.constant 1 : i32
    %dma_start3A_28 = arith.constant 0 : i32
    %dma_start3A_29 = arith.constant 0 : i32
    %dma_start3A_30 = tpu.memref_slice %arg8[%dma_start3A_27, %dma_start3A_28, %dma_start3A_29] : memref<16x32x128xf32, #tpu.memory_space<vmem>> -> memref<1x32x128xf32, #tpu.memory_space<vmem>>
    %dma_start3A_31 = tpu.memref_squeeze %dma_start3A_30 : memref<1x32x128xf32, #tpu.memory_space<vmem>> -> memref<32x128xf32, #tpu.memory_space<vmem>>
    %dma_start3A_32 = arith.constant 0 : i32
    %dma_start3A_33 = tpu.memref_slice %arg4[%dma_start3A_32, %multiple_of3A_26] : memref<32x1000000xf32, #tpu.memory_space<hbm>> -> memref<32x128xf32, #tpu.memory_space<hbm>>
    %dma_start3A_34 = arith.constant 0 : i32
    %dma_start3A_35 = arith.constant 0 : i32
    %dma_start3A_36 = tpu.memref_slice %arg8[%dma_start3A_27, %dma_start3A_34, %dma_start3A_35] : memref<16x32x128xf32, #tpu.memory_space<vmem>> -> memref<1x32x128xf32, #tpu.memory_space<vmem>>
    %dma_start3A_37 = tpu.memref_squeeze %dma_start3A_36 : memref<1x32x128xf32, #tpu.memory_space<vmem>> -> memref<32x128xf32, #tpu.memory_space<vmem>>
    %dma_start3A_38 = arith.constant 0 : i32
    %dma_start3A_39 = tpu.memref_slice %arg4[%dma_start3A_38, %multiple_of3A_26] : memref<32x1000000xf32, #tpu.memory_space<hbm>> -> memref<32x128xf32, #tpu.memory_space<hbm>>
    tpu.enqueue_dma source(%dma_start3A_39 : memref<32x128xf32, #tpu.memory_space<hbm>>) target(%dma_start3A_37 : memref<32x128xf32, #tpu.memory_space<vmem>>) target_semaphore(%arg12 : memref<!tpu.dma_semaphore, #tpu.memory_space<semaphore_mem>>)
    %slice3A_40 = vector.extract_strided_slice %get3A_4 {offsets = [2], sizes = [1], strides = [1]} : vector<16xi32> to vector<1xi32>
    %squeeze3A_41 = vector.extract %slice3A_40[0] : i32 from vector<1xi32>
    %shift_right_arithmetic3A_42 = arith.constant 7 : i32
    %shift_right_arithmetic3A_43 = arith.shrsi %squeeze3A_41, %shift_right_arithmetic3A_42 : i32
    %mul3A_44 = arith.constant 128 : i32
    %mul3A_45 = arith.muli %shift_right_arithmetic3A_43, %mul3A_44 : i32
    %multiple_of3A_46 = tpu.assume_multiple %mul3A_45, 128 : i32
    %dma_start3A_47 = arith.constant 2 : i32
    %dma_start3A_48 = arith.constant 0 : i32
    %dma_start3A_49 = arith.constant 0 : i32
    %dma_start3A_50 = tpu.memref_slice %arg8[%dma_start3A_47, %dma_start3A_48, %dma_start3A_49] : memref<16x32x128xf32, #tpu.memory_space<vmem>> -> memref<1x32x128xf32, #tpu.memory_space<vmem>>
    %dma_start3A_51 = tpu.memref_squeeze %dma_start3A_50 : memref<1x32x128xf32, #tpu.memory_space<vmem>> -> memref<32x128xf32, #tpu.memory_space<vmem>>
    %dma_start3A_52 = arith.constant 0 : i32
    %dma_start3A_53 = tpu.memref_slice %arg4[%dma_start3A_52, %multiple_of3A_46] : memref<32x1000000xf32, #tpu.memory_space<hbm>> -> memref<32x128xf32, #tpu.memory_space<hbm>>
    %dma_start3A_54 = arith.constant 0 : i32
    %dma_start3A_55 = arith.constant 0 : i32
    %dma_start3A_56 = tpu.memref_slice %arg8[%dma_start3A_47, %dma_start3A_54, %dma_start3A_55] : memref<16x32x128xf32, #tpu.memory_space<vmem>> -> memref<1x32x128xf32, #tpu.memory_space<vmem>>
    %dma_start3A_57 = tpu.memref_squeeze %dma_start3A_56 : memref<1x32x128xf32, #tpu.memory_space<vmem>> -> memref<32x128xf32, #tpu.memory_space<vmem>>
    %dma_start3A_58 = arith.constant 0 : i32
    %dma_start3A_59 = tpu.memref_slice %arg4[%dma_start3A_58, %multiple_of3A_46] : memref<32x1000000xf32, #tpu.memory_space<hbm>> -> memref<32x128xf32, #tpu.memory_space<hbm>>
    tpu.enqueue_dma source(%dma_start3A_59 : memref<32x128xf32, #tpu.memory_space<hbm>>) target(%dma_start3A_57 : memref<32x128xf32, #tpu.memory_space<vmem>>) target_semaphore(%arg13 : memref<!tpu.dma_semaphore, #tpu.memory_space<semaphore_mem>>)
    %slice3A_60 = vector.extract_strided_slice %get3A_4 {offsets = [3], sizes = [1], strides = [1]} : vector<16xi32> to vector<1xi32>
    %squeeze3A_61 = vector.extract %slice3A_60[0] : i32 from vector<1xi32>
    %shift_right_arithmetic3A_62 = arith.constant 7 : i32
    %shift_right_arithmetic3A_63 = arith.shrsi %squeeze3A_61, %shift_right_arithmetic3A_62 : i32
    %mul3A_64 = arith.constant 128 : i32
    %mul3A_65 = arith.muli %shift_right_arithmetic3A_63, %mul3A_64 : i32
    %multiple_of3A_66 = tpu.assume_multiple %mul3A_65, 128 : i32
    %dma_start3A_67 = arith.constant 3 : i32
    %dma_start3A_68 = arith.constant 0 : i32
    %dma_start3A_69 = arith.constant 0 : i32
    %dma_start3A_70 = tpu.memref_slice %arg8[%dma_start3A_67, %dma_start3A_68, %dma_start3A_69] : memref<16x32x128xf32, #tpu.memory_space<vmem>> -> memref<1x32x128xf32, #tpu.memory_space<vmem>>
    %dma_start3A_71 = tpu.memref_squeeze %dma_start3A_70 : memref<1x32x128xf32, #tpu.memory_space<vmem>> -> memref<32x128xf32, #tpu.memory_space<vmem>>
    %dma_start3A_72 = arith.constant 0 : i32
    %dma_start3A_73 = tpu.memref_slice %arg4[%dma_start3A_72, %multiple_of3A_66] : memref<32x1000000xf32, #tpu.memory_space<hbm>> -> memref<32x128xf32, #tpu.memory_space<hbm>>
    %dma_start3A_74 = arith.constant 0 : i32
    %dma_start3A_75 = arith.constant 0 : i32
    %dma_start3A_76 = tpu.memref_slice %arg8[%dma_start3A_67, %dma_start3A_74, %dma_start3A_75] : memref<16x32x128xf32, #tpu.memory_space<vmem>> -> memref<1x32x128xf32, #tpu.memory_space<vmem>>
    %dma_start3A_77 = tpu.memref_squeeze %dma_start3A_76 : memref<1x32x128xf32, #tpu.memory_space<vmem>> -> memref<32x128xf32, #tpu.memory_space<vmem>>
    %dma_start3A_78 = arith.constant 0 : i32
    %dma_start3A_79 = tpu.memref_slice %arg4[%dma_start3A_78, %multiple_of3A_66] : memref<32x1000000xf32, #tpu.memory_space<hbm>> -> memref<32x128xf32, #tpu.memory_space<hbm>>
    tpu.enqueue_dma source(%dma_start3A_79 : memref<32x128xf32, #tpu.memory_space<hbm>>) target(%dma_start3A_77 : memref<32x128xf32, #tpu.memory_space<vmem>>) target_semaphore(%arg14 : memref<!tpu.dma_semaphore, #tpu.memory_space<semaphore_mem>>)
    %slice3A_80 = vector.extract_strided_slice %get3A_4 {offsets = [4], sizes = [1], strides = [1]} : vector<16xi32> to vector<1xi32>
    %squeeze3A_81 = vector.extract %slice3A_80[0] : i32 from vector<1xi32>
    %shift_right_arithmetic3A_82 = arith.constant 7 : i32
    %shift_right_arithmetic3A_83 = arith.shrsi %squeeze3A_81, %shift_right_arithmetic3A_82 : i32
    %mul3A_84 = arith.constant 128 : i32
    %mul3A_85 = arith.muli %shift_right_arithmetic3A_83, %mul3A_84 : i32
    %multiple_of3A_86 = tpu.assume_multiple %mul3A_85, 128 : i32
    %dma_start3A_87 = arith.constant 4 : i32
    %dma_start3A_88 = arith.constant 0 : i32
    %dma_start3A_89 = arith.constant 0 : i32
    %dma_start3A_90 = tpu.memref_slice %arg8[%dma_start3A_87, %dma_start3A_88, %dma_start3A_89] : memref<16x32x128xf32, #tpu.memory_space<vmem>> -> memref<1x32x128xf32, #tpu.memory_space<vmem>>
    %dma_start3A_91 = tpu.memref_squeeze %dma_start3A_90 : memref<1x32x128xf32, #tpu.memory_space<vmem>> -> memref<32x128xf32, #tpu.memory_space<vmem>>
    %dma_start3A_92 = arith.constant 0 : i32
    %dma_start3A_93 = tpu.memref_slice %arg4[%dma_start3A_92, %multiple_of3A_86] : memref<32x1000000xf32, #tpu.memory_space<hbm>> -> memref<32x128xf32, #tpu.memory_space<hbm>>
    %dma_start3A_94 = arith.constant 0 : i32
    %dma_start3A_95 = arith.constant 0 : i32
    %dma_start3A_96 = tpu.memref_slice %arg8[%dma_start3A_87, %dma_start3A_94, %dma_start3A_95] : memref<16x32x128xf32, #tpu.memory_space<vmem>> -> memref<1x32x128xf32, #tpu.memory_space<vmem>>
    %dma_start3A_97 = tpu.memref_squeeze %dma_start3A_96 : memref<1x32x128xf32, #tpu.memory_space<vmem>> -> memref<32x128xf32, #tpu.memory_space<vmem>>
    %dma_start3A_98 = arith.constant 0 : i32
    %dma_start3A_99 = tpu.memref_slice %arg4[%dma_start3A_98, %multiple_of3A_86] : memref<32x1000000xf32, #tpu.memory_space<hbm>> -> memref<32x128xf32, #tpu.memory_space<hbm>>
    tpu.enqueue_dma source(%dma_start3A_99 : memref<32x128xf32, #tpu.memory_space<hbm>>) target(%dma_start3A_97 : memref<32x128xf32, #tpu.memory_space<vmem>>) target_semaphore(%arg15 : memref<!tpu.dma_semaphore, #tpu.memory_space<semaphore_mem>>)
    %slice3A_100 = vector.extract_strided_slice %get3A_4 {offsets = [5], sizes = [1], strides = [1]} : vector<16xi32> to vector<1xi32>
    %squeeze3A_101 = vector.extract %slice3A_100[0] : i32 from vector<1xi32>
    %shift_right_arithmetic3A_102 = arith.constant 7 : i32
    %shift_right_arithmetic3A_103 = arith.shrsi %squeeze3A_101, %shift_right_arithmetic3A_102 : i32
    %mul3A_104 = arith.constant 128 : i32
    %mul3A_105 = arith.muli %shift_right_arithmetic3A_103, %mul3A_104 : i32
    %multiple_of3A_106 = tpu.assume_multiple %mul3A_105, 128 : i32
    %dma_start3A_107 = arith.constant 5 : i32
    %dma_start3A_108 = arith.constant 0 : i32
    %dma_start3A_109 = arith.constant 0 : i32
    %dma_start3A_110 = tpu.memref_slice %arg8[%dma_start3A_107, %dma_start3A_108, %dma_start3A_109] : memref<16x32x128xf32, #tpu.memory_space<vmem>> -> memref<1x32x128xf32, #tpu.memory_space<vmem>>
    %dma_start3A_111 = tpu.memref_squeeze %dma_start3A_110 : memref<1x32x128xf32, #tpu.memory_space<vmem>> -> memref<32x128xf32, #tpu.memory_space<vmem>>
    %dma_start3A_112 = arith.constant 0 : i32
    %dma_start3A_113 = tpu.memref_slice %arg4[%dma_start3A_112, %multiple_of3A_106] : memref<32x1000000xf32, #tpu.memory_space<hbm>> -> memref<32x128xf32, #tpu.memory_space<hbm>>
    %dma_start3A_114 = arith.constant 0 : i32
    %dma_start3A_115 = arith.constant 0 : i32
    %dma_start3A_116 = tpu.memref_slice %arg8[%dma_start3A_107, %dma_start3A_114, %dma_start3A_115] : memref<16x32x128xf32, #tpu.memory_space<vmem>> -> memref<1x32x128xf32, #tpu.memory_space<vmem>>
    %dma_start3A_117 = tpu.memref_squeeze %dma_start3A_116 : memref<1x32x128xf32, #tpu.memory_space<vmem>> -> memref<32x128xf32, #tpu.memory_space<vmem>>
    %dma_start3A_118 = arith.constant 0 : i32
    %dma_start3A_119 = tpu.memref_slice %arg4[%dma_start3A_118, %multiple_of3A_106] : memref<32x1000000xf32, #tpu.memory_space<hbm>> -> memref<32x128xf32, #tpu.memory_space<hbm>>
    tpu.enqueue_dma source(%dma_start3A_119 : memref<32x128xf32, #tpu.memory_space<hbm>>) target(%dma_start3A_117 : memref<32x128xf32, #tpu.memory_space<vmem>>) target_semaphore(%arg16 : memref<!tpu.dma_semaphore, #tpu.memory_space<semaphore_mem>>)
    %slice3A_120 = vector.extract_strided_slice %get3A_4 {offsets = [6], sizes = [1], strides = [1]} : vector<16xi32> to vector<1xi32>
    %squeeze3A_121 = vector.extract %slice3A_120[0] : i32 from vector<1xi32>
    %shift_right_arithmetic3A_122 = arith.constant 7 : i32
    %shift_right_arithmetic3A_123 = arith.shrsi %squeeze3A_121, %shift_right_arithmetic3A_122 : i32
    %mul3A_124 = arith.constant 128 : i32
    %mul3A_125 = arith.muli %shift_right_arithmetic3A_123, %mul3A_124 : i32
    %multiple_of3A_126 = tpu.assume_multiple %mul3A_125, 128 : i32
    %dma_start3A_127 = arith.constant 6 : i32
    %dma_start3A_128 = arith.constant 0 : i32
    %dma_start3A_129 = arith.constant 0 : i32
    %dma_start3A_130 = tpu.memref_slice %arg8[%dma_start3A_127, %dma_start3A_128, %dma_start3A_129] : memref<16x32x128xf32, #tpu.memory_space<vmem>> -> memref<1x32x128xf32, #tpu.memory_space<vmem>>
    %dma_start3A_131 = tpu.memref_squeeze %dma_start3A_130 : memref<1x32x128xf32, #tpu.memory_space<vmem>> -> memref<32x128xf32, #tpu.memory_space<vmem>>
    %dma_start3A_132 = arith.constant 0 : i32
    %dma_start3A_133 = tpu.memref_slice %arg4[%dma_start3A_132, %multiple_of3A_126] : memref<32x1000000xf32, #tpu.memory_space<hbm>> -> memref<32x128xf32, #tpu.memory_space<hbm>>
    %dma_start3A_134 = arith.constant 0 : i32
    %dma_start3A_135 = arith.constant 0 : i32
    %dma_start3A_136 = tpu.memref_slice %arg8[%dma_start3A_127, %dma_start3A_134, %dma_start3A_135] : memref<16x32x128xf32, #tpu.memory_space<vmem>> -> memref<1x32x128xf32, #tpu.memory_space<vmem>>
    %dma_start3A_137 = tpu.memref_squeeze %dma_start3A_136 : memref<1x32x128xf32, #tpu.memory_space<vmem>> -> memref<32x128xf32, #tpu.memory_space<vmem>>
    %dma_start3A_138 = arith.constant 0 : i32
    %dma_start3A_139 = tpu.memref_slice %arg4[%dma_start3A_138, %multiple_of3A_126] : memref<32x1000000xf32, #tpu.memory_space<hbm>> -> memref<32x128xf32, #tpu.memory_space<hbm>>
    tpu.enqueue_dma source(%dma_start3A_139 : memref<32x128xf32, #tpu.memory_space<hbm>>) target(%dma_start3A_137 : memref<32x128xf32, #tpu.memory_space<vmem>>) target_semaphore(%arg17 : memref<!tpu.dma_semaphore, #tpu.memory_space<semaphore_mem>>)
    %slice3A_140 = vector.extract_strided_slice %get3A_4 {offsets = [7], sizes = [1], strides = [1]} : vector<16xi32> to vector<1xi32>
    %squeeze3A_141 = vector.extract %slice3A_140[0] : i32 from vector<1xi32>
    %shift_right_arithmetic3A_142 = arith.constant 7 : i32
    %shift_right_arithmetic3A_143 = arith.shrsi %squeeze3A_141, %shift_right_arithmetic3A_142 : i32
    %mul3A_144 = arith.constant 128 : i32
    %mul3A_145 = arith.muli %shift_right_arithmetic3A_143, %mul3A_144 : i32
    %multiple_of3A_146 = tpu.assume_multiple %mul3A_145, 128 : i32
    %dma_start3A_147 = arith.constant 7 : i32
    %dma_start3A_148 = arith.constant 0 : i32
    %dma_start3A_149 = arith.constant 0 : i32
    %dma_start3A_150 = tpu.memref_slice %arg8[%dma_start3A_147, %dma_start3A_148, %dma_start3A_149] : memref<16x32x128xf32, #tpu.memory_space<vmem>> -> memref<1x32x128xf32, #tpu.memory_space<vmem>>
    %dma_start3A_151 = tpu.memref_squeeze %dma_start3A_150 : memref<1x32x128xf32, #tpu.memory_space<vmem>> -> memref<32x128xf32, #tpu.memory_space<vmem>>
    %dma_start3A_152 = arith.constant 0 : i32
    %dma_start3A_153 = tpu.memref_slice %arg4[%dma_start3A_152, %multiple_of3A_146] : memref<32x1000000xf32, #tpu.memory_space<hbm>> -> memref<32x128xf32, #tpu.memory_space<hbm>>
    %dma_start3A_154 = arith.constant 0 : i32
    %dma_start3A_155 = arith.constant 0 : i32
    %dma_start3A_156 = tpu.memref_slice %arg8[%dma_start3A_147, %dma_start3A_154, %dma_start3A_155] : memref<16x32x128xf32, #tpu.memory_space<vmem>> -> memref<1x32x128xf32, #tpu.memory_space<vmem>>
    %dma_start3A_157 = tpu.memref_squeeze %dma_start3A_156 : memref<1x32x128xf32, #tpu.memory_space<vmem>> -> memref<32x128xf32, #tpu.memory_space<vmem>>
    %dma_start3A_158 = arith.constant 0 : i32
    %dma_start3A_159 = tpu.memref_slice %arg4[%dma_start3A_158, %multiple_of3A_146] : memref<32x1000000xf32, #tpu.memory_space<hbm>> -> memref<32x128xf32, #tpu.memory_space<hbm>>
    tpu.enqueue_dma source(%dma_start3A_159 : memref<32x128xf32, #tpu.memory_space<hbm>>) target(%dma_start3A_157 : memref<32x128xf32, #tpu.memory_space<vmem>>) target_semaphore(%arg18 : memref<!tpu.dma_semaphore, #tpu.memory_space<semaphore_mem>>)
    %slice3A_160 = vector.extract_strided_slice %get3A_4 {offsets = [8], sizes = [1], strides = [1]} : vector<16xi32> to vector<1xi32>
    %squeeze3A_161 = vector.extract %slice3A_160[0] : i32 from vector<1xi32>
    %shift_right_arithmetic3A_162 = arith.constant 7 : i32
    %shift_right_arithmetic3A_163 = arith.shrsi %squeeze3A_161, %shift_right_arithmetic3A_162 : i32
    %mul3A_164 = arith.constant 128 : i32
    %mul3A_165 = arith.muli %shift_right_arithmetic3A_163, %mul3A_164 : i32
    %multiple_of3A_166 = tpu.assume_multiple %mul3A_165, 128 : i32
    %dma_start3A_167 = arith.constant 8 : i32
    %dma_start3A_168 = arith.constant 0 : i32
    %dma_start3A_169 = arith.constant 0 : i32
    %dma_start3A_170 = tpu.memref_slice %arg8[%dma_start3A_167, %dma_start3A_168, %dma_start3A_169] : memref<16x32x128xf32, #tpu.memory_space<vmem>> -> memref<1x32x128xf32, #tpu.memory_space<vmem>>
    %dma_start3A_171 = tpu.memref_squeeze %dma_start3A_170 : memref<1x32x128xf32, #tpu.memory_space<vmem>> -> memref<32x128xf32, #tpu.memory_space<vmem>>
    %dma_start3A_172 = arith.constant 0 : i32
    %dma_start3A_173 = tpu.memref_slice %arg4[%dma_start3A_172, %multiple_of3A_166] : memref<32x1000000xf32, #tpu.memory_space<hbm>> -> memref<32x128xf32, #tpu.memory_space<hbm>>
    %dma_start3A_174 = arith.constant 0 : i32
    %dma_start3A_175 = arith.constant 0 : i32
    %dma_start3A_176 = tpu.memref_slice %arg8[%dma_start3A_167, %dma_start3A_174, %dma_start3A_175] : memref<16x32x128xf32, #tpu.memory_space<vmem>> -> memref<1x32x128xf32, #tpu.memory_space<vmem>>
    %dma_start3A_177 = tpu.memref_squeeze %dma_start3A_176 : memref<1x32x128xf32, #tpu.memory_space<vmem>> -> memref<32x128xf32, #tpu.memory_space<vmem>>
    %dma_start3A_178 = arith.constant 0 : i32
    %dma_start3A_179 = tpu.memref_slice %arg4[%dma_start3A_178, %multiple_of3A_166] : memref<32x1000000xf32, #tpu.memory_space<hbm>> -> memref<32x128xf32, #tpu.memory_space<hbm>>
    tpu.enqueue_dma source(%dma_start3A_179 : memref<32x128xf32, #tpu.memory_space<hbm>>) target(%dma_start3A_177 : memref<32x128xf32, #tpu.memory_space<vmem>>) target_semaphore(%arg19 : memref<!tpu.dma_semaphore, #tpu.memory_space<semaphore_mem>>)
    %slice3A_180 = vector.extract_strided_slice %get3A_4 {offsets = [9], sizes = [1], strides = [1]} : vector<16xi32> to vector<1xi32>
    %squeeze3A_181 = vector.extract %slice3A_180[0] : i32 from vector<1xi32>
    %shift_right_arithmetic3A_182 = arith.constant 7 : i32
    %shift_right_arithmetic3A_183 = arith.shrsi %squeeze3A_181, %shift_right_arithmetic3A_182 : i32
    %mul3A_184 = arith.constant 128 : i32
    %mul3A_185 = arith.muli %shift_right_arithmetic3A_183, %mul3A_184 : i32
    %multiple_of3A_186 = tpu.assume_multiple %mul3A_185, 128 : i32
    %dma_start3A_187 = arith.constant 9 : i32
    %dma_start3A_188 = arith.constant 0 : i32
    %dma_start3A_189 = arith.constant 0 : i32
    %dma_start3A_190 = tpu.memref_slice %arg8[%dma_start3A_187, %dma_start3A_188, %dma_start3A_189] : memref<16x32x128xf32, #tpu.memory_space<vmem>> -> memref<1x32x128xf32, #tpu.memory_space<vmem>>
    %dma_start3A_191 = tpu.memref_squeeze %dma_start3A_190 : memref<1x32x128xf32, #tpu.memory_space<vmem>> -> memref<32x128xf32, #tpu.memory_space<vmem>>
    %dma_start3A_192 = arith.constant 0 : i32
    %dma_start3A_193 = tpu.memref_slice %arg4[%dma_start3A_192, %multiple_of3A_186] : memref<32x1000000xf32, #tpu.memory_space<hbm>> -> memref<32x128xf32, #tpu.memory_space<hbm>>
    %dma_start3A_194 = arith.constant 0 : i32
    %dma_start3A_195 = arith.constant 0 : i32
    %dma_start3A_196 = tpu.memref_slice %arg8[%dma_start3A_187, %dma_start3A_194, %dma_start3A_195] : memref<16x32x128xf32, #tpu.memory_space<vmem>> -> memref<1x32x128xf32, #tpu.memory_space<vmem>>
    %dma_start3A_197 = tpu.memref_squeeze %dma_start3A_196 : memref<1x32x128xf32, #tpu.memory_space<vmem>> -> memref<32x128xf32, #tpu.memory_space<vmem>>
    %dma_start3A_198 = arith.constant 0 : i32
    %dma_start3A_199 = tpu.memref_slice %arg4[%dma_start3A_198, %multiple_of3A_186] : memref<32x1000000xf32, #tpu.memory_space<hbm>> -> memref<32x128xf32, #tpu.memory_space<hbm>>
    tpu.enqueue_dma source(%dma_start3A_199 : memref<32x128xf32, #tpu.memory_space<hbm>>) target(%dma_start3A_197 : memref<32x128xf32, #tpu.memory_space<vmem>>) target_semaphore(%arg20 : memref<!tpu.dma_semaphore, #tpu.memory_space<semaphore_mem>>)
    %slice3A_200 = vector.extract_strided_slice %get3A_4 {offsets = [10], sizes = [1], strides = [1]} : vector<16xi32> to vector<1xi32>
    %squeeze3A_201 = vector.extract %slice3A_200[0] : i32 from vector<1xi32>
    %shift_right_arithmetic3A_202 = arith.constant 7 : i32
    %shift_right_arithmetic3A_203 = arith.shrsi %squeeze3A_201, %shift_right_arithmetic3A_202 : i32
    %mul3A_204 = arith.constant 128 : i32
    %mul3A_205 = arith.muli %shift_right_arithmetic3A_203, %mul3A_204 : i32
    %multiple_of3A_206 = tpu.assume_multiple %mul3A_205, 128 : i32
    %dma_start3A_207 = arith.constant 10 : i32
    %dma_start3A_208 = arith.constant 0 : i32
    %dma_start3A_209 = arith.constant 0 : i32
    %dma_start3A_210 = tpu.memref_slice %arg8[%dma_start3A_207, %dma_start3A_208, %dma_start3A_209] : memref<16x32x128xf32, #tpu.memory_space<vmem>> -> memref<1x32x128xf32, #tpu.memory_space<vmem>>
    %dma_start3A_211 = tpu.memref_squeeze %dma_start3A_210 : memref<1x32x128xf32, #tpu.memory_space<vmem>> -> memref<32x128xf32, #tpu.memory_space<vmem>>
    %dma_start3A_212 = arith.constant 0 : i32
    %dma_start3A_213 = tpu.memref_slice %arg4[%dma_start3A_212, %multiple_of3A_206] : memref<32x1000000xf32, #tpu.memory_space<hbm>> -> memref<32x128xf32, #tpu.memory_space<hbm>>
    %dma_start3A_214 = arith.constant 0 : i32
    %dma_start3A_215 = arith.constant 0 : i32
    %dma_start3A_216 = tpu.memref_slice %arg8[%dma_start3A_207, %dma_start3A_214, %dma_start3A_215] : memref<16x32x128xf32, #tpu.memory_space<vmem>> -> memref<1x32x128xf32, #tpu.memory_space<vmem>>
    %dma_start3A_217 = tpu.memref_squeeze %dma_start3A_216 : memref<1x32x128xf32, #tpu.memory_space<vmem>> -> memref<32x128xf32, #tpu.memory_space<vmem>>
    %dma_start3A_218 = arith.constant 0 : i32
    %dma_start3A_219 = tpu.memref_slice %arg4[%dma_start3A_218, %multiple_of3A_206] : memref<32x1000000xf32, #tpu.memory_space<hbm>> -> memref<32x128xf32, #tpu.memory_space<hbm>>
    tpu.enqueue_dma source(%dma_start3A_219 : memref<32x128xf32, #tpu.memory_space<hbm>>) target(%dma_start3A_217 : memref<32x128xf32, #tpu.memory_space<vmem>>) target_semaphore(%arg21 : memref<!tpu.dma_semaphore, #tpu.memory_space<semaphore_mem>>)
    %slice3A_220 = vector.extract_strided_slice %get3A_4 {offsets = [11], sizes = [1], strides = [1]} : vector<16xi32> to vector<1xi32>
    %squeeze3A_221 = vector.extract %slice3A_220[0] : i32 from vector<1xi32>
    %shift_right_arithmetic3A_222 = arith.constant 7 : i32
    %shift_right_arithmetic3A_223 = arith.shrsi %squeeze3A_221, %shift_right_arithmetic3A_222 : i32
    %mul3A_224 = arith.constant 128 : i32
    %mul3A_225 = arith.muli %shift_right_arithmetic3A_223, %mul3A_224 : i32
    %multiple_of3A_226 = tpu.assume_multiple %mul3A_225, 128 : i32
    %dma_start3A_227 = arith.constant 11 : i32
    %dma_start3A_228 = arith.constant 0 : i32
    %dma_start3A_229 = arith.constant 0 : i32
    %dma_start3A_230 = tpu.memref_slice %arg8[%dma_start3A_227, %dma_start3A_228, %dma_start3A_229] : memref<16x32x128xf32, #tpu.memory_space<vmem>> -> memref<1x32x128xf32, #tpu.memory_space<vmem>>
    %dma_start3A_231 = tpu.memref_squeeze %dma_start3A_230 : memref<1x32x128xf32, #tpu.memory_space<vmem>> -> memref<32x128xf32, #tpu.memory_space<vmem>>
    %dma_start3A_232 = arith.constant 0 : i32
    %dma_start3A_233 = tpu.memref_slice %arg4[%dma_start3A_232, %multiple_of3A_226] : memref<32x1000000xf32, #tpu.memory_space<hbm>> -> memref<32x128xf32, #tpu.memory_space<hbm>>
    %dma_start3A_234 = arith.constant 0 : i32
    %dma_start3A_235 = arith.constant 0 : i32
    %dma_start3A_236 = tpu.memref_slice %arg8[%dma_start3A_227, %dma_start3A_234, %dma_start3A_235] : memref<16x32x128xf32, #tpu.memory_space<vmem>> -> memref<1x32x128xf32, #tpu.memory_space<vmem>>
    %dma_start3A_237 = tpu.memref_squeeze %dma_start3A_236 : memref<1x32x128xf32, #tpu.memory_space<vmem>> -> memref<32x128xf32, #tpu.memory_space<vmem>>
    %dma_start3A_238 = arith.constant 0 : i32
    %dma_start3A_239 = tpu.memref_slice %arg4[%dma_start3A_238, %multiple_of3A_226] : memref<32x1000000xf32, #tpu.memory_space<hbm>> -> memref<32x128xf32, #tpu.memory_space<hbm>>
    tpu.enqueue_dma source(%dma_start3A_239 : memref<32x128xf32, #tpu.memory_space<hbm>>) target(%dma_start3A_237 : memref<32x128xf32, #tpu.memory_space<vmem>>) target_semaphore(%arg22 : memref<!tpu.dma_semaphore, #tpu.memory_space<semaphore_mem>>)
    %slice3A_240 = vector.extract_strided_slice %get3A_4 {offsets = [12], sizes = [1], strides = [1]} : vector<16xi32> to vector<1xi32>
    %squeeze3A_241 = vector.extract %slice3A_240[0] : i32 from vector<1xi32>
    %shift_right_arithmetic3A_242 = arith.constant 7 : i32
    %shift_right_arithmetic3A_243 = arith.shrsi %squeeze3A_241, %shift_right_arithmetic3A_242 : i32
    %mul3A_244 = arith.constant 128 : i32
    %mul3A_245 = arith.muli %shift_right_arithmetic3A_243, %mul3A_244 : i32
    %multiple_of3A_246 = tpu.assume_multiple %mul3A_245, 128 : i32
    %dma_start3A_247 = arith.constant 12 : i32
    %dma_start3A_248 = arith.constant 0 : i32
    %dma_start3A_249 = arith.constant 0 : i32
    %dma_start3A_250 = tpu.memref_slice %arg8[%dma_start3A_247, %dma_start3A_248, %dma_start3A_249] : memref<16x32x128xf32, #tpu.memory_space<vmem>> -> memref<1x32x128xf32, #tpu.memory_space<vmem>>
    %dma_start3A_251 = tpu.memref_squeeze %dma_start3A_250 : memref<1x32x128xf32, #tpu.memory_space<vmem>> -> memref<32x128xf32, #tpu.memory_space<vmem>>
    %dma_start3A_252 = arith.constant 0 : i32
    %dma_start3A_253 = tpu.memref_slice %arg4[%dma_start3A_252, %multiple_of3A_246] : memref<32x1000000xf32, #tpu.memory_space<hbm>> -> memref<32x128xf32, #tpu.memory_space<hbm>>
    %dma_start3A_254 = arith.constant 0 : i32
    %dma_start3A_255 = arith.constant 0 : i32
    %dma_start3A_256 = tpu.memref_slice %arg8[%dma_start3A_247, %dma_start3A_254, %dma_start3A_255] : memref<16x32x128xf32, #tpu.memory_space<vmem>> -> memref<1x32x128xf32, #tpu.memory_space<vmem>>
    %dma_start3A_257 = tpu.memref_squeeze %dma_start3A_256 : memref<1x32x128xf32, #tpu.memory_space<vmem>> -> memref<32x128xf32, #tpu.memory_space<vmem>>
    %dma_start3A_258 = arith.constant 0 : i32
    %dma_start3A_259 = tpu.memref_slice %arg4[%dma_start3A_258, %multiple_of3A_246] : memref<32x1000000xf32, #tpu.memory_space<hbm>> -> memref<32x128xf32, #tpu.memory_space<hbm>>
    tpu.enqueue_dma source(%dma_start3A_259 : memref<32x128xf32, #tpu.memory_space<hbm>>) target(%dma_start3A_257 : memref<32x128xf32, #tpu.memory_space<vmem>>) target_semaphore(%arg23 : memref<!tpu.dma_semaphore, #tpu.memory_space<semaphore_mem>>)
    %slice3A_260 = vector.extract_strided_slice %get3A_4 {offsets = [13], sizes = [1], strides = [1]} : vector<16xi32> to vector<1xi32>
    %squeeze3A_261 = vector.extract %slice3A_260[0] : i32 from vector<1xi32>
    %shift_right_arithmetic3A_262 = arith.constant 7 : i32
    %shift_right_arithmetic3A_263 = arith.shrsi %squeeze3A_261, %shift_right_arithmetic3A_262 : i32
    %mul3A_264 = arith.constant 128 : i32
    %mul3A_265 = arith.muli %shift_right_arithmetic3A_263, %mul3A_264 : i32
    %multiple_of3A_266 = tpu.assume_multiple %mul3A_265, 128 : i32
    %dma_start3A_267 = arith.constant 13 : i32
    %dma_start3A_268 = arith.constant 0 : i32
    %dma_start3A_269 = arith.constant 0 : i32
    %dma_start3A_270 = tpu.memref_slice %arg8[%dma_start3A_267, %dma_start3A_268, %dma_start3A_269] : memref<16x32x128xf32, #tpu.memory_space<vmem>> -> memref<1x32x128xf32, #tpu.memory_space<vmem>>
    %dma_start3A_271 = tpu.memref_squeeze %dma_start3A_270 : memref<1x32x128xf32, #tpu.memory_space<vmem>> -> memref<32x128xf32, #tpu.memory_space<vmem>>
    %dma_start3A_272 = arith.constant 0 : i32
    %dma_start3A_273 = tpu.memref_slice %arg4[%dma_start3A_272, %multiple_of3A_266] : memref<32x1000000xf32, #tpu.memory_space<hbm>> -> memref<32x128xf32, #tpu.memory_space<hbm>>
    %dma_start3A_274 = arith.constant 0 : i32
    %dma_start3A_275 = arith.constant 0 : i32
    %dma_start3A_276 = tpu.memref_slice %arg8[%dma_start3A_267, %dma_start3A_274, %dma_start3A_275] : memref<16x32x128xf32, #tpu.memory_space<vmem>> -> memref<1x32x128xf32, #tpu.memory_space<vmem>>
    %dma_start3A_277 = tpu.memref_squeeze %dma_start3A_276 : memref<1x32x128xf32, #tpu.memory_space<vmem>> -> memref<32x128xf32, #tpu.memory_space<vmem>>
    %dma_start3A_278 = arith.constant 0 : i32
    %dma_start3A_279 = tpu.memref_slice %arg4[%dma_start3A_278, %multiple_of3A_266] : memref<32x1000000xf32, #tpu.memory_space<hbm>> -> memref<32x128xf32, #tpu.memory_space<hbm>>
    tpu.enqueue_dma source(%dma_start3A_279 : memref<32x128xf32, #tpu.memory_space<hbm>>) target(%dma_start3A_277 : memref<32x128xf32, #tpu.memory_space<vmem>>) target_semaphore(%arg24 : memref<!tpu.dma_semaphore, #tpu.memory_space<semaphore_mem>>)
    %slice3A_280 = vector.extract_strided_slice %get3A_4 {offsets = [14], sizes = [1], strides = [1]} : vector<16xi32> to vector<1xi32>
    %squeeze3A_281 = vector.extract %slice3A_280[0] : i32 from vector<1xi32>
    %shift_right_arithmetic3A_282 = arith.constant 7 : i32
    %shift_right_arithmetic3A_283 = arith.shrsi %squeeze3A_281, %shift_right_arithmetic3A_282 : i32
    %mul3A_284 = arith.constant 128 : i32
    %mul3A_285 = arith.muli %shift_right_arithmetic3A_283, %mul3A_284 : i32
    %multiple_of3A_286 = tpu.assume_multiple %mul3A_285, 128 : i32
    %dma_start3A_287 = arith.constant 14 : i32
    %dma_start3A_288 = arith.constant 0 : i32
    %dma_start3A_289 = arith.constant 0 : i32
    %dma_start3A_290 = tpu.memref_slice %arg8[%dma_start3A_287, %dma_start3A_288, %dma_start3A_289] : memref<16x32x128xf32, #tpu.memory_space<vmem>> -> memref<1x32x128xf32, #tpu.memory_space<vmem>>
    %dma_start3A_291 = tpu.memref_squeeze %dma_start3A_290 : memref<1x32x128xf32, #tpu.memory_space<vmem>> -> memref<32x128xf32, #tpu.memory_space<vmem>>
    %dma_start3A_292 = arith.constant 0 : i32
    %dma_start3A_293 = tpu.memref_slice %arg4[%dma_start3A_292, %multiple_of3A_286] : memref<32x1000000xf32, #tpu.memory_space<hbm>> -> memref<32x128xf32, #tpu.memory_space<hbm>>
    %dma_start3A_294 = arith.constant 0 : i32
    %dma_start3A_295 = arith.constant 0 : i32
    %dma_start3A_296 = tpu.memref_slice %arg8[%dma_start3A_287, %dma_start3A_294, %dma_start3A_295] : memref<16x32x128xf32, #tpu.memory_space<vmem>> -> memref<1x32x128xf32, #tpu.memory_space<vmem>>
    %dma_start3A_297 = tpu.memref_squeeze %dma_start3A_296 : memref<1x32x128xf32, #tpu.memory_space<vmem>> -> memref<32x128xf32, #tpu.memory_space<vmem>>
    %dma_start3A_298 = arith.constant 0 : i32
    %dma_start3A_299 = tpu.memref_slice %arg4[%dma_start3A_298, %multiple_of3A_286] : memref<32x1000000xf32, #tpu.memory_space<hbm>> -> memref<32x128xf32, #tpu.memory_space<hbm>>
    tpu.enqueue_dma source(%dma_start3A_299 : memref<32x128xf32, #tpu.memory_space<hbm>>) target(%dma_start3A_297 : memref<32x128xf32, #tpu.memory_space<vmem>>) target_semaphore(%arg25 : memref<!tpu.dma_semaphore, #tpu.memory_space<semaphore_mem>>)
    %slice3A_300 = vector.extract_strided_slice %get3A_4 {offsets = [15], sizes = [1], strides = [1]} : vector<16xi32> to vector<1xi32>
    %squeeze3A_301 = vector.extract %slice3A_300[0] : i32 from vector<1xi32>
    %shift_right_arithmetic3A_302 = arith.constant 7 : i32
    %shift_right_arithmetic3A_303 = arith.shrsi %squeeze3A_301, %shift_right_arithmetic3A_302 : i32
    %mul3A_304 = arith.constant 128 : i32
    %mul3A_305 = arith.muli %shift_right_arithmetic3A_303, %mul3A_304 : i32
    %multiple_of3A_306 = tpu.assume_multiple %mul3A_305, 128 : i32
    %dma_start3A_307 = arith.constant 15 : i32
    %dma_start3A_308 = arith.constant 0 : i32
    %dma_start3A_309 = arith.constant 0 : i32
    %dma_start3A_310 = tpu.memref_slice %arg8[%dma_start3A_307, %dma_start3A_308, %dma_start3A_309] : memref<16x32x128xf32, #tpu.memory_space<vmem>> -> memref<1x32x128xf32, #tpu.memory_space<vmem>>
    %dma_start3A_311 = tpu.memref_squeeze %dma_start3A_310 : memref<1x32x128xf32, #tpu.memory_space<vmem>> -> memref<32x128xf32, #tpu.memory_space<vmem>>
    %dma_start3A_312 = arith.constant 0 : i32
    %dma_start3A_313 = tpu.memref_slice %arg4[%dma_start3A_312, %multiple_of3A_306] : memref<32x1000000xf32, #tpu.memory_space<hbm>> -> memref<32x128xf32, #tpu.memory_space<hbm>>
    %dma_start3A_314 = arith.constant 0 : i32
    %dma_start3A_315 = arith.constant 0 : i32
    %dma_start3A_316 = tpu.memref_slice %arg8[%dma_start3A_307, %dma_start3A_314, %dma_start3A_315] : memref<16x32x128xf32, #tpu.memory_space<vmem>> -> memref<1x32x128xf32, #tpu.memory_space<vmem>>
    %dma_start3A_317 = tpu.memref_squeeze %dma_start3A_316 : memref<1x32x128xf32, #tpu.memory_space<vmem>> -> memref<32x128xf32, #tpu.memory_space<vmem>>
    %dma_start3A_318 = arith.constant 0 : i32
    %dma_start3A_319 = tpu.memref_slice %arg4[%dma_start3A_318, %multiple_of3A_306] : memref<32x1000000xf32, #tpu.memory_space<hbm>> -> memref<32x128xf32, #tpu.memory_space<hbm>>
    tpu.enqueue_dma source(%dma_start3A_319 : memref<32x128xf32, #tpu.memory_space<hbm>>) target(%dma_start3A_317 : memref<32x128xf32, #tpu.memory_space<vmem>>) target_semaphore(%arg26 : memref<!tpu.dma_semaphore, #tpu.memory_space<semaphore_mem>>)
    %scan3A = arith.constant 0 : i32
    %scan3A_320 = arith.constant 1 : i32
    %scan3A_321 = arith.constant 31 : i32
    %scan3A_322 = arith.addi %scan3A_320, %scan3A_321 : i32
    %scan3A_323 = arith.constant 1 : i32
    scf.for %scan3A_1487 = %scan3A_320 to %scan3A_322 step %scan3A_323  : i32 {
      %sub3A = arith.constant 1 : i32
      %sub3A_1488 = arith.subi %scan3A_1487, %sub3A : i32
      %mul3A_1489 = arith.constant 16 : i32
      %mul3A_1490 = arith.muli %sub3A_1488, %mul3A_1489 : i32
      %get3A_1491 = arith.index_cast %mul3A_1490 : i32 to index
      %get3A_1492 = tpu.vector_load %arg6[%get3A_1491] {strides = array<i32>} : memref<512xi32, #tpu.memory_space<vmem>>, vector<16xi32>,
      %mul3A_1493 = arith.constant 16 : i32
      %mul3A_1494 = arith.muli %scan3A_1487, %mul3A_1493 : i32
      %get3A_1495 = arith.index_cast %mul3A_1494 : i32 to index
      %get3A_1496 = tpu.vector_load %arg6[%get3A_1495] {strides = array<i32>} : memref<512xi32, #tpu.memory_space<vmem>>, vector<16xi32>,
      %slice3A_1497 = vector.extract_strided_slice %get3A_1492 {offsets = [0], sizes = [1], strides = [1]} : vector<16xi32> to vector<1xi32>
      %squeeze3A_1498 = vector.extract %slice3A_1497[0] : i32 from vector<1xi32>
      %sub3A_1499 = arith.constant 1 : i32
      %sub3A_1500 = arith.subi %scan3A_1487, %sub3A_1499 : i32
      %mul3A_1501 = arith.constant 16 : i32
      %mul3A_1502 = arith.muli %sub3A_1500, %mul3A_1501 : i32
      %add3A_1503 = arith.constant 0 : i32
      %add3A_1504 = arith.addi %mul3A_1502, %add3A_1503 : i32
      %dma_wait3A_1505 = arith.constant 0 : i32
      %dma_wait3A_1506 = arith.constant 0 : i32
      %dma_wait3A_1507 = arith.constant 0 : i32
      %dma_wait3A_1508 = tpu.memref_slice %arg8[%dma_wait3A_1505, %dma_wait3A_1506, %dma_wait3A_1507] : memref<16x32x128xf32, #tpu.memory_space<vmem>> -> memref<1x32x128xf32, #tpu.memory_space<vmem>>
      %dma_wait3A_1509 = tpu.memref_squeeze %dma_wait3A_1508 : memref<1x32x128xf32, #tpu.memory_space<vmem>> -> memref<32x128xf32, #tpu.memory_space<vmem>>
      %dma_wait3A_1510 = arith.constant 0 : i32
      %dma_wait3A_1511 = arith.constant 0 : i32
      %dma_wait3A_1512 = tpu.memref_slice %arg4[%dma_wait3A_1510, %dma_wait3A_1511] : memref<32x1000000xf32, #tpu.memory_space<hbm>> -> memref<32x128xf32, #tpu.memory_space<hbm>>
      %dma_wait3A_1513 = arith.constant 0 : i32
      %dma_wait3A_1514 = arith.constant 0 : i32
      %dma_wait3A_1515 = tpu.memref_slice %arg8[%dma_wait3A_1505, %dma_wait3A_1513, %dma_wait3A_1514] : memref<16x32x128xf32, #tpu.memory_space<vmem>> -> memref<1x32x128xf32, #tpu.memory_space<vmem>>
      %dma_wait3A_1516 = tpu.memref_squeeze %dma_wait3A_1515 : memref<1x32x128xf32, #tpu.memory_space<vmem>> -> memref<32x128xf32, #tpu.memory_space<vmem>>
      %dma_wait3A_1517 = arith.constant 0 : i32
      %dma_wait3A_1518 = arith.constant 0 : i32
      %dma_wait3A_1519 = tpu.memref_slice %arg4[%dma_wait3A_1517, %dma_wait3A_1518] : memref<32x1000000xf32, #tpu.memory_space<hbm>> -> memref<32x128xf32, #tpu.memory_space<hbm>>
      tpu.wait_dma2 semaphore(%arg11 : memref<!tpu.dma_semaphore, #tpu.memory_space<semaphore_mem>>) src(%dma_wait3A_1519 : memref<32x128xf32, #tpu.memory_space<hbm>>) dst(%dma_wait3A_1516 : memref<32x128xf32, #tpu.memory_space<vmem>>)
      %broadcast_in_dim3A_1520 = arith.constant 0 : i32
      %broadcast_in_dim3A_1521 = vector.broadcast %broadcast_in_dim3A_1520 : i32 to vector<16xi32>
      %and3A_1522 = arith.constant 127 : i32
      %and3A_1523 = arith.andi %squeeze3A_1498, %and3A_1522 : i32
      %broadcast_in_dim3A_1524 = vector.broadcast %and3A_1523 : i32 to vector<16xi32>
      %broadcast_in_dim3A_1525 = vector.broadcast %add3A_1504 : i32 to vector<16xi32>
      %gather3A_1526 = tpu.vector_load_idx %arg8[%broadcast_in_dim3A_1521, %iota3A, %broadcast_in_dim3A_1524] : memref<16x32x128xf32, #tpu.memory_space<vmem>>[vector<16xi32>, vector<16xi32>, vector<16xi32>], vector<16xf32>,
      %gather3A_1527 = tpu.vector_load_idx %arg8[%broadcast_in_dim3A_1521, %add3A_3, %broadcast_in_dim3A_1524] : memref<16x32x128xf32, #tpu.memory_space<vmem>>[vector<16xi32>, vector<16xi32>, vector<16xi32>], vector<16xf32>,
      tpu.vector_store_idx %arg9[%iota3A, %broadcast_in_dim3A_1525], %gather3A_1526 : memref<32x512xf32, #tpu.memory_space<vmem>>[vector<16xi32>, vector<16xi32>], vector<16xf32>,
      tpu.vector_store_idx %arg9[%add3A_3, %broadcast_in_dim3A_1525], %gather3A_1527 : memref<32x512xf32, #tpu.memory_space<vmem>>[vector<16xi32>, vector<16xi32>], vector<16xf32>,
      %slice3A_1528 = vector.extract_strided_slice %get3A_1496 {offsets = [0], sizes = [1], strides = [1]} : vector<16xi32> to vector<1xi32>
      %squeeze3A_1529 = vector.extract %slice3A_1528[0] : i32 from vector<1xi32>
      %shift_right_arithmetic3A_1530 = arith.constant 7 : i32
      %shift_right_arithmetic3A_1531 = arith.shrsi %squeeze3A_1529, %shift_right_arithmetic3A_1530 : i32
      %mul3A_1532 = arith.constant 128 : i32
      %mul3A_1533 = arith.muli %shift_right_arithmetic3A_1531, %mul3A_1532 : i32
      %multiple_of3A_1534 = tpu.assume_multiple %mul3A_1533, 128 : i32
      %dma_start3A_1535 = arith.constant 0 : i32
      %dma_start3A_1536 = arith.constant 0 : i32
      %dma_start3A_1537 = arith.constant 0 : i32
      %dma_start3A_1538 = tpu.memref_slice %arg8[%dma_start3A_1535, %dma_start3A_1536, %dma_start3A_1537] : memref<16x32x128xf32, #tpu.memory_space<vmem>> -> memref<1x32x128xf32, #tpu.memory_space<vmem>>
      %dma_start3A_1539 = tpu.memref_squeeze %dma_start3A_1538 : memref<1x32x128xf32, #tpu.memory_space<vmem>> -> memref<32x128xf32, #tpu.memory_space<vmem>>
      %dma_start3A_1540 = arith.constant 0 : i32
      %dma_start3A_1541 = tpu.memref_slice %arg4[%dma_start3A_1540, %multiple_of3A_1534] : memref<32x1000000xf32, #tpu.memory_space<hbm>> -> memref<32x128xf32, #tpu.memory_space<hbm>>
      %dma_start3A_1542 = arith.constant 0 : i32
      %dma_start3A_1543 = arith.constant 0 : i32
      %dma_start3A_1544 = tpu.memref_slice %arg8[%dma_start3A_1535, %dma_start3A_1542, %dma_start3A_1543] : memref<16x32x128xf32, #tpu.memory_space<vmem>> -> memref<1x32x128xf32, #tpu.memory_space<vmem>>
      %dma_start3A_1545 = tpu.memref_squeeze %dma_start3A_1544 : memref<1x32x128xf32, #tpu.memory_space<vmem>> -> memref<32x128xf32, #tpu.memory_space<vmem>>
      %dma_start3A_1546 = arith.constant 0 : i32
      %dma_start3A_1547 = tpu.memref_slice %arg4[%dma_start3A_1546, %multiple_of3A_1534] : memref<32x1000000xf32, #tpu.memory_space<hbm>> -> memref<32x128xf32, #tpu.memory_space<hbm>>
      tpu.enqueue_dma source(%dma_start3A_1547 : memref<32x128xf32, #tpu.memory_space<hbm>>) target(%dma_start3A_1545 : memref<32x128xf32, #tpu.memory_space<vmem>>) target_semaphore(%arg11 : memref<!tpu.dma_semaphore, #tpu.memory_space<semaphore_mem>>)
      %slice3A_1548 = vector.extract_strided_slice %get3A_1492 {offsets = [1], sizes = [1], strides = [1]} : vector<16xi32> to vector<1xi32>
      %squeeze3A_1549 = vector.extract %slice3A_1548[0] : i32 from vector<1xi32>
      %sub3A_1550 = arith.constant 1 : i32
      %sub3A_1551 = arith.subi %scan3A_1487, %sub3A_1550 : i32
      %mul3A_1552 = arith.constant 16 : i32
      %mul3A_1553 = arith.muli %sub3A_1551, %mul3A_1552 : i32
      %add3A_1554 = arith.constant 1 : i32
      %add3A_1555 = arith.addi %mul3A_1553, %add3A_1554 : i32
      %dma_wait3A_1556 = arith.constant 1 : i32
      %dma_wait3A_1557 = arith.constant 0 : i32
      %dma_wait3A_1558 = arith.constant 0 : i32
      %dma_wait3A_1559 = tpu.memref_slice %arg8[%dma_wait3A_1556, %dma_wait3A_1557, %dma_wait3A_1558] : memref<16x32x128xf32, #tpu.memory_space<vmem>> -> memref<1x32x128xf32, #tpu.memory_space<vmem>>
      %dma_wait3A_1560 = tpu.memref_squeeze %dma_wait3A_1559 : memref<1x32x128xf32, #tpu.memory_space<vmem>> -> memref<32x128xf32, #tpu.memory_space<vmem>>
      %dma_wait3A_1561 = arith.constant 0 : i32
      %dma_wait3A_1562 = arith.constant 0 : i32
      %dma_wait3A_1563 = tpu.memref_slice %arg4[%dma_wait3A_1561, %dma_wait3A_1562] : memref<32x1000000xf32, #tpu.memory_space<hbm>> -> memref<32x128xf32, #tpu.memory_space<hbm>>
      %dma_wait3A_1564 = arith.constant 0 : i32
      %dma_wait3A_1565 = arith.constant 0 : i32
      %dma_wait3A_1566 = tpu.memref_slice %arg8[%dma_wait3A_1556, %dma_wait3A_1564, %dma_wait3A_1565] : memref<16x32x128xf32, #tpu.memory_space<vmem>> -> memref<1x32x128xf32, #tpu.memory_space<vmem>>
      %dma_wait3A_1567 = tpu.memref_squeeze %dma_wait3A_1566 : memref<1x32x128xf32, #tpu.memory_space<vmem>> -> memref<32x128xf32, #tpu.memory_space<vmem>>
      %dma_wait3A_1568 = arith.constant 0 : i32
      %dma_wait3A_1569 = arith.constant 0 : i32
      %dma_wait3A_1570 = tpu.memref_slice %arg4[%dma_wait3A_1568, %dma_wait3A_1569] : memref<32x1000000xf32, #tpu.memory_space<hbm>> -> memref<32x128xf32, #tpu.memory_space<hbm>>
      tpu.wait_dma2 semaphore(%arg12 : memref<!tpu.dma_semaphore, #tpu.memory_space<semaphore_mem>>) src(%dma_wait3A_1570 : memref<32x128xf32, #tpu.memory_space<hbm>>) dst(%dma_wait3A_1567 : memref<32x128xf32, #tpu.memory_space<vmem>>)
      %broadcast_in_dim3A_1571 = arith.constant 1 : i32
      %broadcast_in_dim3A_1572 = vector.broadcast %broadcast_in_dim3A_1571 : i32 to vector<16xi32>
      %and3A_1573 = arith.constant 127 : i32
      %and3A_1574 = arith.andi %squeeze3A_1549, %and3A_1573 : i32
      %broadcast_in_dim3A_1575 = vector.broadcast %and3A_1574 : i32 to vector<16xi32>
      %broadcast_in_dim3A_1576 = vector.broadcast %add3A_1555 : i32 to vector<16xi32>
      %gather3A_1577 = tpu.vector_load_idx %arg8[%broadcast_in_dim3A_1572, %iota3A, %broadcast_in_dim3A_1575] : memref<16x32x128xf32, #tpu.memory_space<vmem>>[vector<16xi32>, vector<16xi32>, vector<16xi32>], vector<16xf32>,
      %gather3A_1578 = tpu.vector_load_idx %arg8[%broadcast_in_dim3A_1572, %add3A_3, %broadcast_in_dim3A_1575] : memref<16x32x128xf32, #tpu.memory_space<vmem>>[vector<16xi32>, vector<16xi32>, vector<16xi32>], vector<16xf32>,
      tpu.vector_store_idx %arg9[%iota3A, %broadcast_in_dim3A_1576], %gather3A_1577 : memref<32x512xf32, #tpu.memory_space<vmem>>[vector<16xi32>, vector<16xi32>], vector<16xf32>,
      tpu.vector_store_idx %arg9[%add3A_3, %broadcast_in_dim3A_1576], %gather3A_1578 : memref<32x512xf32, #tpu.memory_space<vmem>>[vector<16xi32>, vector<16xi32>], vector<16xf32>,
      %slice3A_1579 = vector.extract_strided_slice %get3A_1496 {offsets = [1], sizes = [1], strides = [1]} : vector<16xi32> to vector<1xi32>
      %squeeze3A_1580 = vector.extract %slice3A_1579[0] : i32 from vector<1xi32>
      %shift_right_arithmetic3A_1581 = arith.constant 7 : i32
      %shift_right_arithmetic3A_1582 = arith.shrsi %squeeze3A_1580, %shift_right_arithmetic3A_1581 : i32
      %mul3A_1583 = arith.constant 128 : i32
      %mul3A_1584 = arith.muli %shift_right_arithmetic3A_1582, %mul3A_1583 : i32
      %multiple_of3A_1585 = tpu.assume_multiple %mul3A_1584, 128 : i32
      %dma_start3A_1586 = arith.constant 1 : i32
      %dma_start3A_1587 = arith.constant 0 : i32
      %dma_start3A_1588 = arith.constant 0 : i32
      %dma_start3A_1589 = tpu.memref_slice %arg8[%dma_start3A_1586, %dma_start3A_1587, %dma_start3A_1588] : memref<16x32x128xf32, #tpu.memory_space<vmem>> -> memref<1x32x128xf32, #tpu.memory_space<vmem>>
      %dma_start3A_1590 = tpu.memref_squeeze %dma_start3A_1589 : memref<1x32x128xf32, #tpu.memory_space<vmem>> -> memref<32x128xf32, #tpu.memory_space<vmem>>
      %dma_start3A_1591 = arith.constant 0 : i32
      %dma_start3A_1592 = tpu.memref_slice %arg4[%dma_start3A_1591, %multiple_of3A_1585] : memref<32x1000000xf32, #tpu.memory_space<hbm>> -> memref<32x128xf32, #tpu.memory_space<hbm>>
      %dma_start3A_1593 = arith.constant 0 : i32
      %dma_start3A_1594 = arith.constant 0 : i32
      %dma_start3A_1595 = tpu.memref_slice %arg8[%dma_start3A_1586, %dma_start3A_1593, %dma_start3A_1594] : memref<16x32x128xf32, #tpu.memory_space<vmem>> -> memref<1x32x128xf32, #tpu.memory_space<vmem>>
      %dma_start3A_1596 = tpu.memref_squeeze %dma_start3A_1595 : memref<1x32x128xf32, #tpu.memory_space<vmem>> -> memref<32x128xf32, #tpu.memory_space<vmem>>
      %dma_start3A_1597 = arith.constant 0 : i32
      %dma_start3A_1598 = tpu.memref_slice %arg4[%dma_start3A_1597, %multiple_of3A_1585] : memref<32x1000000xf32, #tpu.memory_space<hbm>> -> memref<32x128xf32, #tpu.memory_space<hbm>>
      tpu.enqueue_dma source(%dma_start3A_1598 : memref<32x128xf32, #tpu.memory_space<hbm>>) target(%dma_start3A_1596 : memref<32x128xf32, #tpu.memory_space<vmem>>) target_semaphore(%arg12 : memref<!tpu.dma_semaphore, #tpu.memory_space<semaphore_mem>>)
      %slice3A_1599 = vector.extract_strided_slice %get3A_1492 {offsets = [2], sizes = [1], strides = [1]} : vector<16xi32> to vector<1xi32>
      %squeeze3A_1600 = vector.extract %slice3A_1599[0] : i32 from vector<1xi32>
      %sub3A_1601 = arith.constant 1 : i32
      %sub3A_1602 = arith.subi %scan3A_1487, %sub3A_1601 : i32
      %mul3A_1603 = arith.constant 16 : i32
      %mul3A_1604 = arith.muli %sub3A_1602, %mul3A_1603 : i32
      %add3A_1605 = arith.constant 2 : i32
      %add3A_1606 = arith.addi %mul3A_1604, %add3A_1605 : i32
      %dma_wait3A_1607 = arith.constant 2 : i32
      %dma_wait3A_1608 = arith.constant 0 : i32
      %dma_wait3A_1609 = arith.constant 0 : i32
      %dma_wait3A_1610 = tpu.memref_slice %arg8[%dma_wait3A_1607, %dma_wait3A_1608, %dma_wait3A_1609] : memref<16x32x128xf32, #tpu.memory_space<vmem>> -> memref<1x32x128xf32, #tpu.memory_space<vmem>>
      %dma_wait3A_1611 = tpu.memref_squeeze %dma_wait3A_1610 : memref<1x32x128xf32, #tpu.memory_space<vmem>> -> memref<32x128xf32, #tpu.memory_space<vmem>>
      %dma_wait3A_1612 = arith.constant 0 : i32
      %dma_wait3A_1613 = arith.constant 0 : i32
      %dma_wait3A_1614 = tpu.memref_slice %arg4[%dma_wait3A_1612, %dma_wait3A_1613] : memref<32x1000000xf32, #tpu.memory_space<hbm>> -> memref<32x128xf32, #tpu.memory_space<hbm>>
      %dma_wait3A_1615 = arith.constant 0 : i32
      %dma_wait3A_1616 = arith.constant 0 : i32
      %dma_wait3A_1617 = tpu.memref_slice %arg8[%dma_wait3A_1607, %dma_wait3A_1615, %dma_wait3A_1616] : memref<16x32x128xf32, #tpu.memory_space<vmem>> -> memref<1x32x128xf32, #tpu.memory_space<vmem>>
      %dma_wait3A_1618 = tpu.memref_squeeze %dma_wait3A_1617 : memref<1x32x128xf32, #tpu.memory_space<vmem>> -> memref<32x128xf32, #tpu.memory_space<vmem>>
      %dma_wait3A_1619 = arith.constant 0 : i32
      %dma_wait3A_1620 = arith.constant 0 : i32
      %dma_wait3A_1621 = tpu.memref_slice %arg4[%dma_wait3A_1619, %dma_wait3A_1620] : memref<32x1000000xf32, #tpu.memory_space<hbm>> -> memref<32x128xf32, #tpu.memory_space<hbm>>
      tpu.wait_dma2 semaphore(%arg13 : memref<!tpu.dma_semaphore, #tpu.memory_space<semaphore_mem>>) src(%dma_wait3A_1621 : memref<32x128xf32, #tpu.memory_space<hbm>>) dst(%dma_wait3A_1618 : memref<32x128xf32, #tpu.memory_space<vmem>>)
      %broadcast_in_dim3A_1622 = arith.constant 2 : i32
      %broadcast_in_dim3A_1623 = vector.broadcast %broadcast_in_dim3A_1622 : i32 to vector<16xi32>
      %and3A_1624 = arith.constant 127 : i32
      %and3A_1625 = arith.andi %squeeze3A_1600, %and3A_1624 : i32
      %broadcast_in_dim3A_1626 = vector.broadcast %and3A_1625 : i32 to vector<16xi32>
      %broadcast_in_dim3A_1627 = vector.broadcast %add3A_1606 : i32 to vector<16xi32>
      %gather3A_1628 = tpu.vector_load_idx %arg8[%broadcast_in_dim3A_1623, %iota3A, %broadcast_in_dim3A_1626] : memref<16x32x128xf32, #tpu.memory_space<vmem>>[vector<16xi32>, vector<16xi32>, vector<16xi32>], vector<16xf32>,
      %gather3A_1629 = tpu.vector_load_idx %arg8[%broadcast_in_dim3A_1623, %add3A_3, %broadcast_in_dim3A_1626] : memref<16x32x128xf32, #tpu.memory_space<vmem>>[vector<16xi32>, vector<16xi32>, vector<16xi32>], vector<16xf32>,
      tpu.vector_store_idx %arg9[%iota3A, %broadcast_in_dim3A_1627], %gather3A_1628 : memref<32x512xf32, #tpu.memory_space<vmem>>[vector<16xi32>, vector<16xi32>], vector<16xf32>,
      tpu.vector_store_idx %arg9[%add3A_3, %broadcast_in_dim3A_1627], %gather3A_1629 : memref<32x512xf32, #tpu.memory_space<vmem>>[vector<16xi32>, vector<16xi32>], vector<16xf32>,
      %slice3A_1630 = vector.extract_strided_slice %get3A_1496 {offsets = [2], sizes = [1], strides = [1]} : vector<16xi32> to vector<1xi32>
      %squeeze3A_1631 = vector.extract %slice3A_1630[0] : i32 from vector<1xi32>
      %shift_right_arithmetic3A_1632 = arith.constant 7 : i32
      %shift_right_arithmetic3A_1633 = arith.shrsi %squeeze3A_1631, %shift_right_arithmetic3A_1632 : i32
      %mul3A_1634 = arith.constant 128 : i32
      %mul3A_1635 = arith.muli %shift_right_arithmetic3A_1633, %mul3A_1634 : i32
      %multiple_of3A_1636 = tpu.assume_multiple %mul3A_1635, 128 : i32
      %dma_start3A_1637 = arith.constant 2 : i32
      %dma_start3A_1638 = arith.constant 0 : i32
      %dma_start3A_1639 = arith.constant 0 : i32
      %dma_start3A_1640 = tpu.memref_slice %arg8[%dma_start3A_1637, %dma_start3A_1638, %dma_start3A_1639] : memref<16x32x128xf32, #tpu.memory_space<vmem>> -> memref<1x32x128xf32, #tpu.memory_space<vmem>>
      %dma_start3A_1641 = tpu.memref_squeeze %dma_start3A_1640 : memref<1x32x128xf32, #tpu.memory_space<vmem>> -> memref<32x128xf32, #tpu.memory_space<vmem>>
      %dma_start3A_1642 = arith.constant 0 : i32
      %dma_start3A_1643 = tpu.memref_slice %arg4[%dma_start3A_1642, %multiple_of3A_1636] : memref<32x1000000xf32, #tpu.memory_space<hbm>> -> memref<32x128xf32, #tpu.memory_space<hbm>>
      %dma_start3A_1644 = arith.constant 0 : i32
      %dma_start3A_1645 = arith.constant 0 : i32
      %dma_start3A_1646 = tpu.memref_slice %arg8[%dma_start3A_1637, %dma_start3A_1644, %dma_start3A_1645] : memref<16x32x128xf32, #tpu.memory_space<vmem>> -> memref<1x32x128xf32, #tpu.memory_space<vmem>>
      %dma_start3A_1647 = tpu.memref_squeeze %dma_start3A_1646 : memref<1x32x128xf32, #tpu.memory_space<vmem>> -> memref<32x128xf32, #tpu.memory_space<vmem>>
      %dma_start3A_1648 = arith.constant 0 : i32
      %dma_start3A_1649 = tpu.memref_slice %arg4[%dma_start3A_1648, %multiple_of3A_1636] : memref<32x1000000xf32, #tpu.memory_space<hbm>> -> memref<32x128xf32, #tpu.memory_space<hbm>>
      tpu.enqueue_dma source(%dma_start3A_1649 : memref<32x128xf32, #tpu.memory_space<hbm>>) target(%dma_start3A_1647 : memref<32x128xf32, #tpu.memory_space<vmem>>) target_semaphore(%arg13 : memref<!tpu.dma_semaphore, #tpu.memory_space<semaphore_mem>>)
      %slice3A_1650 = vector.extract_strided_slice %get3A_1492 {offsets = [3], sizes = [1], strides = [1]} : vector<16xi32> to vector<1xi32>
      %squeeze3A_1651 = vector.extract %slice3A_1650[0] : i32 from vector<1xi32>
      %sub3A_1652 = arith.constant 1 : i32
      %sub3A_1653 = arith.subi %scan3A_1487, %sub3A_1652 : i32
      %mul3A_1654 = arith.constant 16 : i32
      %mul3A_1655 = arith.muli %sub3A_1653, %mul3A_1654 : i32
      %add3A_1656 = arith.constant 3 : i32
      %add3A_1657 = arith.addi %mul3A_1655, %add3A_1656 : i32
      %dma_wait3A_1658 = arith.constant 3 : i32
      %dma_wait3A_1659 = arith.constant 0 : i32
      %dma_wait3A_1660 = arith.constant 0 : i32
      %dma_wait3A_1661 = tpu.memref_slice %arg8[%dma_wait3A_1658, %dma_wait3A_1659, %dma_wait3A_1660] : memref<16x32x128xf32, #tpu.memory_space<vmem>> -> memref<1x32x128xf32, #tpu.memory_space<vmem>>
      %dma_wait3A_1662 = tpu.memref_squeeze %dma_wait3A_1661 : memref<1x32x128xf32, #tpu.memory_space<vmem>> -> memref<32x128xf32, #tpu.memory_space<vmem>>
      %dma_wait3A_1663 = arith.constant 0 : i32
      %dma_wait3A_1664 = arith.constant 0 : i32
      %dma_wait3A_1665 = tpu.memref_slice %arg4[%dma_wait3A_1663, %dma_wait3A_1664] : memref<32x1000000xf32, #tpu.memory_space<hbm>> -> memref<32x128xf32, #tpu.memory_space<hbm>>
      %dma_wait3A_1666 = arith.constant 0 : i32
      %dma_wait3A_1667 = arith.constant 0 : i32
      %dma_wait3A_1668 = tpu.memref_slice %arg8[%dma_wait3A_1658, %dma_wait3A_1666, %dma_wait3A_1667] : memref<16x32x128xf32, #tpu.memory_space<vmem>> -> memref<1x32x128xf32, #tpu.memory_space<vmem>>
      %dma_wait3A_1669 = tpu.memref_squeeze %dma_wait3A_1668 : memref<1x32x128xf32, #tpu.memory_space<vmem>> -> memref<32x128xf32, #tpu.memory_space<vmem>>
      %dma_wait3A_1670 = arith.constant 0 : i32
      %dma_wait3A_1671 = arith.constant 0 : i32
      %dma_wait3A_1672 = tpu.memref_slice %arg4[%dma_wait3A_1670, %dma_wait3A_1671] : memref<32x1000000xf32, #tpu.memory_space<hbm>> -> memref<32x128xf32, #tpu.memory_space<hbm>>
      tpu.wait_dma2 semaphore(%arg14 : memref<!tpu.dma_semaphore, #tpu.memory_space<semaphore_mem>>) src(%dma_wait3A_1672 : memref<32x128xf32, #tpu.memory_space<hbm>>) dst(%dma_wait3A_1669 : memref<32x128xf32, #tpu.memory_space<vmem>>)
      %broadcast_in_dim3A_1673 = arith.constant 3 : i32
      %broadcast_in_dim3A_1674 = vector.broadcast %broadcast_in_dim3A_1673 : i32 to vector<16xi32>
      %and3A_1675 = arith.constant 127 : i32
      %and3A_1676 = arith.andi %squeeze3A_1651, %and3A_1675 : i32
      %broadcast_in_dim3A_1677 = vector.broadcast %and3A_1676 : i32 to vector<16xi32>
      %broadcast_in_dim3A_1678 = vector.broadcast %add3A_1657 : i32 to vector<16xi32>
      %gather3A_1679 = tpu.vector_load_idx %arg8[%broadcast_in_dim3A_1674, %iota3A, %broadcast_in_dim3A_1677] : memref<16x32x128xf32, #tpu.memory_space<vmem>>[vector<16xi32>, vector<16xi32>, vector<16xi32>], vector<16xf32>,
      %gather3A_1680 = tpu.vector_load_idx %arg8[%broadcast_in_dim3A_1674, %add3A_3, %broadcast_in_dim3A_1677] : memref<16x32x128xf32, #tpu.memory_space<vmem>>[vector<16xi32>, vector<16xi32>, vector<16xi32>], vector<16xf32>,
      tpu.vector_store_idx %arg9[%iota3A, %broadcast_in_dim3A_1678], %gather3A_1679 : memref<32x512xf32, #tpu.memory_space<vmem>>[vector<16xi32>, vector<16xi32>], vector<16xf32>,
      tpu.vector_store_idx %arg9[%add3A_3, %broadcast_in_dim3A_1678], %gather3A_1680 : memref<32x512xf32, #tpu.memory_space<vmem>>[vector<16xi32>, vector<16xi32>], vector<16xf32>,
      %slice3A_1681 = vector.extract_strided_slice %get3A_1496 {offsets = [3], sizes = [1], strides = [1]} : vector<16xi32> to vector<1xi32>
      %squeeze3A_1682 = vector.extract %slice3A_1681[0] : i32 from vector<1xi32>
      %shift_right_arithmetic3A_1683 = arith.constant 7 : i32
      %shift_right_arithmetic3A_1684 = arith.shrsi %squeeze3A_1682, %shift_right_arithmetic3A_1683 : i32
      %mul3A_1685 = arith.constant 128 : i32
      %mul3A_1686 = arith.muli %shift_right_arithmetic3A_1684, %mul3A_1685 : i32
      %multiple_of3A_1687 = tpu.assume_multiple %mul3A_1686, 128 : i32
      %dma_start3A_1688 = arith.constant 3 : i32
      %dma_start3A_1689 = arith.constant 0 : i32
      %dma_start3A_1690 = arith.constant 0 : i32
      %dma_start3A_1691 = tpu.memref_slice %arg8[%dma_start3A_1688, %dma_start3A_1689, %dma_start3A_1690] : memref<16x32x128xf32, #tpu.memory_space<vmem>> -> memref<1x32x128xf32, #tpu.memory_space<vmem>>
      %dma_start3A_1692 = tpu.memref_squeeze %dma_start3A_1691 : memref<1x32x128xf32, #tpu.memory_space<vmem>> -> memref<32x128xf32, #tpu.memory_space<vmem>>
      %dma_start3A_1693 = arith.constant 0 : i32
      %dma_start3A_1694 = tpu.memref_slice %arg4[%dma_start3A_1693, %multiple_of3A_1687] : memref<32x1000000xf32, #tpu.memory_space<hbm>> -> memref<32x128xf32, #tpu.memory_space<hbm>>
      %dma_start3A_1695 = arith.constant 0 : i32
      %dma_start3A_1696 = arith.constant 0 : i32
      %dma_start3A_1697 = tpu.memref_slice %arg8[%dma_start3A_1688, %dma_start3A_1695, %dma_start3A_1696] : memref<16x32x128xf32, #tpu.memory_space<vmem>> -> memref<1x32x128xf32, #tpu.memory_space<vmem>>
      %dma_start3A_1698 = tpu.memref_squeeze %dma_start3A_1697 : memref<1x32x128xf32, #tpu.memory_space<vmem>> -> memref<32x128xf32, #tpu.memory_space<vmem>>
      %dma_start3A_1699 = arith.constant 0 : i32
      %dma_start3A_1700 = tpu.memref_slice %arg4[%dma_start3A_1699, %multiple_of3A_1687] : memref<32x1000000xf32, #tpu.memory_space<hbm>> -> memref<32x128xf32, #tpu.memory_space<hbm>>
      tpu.enqueue_dma source(%dma_start3A_1700 : memref<32x128xf32, #tpu.memory_space<hbm>>) target(%dma_start3A_1698 : memref<32x128xf32, #tpu.memory_space<vmem>>) target_semaphore(%arg14 : memref<!tpu.dma_semaphore, #tpu.memory_space<semaphore_mem>>)
      %slice3A_1701 = vector.extract_strided_slice %get3A_1492 {offsets = [4], sizes = [1], strides = [1]} : vector<16xi32> to vector<1xi32>
      %squeeze3A_1702 = vector.extract %slice3A_1701[0] : i32 from vector<1xi32>
      %sub3A_1703 = arith.constant 1 : i32
      %sub3A_1704 = arith.subi %scan3A_1487, %sub3A_1703 : i32
      %mul3A_1705 = arith.constant 16 : i32
      %mul3A_1706 = arith.muli %sub3A_1704, %mul3A_1705 : i32
      %add3A_1707 = arith.constant 4 : i32
      %add3A_1708 = arith.addi %mul3A_1706, %add3A_1707 : i32
      %dma_wait3A_1709 = arith.constant 4 : i32
      %dma_wait3A_1710 = arith.constant 0 : i32
      %dma_wait3A_1711 = arith.constant 0 : i32
      %dma_wait3A_1712 = tpu.memref_slice %arg8[%dma_wait3A_1709, %dma_wait3A_1710, %dma_wait3A_1711] : memref<16x32x128xf32, #tpu.memory_space<vmem>> -> memref<1x32x128xf32, #tpu.memory_space<vmem>>
      %dma_wait3A_1713 = tpu.memref_squeeze %dma_wait3A_1712 : memref<1x32x128xf32, #tpu.memory_space<vmem>> -> memref<32x128xf32, #tpu.memory_space<vmem>>
      %dma_wait3A_1714 = arith.constant 0 : i32
      %dma_wait3A_1715 = arith.constant 0 : i32
      %dma_wait3A_1716 = tpu.memref_slice %arg4[%dma_wait3A_1714, %dma_wait3A_1715] : memref<32x1000000xf32, #tpu.memory_space<hbm>> -> memref<32x128xf32, #tpu.memory_space<hbm>>
      %dma_wait3A_1717 = arith.constant 0 : i32
      %dma_wait3A_1718 = arith.constant 0 : i32
      %dma_wait3A_1719 = tpu.memref_slice %arg8[%dma_wait3A_1709, %dma_wait3A_1717, %dma_wait3A_1718] : memref<16x32x128xf32, #tpu.memory_space<vmem>> -> memref<1x32x128xf32, #tpu.memory_space<vmem>>
      %dma_wait3A_1720 = tpu.memref_squeeze %dma_wait3A_1719 : memref<1x32x128xf32, #tpu.memory_space<vmem>> -> memref<32x128xf32, #tpu.memory_space<vmem>>
      %dma_wait3A_1721 = arith.constant 0 : i32
      %dma_wait3A_1722 = arith.constant 0 : i32
      %dma_wait3A_1723 = tpu.memref_slice %arg4[%dma_wait3A_1721, %dma_wait3A_1722] : memref<32x1000000xf32, #tpu.memory_space<hbm>> -> memref<32x128xf32, #tpu.memory_space<hbm>>
      tpu.wait_dma2 semaphore(%arg15 : memref<!tpu.dma_semaphore, #tpu.memory_space<semaphore_mem>>) src(%dma_wait3A_1723 : memref<32x128xf32, #tpu.memory_space<hbm>>) dst(%dma_wait3A_1720 : memref<32x128xf32, #tpu.memory_space<vmem>>)
      %broadcast_in_dim3A_1724 = arith.constant 4 : i32
      %broadcast_in_dim3A_1725 = vector.broadcast %broadcast_in_dim3A_1724 : i32 to vector<16xi32>
      %and3A_1726 = arith.constant 127 : i32
      %and3A_1727 = arith.andi %squeeze3A_1702, %and3A_1726 : i32
      %broadcast_in_dim3A_1728 = vector.broadcast %and3A_1727 : i32 to vector<16xi32>
      %broadcast_in_dim3A_1729 = vector.broadcast %add3A_1708 : i32 to vector<16xi32>
      %gather3A_1730 = tpu.vector_load_idx %arg8[%broadcast_in_dim3A_1725, %iota3A, %broadcast_in_dim3A_1728] : memref<16x32x128xf32, #tpu.memory_space<vmem>>[vector<16xi32>, vector<16xi32>, vector<16xi32>], vector<16xf32>,
      %gather3A_1731 = tpu.vector_load_idx %arg8[%broadcast_in_dim3A_1725, %add3A_3, %broadcast_in_dim3A_1728] : memref<16x32x128xf32, #tpu.memory_space<vmem>>[vector<16xi32>, vector<16xi32>, vector<16xi32>], vector<16xf32>,
      tpu.vector_store_idx %arg9[%iota3A, %broadcast_in_dim3A_1729], %gather3A_1730 : memref<32x512xf32, #tpu.memory_space<vmem>>[vector<16xi32>, vector<16xi32>], vector<16xf32>,
      tpu.vector_store_idx %arg9[%add3A_3, %broadcast_in_dim3A_1729], %gather3A_1731 : memref<32x512xf32, #tpu.memory_space<vmem>>[vector<16xi32>, vector<16xi32>], vector<16xf32>,
      %slice3A_1732 = vector.extract_strided_slice %get3A_1496 {offsets = [4], sizes = [1], strides = [1]} : vector<16xi32> to vector<1xi32>
      %squeeze3A_1733 = vector.extract %slice3A_1732[0] : i32 from vector<1xi32>
      %shift_right_arithmetic3A_1734 = arith.constant 7 : i32
      %shift_right_arithmetic3A_1735 = arith.shrsi %squeeze3A_1733, %shift_right_arithmetic3A_1734 : i32
      %mul3A_1736 = arith.constant 128 : i32
      %mul3A_1737 = arith.muli %shift_right_arithmetic3A_1735, %mul3A_1736 : i32
      %multiple_of3A_1738 = tpu.assume_multiple %mul3A_1737, 128 : i32
      %dma_start3A_1739 = arith.constant 4 : i32
      %dma_start3A_1740 = arith.constant 0 : i32
      %dma_start3A_1741 = arith.constant 0 : i32
      %dma_start3A_1742 = tpu.memref_slice %arg8[%dma_start3A_1739, %dma_start3A_1740, %dma_start3A_1741] : memref<16x32x128xf32, #tpu.memory_space<vmem>> -> memref<1x32x128xf32, #tpu.memory_space<vmem>>
      %dma_start3A_1743 = tpu.memref_squeeze %dma_start3A_1742 : memref<1x32x128xf32, #tpu.memory_space<vmem>> -> memref<32x128xf32, #tpu.memory_space<vmem>>
      %dma_start3A_1744 = arith.constant 0 : i32
      %dma_start3A_1745 = tpu.memref_slice %arg4[%dma_start3A_1744, %multiple_of3A_1738] : memref<32x1000000xf32, #tpu.memory_space<hbm>> -> memref<32x128xf32, #tpu.memory_space<hbm>>
      %dma_start3A_1746 = arith.constant 0 : i32
      %dma_start3A_1747 = arith.constant 0 : i32
      %dma_start3A_1748 = tpu.memref_slice %arg8[%dma_start3A_1739, %dma_start3A_1746, %dma_start3A_1747] : memref<16x32x128xf32, #tpu.memory_space<vmem>> -> memref<1x32x128xf32, #tpu.memory_space<vmem>>
      %dma_start3A_1749 = tpu.memref_squeeze %dma_start3A_1748 : memref<1x32x128xf32, #tpu.memory_space<vmem>> -> memref<32x128xf32, #tpu.memory_space<vmem>>
      %dma_start3A_1750 = arith.constant 0 : i32
      %dma_start3A_1751 = tpu.memref_slice %arg4[%dma_start3A_1750, %multiple_of3A_1738] : memref<32x1000000xf32, #tpu.memory_space<hbm>> -> memref<32x128xf32, #tpu.memory_space<hbm>>
      tpu.enqueue_dma source(%dma_start3A_1751 : memref<32x128xf32, #tpu.memory_space<hbm>>) target(%dma_start3A_1749 : memref<32x128xf32, #tpu.memory_space<vmem>>) target_semaphore(%arg15 : memref<!tpu.dma_semaphore, #tpu.memory_space<semaphore_mem>>)
      %slice3A_1752 = vector.extract_strided_slice %get3A_1492 {offsets = [5], sizes = [1], strides = [1]} : vector<16xi32> to vector<1xi32>
      %squeeze3A_1753 = vector.extract %slice3A_1752[0] : i32 from vector<1xi32>
      %sub3A_1754 = arith.constant 1 : i32
      %sub3A_1755 = arith.subi %scan3A_1487, %sub3A_1754 : i32
      %mul3A_1756 = arith.constant 16 : i32
      %mul3A_1757 = arith.muli %sub3A_1755, %mul3A_1756 : i32
      %add3A_1758 = arith.constant 5 : i32
      %add3A_1759 = arith.addi %mul3A_1757, %add3A_1758 : i32
      %dma_wait3A_1760 = arith.constant 5 : i32
      %dma_wait3A_1761 = arith.constant 0 : i32
      %dma_wait3A_1762 = arith.constant 0 : i32
      %dma_wait3A_1763 = tpu.memref_slice %arg8[%dma_wait3A_1760, %dma_wait3A_1761, %dma_wait3A_1762] : memref<16x32x128xf32, #tpu.memory_space<vmem>> -> memref<1x32x128xf32, #tpu.memory_space<vmem>>
      %dma_wait3A_1764 = tpu.memref_squeeze %dma_wait3A_1763 : memref<1x32x128xf32, #tpu.memory_space<vmem>> -> memref<32x128xf32, #tpu.memory_space<vmem>>
      %dma_wait3A_1765 = arith.constant 0 : i32
      %dma_wait3A_1766 = arith.constant 0 : i32
      %dma_wait3A_1767 = tpu.memref_slice %arg4[%dma_wait3A_1765, %dma_wait3A_1766] : memref<32x1000000xf32, #tpu.memory_space<hbm>> -> memref<32x128xf32, #tpu.memory_space<hbm>>
      %dma_wait3A_1768 = arith.constant 0 : i32
      %dma_wait3A_1769 = arith.constant 0 : i32
      %dma_wait3A_1770 = tpu.memref_slice %arg8[%dma_wait3A_1760, %dma_wait3A_1768, %dma_wait3A_1769] : memref<16x32x128xf32, #tpu.memory_space<vmem>> -> memref<1x32x128xf32, #tpu.memory_space<vmem>>
      %dma_wait3A_1771 = tpu.memref_squeeze %dma_wait3A_1770 : memref<1x32x128xf32, #tpu.memory_space<vmem>> -> memref<32x128xf32, #tpu.memory_space<vmem>>
      %dma_wait3A_1772 = arith.constant 0 : i32
      %dma_wait3A_1773 = arith.constant 0 : i32
      %dma_wait3A_1774 = tpu.memref_slice %arg4[%dma_wait3A_1772, %dma_wait3A_1773] : memref<32x1000000xf32, #tpu.memory_space<hbm>> -> memref<32x128xf32, #tpu.memory_space<hbm>>
      tpu.wait_dma2 semaphore(%arg16 : memref<!tpu.dma_semaphore, #tpu.memory_space<semaphore_mem>>) src(%dma_wait3A_1774 : memref<32x128xf32, #tpu.memory_space<hbm>>) dst(%dma_wait3A_1771 : memref<32x128xf32, #tpu.memory_space<vmem>>)
      %broadcast_in_dim3A_1775 = arith.constant 5 : i32
      %broadcast_in_dim3A_1776 = vector.broadcast %broadcast_in_dim3A_1775 : i32 to vector<16xi32>
      %and3A_1777 = arith.constant 127 : i32
      %and3A_1778 = arith.andi %squeeze3A_1753, %and3A_1777 : i32
      %broadcast_in_dim3A_1779 = vector.broadcast %and3A_1778 : i32 to vector<16xi32>
      %broadcast_in_dim3A_1780 = vector.broadcast %add3A_1759 : i32 to vector<16xi32>
      %gather3A_1781 = tpu.vector_load_idx %arg8[%broadcast_in_dim3A_1776, %iota3A, %broadcast_in_dim3A_1779] : memref<16x32x128xf32, #tpu.memory_space<vmem>>[vector<16xi32>, vector<16xi32>, vector<16xi32>], vector<16xf32>,
      %gather3A_1782 = tpu.vector_load_idx %arg8[%broadcast_in_dim3A_1776, %add3A_3, %broadcast_in_dim3A_1779] : memref<16x32x128xf32, #tpu.memory_space<vmem>>[vector<16xi32>, vector<16xi32>, vector<16xi32>], vector<16xf32>,
      tpu.vector_store_idx %arg9[%iota3A, %broadcast_in_dim3A_1780], %gather3A_1781 : memref<32x512xf32, #tpu.memory_space<vmem>>[vector<16xi32>, vector<16xi32>], vector<16xf32>,
      tpu.vector_store_idx %arg9[%add3A_3, %broadcast_in_dim3A_1780], %gather3A_1782 : memref<32x512xf32, #tpu.memory_space<vmem>>[vector<16xi32>, vector<16xi32>], vector<16xf32>,
      %slice3A_1783 = vector.extract_strided_slice %get3A_1496 {offsets = [5], sizes = [1], strides = [1]} : vector<16xi32> to vector<1xi32>
      %squeeze3A_1784 = vector.extract %slice3A_1783[0] : i32 from vector<1xi32>
      %shift_right_arithmetic3A_1785 = arith.constant 7 : i32
      %shift_right_arithmetic3A_1786 = arith.shrsi %squeeze3A_1784, %shift_right_arithmetic3A_1785 : i32
      %mul3A_1787 = arith.constant 128 : i32
      %mul3A_1788 = arith.muli %shift_right_arithmetic3A_1786, %mul3A_1787 : i32
      %multiple_of3A_1789 = tpu.assume_multiple %mul3A_1788, 128 : i32
      %dma_start3A_1790 = arith.constant 5 : i32
      %dma_start3A_1791 = arith.constant 0 : i32
      %dma_start3A_1792 = arith.constant 0 : i32
      %dma_start3A_1793 = tpu.memref_slice %arg8[%dma_start3A_1790, %dma_start3A_1791, %dma_start3A_1792] : memref<16x32x128xf32, #tpu.memory_space<vmem>> -> memref<1x32x128xf32, #tpu.memory_space<vmem>>
      %dma_start3A_1794 = tpu.memref_squeeze %dma_start3A_1793 : memref<1x32x128xf32, #tpu.memory_space<vmem>> -> memref<32x128xf32, #tpu.memory_space<vmem>>
      %dma_start3A_1795 = arith.constant 0 : i32
      %dma_start3A_1796 = tpu.memref_slice %arg4[%dma_start3A_1795, %multiple_of3A_1789] : memref<32x1000000xf32, #tpu.memory_space<hbm>> -> memref<32x128xf32, #tpu.memory_space<hbm>>
      %dma_start3A_1797 = arith.constant 0 : i32
      %dma_start3A_1798 = arith.constant 0 : i32
      %dma_start3A_1799 = tpu.memref_slice %arg8[%dma_start3A_1790, %dma_start3A_1797, %dma_start3A_1798] : memref<16x32x128xf32, #tpu.memory_space<vmem>> -> memref<1x32x128xf32, #tpu.memory_space<vmem>>
      %dma_start3A_1800 = tpu.memref_squeeze %dma_start3A_1799 : memref<1x32x128xf32, #tpu.memory_space<vmem>> -> memref<32x128xf32, #tpu.memory_space<vmem>>
      %dma_start3A_1801 = arith.constant 0 : i32
      %dma_start3A_1802 = tpu.memref_slice %arg4[%dma_start3A_1801, %multiple_of3A_1789] : memref<32x1000000xf32, #tpu.memory_space<hbm>> -> memref<32x128xf32, #tpu.memory_space<hbm>>
      tpu.enqueue_dma source(%dma_start3A_1802 : memref<32x128xf32, #tpu.memory_space<hbm>>) target(%dma_start3A_1800 : memref<32x128xf32, #tpu.memory_space<vmem>>) target_semaphore(%arg16 : memref<!tpu.dma_semaphore, #tpu.memory_space<semaphore_mem>>)
      %slice3A_1803 = vector.extract_strided_slice %get3A_1492 {offsets = [6], sizes = [1], strides = [1]} : vector<16xi32> to vector<1xi32>
      %squeeze3A_1804 = vector.extract %slice3A_1803[0] : i32 from vector<1xi32>
      %sub3A_1805 = arith.constant 1 : i32
      %sub3A_1806 = arith.subi %scan3A_1487, %sub3A_1805 : i32
      %mul3A_1807 = arith.constant 16 : i32
      %mul3A_1808 = arith.muli %sub3A_1806, %mul3A_1807 : i32
      %add3A_1809 = arith.constant 6 : i32
      %add3A_1810 = arith.addi %mul3A_1808, %add3A_1809 : i32
      %dma_wait3A_1811 = arith.constant 6 : i32
      %dma_wait3A_1812 = arith.constant 0 : i32
      %dma_wait3A_1813 = arith.constant 0 : i32
      %dma_wait3A_1814 = tpu.memref_slice %arg8[%dma_wait3A_1811, %dma_wait3A_1812, %dma_wait3A_1813] : memref<16x32x128xf32, #tpu.memory_space<vmem>> -> memref<1x32x128xf32, #tpu.memory_space<vmem>>
      %dma_wait3A_1815 = tpu.memref_squeeze %dma_wait3A_1814 : memref<1x32x128xf32, #tpu.memory_space<vmem>> -> memref<32x128xf32, #tpu.memory_space<vmem>>
      %dma_wait3A_1816 = arith.constant 0 : i32
      %dma_wait3A_1817 = arith.constant 0 : i32
      %dma_wait3A_1818 = tpu.memref_slice %arg4[%dma_wait3A_1816, %dma_wait3A_1817] : memref<32x1000000xf32, #tpu.memory_space<hbm>> -> memref<32x128xf32, #tpu.memory_space<hbm>>
      %dma_wait3A_1819 = arith.constant 0 : i32
      %dma_wait3A_1820 = arith.constant 0 : i32
      %dma_wait3A_1821 = tpu.memref_slice %arg8[%dma_wait3A_1811, %dma_wait3A_1819, %dma_wait3A_1820] : memref<16x32x128xf32, #tpu.memory_space<vmem>> -> memref<1x32x128xf32, #tpu.memory_space<vmem>>
      %dma_wait3A_1822 = tpu.memref_squeeze %dma_wait3A_1821 : memref<1x32x128xf32, #tpu.memory_space<vmem>> -> memref<32x128xf32, #tpu.memory_space<vmem>>
      %dma_wait3A_1823 = arith.constant 0 : i32
      %dma_wait3A_1824 = arith.constant 0 : i32
      %dma_wait3A_1825 = tpu.memref_slice %arg4[%dma_wait3A_1823, %dma_wait3A_1824] : memref<32x1000000xf32, #tpu.memory_space<hbm>> -> memref<32x128xf32, #tpu.memory_space<hbm>>
      tpu.wait_dma2 semaphore(%arg17 : memref<!tpu.dma_semaphore, #tpu.memory_space<semaphore_mem>>) src(%dma_wait3A_1825 : memref<32x128xf32, #tpu.memory_space<hbm>>) dst(%dma_wait3A_1822 : memref<32x128xf32, #tpu.memory_space<vmem>>)
      %broadcast_in_dim3A_1826 = arith.constant 6 : i32
      %broadcast_in_dim3A_1827 = vector.broadcast %broadcast_in_dim3A_1826 : i32 to vector<16xi32>
      %and3A_1828 = arith.constant 127 : i32
      %and3A_1829 = arith.andi %squeeze3A_1804, %and3A_1828 : i32
      %broadcast_in_dim3A_1830 = vector.broadcast %and3A_1829 : i32 to vector<16xi32>
      %broadcast_in_dim3A_1831 = vector.broadcast %add3A_1810 : i32 to vector<16xi32>
      %gather3A_1832 = tpu.vector_load_idx %arg8[%broadcast_in_dim3A_1827, %iota3A, %broadcast_in_dim3A_1830] : memref<16x32x128xf32, #tpu.memory_space<vmem>>[vector<16xi32>, vector<16xi32>, vector<16xi32>], vector<16xf32>,
      %gather3A_1833 = tpu.vector_load_idx %arg8[%broadcast_in_dim3A_1827, %add3A_3, %broadcast_in_dim3A_1830] : memref<16x32x128xf32, #tpu.memory_space<vmem>>[vector<16xi32>, vector<16xi32>, vector<16xi32>], vector<16xf32>,
      tpu.vector_store_idx %arg9[%iota3A, %broadcast_in_dim3A_1831], %gather3A_1832 : memref<32x512xf32, #tpu.memory_space<vmem>>[vector<16xi32>, vector<16xi32>], vector<16xf32>,
      tpu.vector_store_idx %arg9[%add3A_3, %broadcast_in_dim3A_1831], %gather3A_1833 : memref<32x512xf32, #tpu.memory_space<vmem>>[vector<16xi32>, vector<16xi32>], vector<16xf32>,
      %slice3A_1834 = vector.extract_strided_slice %get3A_1496 {offsets = [6], sizes = [1], strides = [1]} : vector<16xi32> to vector<1xi32>
      %squeeze3A_1835 = vector.extract %slice3A_1834[0] : i32 from vector<1xi32>
      %shift_right_arithmetic3A_1836 = arith.constant 7 : i32
      %shift_right_arithmetic3A_1837 = arith.shrsi %squeeze3A_1835, %shift_right_arithmetic3A_1836 : i32
      %mul3A_1838 = arith.constant 128 : i32
      %mul3A_1839 = arith.muli %shift_right_arithmetic3A_1837, %mul3A_1838 : i32
      %multiple_of3A_1840 = tpu.assume_multiple %mul3A_1839, 128 : i32
      %dma_start3A_1841 = arith.constant 6 : i32
      %dma_start3A_1842 = arith.constant 0 : i32
      %dma_start3A_1843 = arith.constant 0 : i32
      %dma_start3A_1844 = tpu.memref_slice %arg8[%dma_start3A_1841, %dma_start3A_1842, %dma_start3A_1843] : memref<16x32x128xf32, #tpu.memory_space<vmem>> -> memref<1x32x128xf32, #tpu.memory_space<vmem>>
      %dma_start3A_1845 = tpu.memref_squeeze %dma_start3A_1844 : memref<1x32x128xf32, #tpu.memory_space<vmem>> -> memref<32x128xf32, #tpu.memory_space<vmem>>
      %dma_start3A_1846 = arith.constant 0 : i32
      %dma_start3A_1847 = tpu.memref_slice %arg4[%dma_start3A_1846, %multiple_of3A_1840] : memref<32x1000000xf32, #tpu.memory_space<hbm>> -> memref<32x128xf32, #tpu.memory_space<hbm>>
      %dma_start3A_1848 = arith.constant 0 : i32
      %dma_start3A_1849 = arith.constant 0 : i32
      %dma_start3A_1850 = tpu.memref_slice %arg8[%dma_start3A_1841, %dma_start3A_1848, %dma_start3A_1849] : memref<16x32x128xf32, #tpu.memory_space<vmem>> -> memref<1x32x128xf32, #tpu.memory_space<vmem>>
      %dma_start3A_1851 = tpu.memref_squeeze %dma_start3A_1850 : memref<1x32x128xf32, #tpu.memory_space<vmem>> -> memref<32x128xf32, #tpu.memory_space<vmem>>
      %dma_start3A_1852 = arith.constant 0 : i32
      %dma_start3A_1853 = tpu.memref_slice %arg4[%dma_start3A_1852, %multiple_of3A_1840] : memref<32x1000000xf32, #tpu.memory_space<hbm>> -> memref<32x128xf32, #tpu.memory_space<hbm>>
      tpu.enqueue_dma source(%dma_start3A_1853 : memref<32x128xf32, #tpu.memory_space<hbm>>) target(%dma_start3A_1851 : memref<32x128xf32, #tpu.memory_space<vmem>>) target_semaphore(%arg17 : memref<!tpu.dma_semaphore, #tpu.memory_space<semaphore_mem>>)
      %slice3A_1854 = vector.extract_strided_slice %get3A_1492 {offsets = [7], sizes = [1], strides = [1]} : vector<16xi32> to vector<1xi32>
      %squeeze3A_1855 = vector.extract %slice3A_1854[0] : i32 from vector<1xi32>
      %sub3A_1856 = arith.constant 1 : i32
      %sub3A_1857 = arith.subi %scan3A_1487, %sub3A_1856 : i32
      %mul3A_1858 = arith.constant 16 : i32
      %mul3A_1859 = arith.muli %sub3A_1857, %mul3A_1858 : i32
      %add3A_1860 = arith.constant 7 : i32
      %add3A_1861 = arith.addi %mul3A_1859, %add3A_1860 : i32
      %dma_wait3A_1862 = arith.constant 7 : i32
      %dma_wait3A_1863 = arith.constant 0 : i32
      %dma_wait3A_1864 = arith.constant 0 : i32
      %dma_wait3A_1865 = tpu.memref_slice %arg8[%dma_wait3A_1862, %dma_wait3A_1863, %dma_wait3A_1864] : memref<16x32x128xf32, #tpu.memory_space<vmem>> -> memref<1x32x128xf32, #tpu.memory_space<vmem>>
      %dma_wait3A_1866 = tpu.memref_squeeze %dma_wait3A_1865 : memref<1x32x128xf32, #tpu.memory_space<vmem>> -> memref<32x128xf32, #tpu.memory_space<vmem>>
      %dma_wait3A_1867 = arith.constant 0 : i32
      %dma_wait3A_1868 = arith.constant 0 : i32
      %dma_wait3A_1869 = tpu.memref_slice %arg4[%dma_wait3A_1867, %dma_wait3A_1868] : memref<32x1000000xf32, #tpu.memory_space<hbm>> -> memref<32x128xf32, #tpu.memory_space<hbm>>
      %dma_wait3A_1870 = arith.constant 0 : i32
      %dma_wait3A_1871 = arith.constant 0 : i32
      %dma_wait3A_1872 = tpu.memref_slice %arg8[%dma_wait3A_1862, %dma_wait3A_1870, %dma_wait3A_1871] : memref<16x32x128xf32, #tpu.memory_space<vmem>> -> memref<1x32x128xf32, #tpu.memory_space<vmem>>
      %dma_wait3A_1873 = tpu.memref_squeeze %dma_wait3A_1872 : memref<1x32x128xf32, #tpu.memory_space<vmem>> -> memref<32x128xf32, #tpu.memory_space<vmem>>
      %dma_wait3A_1874 = arith.constant 0 : i32
      %dma_wait3A_1875 = arith.constant 0 : i32
      %dma_wait3A_1876 = tpu.memref_slice %arg4[%dma_wait3A_1874, %dma_wait3A_1875] : memref<32x1000000xf32, #tpu.memory_space<hbm>> -> memref<32x128xf32, #tpu.memory_space<hbm>>
      tpu.wait_dma2 semaphore(%arg18 : memref<!tpu.dma_semaphore, #tpu.memory_space<semaphore_mem>>) src(%dma_wait3A_1876 : memref<32x128xf32, #tpu.memory_space<hbm>>) dst(%dma_wait3A_1873 : memref<32x128xf32, #tpu.memory_space<vmem>>)
      %broadcast_in_dim3A_1877 = arith.constant 7 : i32
      %broadcast_in_dim3A_1878 = vector.broadcast %broadcast_in_dim3A_1877 : i32 to vector<16xi32>
      %and3A_1879 = arith.constant 127 : i32
      %and3A_1880 = arith.andi %squeeze3A_1855, %and3A_1879 : i32
      %broadcast_in_dim3A_1881 = vector.broadcast %and3A_1880 : i32 to vector<16xi32>
      %broadcast_in_dim3A_1882 = vector.broadcast %add3A_1861 : i32 to vector<16xi32>
      %gather3A_1883 = tpu.vector_load_idx %arg8[%broadcast_in_dim3A_1878, %iota3A, %broadcast_in_dim3A_1881] : memref<16x32x128xf32, #tpu.memory_space<vmem>>[vector<16xi32>, vector<16xi32>, vector<16xi32>], vector<16xf32>,
      %gather3A_1884 = tpu.vector_load_idx %arg8[%broadcast_in_dim3A_1878, %add3A_3, %broadcast_in_dim3A_1881] : memref<16x32x128xf32, #tpu.memory_space<vmem>>[vector<16xi32>, vector<16xi32>, vector<16xi32>], vector<16xf32>,
      tpu.vector_store_idx %arg9[%iota3A, %broadcast_in_dim3A_1882], %gather3A_1883 : memref<32x512xf32, #tpu.memory_space<vmem>>[vector<16xi32>, vector<16xi32>], vector<16xf32>,
      tpu.vector_store_idx %arg9[%add3A_3, %broadcast_in_dim3A_1882], %gather3A_1884 : memref<32x512xf32, #tpu.memory_space<vmem>>[vector<16xi32>, vector<16xi32>], vector<16xf32>,
      %slice3A_1885 = vector.extract_strided_slice %get3A_1496 {offsets = [7], sizes = [1], strides = [1]} : vector<16xi32> to vector<1xi32>
      %squeeze3A_1886 = vector.extract %slice3A_1885[0] : i32 from vector<1xi32>
      %shift_right_arithmetic3A_1887 = arith.constant 7 : i32
      %shift_right_arithmetic3A_1888 = arith.shrsi %squeeze3A_1886, %shift_right_arithmetic3A_1887 : i32
      %mul3A_1889 = arith.constant 128 : i32
      %mul3A_1890 = arith.muli %shift_right_arithmetic3A_1888, %mul3A_1889 : i32
      %multiple_of3A_1891 = tpu.assume_multiple %mul3A_1890, 128 : i32
      %dma_start3A_1892 = arith.constant 7 : i32
      %dma_start3A_1893 = arith.constant 0 : i32
      %dma_start3A_1894 = arith.constant 0 : i32
      %dma_start3A_1895 = tpu.memref_slice %arg8[%dma_start3A_1892, %dma_start3A_1893, %dma_start3A_1894] : memref<16x32x128xf32, #tpu.memory_space<vmem>> -> memref<1x32x128xf32, #tpu.memory_space<vmem>>
      %dma_start3A_1896 = tpu.memref_squeeze %dma_start3A_1895 : memref<1x32x128xf32, #tpu.memory_space<vmem>> -> memref<32x128xf32, #tpu.memory_space<vmem>>
      %dma_start3A_1897 = arith.constant 0 : i32
      %dma_start3A_1898 = tpu.memref_slice %arg4[%dma_start3A_1897, %multiple_of3A_1891] : memref<32x1000000xf32, #tpu.memory_space<hbm>> -> memref<32x128xf32, #tpu.memory_space<hbm>>
      %dma_start3A_1899 = arith.constant 0 : i32
      %dma_start3A_1900 = arith.constant 0 : i32
      %dma_start3A_1901 = tpu.memref_slice %arg8[%dma_start3A_1892, %dma_start3A_1899, %dma_start3A_1900] : memref<16x32x128xf32, #tpu.memory_space<vmem>> -> memref<1x32x128xf32, #tpu.memory_space<vmem>>
      %dma_start3A_1902 = tpu.memref_squeeze %dma_start3A_1901 : memref<1x32x128xf32, #tpu.memory_space<vmem>> -> memref<32x128xf32, #tpu.memory_space<vmem>>
      %dma_start3A_1903 = arith.constant 0 : i32
      %dma_start3A_1904 = tpu.memref_slice %arg4[%dma_start3A_1903, %multiple_of3A_1891] : memref<32x1000000xf32, #tpu.memory_space<hbm>> -> memref<32x128xf32, #tpu.memory_space<hbm>>
      tpu.enqueue_dma source(%dma_start3A_1904 : memref<32x128xf32, #tpu.memory_space<hbm>>) target(%dma_start3A_1902 : memref<32x128xf32, #tpu.memory_space<vmem>>) target_semaphore(%arg18 : memref<!tpu.dma_semaphore, #tpu.memory_space<semaphore_mem>>)
      %slice3A_1905 = vector.extract_strided_slice %get3A_1492 {offsets = [8], sizes = [1], strides = [1]} : vector<16xi32> to vector<1xi32>
      %squeeze3A_1906 = vector.extract %slice3A_1905[0] : i32 from vector<1xi32>
      %sub3A_1907 = arith.constant 1 : i32
      %sub3A_1908 = arith.subi %scan3A_1487, %sub3A_1907 : i32
      %mul3A_1909 = arith.constant 16 : i32
      %mul3A_1910 = arith.muli %sub3A_1908, %mul3A_1909 : i32
      %add3A_1911 = arith.constant 8 : i32
      %add3A_1912 = arith.addi %mul3A_1910, %add3A_1911 : i32
      %dma_wait3A_1913 = arith.constant 8 : i32
      %dma_wait3A_1914 = arith.constant 0 : i32
      %dma_wait3A_1915 = arith.constant 0 : i32
      %dma_wait3A_1916 = tpu.memref_slice %arg8[%dma_wait3A_1913, %dma_wait3A_1914, %dma_wait3A_1915] : memref<16x32x128xf32, #tpu.memory_space<vmem>> -> memref<1x32x128xf32, #tpu.memory_space<vmem>>
      %dma_wait3A_1917 = tpu.memref_squeeze %dma_wait3A_1916 : memref<1x32x128xf32, #tpu.memory_space<vmem>> -> memref<32x128xf32, #tpu.memory_space<vmem>>
      %dma_wait3A_1918 = arith.constant 0 : i32
      %dma_wait3A_1919 = arith.constant 0 : i32
      %dma_wait3A_1920 = tpu.memref_slice %arg4[%dma_wait3A_1918, %dma_wait3A_1919] : memref<32x1000000xf32, #tpu.memory_space<hbm>> -> memref<32x128xf32, #tpu.memory_space<hbm>>
      %dma_wait3A_1921 = arith.constant 0 : i32
      %dma_wait3A_1922 = arith.constant 0 : i32
      %dma_wait3A_1923 = tpu.memref_slice %arg8[%dma_wait3A_1913, %dma_wait3A_1921, %dma_wait3A_1922] : memref<16x32x128xf32, #tpu.memory_space<vmem>> -> memref<1x32x128xf32, #tpu.memory_space<vmem>>
      %dma_wait3A_1924 = tpu.memref_squeeze %dma_wait3A_1923 : memref<1x32x128xf32, #tpu.memory_space<vmem>> -> memref<32x128xf32, #tpu.memory_space<vmem>>
      %dma_wait3A_1925 = arith.constant 0 : i32
      %dma_wait3A_1926 = arith.constant 0 : i32
      %dma_wait3A_1927 = tpu.memref_slice %arg4[%dma_wait3A_1925, %dma_wait3A_1926] : memref<32x1000000xf32, #tpu.memory_space<hbm>> -> memref<32x128xf32, #tpu.memory_space<hbm>>
      tpu.wait_dma2 semaphore(%arg19 : memref<!tpu.dma_semaphore, #tpu.memory_space<semaphore_mem>>) src(%dma_wait3A_1927 : memref<32x128xf32, #tpu.memory_space<hbm>>) dst(%dma_wait3A_1924 : memref<32x128xf32, #tpu.memory_space<vmem>>)
      %broadcast_in_dim3A_1928 = arith.constant 8 : i32
      %broadcast_in_dim3A_1929 = vector.broadcast %broadcast_in_dim3A_1928 : i32 to vector<16xi32>
      %and3A_1930 = arith.constant 127 : i32
      %and3A_1931 = arith.andi %squeeze3A_1906, %and3A_1930 : i32
      %broadcast_in_dim3A_1932 = vector.broadcast %and3A_1931 : i32 to vector<16xi32>
      %broadcast_in_dim3A_1933 = vector.broadcast %add3A_1912 : i32 to vector<16xi32>
      %gather3A_1934 = tpu.vector_load_idx %arg8[%broadcast_in_dim3A_1929, %iota3A, %broadcast_in_dim3A_1932] : memref<16x32x128xf32, #tpu.memory_space<vmem>>[vector<16xi32>, vector<16xi32>, vector<16xi32>], vector<16xf32>,
      %gather3A_1935 = tpu.vector_load_idx %arg8[%broadcast_in_dim3A_1929, %add3A_3, %broadcast_in_dim3A_1932] : memref<16x32x128xf32, #tpu.memory_space<vmem>>[vector<16xi32>, vector<16xi32>, vector<16xi32>], vector<16xf32>,
      tpu.vector_store_idx %arg9[%iota3A, %broadcast_in_dim3A_1933], %gather3A_1934 : memref<32x512xf32, #tpu.memory_space<vmem>>[vector<16xi32>, vector<16xi32>], vector<16xf32>,
      tpu.vector_store_idx %arg9[%add3A_3, %broadcast_in_dim3A_1933], %gather3A_1935 : memref<32x512xf32, #tpu.memory_space<vmem>>[vector<16xi32>, vector<16xi32>], vector<16xf32>,
      %slice3A_1936 = vector.extract_strided_slice %get3A_1496 {offsets = [8], sizes = [1], strides = [1]} : vector<16xi32> to vector<1xi32>
      %squeeze3A_1937 = vector.extract %slice3A_1936[0] : i32 from vector<1xi32>
      %shift_right_arithmetic3A_1938 = arith.constant 7 : i32
      %shift_right_arithmetic3A_1939 = arith.shrsi %squeeze3A_1937, %shift_right_arithmetic3A_1938 : i32
      %mul3A_1940 = arith.constant 128 : i32
      %mul3A_1941 = arith.muli %shift_right_arithmetic3A_1939, %mul3A_1940 : i32
      %multiple_of3A_1942 = tpu.assume_multiple %mul3A_1941, 128 : i32
      %dma_start3A_1943 = arith.constant 8 : i32
      %dma_start3A_1944 = arith.constant 0 : i32
      %dma_start3A_1945 = arith.constant 0 : i32
      %dma_start3A_1946 = tpu.memref_slice %arg8[%dma_start3A_1943, %dma_start3A_1944, %dma_start3A_1945] : memref<16x32x128xf32, #tpu.memory_space<vmem>> -> memref<1x32x128xf32, #tpu.memory_space<vmem>>
      %dma_start3A_1947 = tpu.memref_squeeze %dma_start3A_1946 : memref<1x32x128xf32, #tpu.memory_space<vmem>> -> memref<32x128xf32, #tpu.memory_space<vmem>>
      %dma_start3A_1948 = arith.constant 0 : i32
      %dma_start3A_1949 = tpu.memref_slice %arg4[%dma_start3A_1948, %multiple_of3A_1942] : memref<32x1000000xf32, #tpu.memory_space<hbm>> -> memref<32x128xf32, #tpu.memory_space<hbm>>
      %dma_start3A_1950 = arith.constant 0 : i32
      %dma_start3A_1951 = arith.constant 0 : i32
      %dma_start3A_1952 = tpu.memref_slice %arg8[%dma_start3A_1943, %dma_start3A_1950, %dma_start3A_1951] : memref<16x32x128xf32, #tpu.memory_space<vmem>> -> memref<1x32x128xf32, #tpu.memory_space<vmem>>
      %dma_start3A_1953 = tpu.memref_squeeze %dma_start3A_1952 : memref<1x32x128xf32, #tpu.memory_space<vmem>> -> memref<32x128xf32, #tpu.memory_space<vmem>>
      %dma_start3A_1954 = arith.constant 0 : i32
      %dma_start3A_1955 = tpu.memref_slice %arg4[%dma_start3A_1954, %multiple_of3A_1942] : memref<32x1000000xf32, #tpu.memory_space<hbm>> -> memref<32x128xf32, #tpu.memory_space<hbm>>
      tpu.enqueue_dma source(%dma_start3A_1955 : memref<32x128xf32, #tpu.memory_space<hbm>>) target(%dma_start3A_1953 : memref<32x128xf32, #tpu.memory_space<vmem>>) target_semaphore(%arg19 : memref<!tpu.dma_semaphore, #tpu.memory_space<semaphore_mem>>)
      %slice3A_1956 = vector.extract_strided_slice %get3A_1492 {offsets = [9], sizes = [1], strides = [1]} : vector<16xi32> to vector<1xi32>
      %squeeze3A_1957 = vector.extract %slice3A_1956[0] : i32 from vector<1xi32>
      %sub3A_1958 = arith.constant 1 : i32
      %sub3A_1959 = arith.subi %scan3A_1487, %sub3A_1958 : i32
      %mul3A_1960 = arith.constant 16 : i32
      %mul3A_1961 = arith.muli %sub3A_1959, %mul3A_1960 : i32
      %add3A_1962 = arith.constant 9 : i32
      %add3A_1963 = arith.addi %mul3A_1961, %add3A_1962 : i32
      %dma_wait3A_1964 = arith.constant 9 : i32
      %dma_wait3A_1965 = arith.constant 0 : i32
      %dma_wait3A_1966 = arith.constant 0 : i32
      %dma_wait3A_1967 = tpu.memref_slice %arg8[%dma_wait3A_1964, %dma_wait3A_1965, %dma_wait3A_1966] : memref<16x32x128xf32, #tpu.memory_space<vmem>> -> memref<1x32x128xf32, #tpu.memory_space<vmem>>
      %dma_wait3A_1968 = tpu.memref_squeeze %dma_wait3A_1967 : memref<1x32x128xf32, #tpu.memory_space<vmem>> -> memref<32x128xf32, #tpu.memory_space<vmem>>
      %dma_wait3A_1969 = arith.constant 0 : i32
      %dma_wait3A_1970 = arith.constant 0 : i32
      %dma_wait3A_1971 = tpu.memref_slice %arg4[%dma_wait3A_1969, %dma_wait3A_1970] : memref<32x1000000xf32, #tpu.memory_space<hbm>> -> memref<32x128xf32, #tpu.memory_space<hbm>>
      %dma_wait3A_1972 = arith.constant 0 : i32
      %dma_wait3A_1973 = arith.constant 0 : i32
      %dma_wait3A_1974 = tpu.memref_slice %arg8[%dma_wait3A_1964, %dma_wait3A_1972, %dma_wait3A_1973] : memref<16x32x128xf32, #tpu.memory_space<vmem>> -> memref<1x32x128xf32, #tpu.memory_space<vmem>>
      %dma_wait3A_1975 = tpu.memref_squeeze %dma_wait3A_1974 : memref<1x32x128xf32, #tpu.memory_space<vmem>> -> memref<32x128xf32, #tpu.memory_space<vmem>>
      %dma_wait3A_1976 = arith.constant 0 : i32
      %dma_wait3A_1977 = arith.constant 0 : i32
      %dma_wait3A_1978 = tpu.memref_slice %arg4[%dma_wait3A_1976, %dma_wait3A_1977] : memref<32x1000000xf32, #tpu.memory_space<hbm>> -> memref<32x128xf32, #tpu.memory_space<hbm>>
      tpu.wait_dma2 semaphore(%arg20 : memref<!tpu.dma_semaphore, #tpu.memory_space<semaphore_mem>>) src(%dma_wait3A_1978 : memref<32x128xf32, #tpu.memory_space<hbm>>) dst(%dma_wait3A_1975 : memref<32x128xf32, #tpu.memory_space<vmem>>)
      %broadcast_in_dim3A_1979 = arith.constant 9 : i32
      %broadcast_in_dim3A_1980 = vector.broadcast %broadcast_in_dim3A_1979 : i32 to vector<16xi32>
      %and3A_1981 = arith.constant 127 : i32
      %and3A_1982 = arith.andi %squeeze3A_1957, %and3A_1981 : i32
      %broadcast_in_dim3A_1983 = vector.broadcast %and3A_1982 : i32 to vector<16xi32>
      %broadcast_in_dim3A_1984 = vector.broadcast %add3A_1963 : i32 to vector<16xi32>
      %gather3A_1985 = tpu.vector_load_idx %arg8[%broadcast_in_dim3A_1980, %iota3A, %broadcast_in_dim3A_1983] : memref<16x32x128xf32, #tpu.memory_space<vmem>>[vector<16xi32>, vector<16xi32>, vector<16xi32>], vector<16xf32>,
      %gather3A_1986 = tpu.vector_load_idx %arg8[%broadcast_in_dim3A_1980, %add3A_3, %broadcast_in_dim3A_1983] : memref<16x32x128xf32, #tpu.memory_space<vmem>>[vector<16xi32>, vector<16xi32>, vector<16xi32>], vector<16xf32>,
      tpu.vector_store_idx %arg9[%iota3A, %broadcast_in_dim3A_1984], %gather3A_1985 : memref<32x512xf32, #tpu.memory_space<vmem>>[vector<16xi32>, vector<16xi32>], vector<16xf32>,
      tpu.vector_store_idx %arg9[%add3A_3, %broadcast_in_dim3A_1984], %gather3A_1986 : memref<32x512xf32, #tpu.memory_space<vmem>>[vector<16xi32>, vector<16xi32>], vector<16xf32>,
      %slice3A_1987 = vector.extract_strided_slice %get3A_1496 {offsets = [9], sizes = [1], strides = [1]} : vector<16xi32> to vector<1xi32>
      %squeeze3A_1988 = vector.extract %slice3A_1987[0] : i32 from vector<1xi32>
      %shift_right_arithmetic3A_1989 = arith.constant 7 : i32
      %shift_right_arithmetic3A_1990 = arith.shrsi %squeeze3A_1988, %shift_right_arithmetic3A_1989 : i32
      %mul3A_1991 = arith.constant 128 : i32
      %mul3A_1992 = arith.muli %shift_right_arithmetic3A_1990, %mul3A_1991 : i32
      %multiple_of3A_1993 = tpu.assume_multiple %mul3A_1992, 128 : i32
      %dma_start3A_1994 = arith.constant 9 : i32
      %dma_start3A_1995 = arith.constant 0 : i32
      %dma_start3A_1996 = arith.constant 0 : i32
      %dma_start3A_1997 = tpu.memref_slice %arg8[%dma_start3A_1994, %dma_start3A_1995, %dma_start3A_1996] : memref<16x32x128xf32, #tpu.memory_space<vmem>> -> memref<1x32x128xf32, #tpu.memory_space<vmem>>
      %dma_start3A_1998 = tpu.memref_squeeze %dma_start3A_1997 : memref<1x32x128xf32, #tpu.memory_space<vmem>> -> memref<32x128xf32, #tpu.memory_space<vmem>>
      %dma_start3A_1999 = arith.constant 0 : i32
      %dma_start3A_2000 = tpu.memref_slice %arg4[%dma_start3A_1999, %multiple_of3A_1993] : memref<32x1000000xf32, #tpu.memory_space<hbm>> -> memref<32x128xf32, #tpu.memory_space<hbm>>
      %dma_start3A_2001 = arith.constant 0 : i32
      %dma_start3A_2002 = arith.constant 0 : i32
      %dma_start3A_2003 = tpu.memref_slice %arg8[%dma_start3A_1994, %dma_start3A_2001, %dma_start3A_2002] : memref<16x32x128xf32, #tpu.memory_space<vmem>> -> memref<1x32x128xf32, #tpu.memory_space<vmem>>
      %dma_start3A_2004 = tpu.memref_squeeze %dma_start3A_2003 : memref<1x32x128xf32, #tpu.memory_space<vmem>> -> memref<32x128xf32, #tpu.memory_space<vmem>>
      %dma_start3A_2005 = arith.constant 0 : i32
      %dma_start3A_2006 = tpu.memref_slice %arg4[%dma_start3A_2005, %multiple_of3A_1993] : memref<32x1000000xf32, #tpu.memory_space<hbm>> -> memref<32x128xf32, #tpu.memory_space<hbm>>
      tpu.enqueue_dma source(%dma_start3A_2006 : memref<32x128xf32, #tpu.memory_space<hbm>>) target(%dma_start3A_2004 : memref<32x128xf32, #tpu.memory_space<vmem>>) target_semaphore(%arg20 : memref<!tpu.dma_semaphore, #tpu.memory_space<semaphore_mem>>)
      %slice3A_2007 = vector.extract_strided_slice %get3A_1492 {offsets = [10], sizes = [1], strides = [1]} : vector<16xi32> to vector<1xi32>
      %squeeze3A_2008 = vector.extract %slice3A_2007[0] : i32 from vector<1xi32>
      %sub3A_2009 = arith.constant 1 : i32
      %sub3A_2010 = arith.subi %scan3A_1487, %sub3A_2009 : i32
      %mul3A_2011 = arith.constant 16 : i32
      %mul3A_2012 = arith.muli %sub3A_2010, %mul3A_2011 : i32
      %add3A_2013 = arith.constant 10 : i32
      %add3A_2014 = arith.addi %mul3A_2012, %add3A_2013 : i32
      %dma_wait3A_2015 = arith.constant 10 : i32
      %dma_wait3A_2016 = arith.constant 0 : i32
      %dma_wait3A_2017 = arith.constant 0 : i32
      %dma_wait3A_2018 = tpu.memref_slice %arg8[%dma_wait3A_2015, %dma_wait3A_2016, %dma_wait3A_2017] : memref<16x32x128xf32, #tpu.memory_space<vmem>> -> memref<1x32x128xf32, #tpu.memory_space<vmem>>
      %dma_wait3A_2019 = tpu.memref_squeeze %dma_wait3A_2018 : memref<1x32x128xf32, #tpu.memory_space<vmem>> -> memref<32x128xf32, #tpu.memory_space<vmem>>
      %dma_wait3A_2020 = arith.constant 0 : i32
      %dma_wait3A_2021 = arith.constant 0 : i32
      %dma_wait3A_2022 = tpu.memref_slice %arg4[%dma_wait3A_2020, %dma_wait3A_2021] : memref<32x1000000xf32, #tpu.memory_space<hbm>> -> memref<32x128xf32, #tpu.memory_space<hbm>>
      %dma_wait3A_2023 = arith.constant 0 : i32
      %dma_wait3A_2024 = arith.constant 0 : i32
      %dma_wait3A_2025 = tpu.memref_slice %arg8[%dma_wait3A_2015, %dma_wait3A_2023, %dma_wait3A_2024] : memref<16x32x128xf32, #tpu.memory_space<vmem>> -> memref<1x32x128xf32, #tpu.memory_space<vmem>>
      %dma_wait3A_2026 = tpu.memref_squeeze %dma_wait3A_2025 : memref<1x32x128xf32, #tpu.memory_space<vmem>> -> memref<32x128xf32, #tpu.memory_space<vmem>>
      %dma_wait3A_2027 = arith.constant 0 : i32
      %dma_wait3A_2028 = arith.constant 0 : i32
      %dma_wait3A_2029 = tpu.memref_slice %arg4[%dma_wait3A_2027, %dma_wait3A_2028] : memref<32x1000000xf32, #tpu.memory_space<hbm>> -> memref<32x128xf32, #tpu.memory_space<hbm>>
      tpu.wait_dma2 semaphore(%arg21 : memref<!tpu.dma_semaphore, #tpu.memory_space<semaphore_mem>>) src(%dma_wait3A_2029 : memref<32x128xf32, #tpu.memory_space<hbm>>) dst(%dma_wait3A_2026 : memref<32x128xf32, #tpu.memory_space<vmem>>)
      %broadcast_in_dim3A_2030 = arith.constant 10 : i32
      %broadcast_in_dim3A_2031 = vector.broadcast %broadcast_in_dim3A_2030 : i32 to vector<16xi32>
      %and3A_2032 = arith.constant 127 : i32
      %and3A_2033 = arith.andi %squeeze3A_2008, %and3A_2032 : i32
      %broadcast_in_dim3A_2034 = vector.broadcast %and3A_2033 : i32 to vector<16xi32>
      %broadcast_in_dim3A_2035 = vector.broadcast %add3A_2014 : i32 to vector<16xi32>
      %gather3A_2036 = tpu.vector_load_idx %arg8[%broadcast_in_dim3A_2031, %iota3A, %broadcast_in_dim3A_2034] : memref<16x32x128xf32, #tpu.memory_space<vmem>>[vector<16xi32>, vector<16xi32>, vector<16xi32>], vector<16xf32>,
      %gather3A_2037 = tpu.vector_load_idx %arg8[%broadcast_in_dim3A_2031, %add3A_3, %broadcast_in_dim3A_2034] : memref<16x32x128xf32, #tpu.memory_space<vmem>>[vector<16xi32>, vector<16xi32>, vector<16xi32>], vector<16xf32>,
      tpu.vector_store_idx %arg9[%iota3A, %broadcast_in_dim3A_2035], %gather3A_2036 : memref<32x512xf32, #tpu.memory_space<vmem>>[vector<16xi32>, vector<16xi32>], vector<16xf32>,
      tpu.vector_store_idx %arg9[%add3A_3, %broadcast_in_dim3A_2035], %gather3A_2037 : memref<32x512xf32, #tpu.memory_space<vmem>>[vector<16xi32>, vector<16xi32>], vector<16xf32>,
      %slice3A_2038 = vector.extract_strided_slice %get3A_1496 {offsets = [10], sizes = [1], strides = [1]} : vector<16xi32> to vector<1xi32>
      %squeeze3A_2039 = vector.extract %slice3A_2038[0] : i32 from vector<1xi32>
      %shift_right_arithmetic3A_2040 = arith.constant 7 : i32
      %shift_right_arithmetic3A_2041 = arith.shrsi %squeeze3A_2039, %shift_right_arithmetic3A_2040 : i32
      %mul3A_2042 = arith.constant 128 : i32
      %mul3A_2043 = arith.muli %shift_right_arithmetic3A_2041, %mul3A_2042 : i32
      %multiple_of3A_2044 = tpu.assume_multiple %mul3A_2043, 128 : i32
      %dma_start3A_2045 = arith.constant 10 : i32
      %dma_start3A_2046 = arith.constant 0 : i32
      %dma_start3A_2047 = arith.constant 0 : i32
      %dma_start3A_2048 = tpu.memref_slice %arg8[%dma_start3A_2045, %dma_start3A_2046, %dma_start3A_2047] : memref<16x32x128xf32, #tpu.memory_space<vmem>> -> memref<1x32x128xf32, #tpu.memory_space<vmem>>
      %dma_start3A_2049 = tpu.memref_squeeze %dma_start3A_2048 : memref<1x32x128xf32, #tpu.memory_space<vmem>> -> memref<32x128xf32, #tpu.memory_space<vmem>>
      %dma_start3A_2050 = arith.constant 0 : i32
      %dma_start3A_2051 = tpu.memref_slice %arg4[%dma_start3A_2050, %multiple_of3A_2044] : memref<32x1000000xf32, #tpu.memory_space<hbm>> -> memref<32x128xf32, #tpu.memory_space<hbm>>
      %dma_start3A_2052 = arith.constant 0 : i32
      %dma_start3A_2053 = arith.constant 0 : i32
      %dma_start3A_2054 = tpu.memref_slice %arg8[%dma_start3A_2045, %dma_start3A_2052, %dma_start3A_2053] : memref<16x32x128xf32, #tpu.memory_space<vmem>> -> memref<1x32x128xf32, #tpu.memory_space<vmem>>
      %dma_start3A_2055 = tpu.memref_squeeze %dma_start3A_2054 : memref<1x32x128xf32, #tpu.memory_space<vmem>> -> memref<32x128xf32, #tpu.memory_space<vmem>>
      %dma_start3A_2056 = arith.constant 0 : i32
      %dma_start3A_2057 = tpu.memref_slice %arg4[%dma_start3A_2056, %multiple_of3A_2044] : memref<32x1000000xf32, #tpu.memory_space<hbm>> -> memref<32x128xf32, #tpu.memory_space<hbm>>
      tpu.enqueue_dma source(%dma_start3A_2057 : memref<32x128xf32, #tpu.memory_space<hbm>>) target(%dma_start3A_2055 : memref<32x128xf32, #tpu.memory_space<vmem>>) target_semaphore(%arg21 : memref<!tpu.dma_semaphore, #tpu.memory_space<semaphore_mem>>)
      %slice3A_2058 = vector.extract_strided_slice %get3A_1492 {offsets = [11], sizes = [1], strides = [1]} : vector<16xi32> to vector<1xi32>
      %squeeze3A_2059 = vector.extract %slice3A_2058[0] : i32 from vector<1xi32>
      %sub3A_2060 = arith.constant 1 : i32
      %sub3A_2061 = arith.subi %scan3A_1487, %sub3A_2060 : i32
      %mul3A_2062 = arith.constant 16 : i32
      %mul3A_2063 = arith.muli %sub3A_2061, %mul3A_2062 : i32
      %add3A_2064 = arith.constant 11 : i32
      %add3A_2065 = arith.addi %mul3A_2063, %add3A_2064 : i32
      %dma_wait3A_2066 = arith.constant 11 : i32
      %dma_wait3A_2067 = arith.constant 0 : i32
      %dma_wait3A_2068 = arith.constant 0 : i32
      %dma_wait3A_2069 = tpu.memref_slice %arg8[%dma_wait3A_2066, %dma_wait3A_2067, %dma_wait3A_2068] : memref<16x32x128xf32, #tpu.memory_space<vmem>> -> memref<1x32x128xf32, #tpu.memory_space<vmem>>
      %dma_wait3A_2070 = tpu.memref_squeeze %dma_wait3A_2069 : memref<1x32x128xf32, #tpu.memory_space<vmem>> -> memref<32x128xf32, #tpu.memory_space<vmem>>
      %dma_wait3A_2071 = arith.constant 0 : i32
      %dma_wait3A_2072 = arith.constant 0 : i32
      %dma_wait3A_2073 = tpu.memref_slice %arg4[%dma_wait3A_2071, %dma_wait3A_2072] : memref<32x1000000xf32, #tpu.memory_space<hbm>> -> memref<32x128xf32, #tpu.memory_space<hbm>>
      %dma_wait3A_2074 = arith.constant 0 : i32
      %dma_wait3A_2075 = arith.constant 0 : i32
      %dma_wait3A_2076 = tpu.memref_slice %arg8[%dma_wait3A_2066, %dma_wait3A_2074, %dma_wait3A_2075] : memref<16x32x128xf32, #tpu.memory_space<vmem>> -> memref<1x32x128xf32, #tpu.memory_space<vmem>>
      %dma_wait3A_2077 = tpu.memref_squeeze %dma_wait3A_2076 : memref<1x32x128xf32, #tpu.memory_space<vmem>> -> memref<32x128xf32, #tpu.memory_space<vmem>>
      %dma_wait3A_2078 = arith.constant 0 : i32
      %dma_wait3A_2079 = arith.constant 0 : i32
      %dma_wait3A_2080 = tpu.memref_slice %arg4[%dma_wait3A_2078, %dma_wait3A_2079] : memref<32x1000000xf32, #tpu.memory_space<hbm>> -> memref<32x128xf32, #tpu.memory_space<hbm>>
      tpu.wait_dma2 semaphore(%arg22 : memref<!tpu.dma_semaphore, #tpu.memory_space<semaphore_mem>>) src(%dma_wait3A_2080 : memref<32x128xf32, #tpu.memory_space<hbm>>) dst(%dma_wait3A_2077 : memref<32x128xf32, #tpu.memory_space<vmem>>)
      %broadcast_in_dim3A_2081 = arith.constant 11 : i32
      %broadcast_in_dim3A_2082 = vector.broadcast %broadcast_in_dim3A_2081 : i32 to vector<16xi32>
      %and3A_2083 = arith.constant 127 : i32
      %and3A_2084 = arith.andi %squeeze3A_2059, %and3A_2083 : i32
      %broadcast_in_dim3A_2085 = vector.broadcast %and3A_2084 : i32 to vector<16xi32>
      %broadcast_in_dim3A_2086 = vector.broadcast %add3A_2065 : i32 to vector<16xi32>
      %gather3A_2087 = tpu.vector_load_idx %arg8[%broadcast_in_dim3A_2082, %iota3A, %broadcast_in_dim3A_2085] : memref<16x32x128xf32, #tpu.memory_space<vmem>>[vector<16xi32>, vector<16xi32>, vector<16xi32>], vector<16xf32>,
      %gather3A_2088 = tpu.vector_load_idx %arg8[%broadcast_in_dim3A_2082, %add3A_3, %broadcast_in_dim3A_2085] : memref<16x32x128xf32, #tpu.memory_space<vmem>>[vector<16xi32>, vector<16xi32>, vector<16xi32>], vector<16xf32>,
      tpu.vector_store_idx %arg9[%iota3A, %broadcast_in_dim3A_2086], %gather3A_2087 : memref<32x512xf32, #tpu.memory_space<vmem>>[vector<16xi32>, vector<16xi32>], vector<16xf32>,
      tpu.vector_store_idx %arg9[%add3A_3, %broadcast_in_dim3A_2086], %gather3A_2088 : memref<32x512xf32, #tpu.memory_space<vmem>>[vector<16xi32>, vector<16xi32>], vector<16xf32>,
      %slice3A_2089 = vector.extract_strided_slice %get3A_1496 {offsets = [11], sizes = [1], strides = [1]} : vector<16xi32> to vector<1xi32>
      %squeeze3A_2090 = vector.extract %slice3A_2089[0] : i32 from vector<1xi32>
      %shift_right_arithmetic3A_2091 = arith.constant 7 : i32
      %shift_right_arithmetic3A_2092 = arith.shrsi %squeeze3A_2090, %shift_right_arithmetic3A_2091 : i32
      %mul3A_2093 = arith.constant 128 : i32
      %mul3A_2094 = arith.muli %shift_right_arithmetic3A_2092, %mul3A_2093 : i32
      %multiple_of3A_2095 = tpu.assume_multiple %mul3A_2094, 128 : i32
      %dma_start3A_2096 = arith.constant 11 : i32
      %dma_start3A_2097 = arith.constant 0 : i32
      %dma_start3A_2098 = arith.constant 0 : i32
      %dma_start3A_2099 = tpu.memref_slice %arg8[%dma_start3A_2096, %dma_start3A_2097, %dma_start3A_2098] : memref<16x32x128xf32, #tpu.memory_space<vmem>> -> memref<1x32x128xf32, #tpu.memory_space<vmem>>
      %dma_start3A_2100 = tpu.memref_squeeze %dma_start3A_2099 : memref<1x32x128xf32, #tpu.memory_space<vmem>> -> memref<32x128xf32, #tpu.memory_space<vmem>>
      %dma_start3A_2101 = arith.constant 0 : i32
      %dma_start3A_2102 = tpu.memref_slice %arg4[%dma_start3A_2101, %multiple_of3A_2095] : memref<32x1000000xf32, #tpu.memory_space<hbm>> -> memref<32x128xf32, #tpu.memory_space<hbm>>
      %dma_start3A_2103 = arith.constant 0 : i32
      %dma_start3A_2104 = arith.constant 0 : i32
      %dma_start3A_2105 = tpu.memref_slice %arg8[%dma_start3A_2096, %dma_start3A_2103, %dma_start3A_2104] : memref<16x32x128xf32, #tpu.memory_space<vmem>> -> memref<1x32x128xf32, #tpu.memory_space<vmem>>
      %dma_start3A_2106 = tpu.memref_squeeze %dma_start3A_2105 : memref<1x32x128xf32, #tpu.memory_space<vmem>> -> memref<32x128xf32, #tpu.memory_space<vmem>>
      %dma_start3A_2107 = arith.constant 0 : i32
      %dma_start3A_2108 = tpu.memref_slice %arg4[%dma_start3A_2107, %multiple_of3A_2095] : memref<32x1000000xf32, #tpu.memory_space<hbm>> -> memref<32x128xf32, #tpu.memory_space<hbm>>
      tpu.enqueue_dma source(%dma_start3A_2108 : memref<32x128xf32, #tpu.memory_space<hbm>>) target(%dma_start3A_2106 : memref<32x128xf32, #tpu.memory_space<vmem>>) target_semaphore(%arg22 : memref<!tpu.dma_semaphore, #tpu.memory_space<semaphore_mem>>)
      %slice3A_2109 = vector.extract_strided_slice %get3A_1492 {offsets = [12], sizes = [1], strides = [1]} : vector<16xi32> to vector<1xi32>
      %squeeze3A_2110 = vector.extract %slice3A_2109[0] : i32 from vector<1xi32>
      %sub3A_2111 = arith.constant 1 : i32
      %sub3A_2112 = arith.subi %scan3A_1487, %sub3A_2111 : i32
      %mul3A_2113 = arith.constant 16 : i32
      %mul3A_2114 = arith.muli %sub3A_2112, %mul3A_2113 : i32
      %add3A_2115 = arith.constant 12 : i32
      %add3A_2116 = arith.addi %mul3A_2114, %add3A_2115 : i32
      %dma_wait3A_2117 = arith.constant 12 : i32
      %dma_wait3A_2118 = arith.constant 0 : i32
      %dma_wait3A_2119 = arith.constant 0 : i32
      %dma_wait3A_2120 = tpu.memref_slice %arg8[%dma_wait3A_2117, %dma_wait3A_2118, %dma_wait3A_2119] : memref<16x32x128xf32, #tpu.memory_space<vmem>> -> memref<1x32x128xf32, #tpu.memory_space<vmem>>
      %dma_wait3A_2121 = tpu.memref_squeeze %dma_wait3A_2120 : memref<1x32x128xf32, #tpu.memory_space<vmem>> -> memref<32x128xf32, #tpu.memory_space<vmem>>
      %dma_wait3A_2122 = arith.constant 0 : i32
      %dma_wait3A_2123 = arith.constant 0 : i32
      %dma_wait3A_2124 = tpu.memref_slice %arg4[%dma_wait3A_2122, %dma_wait3A_2123] : memref<32x1000000xf32, #tpu.memory_space<hbm>> -> memref<32x128xf32, #tpu.memory_space<hbm>>
      %dma_wait3A_2125 = arith.constant 0 : i32
      %dma_wait3A_2126 = arith.constant 0 : i32
      %dma_wait3A_2127 = tpu.memref_slice %arg8[%dma_wait3A_2117, %dma_wait3A_2125, %dma_wait3A_2126] : memref<16x32x128xf32, #tpu.memory_space<vmem>> -> memref<1x32x128xf32, #tpu.memory_space<vmem>>
      %dma_wait3A_2128 = tpu.memref_squeeze %dma_wait3A_2127 : memref<1x32x128xf32, #tpu.memory_space<vmem>> -> memref<32x128xf32, #tpu.memory_space<vmem>>
      %dma_wait3A_2129 = arith.constant 0 : i32
      %dma_wait3A_2130 = arith.constant 0 : i32
      %dma_wait3A_2131 = tpu.memref_slice %arg4[%dma_wait3A_2129, %dma_wait3A_2130] : memref<32x1000000xf32, #tpu.memory_space<hbm>> -> memref<32x128xf32, #tpu.memory_space<hbm>>
      tpu.wait_dma2 semaphore(%arg23 : memref<!tpu.dma_semaphore, #tpu.memory_space<semaphore_mem>>) src(%dma_wait3A_2131 : memref<32x128xf32, #tpu.memory_space<hbm>>) dst(%dma_wait3A_2128 : memref<32x128xf32, #tpu.memory_space<vmem>>)
      %broadcast_in_dim3A_2132 = arith.constant 12 : i32
      %broadcast_in_dim3A_2133 = vector.broadcast %broadcast_in_dim3A_2132 : i32 to vector<16xi32>
      %and3A_2134 = arith.constant 127 : i32
      %and3A_2135 = arith.andi %squeeze3A_2110, %and3A_2134 : i32
      %broadcast_in_dim3A_2136 = vector.broadcast %and3A_2135 : i32 to vector<16xi32>
      %broadcast_in_dim3A_2137 = vector.broadcast %add3A_2116 : i32 to vector<16xi32>
      %gather3A_2138 = tpu.vector_load_idx %arg8[%broadcast_in_dim3A_2133, %iota3A, %broadcast_in_dim3A_2136] : memref<16x32x128xf32, #tpu.memory_space<vmem>>[vector<16xi32>, vector<16xi32>, vector<16xi32>], vector<16xf32>,
      %gather3A_2139 = tpu.vector_load_idx %arg8[%broadcast_in_dim3A_2133, %add3A_3, %broadcast_in_dim3A_2136] : memref<16x32x128xf32, #tpu.memory_space<vmem>>[vector<16xi32>, vector<16xi32>, vector<16xi32>], vector<16xf32>,
      tpu.vector_store_idx %arg9[%iota3A, %broadcast_in_dim3A_2137], %gather3A_2138 : memref<32x512xf32, #tpu.memory_space<vmem>>[vector<16xi32>, vector<16xi32>], vector<16xf32>,
      tpu.vector_store_idx %arg9[%add3A_3, %broadcast_in_dim3A_2137], %gather3A_2139 : memref<32x512xf32, #tpu.memory_space<vmem>>[vector<16xi32>, vector<16xi32>], vector<16xf32>,
      %slice3A_2140 = vector.extract_strided_slice %get3A_1496 {offsets = [12], sizes = [1], strides = [1]} : vector<16xi32> to vector<1xi32>
      %squeeze3A_2141 = vector.extract %slice3A_2140[0] : i32 from vector<1xi32>
      %shift_right_arithmetic3A_2142 = arith.constant 7 : i32
      %shift_right_arithmetic3A_2143 = arith.shrsi %squeeze3A_2141, %shift_right_arithmetic3A_2142 : i32
      %mul3A_2144 = arith.constant 128 : i32
      %mul3A_2145 = arith.muli %shift_right_arithmetic3A_2143, %mul3A_2144 : i32
      %multiple_of3A_2146 = tpu.assume_multiple %mul3A_2145, 128 : i32
      %dma_start3A_2147 = arith.constant 12 : i32
      %dma_start3A_2148 = arith.constant 0 : i32
      %dma_start3A_2149 = arith.constant 0 : i32
      %dma_start3A_2150 = tpu.memref_slice %arg8[%dma_start3A_2147, %dma_start3A_2148, %dma_start3A_2149] : memref<16x32x128xf32, #tpu.memory_space<vmem>> -> memref<1x32x128xf32, #tpu.memory_space<vmem>>
      %dma_start3A_2151 = tpu.memref_squeeze %dma_start3A_2150 : memref<1x32x128xf32, #tpu.memory_space<vmem>> -> memref<32x128xf32, #tpu.memory_space<vmem>>
      %dma_start3A_2152 = arith.constant 0 : i32
      %dma_start3A_2153 = tpu.memref_slice %arg4[%dma_start3A_2152, %multiple_of3A_2146] : memref<32x1000000xf32, #tpu.memory_space<hbm>> -> memref<32x128xf32, #tpu.memory_space<hbm>>
      %dma_start3A_2154 = arith.constant 0 : i32
      %dma_start3A_2155 = arith.constant 0 : i32
      %dma_start3A_2156 = tpu.memref_slice %arg8[%dma_start3A_2147, %dma_start3A_2154, %dma_start3A_2155] : memref<16x32x128xf32, #tpu.memory_space<vmem>> -> memref<1x32x128xf32, #tpu.memory_space<vmem>>
      %dma_start3A_2157 = tpu.memref_squeeze %dma_start3A_2156 : memref<1x32x128xf32, #tpu.memory_space<vmem>> -> memref<32x128xf32, #tpu.memory_space<vmem>>
      %dma_start3A_2158 = arith.constant 0 : i32
      %dma_start3A_2159 = tpu.memref_slice %arg4[%dma_start3A_2158, %multiple_of3A_2146] : memref<32x1000000xf32, #tpu.memory_space<hbm>> -> memref<32x128xf32, #tpu.memory_space<hbm>>
      tpu.enqueue_dma source(%dma_start3A_2159 : memref<32x128xf32, #tpu.memory_space<hbm>>) target(%dma_start3A_2157 : memref<32x128xf32, #tpu.memory_space<vmem>>) target_semaphore(%arg23 : memref<!tpu.dma_semaphore, #tpu.memory_space<semaphore_mem>>)
      %slice3A_2160 = vector.extract_strided_slice %get3A_1492 {offsets = [13], sizes = [1], strides = [1]} : vector<16xi32> to vector<1xi32>
      %squeeze3A_2161 = vector.extract %slice3A_2160[0] : i32 from vector<1xi32>
      %sub3A_2162 = arith.constant 1 : i32
      %sub3A_2163 = arith.subi %scan3A_1487, %sub3A_2162 : i32
      %mul3A_2164 = arith.constant 16 : i32
      %mul3A_2165 = arith.muli %sub3A_2163, %mul3A_2164 : i32
      %add3A_2166 = arith.constant 13 : i32
      %add3A_2167 = arith.addi %mul3A_2165, %add3A_2166 : i32
      %dma_wait3A_2168 = arith.constant 13 : i32
      %dma_wait3A_2169 = arith.constant 0 : i32
      %dma_wait3A_2170 = arith.constant 0 : i32
      %dma_wait3A_2171 = tpu.memref_slice %arg8[%dma_wait3A_2168, %dma_wait3A_2169, %dma_wait3A_2170] : memref<16x32x128xf32, #tpu.memory_space<vmem>> -> memref<1x32x128xf32, #tpu.memory_space<vmem>>
      %dma_wait3A_2172 = tpu.memref_squeeze %dma_wait3A_2171 : memref<1x32x128xf32, #tpu.memory_space<vmem>> -> memref<32x128xf32, #tpu.memory_space<vmem>>
      %dma_wait3A_2173 = arith.constant 0 : i32
      %dma_wait3A_2174 = arith.constant 0 : i32
      %dma_wait3A_2175 = tpu.memref_slice %arg4[%dma_wait3A_2173, %dma_wait3A_2174] : memref<32x1000000xf32, #tpu.memory_space<hbm>> -> memref<32x128xf32, #tpu.memory_space<hbm>>
      %dma_wait3A_2176 = arith.constant 0 : i32
      %dma_wait3A_2177 = arith.constant 0 : i32
      %dma_wait3A_2178 = tpu.memref_slice %arg8[%dma_wait3A_2168, %dma_wait3A_2176, %dma_wait3A_2177] : memref<16x32x128xf32, #tpu.memory_space<vmem>> -> memref<1x32x128xf32, #tpu.memory_space<vmem>>
      %dma_wait3A_2179 = tpu.memref_squeeze %dma_wait3A_2178 : memref<1x32x128xf32, #tpu.memory_space<vmem>> -> memref<32x128xf32, #tpu.memory_space<vmem>>
      %dma_wait3A_2180 = arith.constant 0 : i32
      %dma_wait3A_2181 = arith.constant 0 : i32
      %dma_wait3A_2182 = tpu.memref_slice %arg4[%dma_wait3A_2180, %dma_wait3A_2181] : memref<32x1000000xf32, #tpu.memory_space<hbm>> -> memref<32x128xf32, #tpu.memory_space<hbm>>
      tpu.wait_dma2 semaphore(%arg24 : memref<!tpu.dma_semaphore, #tpu.memory_space<semaphore_mem>>) src(%dma_wait3A_2182 : memref<32x128xf32, #tpu.memory_space<hbm>>) dst(%dma_wait3A_2179 : memref<32x128xf32, #tpu.memory_space<vmem>>)
      %broadcast_in_dim3A_2183 = arith.constant 13 : i32
      %broadcast_in_dim3A_2184 = vector.broadcast %broadcast_in_dim3A_2183 : i32 to vector<16xi32>
      %and3A_2185 = arith.constant 127 : i32
      %and3A_2186 = arith.andi %squeeze3A_2161, %and3A_2185 : i32
      %broadcast_in_dim3A_2187 = vector.broadcast %and3A_2186 : i32 to vector<16xi32>
      %broadcast_in_dim3A_2188 = vector.broadcast %add3A_2167 : i32 to vector<16xi32>
      %gather3A_2189 = tpu.vector_load_idx %arg8[%broadcast_in_dim3A_2184, %iota3A, %broadcast_in_dim3A_2187] : memref<16x32x128xf32, #tpu.memory_space<vmem>>[vector<16xi32>, vector<16xi32>, vector<16xi32>], vector<16xf32>,
      %gather3A_2190 = tpu.vector_load_idx %arg8[%broadcast_in_dim3A_2184, %add3A_3, %broadcast_in_dim3A_2187] : memref<16x32x128xf32, #tpu.memory_space<vmem>>[vector<16xi32>, vector<16xi32>, vector<16xi32>], vector<16xf32>,
      tpu.vector_store_idx %arg9[%iota3A, %broadcast_in_dim3A_2188], %gather3A_2189 : memref<32x512xf32, #tpu.memory_space<vmem>>[vector<16xi32>, vector<16xi32>], vector<16xf32>,
      tpu.vector_store_idx %arg9[%add3A_3, %broadcast_in_dim3A_2188], %gather3A_2190 : memref<32x512xf32, #tpu.memory_space<vmem>>[vector<16xi32>, vector<16xi32>], vector<16xf32>,
      %slice3A_2191 = vector.extract_strided_slice %get3A_1496 {offsets = [13], sizes = [1], strides = [1]} : vector<16xi32> to vector<1xi32>
      %squeeze3A_2192 = vector.extract %slice3A_2191[0] : i32 from vector<1xi32>
      %shift_right_arithmetic3A_2193 = arith.constant 7 : i32
      %shift_right_arithmetic3A_2194 = arith.shrsi %squeeze3A_2192, %shift_right_arithmetic3A_2193 : i32
      %mul3A_2195 = arith.constant 128 : i32
      %mul3A_2196 = arith.muli %shift_right_arithmetic3A_2194, %mul3A_2195 : i32
      %multiple_of3A_2197 = tpu.assume_multiple %mul3A_2196, 128 : i32
      %dma_start3A_2198 = arith.constant 13 : i32
      %dma_start3A_2199 = arith.constant 0 : i32
      %dma_start3A_2200 = arith.constant 0 : i32
      %dma_start3A_2201 = tpu.memref_slice %arg8[%dma_start3A_2198, %dma_start3A_2199, %dma_start3A_2200] : memref<16x32x128xf32, #tpu.memory_space<vmem>> -> memref<1x32x128xf32, #tpu.memory_space<vmem>>
      %dma_start3A_2202 = tpu.memref_squeeze %dma_start3A_2201 : memref<1x32x128xf32, #tpu.memory_space<vmem>> -> memref<32x128xf32, #tpu.memory_space<vmem>>
      %dma_start3A_2203 = arith.constant 0 : i32
      %dma_start3A_2204 = tpu.memref_slice %arg4[%dma_start3A_2203, %multiple_of3A_2197] : memref<32x1000000xf32, #tpu.memory_space<hbm>> -> memref<32x128xf32, #tpu.memory_space<hbm>>
      %dma_start3A_2205 = arith.constant 0 : i32
      %dma_start3A_2206 = arith.constant 0 : i32
      %dma_start3A_2207 = tpu.memref_slice %arg8[%dma_start3A_2198, %dma_start3A_2205, %dma_start3A_2206] : memref<16x32x128xf32, #tpu.memory_space<vmem>> -> memref<1x32x128xf32, #tpu.memory_space<vmem>>
      %dma_start3A_2208 = tpu.memref_squeeze %dma_start3A_2207 : memref<1x32x128xf32, #tpu.memory_space<vmem>> -> memref<32x128xf32, #tpu.memory_space<vmem>>
      %dma_start3A_2209 = arith.constant 0 : i32
      %dma_start3A_2210 = tpu.memref_slice %arg4[%dma_start3A_2209, %multiple_of3A_2197] : memref<32x1000000xf32, #tpu.memory_space<hbm>> -> memref<32x128xf32, #tpu.memory_space<hbm>>
      tpu.enqueue_dma source(%dma_start3A_2210 : memref<32x128xf32, #tpu.memory_space<hbm>>) target(%dma_start3A_2208 : memref<32x128xf32, #tpu.memory_space<vmem>>) target_semaphore(%arg24 : memref<!tpu.dma_semaphore, #tpu.memory_space<semaphore_mem>>)
      %slice3A_2211 = vector.extract_strided_slice %get3A_1492 {offsets = [14], sizes = [1], strides = [1]} : vector<16xi32> to vector<1xi32>
      %squeeze3A_2212 = vector.extract %slice3A_2211[0] : i32 from vector<1xi32>
      %sub3A_2213 = arith.constant 1 : i32
      %sub3A_2214 = arith.subi %scan3A_1487, %sub3A_2213 : i32
      %mul3A_2215 = arith.constant 16 : i32
      %mul3A_2216 = arith.muli %sub3A_2214, %mul3A_2215 : i32
      %add3A_2217 = arith.constant 14 : i32
      %add3A_2218 = arith.addi %mul3A_2216, %add3A_2217 : i32
      %dma_wait3A_2219 = arith.constant 14 : i32
      %dma_wait3A_2220 = arith.constant 0 : i32
      %dma_wait3A_2221 = arith.constant 0 : i32
      %dma_wait3A_2222 = tpu.memref_slice %arg8[%dma_wait3A_2219, %dma_wait3A_2220, %dma_wait3A_2221] : memref<16x32x128xf32, #tpu.memory_space<vmem>> -> memref<1x32x128xf32, #tpu.memory_space<vmem>>
      %dma_wait3A_2223 = tpu.memref_squeeze %dma_wait3A_2222 : memref<1x32x128xf32, #tpu.memory_space<vmem>> -> memref<32x128xf32, #tpu.memory_space<vmem>>
      %dma_wait3A_2224 = arith.constant 0 : i32
      %dma_wait3A_2225 = arith.constant 0 : i32
      %dma_wait3A_2226 = tpu.memref_slice %arg4[%dma_wait3A_2224, %dma_wait3A_2225] : memref<32x1000000xf32, #tpu.memory_space<hbm>> -> memref<32x128xf32, #tpu.memory_space<hbm>>
      %dma_wait3A_2227 = arith.constant 0 : i32
      %dma_wait3A_2228 = arith.constant 0 : i32
      %dma_wait3A_2229 = tpu.memref_slice %arg8[%dma_wait3A_2219, %dma_wait3A_2227, %dma_wait3A_2228] : memref<16x32x128xf32, #tpu.memory_space<vmem>> -> memref<1x32x128xf32, #tpu.memory_space<vmem>>
      %dma_wait3A_2230 = tpu.memref_squeeze %dma_wait3A_2229 : memref<1x32x128xf32, #tpu.memory_space<vmem>> -> memref<32x128xf32, #tpu.memory_space<vmem>>
      %dma_wait3A_2231 = arith.constant 0 : i32
      %dma_wait3A_2232 = arith.constant 0 : i32
      %dma_wait3A_2233 = tpu.memref_slice %arg4[%dma_wait3A_2231, %dma_wait3A_2232] : memref<32x1000000xf32, #tpu.memory_space<hbm>> -> memref<32x128xf32, #tpu.memory_space<hbm>>
      tpu.wait_dma2 semaphore(%arg25 : memref<!tpu.dma_semaphore, #tpu.memory_space<semaphore_mem>>) src(%dma_wait3A_2233 : memref<32x128xf32, #tpu.memory_space<hbm>>) dst(%dma_wait3A_2230 : memref<32x128xf32, #tpu.memory_space<vmem>>)
      %broadcast_in_dim3A_2234 = arith.constant 14 : i32
      %broadcast_in_dim3A_2235 = vector.broadcast %broadcast_in_dim3A_2234 : i32 to vector<16xi32>
      %and3A_2236 = arith.constant 127 : i32
      %and3A_2237 = arith.andi %squeeze3A_2212, %and3A_2236 : i32
      %broadcast_in_dim3A_2238 = vector.broadcast %and3A_2237 : i32 to vector<16xi32>
      %broadcast_in_dim3A_2239 = vector.broadcast %add3A_2218 : i32 to vector<16xi32>
      %gather3A_2240 = tpu.vector_load_idx %arg8[%broadcast_in_dim3A_2235, %iota3A, %broadcast_in_dim3A_2238] : memref<16x32x128xf32, #tpu.memory_space<vmem>>[vector<16xi32>, vector<16xi32>, vector<16xi32>], vector<16xf32>,
      %gather3A_2241 = tpu.vector_load_idx %arg8[%broadcast_in_dim3A_2235, %add3A_3, %broadcast_in_dim3A_2238] : memref<16x32x128xf32, #tpu.memory_space<vmem>>[vector<16xi32>, vector<16xi32>, vector<16xi32>], vector<16xf32>,
      tpu.vector_store_idx %arg9[%iota3A, %broadcast_in_dim3A_2239], %gather3A_2240 : memref<32x512xf32, #tpu.memory_space<vmem>>[vector<16xi32>, vector<16xi32>], vector<16xf32>,
      tpu.vector_store_idx %arg9[%add3A_3, %broadcast_in_dim3A_2239], %gather3A_2241 : memref<32x512xf32, #tpu.memory_space<vmem>>[vector<16xi32>, vector<16xi32>], vector<16xf32>,
      %slice3A_2242 = vector.extract_strided_slice %get3A_1496 {offsets = [14], sizes = [1], strides = [1]} : vector<16xi32> to vector<1xi32>
      %squeeze3A_2243 = vector.extract %slice3A_2242[0] : i32 from vector<1xi32>
      %shift_right_arithmetic3A_2244 = arith.constant 7 : i32
      %shift_right_arithmetic3A_2245 = arith.shrsi %squeeze3A_2243, %shift_right_arithmetic3A_2244 : i32
      %mul3A_2246 = arith.constant 128 : i32
      %mul3A_2247 = arith.muli %shift_right_arithmetic3A_2245, %mul3A_2246 : i32
      %multiple_of3A_2248 = tpu.assume_multiple %mul3A_2247, 128 : i32
      %dma_start3A_2249 = arith.constant 14 : i32
      %dma_start3A_2250 = arith.constant 0 : i32
      %dma_start3A_2251 = arith.constant 0 : i32
      %dma_start3A_2252 = tpu.memref_slice %arg8[%dma_start3A_2249, %dma_start3A_2250, %dma_start3A_2251] : memref<16x32x128xf32, #tpu.memory_space<vmem>> -> memref<1x32x128xf32, #tpu.memory_space<vmem>>
      %dma_start3A_2253 = tpu.memref_squeeze %dma_start3A_2252 : memref<1x32x128xf32, #tpu.memory_space<vmem>> -> memref<32x128xf32, #tpu.memory_space<vmem>>
      %dma_start3A_2254 = arith.constant 0 : i32
      %dma_start3A_2255 = tpu.memref_slice %arg4[%dma_start3A_2254, %multiple_of3A_2248] : memref<32x1000000xf32, #tpu.memory_space<hbm>> -> memref<32x128xf32, #tpu.memory_space<hbm>>
      %dma_start3A_2256 = arith.constant 0 : i32
      %dma_start3A_2257 = arith.constant 0 : i32
      %dma_start3A_2258 = tpu.memref_slice %arg8[%dma_start3A_2249, %dma_start3A_2256, %dma_start3A_2257] : memref<16x32x128xf32, #tpu.memory_space<vmem>> -> memref<1x32x128xf32, #tpu.memory_space<vmem>>
      %dma_start3A_2259 = tpu.memref_squeeze %dma_start3A_2258 : memref<1x32x128xf32, #tpu.memory_space<vmem>> -> memref<32x128xf32, #tpu.memory_space<vmem>>
      %dma_start3A_2260 = arith.constant 0 : i32
      %dma_start3A_2261 = tpu.memref_slice %arg4[%dma_start3A_2260, %multiple_of3A_2248] : memref<32x1000000xf32, #tpu.memory_space<hbm>> -> memref<32x128xf32, #tpu.memory_space<hbm>>
      tpu.enqueue_dma source(%dma_start3A_2261 : memref<32x128xf32, #tpu.memory_space<hbm>>) target(%dma_start3A_2259 : memref<32x128xf32, #tpu.memory_space<vmem>>) target_semaphore(%arg25 : memref<!tpu.dma_semaphore, #tpu.memory_space<semaphore_mem>>)
      %slice3A_2262 = vector.extract_strided_slice %get3A_1492 {offsets = [15], sizes = [1], strides = [1]} : vector<16xi32> to vector<1xi32>
      %squeeze3A_2263 = vector.extract %slice3A_2262[0] : i32 from vector<1xi32>
      %sub3A_2264 = arith.constant 1 : i32
      %sub3A_2265 = arith.subi %scan3A_1487, %sub3A_2264 : i32
      %mul3A_2266 = arith.constant 16 : i32
      %mul3A_2267 = arith.muli %sub3A_2265, %mul3A_2266 : i32
      %add3A_2268 = arith.constant 15 : i32
      %add3A_2269 = arith.addi %mul3A_2267, %add3A_2268 : i32
      %dma_wait3A_2270 = arith.constant 15 : i32
      %dma_wait3A_2271 = arith.constant 0 : i32
      %dma_wait3A_2272 = arith.constant 0 : i32
      %dma_wait3A_2273 = tpu.memref_slice %arg8[%dma_wait3A_2270, %dma_wait3A_2271, %dma_wait3A_2272] : memref<16x32x128xf32, #tpu.memory_space<vmem>> -> memref<1x32x128xf32, #tpu.memory_space<vmem>>
      %dma_wait3A_2274 = tpu.memref_squeeze %dma_wait3A_2273 : memref<1x32x128xf32, #tpu.memory_space<vmem>> -> memref<32x128xf32, #tpu.memory_space<vmem>>
      %dma_wait3A_2275 = arith.constant 0 : i32
      %dma_wait3A_2276 = arith.constant 0 : i32
      %dma_wait3A_2277 = tpu.memref_slice %arg4[%dma_wait3A_2275, %dma_wait3A_2276] : memref<32x1000000xf32, #tpu.memory_space<hbm>> -> memref<32x128xf32, #tpu.memory_space<hbm>>
      %dma_wait3A_2278 = arith.constant 0 : i32
      %dma_wait3A_2279 = arith.constant 0 : i32
      %dma_wait3A_2280 = tpu.memref_slice %arg8[%dma_wait3A_2270, %dma_wait3A_2278, %dma_wait3A_2279] : memref<16x32x128xf32, #tpu.memory_space<vmem>> -> memref<1x32x128xf32, #tpu.memory_space<vmem>>
      %dma_wait3A_2281 = tpu.memref_squeeze %dma_wait3A_2280 : memref<1x32x128xf32, #tpu.memory_space<vmem>> -> memref<32x128xf32, #tpu.memory_space<vmem>>
      %dma_wait3A_2282 = arith.constant 0 : i32
      %dma_wait3A_2283 = arith.constant 0 : i32
      %dma_wait3A_2284 = tpu.memref_slice %arg4[%dma_wait3A_2282, %dma_wait3A_2283] : memref<32x1000000xf32, #tpu.memory_space<hbm>> -> memref<32x128xf32, #tpu.memory_space<hbm>>
      tpu.wait_dma2 semaphore(%arg26 : memref<!tpu.dma_semaphore, #tpu.memory_space<semaphore_mem>>) src(%dma_wait3A_2284 : memref<32x128xf32, #tpu.memory_space<hbm>>) dst(%dma_wait3A_2281 : memref<32x128xf32, #tpu.memory_space<vmem>>)
      %broadcast_in_dim3A_2285 = arith.constant 15 : i32
      %broadcast_in_dim3A_2286 = vector.broadcast %broadcast_in_dim3A_2285 : i32 to vector<16xi32>
      %and3A_2287 = arith.constant 127 : i32
      %and3A_2288 = arith.andi %squeeze3A_2263, %and3A_2287 : i32
      %broadcast_in_dim3A_2289 = vector.broadcast %and3A_2288 : i32 to vector<16xi32>
      %broadcast_in_dim3A_2290 = vector.broadcast %add3A_2269 : i32 to vector<16xi32>
      %gather3A_2291 = tpu.vector_load_idx %arg8[%broadcast_in_dim3A_2286, %iota3A, %broadcast_in_dim3A_2289] : memref<16x32x128xf32, #tpu.memory_space<vmem>>[vector<16xi32>, vector<16xi32>, vector<16xi32>], vector<16xf32>,
      %gather3A_2292 = tpu.vector_load_idx %arg8[%broadcast_in_dim3A_2286, %add3A_3, %broadcast_in_dim3A_2289] : memref<16x32x128xf32, #tpu.memory_space<vmem>>[vector<16xi32>, vector<16xi32>, vector<16xi32>], vector<16xf32>,
      tpu.vector_store_idx %arg9[%iota3A, %broadcast_in_dim3A_2290], %gather3A_2291 : memref<32x512xf32, #tpu.memory_space<vmem>>[vector<16xi32>, vector<16xi32>], vector<16xf32>,
      tpu.vector_store_idx %arg9[%add3A_3, %broadcast_in_dim3A_2290], %gather3A_2292 : memref<32x512xf32, #tpu.memory_space<vmem>>[vector<16xi32>, vector<16xi32>], vector<16xf32>,
      %slice3A_2293 = vector.extract_strided_slice %get3A_1496 {offsets = [15], sizes = [1], strides = [1]} : vector<16xi32> to vector<1xi32>
      %squeeze3A_2294 = vector.extract %slice3A_2293[0] : i32 from vector<1xi32>
      %shift_right_arithmetic3A_2295 = arith.constant 7 : i32
      %shift_right_arithmetic3A_2296 = arith.shrsi %squeeze3A_2294, %shift_right_arithmetic3A_2295 : i32
      %mul3A_2297 = arith.constant 128 : i32
      %mul3A_2298 = arith.muli %shift_right_arithmetic3A_2296, %mul3A_2297 : i32
      %multiple_of3A_2299 = tpu.assume_multiple %mul3A_2298, 128 : i32
      %dma_start3A_2300 = arith.constant 15 : i32
      %dma_start3A_2301 = arith.constant 0 : i32
      %dma_start3A_2302 = arith.constant 0 : i32
      %dma_start3A_2303 = tpu.memref_slice %arg8[%dma_start3A_2300, %dma_start3A_2301, %dma_start3A_2302] : memref<16x32x128xf32, #tpu.memory_space<vmem>> -> memref<1x32x128xf32, #tpu.memory_space<vmem>>
      %dma_start3A_2304 = tpu.memref_squeeze %dma_start3A_2303 : memref<1x32x128xf32, #tpu.memory_space<vmem>> -> memref<32x128xf32, #tpu.memory_space<vmem>>
      %dma_start3A_2305 = arith.constant 0 : i32
      %dma_start3A_2306 = tpu.memref_slice %arg4[%dma_start3A_2305, %multiple_of3A_2299] : memref<32x1000000xf32, #tpu.memory_space<hbm>> -> memref<32x128xf32, #tpu.memory_space<hbm>>
      %dma_start3A_2307 = arith.constant 0 : i32
      %dma_start3A_2308 = arith.constant 0 : i32
      %dma_start3A_2309 = tpu.memref_slice %arg8[%dma_start3A_2300, %dma_start3A_2307, %dma_start3A_2308] : memref<16x32x128xf32, #tpu.memory_space<vmem>> -> memref<1x32x128xf32, #tpu.memory_space<vmem>>
      %dma_start3A_2310 = tpu.memref_squeeze %dma_start3A_2309 : memref<1x32x128xf32, #tpu.memory_space<vmem>> -> memref<32x128xf32, #tpu.memory_space<vmem>>
      %dma_start3A_2311 = arith.constant 0 : i32
      %dma_start3A_2312 = tpu.memref_slice %arg4[%dma_start3A_2311, %multiple_of3A_2299] : memref<32x1000000xf32, #tpu.memory_space<hbm>> -> memref<32x128xf32, #tpu.memory_space<hbm>>
      tpu.enqueue_dma source(%dma_start3A_2312 : memref<32x128xf32, #tpu.memory_space<hbm>>) target(%dma_start3A_2310 : memref<32x128xf32, #tpu.memory_space<vmem>>) target_semaphore(%arg26 : memref<!tpu.dma_semaphore, #tpu.memory_space<semaphore_mem>>)
    }
    %scan3A_324 = arith.constant 31 : i32
    %get3A_325 = arith.constant 496 : index
    %get3A_326 = tpu.vector_load %arg6[%get3A_325] {strides = array<i32>} : memref<512xi32, #tpu.memory_space<vmem>>, vector<16xi32>,
    %slice3A_327 = vector.extract_strided_slice %get3A_326 {offsets = [0], sizes = [1], strides = [1]} : vector<16xi32> to vector<1xi32>
    %squeeze3A_328 = vector.extract %slice3A_327[0] : i32 from vector<1xi32>
    %dma_wait3A = arith.constant 0 : i32
    %dma_wait3A_329 = arith.constant 0 : i32
    %dma_wait3A_330 = arith.constant 0 : i32
    %dma_wait3A_331 = tpu.memref_slice %arg8[%dma_wait3A, %dma_wait3A_329, %dma_wait3A_330] : memref<16x32x128xf32, #tpu.memory_space<vmem>> -> memref<1x32x128xf32, #tpu.memory_space<vmem>>
    %dma_wait3A_332 = tpu.memref_squeeze %dma_wait3A_331 : memref<1x32x128xf32, #tpu.memory_space<vmem>> -> memref<32x128xf32, #tpu.memory_space<vmem>>
    %dma_wait3A_333 = arith.constant 0 : i32
    %dma_wait3A_334 = arith.constant 0 : i32
    %dma_wait3A_335 = tpu.memref_slice %arg4[%dma_wait3A_333, %dma_wait3A_334] : memref<32x1000000xf32, #tpu.memory_space<hbm>> -> memref<32x128xf32, #tpu.memory_space<hbm>>
    %dma_wait3A_336 = arith.constant 0 : i32
    %dma_wait3A_337 = arith.constant 0 : i32
    %dma_wait3A_338 = tpu.memref_slice %arg8[%dma_wait3A, %dma_wait3A_336, %dma_wait3A_337] : memref<16x32x128xf32, #tpu.memory_space<vmem>> -> memref<1x32x128xf32, #tpu.memory_space<vmem>>
    %dma_wait3A_339 = tpu.memref_squeeze %dma_wait3A_338 : memref<1x32x128xf32, #tpu.memory_space<vmem>> -> memref<32x128xf32, #tpu.memory_space<vmem>>
    %dma_wait3A_340 = arith.constant 0 : i32
    %dma_wait3A_341 = arith.constant 0 : i32
    %dma_wait3A_342 = tpu.memref_slice %arg4[%dma_wait3A_340, %dma_wait3A_341] : memref<32x1000000xf32, #tpu.memory_space<hbm>> -> memref<32x128xf32, #tpu.memory_space<hbm>>
    tpu.wait_dma2 semaphore(%arg11 : memref<!tpu.dma_semaphore, #tpu.memory_space<semaphore_mem>>) src(%dma_wait3A_342 : memref<32x128xf32, #tpu.memory_space<hbm>>) dst(%dma_wait3A_339 : memref<32x128xf32, #tpu.memory_space<vmem>>)
    %broadcast_in_dim3A = arith.constant 0 : i32
    %broadcast_in_dim3A_343 = vector.broadcast %broadcast_in_dim3A : i32 to vector<16xi32>
    %and3A = arith.constant 127 : i32
    %and3A_344 = arith.andi %squeeze3A_328, %and3A : i32
    %broadcast_in_dim3A_345 = vector.broadcast %and3A_344 : i32 to vector<16xi32>
    %broadcast_in_dim3A_346 = arith.constant 496 : i32
    %broadcast_in_dim3A_347 = vector.broadcast %broadcast_in_dim3A_346 : i32 to vector<16xi32>
    %gather3A = tpu.vector_load_idx %arg8[%broadcast_in_dim3A_343, %iota3A, %broadcast_in_dim3A_345] : memref<16x32x128xf32, #tpu.memory_space<vmem>>[vector<16xi32>, vector<16xi32>, vector<16xi32>], vector<16xf32>,
    %gather3A_348 = tpu.vector_load_idx %arg8[%broadcast_in_dim3A_343, %add3A_3, %broadcast_in_dim3A_345] : memref<16x32x128xf32, #tpu.memory_space<vmem>>[vector<16xi32>, vector<16xi32>, vector<16xi32>], vector<16xf32>,
    tpu.vector_store_idx %arg9[%iota3A, %broadcast_in_dim3A_347], %gather3A : memref<32x512xf32, #tpu.memory_space<vmem>>[vector<16xi32>, vector<16xi32>], vector<16xf32>,
    tpu.vector_store_idx %arg9[%add3A_3, %broadcast_in_dim3A_347], %gather3A_348 : memref<32x512xf32, #tpu.memory_space<vmem>>[vector<16xi32>, vector<16xi32>], vector<16xf32>,
    %slice3A_349 = vector.extract_strided_slice %get3A_326 {offsets = [1], sizes = [1], strides = [1]} : vector<16xi32> to vector<1xi32>
    %squeeze3A_350 = vector.extract %slice3A_349[0] : i32 from vector<1xi32>
    %dma_wait3A_351 = arith.constant 1 : i32
    %dma_wait3A_352 = arith.constant 0 : i32
    %dma_wait3A_353 = arith.constant 0 : i32
    %dma_wait3A_354 = tpu.memref_slice %arg8[%dma_wait3A_351, %dma_wait3A_352, %dma_wait3A_353] : memref<16x32x128xf32, #tpu.memory_space<vmem>> -> memref<1x32x128xf32, #tpu.memory_space<vmem>>
    %dma_wait3A_355 = tpu.memref_squeeze %dma_wait3A_354 : memref<1x32x128xf32, #tpu.memory_space<vmem>> -> memref<32x128xf32, #tpu.memory_space<vmem>>
    %dma_wait3A_356 = arith.constant 0 : i32
    %dma_wait3A_357 = arith.constant 0 : i32
    %dma_wait3A_358 = tpu.memref_slice %arg4[%dma_wait3A_356, %dma_wait3A_357] : memref<32x1000000xf32, #tpu.memory_space<hbm>> -> memref<32x128xf32, #tpu.memory_space<hbm>>
    %dma_wait3A_359 = arith.constant 0 : i32
    %dma_wait3A_360 = arith.constant 0 : i32
    %dma_wait3A_361 = tpu.memref_slice %arg8[%dma_wait3A_351, %dma_wait3A_359, %dma_wait3A_360] : memref<16x32x128xf32, #tpu.memory_space<vmem>> -> memref<1x32x128xf32, #tpu.memory_space<vmem>>
    %dma_wait3A_362 = tpu.memref_squeeze %dma_wait3A_361 : memref<1x32x128xf32, #tpu.memory_space<vmem>> -> memref<32x128xf32, #tpu.memory_space<vmem>>
    %dma_wait3A_363 = arith.constant 0 : i32
    %dma_wait3A_364 = arith.constant 0 : i32
    %dma_wait3A_365 = tpu.memref_slice %arg4[%dma_wait3A_363, %dma_wait3A_364] : memref<32x1000000xf32, #tpu.memory_space<hbm>> -> memref<32x128xf32, #tpu.memory_space<hbm>>
    tpu.wait_dma2 semaphore(%arg12 : memref<!tpu.dma_semaphore, #tpu.memory_space<semaphore_mem>>) src(%dma_wait3A_365 : memref<32x128xf32, #tpu.memory_space<hbm>>) dst(%dma_wait3A_362 : memref<32x128xf32, #tpu.memory_space<vmem>>)
    %broadcast_in_dim3A_366 = arith.constant 1 : i32
    %broadcast_in_dim3A_367 = vector.broadcast %broadcast_in_dim3A_366 : i32 to vector<16xi32>
    %and3A_368 = arith.constant 127 : i32
    %and3A_369 = arith.andi %squeeze3A_350, %and3A_368 : i32
    %broadcast_in_dim3A_370 = vector.broadcast %and3A_369 : i32 to vector<16xi32>
    %broadcast_in_dim3A_371 = arith.constant 497 : i32
    %broadcast_in_dim3A_372 = vector.broadcast %broadcast_in_dim3A_371 : i32 to vector<16xi32>
    %gather3A_373 = tpu.vector_load_idx %arg8[%broadcast_in_dim3A_367, %iota3A, %broadcast_in_dim3A_370] : memref<16x32x128xf32, #tpu.memory_space<vmem>>[vector<16xi32>, vector<16xi32>, vector<16xi32>], vector<16xf32>,
    %gather3A_374 = tpu.vector_load_idx %arg8[%broadcast_in_dim3A_367, %add3A_3, %broadcast_in_dim3A_370] : memref<16x32x128xf32, #tpu.memory_space<vmem>>[vector<16xi32>, vector<16xi32>, vector<16xi32>], vector<16xf32>,
    tpu.vector_store_idx %arg9[%iota3A, %broadcast_in_dim3A_372], %gather3A_373 : memref<32x512xf32, #tpu.memory_space<vmem>>[vector<16xi32>, vector<16xi32>], vector<16xf32>,
    tpu.vector_store_idx %arg9[%add3A_3, %broadcast_in_dim3A_372], %gather3A_374 : memref<32x512xf32, #tpu.memory_space<vmem>>[vector<16xi32>, vector<16xi32>], vector<16xf32>,
    %slice3A_375 = vector.extract_strided_slice %get3A_326 {offsets = [2], sizes = [1], strides = [1]} : vector<16xi32> to vector<1xi32>
    %squeeze3A_376 = vector.extract %slice3A_375[0] : i32 from vector<1xi32>
    %dma_wait3A_377 = arith.constant 2 : i32
    %dma_wait3A_378 = arith.constant 0 : i32
    %dma_wait3A_379 = arith.constant 0 : i32
    %dma_wait3A_380 = tpu.memref_slice %arg8[%dma_wait3A_377, %dma_wait3A_378, %dma_wait3A_379] : memref<16x32x128xf32, #tpu.memory_space<vmem>> -> memref<1x32x128xf32, #tpu.memory_space<vmem>>
    %dma_wait3A_381 = tpu.memref_squeeze %dma_wait3A_380 : memref<1x32x128xf32, #tpu.memory_space<vmem>> -> memref<32x128xf32, #tpu.memory_space<vmem>>
    %dma_wait3A_382 = arith.constant 0 : i32
    %dma_wait3A_383 = arith.constant 0 : i32
    %dma_wait3A_384 = tpu.memref_slice %arg4[%dma_wait3A_382, %dma_wait3A_383] : memref<32x1000000xf32, #tpu.memory_space<hbm>> -> memref<32x128xf32, #tpu.memory_space<hbm>>
    %dma_wait3A_385 = arith.constant 0 : i32
    %dma_wait3A_386 = arith.constant 0 : i32
    %dma_wait3A_387 = tpu.memref_slice %arg8[%dma_wait3A_377, %dma_wait3A_385, %dma_wait3A_386] : memref<16x32x128xf32, #tpu.memory_space<vmem>> -> memref<1x32x128xf32, #tpu.memory_space<vmem>>
    %dma_wait3A_388 = tpu.memref_squeeze %dma_wait3A_387 : memref<1x32x128xf32, #tpu.memory_space<vmem>> -> memref<32x128xf32, #tpu.memory_space<vmem>>
    %dma_wait3A_389 = arith.constant 0 : i32
    %dma_wait3A_390 = arith.constant 0 : i32
    %dma_wait3A_391 = tpu.memref_slice %arg4[%dma_wait3A_389, %dma_wait3A_390] : memref<32x1000000xf32, #tpu.memory_space<hbm>> -> memref<32x128xf32, #tpu.memory_space<hbm>>
    tpu.wait_dma2 semaphore(%arg13 : memref<!tpu.dma_semaphore, #tpu.memory_space<semaphore_mem>>) src(%dma_wait3A_391 : memref<32x128xf32, #tpu.memory_space<hbm>>) dst(%dma_wait3A_388 : memref<32x128xf32, #tpu.memory_space<vmem>>)
    %broadcast_in_dim3A_392 = arith.constant 2 : i32
    %broadcast_in_dim3A_393 = vector.broadcast %broadcast_in_dim3A_392 : i32 to vector<16xi32>
    %and3A_394 = arith.constant 127 : i32
    %and3A_395 = arith.andi %squeeze3A_376, %and3A_394 : i32
    %broadcast_in_dim3A_396 = vector.broadcast %and3A_395 : i32 to vector<16xi32>
    %broadcast_in_dim3A_397 = arith.constant 498 : i32
    %broadcast_in_dim3A_398 = vector.broadcast %broadcast_in_dim3A_397 : i32 to vector<16xi32>
    %gather3A_399 = tpu.vector_load_idx %arg8[%broadcast_in_dim3A_393, %iota3A, %broadcast_in_dim3A_396] : memref<16x32x128xf32, #tpu.memory_space<vmem>>[vector<16xi32>, vector<16xi32>, vector<16xi32>], vector<16xf32>,
    %gather3A_400 = tpu.vector_load_idx %arg8[%broadcast_in_dim3A_393, %add3A_3, %broadcast_in_dim3A_396] : memref<16x32x128xf32, #tpu.memory_space<vmem>>[vector<16xi32>, vector<16xi32>, vector<16xi32>], vector<16xf32>,
    tpu.vector_store_idx %arg9[%iota3A, %broadcast_in_dim3A_398], %gather3A_399 : memref<32x512xf32, #tpu.memory_space<vmem>>[vector<16xi32>, vector<16xi32>], vector<16xf32>,
    tpu.vector_store_idx %arg9[%add3A_3, %broadcast_in_dim3A_398], %gather3A_400 : memref<32x512xf32, #tpu.memory_space<vmem>>[vector<16xi32>, vector<16xi32>], vector<16xf32>,
    %slice3A_401 = vector.extract_strided_slice %get3A_326 {offsets = [3], sizes = [1], strides = [1]} : vector<16xi32> to vector<1xi32>
    %squeeze3A_402 = vector.extract %slice3A_401[0] : i32 from vector<1xi32>
    %dma_wait3A_403 = arith.constant 3 : i32
    %dma_wait3A_404 = arith.constant 0 : i32
    %dma_wait3A_405 = arith.constant 0 : i32
    %dma_wait3A_406 = tpu.memref_slice %arg8[%dma_wait3A_403, %dma_wait3A_404, %dma_wait3A_405] : memref<16x32x128xf32, #tpu.memory_space<vmem>> -> memref<1x32x128xf32, #tpu.memory_space<vmem>>
    %dma_wait3A_407 = tpu.memref_squeeze %dma_wait3A_406 : memref<1x32x128xf32, #tpu.memory_space<vmem>> -> memref<32x128xf32, #tpu.memory_space<vmem>>
    %dma_wait3A_408 = arith.constant 0 : i32
    %dma_wait3A_409 = arith.constant 0 : i32
    %dma_wait3A_410 = tpu.memref_slice %arg4[%dma_wait3A_408, %dma_wait3A_409] : memref<32x1000000xf32, #tpu.memory_space<hbm>> -> memref<32x128xf32, #tpu.memory_space<hbm>>
    %dma_wait3A_411 = arith.constant 0 : i32
    %dma_wait3A_412 = arith.constant 0 : i32
    %dma_wait3A_413 = tpu.memref_slice %arg8[%dma_wait3A_403, %dma_wait3A_411, %dma_wait3A_412] : memref<16x32x128xf32, #tpu.memory_space<vmem>> -> memref<1x32x128xf32, #tpu.memory_space<vmem>>
    %dma_wait3A_414 = tpu.memref_squeeze %dma_wait3A_413 : memref<1x32x128xf32, #tpu.memory_space<vmem>> -> memref<32x128xf32, #tpu.memory_space<vmem>>
    %dma_wait3A_415 = arith.constant 0 : i32
    %dma_wait3A_416 = arith.constant 0 : i32
    %dma_wait3A_417 = tpu.memref_slice %arg4[%dma_wait3A_415, %dma_wait3A_416] : memref<32x1000000xf32, #tpu.memory_space<hbm>> -> memref<32x128xf32, #tpu.memory_space<hbm>>
    tpu.wait_dma2 semaphore(%arg14 : memref<!tpu.dma_semaphore, #tpu.memory_space<semaphore_mem>>) src(%dma_wait3A_417 : memref<32x128xf32, #tpu.memory_space<hbm>>) dst(%dma_wait3A_414 : memref<32x128xf32, #tpu.memory_space<vmem>>)
    %broadcast_in_dim3A_418 = arith.constant 3 : i32
    %broadcast_in_dim3A_419 = vector.broadcast %broadcast_in_dim3A_418 : i32 to vector<16xi32>
    %and3A_420 = arith.constant 127 : i32
    %and3A_421 = arith.andi %squeeze3A_402, %and3A_420 : i32
    %broadcast_in_dim3A_422 = vector.broadcast %and3A_421 : i32 to vector<16xi32>
    %broadcast_in_dim3A_423 = arith.constant 499 : i32
    %broadcast_in_dim3A_424 = vector.broadcast %broadcast_in_dim3A_423 : i32 to vector<16xi32>
    %gather3A_425 = tpu.vector_load_idx %arg8[%broadcast_in_dim3A_419, %iota3A, %broadcast_in_dim3A_422] : memref<16x32x128xf32, #tpu.memory_space<vmem>>[vector<16xi32>, vector<16xi32>, vector<16xi32>], vector<16xf32>,
    %gather3A_426 = tpu.vector_load_idx %arg8[%broadcast_in_dim3A_419, %add3A_3, %broadcast_in_dim3A_422] : memref<16x32x128xf32, #tpu.memory_space<vmem>>[vector<16xi32>, vector<16xi32>, vector<16xi32>], vector<16xf32>,
    tpu.vector_store_idx %arg9[%iota3A, %broadcast_in_dim3A_424], %gather3A_425 : memref<32x512xf32, #tpu.memory_space<vmem>>[vector<16xi32>, vector<16xi32>], vector<16xf32>,
    tpu.vector_store_idx %arg9[%add3A_3, %broadcast_in_dim3A_424], %gather3A_426 : memref<32x512xf32, #tpu.memory_space<vmem>>[vector<16xi32>, vector<16xi32>], vector<16xf32>,
    %slice3A_427 = vector.extract_strided_slice %get3A_326 {offsets = [4], sizes = [1], strides = [1]} : vector<16xi32> to vector<1xi32>
    %squeeze3A_428 = vector.extract %slice3A_427[0] : i32 from vector<1xi32>
    %dma_wait3A_429 = arith.constant 4 : i32
    %dma_wait3A_430 = arith.constant 0 : i32
    %dma_wait3A_431 = arith.constant 0 : i32
    %dma_wait3A_432 = tpu.memref_slice %arg8[%dma_wait3A_429, %dma_wait3A_430, %dma_wait3A_431] : memref<16x32x128xf32, #tpu.memory_space<vmem>> -> memref<1x32x128xf32, #tpu.memory_space<vmem>>
    %dma_wait3A_433 = tpu.memref_squeeze %dma_wait3A_432 : memref<1x32x128xf32, #tpu.memory_space<vmem>> -> memref<32x128xf32, #tpu.memory_space<vmem>>
    %dma_wait3A_434 = arith.constant 0 : i32
    %dma_wait3A_435 = arith.constant 0 : i32
    %dma_wait3A_436 = tpu.memref_slice %arg4[%dma_wait3A_434, %dma_wait3A_435] : memref<32x1000000xf32, #tpu.memory_space<hbm>> -> memref<32x128xf32, #tpu.memory_space<hbm>>
    %dma_wait3A_437 = arith.constant 0 : i32
    %dma_wait3A_438 = arith.constant 0 : i32
    %dma_wait3A_439 = tpu.memref_slice %arg8[%dma_wait3A_429, %dma_wait3A_437, %dma_wait3A_438] : memref<16x32x128xf32, #tpu.memory_space<vmem>> -> memref<1x32x128xf32, #tpu.memory_space<vmem>>
    %dma_wait3A_440 = tpu.memref_squeeze %dma_wait3A_439 : memref<1x32x128xf32, #tpu.memory_space<vmem>> -> memref<32x128xf32, #tpu.memory_space<vmem>>
    %dma_wait3A_441 = arith.constant 0 : i32
    %dma_wait3A_442 = arith.constant 0 : i32
    %dma_wait3A_443 = tpu.memref_slice %arg4[%dma_wait3A_441, %dma_wait3A_442] : memref<32x1000000xf32, #tpu.memory_space<hbm>> -> memref<32x128xf32, #tpu.memory_space<hbm>>
    tpu.wait_dma2 semaphore(%arg15 : memref<!tpu.dma_semaphore, #tpu.memory_space<semaphore_mem>>) src(%dma_wait3A_443 : memref<32x128xf32, #tpu.memory_space<hbm>>) dst(%dma_wait3A_440 : memref<32x128xf32, #tpu.memory_space<vmem>>)
    %broadcast_in_dim3A_444 = arith.constant 4 : i32
    %broadcast_in_dim3A_445 = vector.broadcast %broadcast_in_dim3A_444 : i32 to vector<16xi32>
    %and3A_446 = arith.constant 127 : i32
    %and3A_447 = arith.andi %squeeze3A_428, %and3A_446 : i32
    %broadcast_in_dim3A_448 = vector.broadcast %and3A_447 : i32 to vector<16xi32>
    %broadcast_in_dim3A_449 = arith.constant 500 : i32
    %broadcast_in_dim3A_450 = vector.broadcast %broadcast_in_dim3A_449 : i32 to vector<16xi32>
    %gather3A_451 = tpu.vector_load_idx %arg8[%broadcast_in_dim3A_445, %iota3A, %broadcast_in_dim3A_448] : memref<16x32x128xf32, #tpu.memory_space<vmem>>[vector<16xi32>, vector<16xi32>, vector<16xi32>], vector<16xf32>,
    %gather3A_452 = tpu.vector_load_idx %arg8[%broadcast_in_dim3A_445, %add3A_3, %broadcast_in_dim3A_448] : memref<16x32x128xf32, #tpu.memory_space<vmem>>[vector<16xi32>, vector<16xi32>, vector<16xi32>], vector<16xf32>,
    tpu.vector_store_idx %arg9[%iota3A, %broadcast_in_dim3A_450], %gather3A_451 : memref<32x512xf32, #tpu.memory_space<vmem>>[vector<16xi32>, vector<16xi32>], vector<16xf32>,
    tpu.vector_store_idx %arg9[%add3A_3, %broadcast_in_dim3A_450], %gather3A_452 : memref<32x512xf32, #tpu.memory_space<vmem>>[vector<16xi32>, vector<16xi32>], vector<16xf32>,
    %slice3A_453 = vector.extract_strided_slice %get3A_326 {offsets = [5], sizes = [1], strides = [1]} : vector<16xi32> to vector<1xi32>
    %squeeze3A_454 = vector.extract %slice3A_453[0] : i32 from vector<1xi32>
    %dma_wait3A_455 = arith.constant 5 : i32
    %dma_wait3A_456 = arith.constant 0 : i32
    %dma_wait3A_457 = arith.constant 0 : i32
    %dma_wait3A_458 = tpu.memref_slice %arg8[%dma_wait3A_455, %dma_wait3A_456, %dma_wait3A_457] : memref<16x32x128xf32, #tpu.memory_space<vmem>> -> memref<1x32x128xf32, #tpu.memory_space<vmem>>
    %dma_wait3A_459 = tpu.memref_squeeze %dma_wait3A_458 : memref<1x32x128xf32, #tpu.memory_space<vmem>> -> memref<32x128xf32, #tpu.memory_space<vmem>>
    %dma_wait3A_460 = arith.constant 0 : i32
    %dma_wait3A_461 = arith.constant 0 : i32
    %dma_wait3A_462 = tpu.memref_slice %arg4[%dma_wait3A_460, %dma_wait3A_461] : memref<32x1000000xf32, #tpu.memory_space<hbm>> -> memref<32x128xf32, #tpu.memory_space<hbm>>
    %dma_wait3A_463 = arith.constant 0 : i32
    %dma_wait3A_464 = arith.constant 0 : i32
    %dma_wait3A_465 = tpu.memref_slice %arg8[%dma_wait3A_455, %dma_wait3A_463, %dma_wait3A_464] : memref<16x32x128xf32, #tpu.memory_space<vmem>> -> memref<1x32x128xf32, #tpu.memory_space<vmem>>
    %dma_wait3A_466 = tpu.memref_squeeze %dma_wait3A_465 : memref<1x32x128xf32, #tpu.memory_space<vmem>> -> memref<32x128xf32, #tpu.memory_space<vmem>>
    %dma_wait3A_467 = arith.constant 0 : i32
    %dma_wait3A_468 = arith.constant 0 : i32
    %dma_wait3A_469 = tpu.memref_slice %arg4[%dma_wait3A_467, %dma_wait3A_468] : memref<32x1000000xf32, #tpu.memory_space<hbm>> -> memref<32x128xf32, #tpu.memory_space<hbm>>
    tpu.wait_dma2 semaphore(%arg16 : memref<!tpu.dma_semaphore, #tpu.memory_space<semaphore_mem>>) src(%dma_wait3A_469 : memref<32x128xf32, #tpu.memory_space<hbm>>) dst(%dma_wait3A_466 : memref<32x128xf32, #tpu.memory_space<vmem>>)
    %broadcast_in_dim3A_470 = arith.constant 5 : i32
    %broadcast_in_dim3A_471 = vector.broadcast %broadcast_in_dim3A_470 : i32 to vector<16xi32>
    %and3A_472 = arith.constant 127 : i32
    %and3A_473 = arith.andi %squeeze3A_454, %and3A_472 : i32
    %broadcast_in_dim3A_474 = vector.broadcast %and3A_473 : i32 to vector<16xi32>
    %broadcast_in_dim3A_475 = arith.constant 501 : i32
    %broadcast_in_dim3A_476 = vector.broadcast %broadcast_in_dim3A_475 : i32 to vector<16xi32>
    %gather3A_477 = tpu.vector_load_idx %arg8[%broadcast_in_dim3A_471, %iota3A, %broadcast_in_dim3A_474] : memref<16x32x128xf32, #tpu.memory_space<vmem>>[vector<16xi32>, vector<16xi32>, vector<16xi32>], vector<16xf32>,
    %gather3A_478 = tpu.vector_load_idx %arg8[%broadcast_in_dim3A_471, %add3A_3, %broadcast_in_dim3A_474] : memref<16x32x128xf32, #tpu.memory_space<vmem>>[vector<16xi32>, vector<16xi32>, vector<16xi32>], vector<16xf32>,
    tpu.vector_store_idx %arg9[%iota3A, %broadcast_in_dim3A_476], %gather3A_477 : memref<32x512xf32, #tpu.memory_space<vmem>>[vector<16xi32>, vector<16xi32>], vector<16xf32>,
    tpu.vector_store_idx %arg9[%add3A_3, %broadcast_in_dim3A_476], %gather3A_478 : memref<32x512xf32, #tpu.memory_space<vmem>>[vector<16xi32>, vector<16xi32>], vector<16xf32>,
    %slice3A_479 = vector.extract_strided_slice %get3A_326 {offsets = [6], sizes = [1], strides = [1]} : vector<16xi32> to vector<1xi32>
    %squeeze3A_480 = vector.extract %slice3A_479[0] : i32 from vector<1xi32>
    %dma_wait3A_481 = arith.constant 6 : i32
    %dma_wait3A_482 = arith.constant 0 : i32
    %dma_wait3A_483 = arith.constant 0 : i32
    %dma_wait3A_484 = tpu.memref_slice %arg8[%dma_wait3A_481, %dma_wait3A_482, %dma_wait3A_483] : memref<16x32x128xf32, #tpu.memory_space<vmem>> -> memref<1x32x128xf32, #tpu.memory_space<vmem>>
    %dma_wait3A_485 = tpu.memref_squeeze %dma_wait3A_484 : memref<1x32x128xf32, #tpu.memory_space<vmem>> -> memref<32x128xf32, #tpu.memory_space<vmem>>
    %dma_wait3A_486 = arith.constant 0 : i32
    %dma_wait3A_487 = arith.constant 0 : i32
    %dma_wait3A_488 = tpu.memref_slice %arg4[%dma_wait3A_486, %dma_wait3A_487] : memref<32x1000000xf32, #tpu.memory_space<hbm>> -> memref<32x128xf32, #tpu.memory_space<hbm>>
    %dma_wait3A_489 = arith.constant 0 : i32
    %dma_wait3A_490 = arith.constant 0 : i32
    %dma_wait3A_491 = tpu.memref_slice %arg8[%dma_wait3A_481, %dma_wait3A_489, %dma_wait3A_490] : memref<16x32x128xf32, #tpu.memory_space<vmem>> -> memref<1x32x128xf32, #tpu.memory_space<vmem>>
    %dma_wait3A_492 = tpu.memref_squeeze %dma_wait3A_491 : memref<1x32x128xf32, #tpu.memory_space<vmem>> -> memref<32x128xf32, #tpu.memory_space<vmem>>
    %dma_wait3A_493 = arith.constant 0 : i32
    %dma_wait3A_494 = arith.constant 0 : i32
    %dma_wait3A_495 = tpu.memref_slice %arg4[%dma_wait3A_493, %dma_wait3A_494] : memref<32x1000000xf32, #tpu.memory_space<hbm>> -> memref<32x128xf32, #tpu.memory_space<hbm>>
    tpu.wait_dma2 semaphore(%arg17 : memref<!tpu.dma_semaphore, #tpu.memory_space<semaphore_mem>>) src(%dma_wait3A_495 : memref<32x128xf32, #tpu.memory_space<hbm>>) dst(%dma_wait3A_492 : memref<32x128xf32, #tpu.memory_space<vmem>>)
    %broadcast_in_dim3A_496 = arith.constant 6 : i32
    %broadcast_in_dim3A_497 = vector.broadcast %broadcast_in_dim3A_496 : i32 to vector<16xi32>
    %and3A_498 = arith.constant 127 : i32
    %and3A_499 = arith.andi %squeeze3A_480, %and3A_498 : i32
    %broadcast_in_dim3A_500 = vector.broadcast %and3A_499 : i32 to vector<16xi32>
    %broadcast_in_dim3A_501 = arith.constant 502 : i32
    %broadcast_in_dim3A_502 = vector.broadcast %broadcast_in_dim3A_501 : i32 to vector<16xi32>
    %gather3A_503 = tpu.vector_load_idx %arg8[%broadcast_in_dim3A_497, %iota3A, %broadcast_in_dim3A_500] : memref<16x32x128xf32, #tpu.memory_space<vmem>>[vector<16xi32>, vector<16xi32>, vector<16xi32>], vector<16xf32>,
    %gather3A_504 = tpu.vector_load_idx %arg8[%broadcast_in_dim3A_497, %add3A_3, %broadcast_in_dim3A_500] : memref<16x32x128xf32, #tpu.memory_space<vmem>>[vector<16xi32>, vector<16xi32>, vector<16xi32>], vector<16xf32>,
    tpu.vector_store_idx %arg9[%iota3A, %broadcast_in_dim3A_502], %gather3A_503 : memref<32x512xf32, #tpu.memory_space<vmem>>[vector<16xi32>, vector<16xi32>], vector<16xf32>,
    tpu.vector_store_idx %arg9[%add3A_3, %broadcast_in_dim3A_502], %gather3A_504 : memref<32x512xf32, #tpu.memory_space<vmem>>[vector<16xi32>, vector<16xi32>], vector<16xf32>,
    %slice3A_505 = vector.extract_strided_slice %get3A_326 {offsets = [7], sizes = [1], strides = [1]} : vector<16xi32> to vector<1xi32>
    %squeeze3A_506 = vector.extract %slice3A_505[0] : i32 from vector<1xi32>
    %dma_wait3A_507 = arith.constant 7 : i32
    %dma_wait3A_508 = arith.constant 0 : i32
    %dma_wait3A_509 = arith.constant 0 : i32
    %dma_wait3A_510 = tpu.memref_slice %arg8[%dma_wait3A_507, %dma_wait3A_508, %dma_wait3A_509] : memref<16x32x128xf32, #tpu.memory_space<vmem>> -> memref<1x32x128xf32, #tpu.memory_space<vmem>>
    %dma_wait3A_511 = tpu.memref_squeeze %dma_wait3A_510 : memref<1x32x128xf32, #tpu.memory_space<vmem>> -> memref<32x128xf32, #tpu.memory_space<vmem>>
    %dma_wait3A_512 = arith.constant 0 : i32
    %dma_wait3A_513 = arith.constant 0 : i32
    %dma_wait3A_514 = tpu.memref_slice %arg4[%dma_wait3A_512, %dma_wait3A_513] : memref<32x1000000xf32, #tpu.memory_space<hbm>> -> memref<32x128xf32, #tpu.memory_space<hbm>>
    %dma_wait3A_515 = arith.constant 0 : i32
    %dma_wait3A_516 = arith.constant 0 : i32
    %dma_wait3A_517 = tpu.memref_slice %arg8[%dma_wait3A_507, %dma_wait3A_515, %dma_wait3A_516] : memref<16x32x128xf32, #tpu.memory_space<vmem>> -> memref<1x32x128xf32, #tpu.memory_space<vmem>>
    %dma_wait3A_518 = tpu.memref_squeeze %dma_wait3A_517 : memref<1x32x128xf32, #tpu.memory_space<vmem>> -> memref<32x128xf32, #tpu.memory_space<vmem>>
    %dma_wait3A_519 = arith.constant 0 : i32
    %dma_wait3A_520 = arith.constant 0 : i32
    %dma_wait3A_521 = tpu.memref_slice %arg4[%dma_wait3A_519, %dma_wait3A_520] : memref<32x1000000xf32, #tpu.memory_space<hbm>> -> memref<32x128xf32, #tpu.memory_space<hbm>>
    tpu.wait_dma2 semaphore(%arg18 : memref<!tpu.dma_semaphore, #tpu.memory_space<semaphore_mem>>) src(%dma_wait3A_521 : memref<32x128xf32, #tpu.memory_space<hbm>>) dst(%dma_wait3A_518 : memref<32x128xf32, #tpu.memory_space<vmem>>)
    %broadcast_in_dim3A_522 = arith.constant 7 : i32
    %broadcast_in_dim3A_523 = vector.broadcast %broadcast_in_dim3A_522 : i32 to vector<16xi32>
    %and3A_524 = arith.constant 127 : i32
    %and3A_525 = arith.andi %squeeze3A_506, %and3A_524 : i32
    %broadcast_in_dim3A_526 = vector.broadcast %and3A_525 : i32 to vector<16xi32>
    %broadcast_in_dim3A_527 = arith.constant 503 : i32
    %broadcast_in_dim3A_528 = vector.broadcast %broadcast_in_dim3A_527 : i32 to vector<16xi32>
    %gather3A_529 = tpu.vector_load_idx %arg8[%broadcast_in_dim3A_523, %iota3A, %broadcast_in_dim3A_526] : memref<16x32x128xf32, #tpu.memory_space<vmem>>[vector<16xi32>, vector<16xi32>, vector<16xi32>], vector<16xf32>,
    %gather3A_530 = tpu.vector_load_idx %arg8[%broadcast_in_dim3A_523, %add3A_3, %broadcast_in_dim3A_526] : memref<16x32x128xf32, #tpu.memory_space<vmem>>[vector<16xi32>, vector<16xi32>, vector<16xi32>], vector<16xf32>,
    tpu.vector_store_idx %arg9[%iota3A, %broadcast_in_dim3A_528], %gather3A_529 : memref<32x512xf32, #tpu.memory_space<vmem>>[vector<16xi32>, vector<16xi32>], vector<16xf32>,
    tpu.vector_store_idx %arg9[%add3A_3, %broadcast_in_dim3A_528], %gather3A_530 : memref<32x512xf32, #tpu.memory_space<vmem>>[vector<16xi32>, vector<16xi32>], vector<16xf32>,
    %slice3A_531 = vector.extract_strided_slice %get3A_326 {offsets = [8], sizes = [1], strides = [1]} : vector<16xi32> to vector<1xi32>
    %squeeze3A_532 = vector.extract %slice3A_531[0] : i32 from vector<1xi32>
    %dma_wait3A_533 = arith.constant 8 : i32
    %dma_wait3A_534 = arith.constant 0 : i32
    %dma_wait3A_535 = arith.constant 0 : i32
    %dma_wait3A_536 = tpu.memref_slice %arg8[%dma_wait3A_533, %dma_wait3A_534, %dma_wait3A_535] : memref<16x32x128xf32, #tpu.memory_space<vmem>> -> memref<1x32x128xf32, #tpu.memory_space<vmem>>
    %dma_wait3A_537 = tpu.memref_squeeze %dma_wait3A_536 : memref<1x32x128xf32, #tpu.memory_space<vmem>> -> memref<32x128xf32, #tpu.memory_space<vmem>>
    %dma_wait3A_538 = arith.constant 0 : i32
    %dma_wait3A_539 = arith.constant 0 : i32
    %dma_wait3A_540 = tpu.memref_slice %arg4[%dma_wait3A_538, %dma_wait3A_539] : memref<32x1000000xf32, #tpu.memory_space<hbm>> -> memref<32x128xf32, #tpu.memory_space<hbm>>
    %dma_wait3A_541 = arith.constant 0 : i32
    %dma_wait3A_542 = arith.constant 0 : i32
    %dma_wait3A_543 = tpu.memref_slice %arg8[%dma_wait3A_533, %dma_wait3A_541, %dma_wait3A_542] : memref<16x32x128xf32, #tpu.memory_space<vmem>> -> memref<1x32x128xf32, #tpu.memory_space<vmem>>
    %dma_wait3A_544 = tpu.memref_squeeze %dma_wait3A_543 : memref<1x32x128xf32, #tpu.memory_space<vmem>> -> memref<32x128xf32, #tpu.memory_space<vmem>>
    %dma_wait3A_545 = arith.constant 0 : i32
    %dma_wait3A_546 = arith.constant 0 : i32
    %dma_wait3A_547 = tpu.memref_slice %arg4[%dma_wait3A_545, %dma_wait3A_546] : memref<32x1000000xf32, #tpu.memory_space<hbm>> -> memref<32x128xf32, #tpu.memory_space<hbm>>
    tpu.wait_dma2 semaphore(%arg19 : memref<!tpu.dma_semaphore, #tpu.memory_space<semaphore_mem>>) src(%dma_wait3A_547 : memref<32x128xf32, #tpu.memory_space<hbm>>) dst(%dma_wait3A_544 : memref<32x128xf32, #tpu.memory_space<vmem>>)
    %broadcast_in_dim3A_548 = arith.constant 8 : i32
    %broadcast_in_dim3A_549 = vector.broadcast %broadcast_in_dim3A_548 : i32 to vector<16xi32>
    %and3A_550 = arith.constant 127 : i32
    %and3A_551 = arith.andi %squeeze3A_532, %and3A_550 : i32
    %broadcast_in_dim3A_552 = vector.broadcast %and3A_551 : i32 to vector<16xi32>
    %broadcast_in_dim3A_553 = arith.constant 504 : i32
    %broadcast_in_dim3A_554 = vector.broadcast %broadcast_in_dim3A_553 : i32 to vector<16xi32>
    %gather3A_555 = tpu.vector_load_idx %arg8[%broadcast_in_dim3A_549, %iota3A, %broadcast_in_dim3A_552] : memref<16x32x128xf32, #tpu.memory_space<vmem>>[vector<16xi32>, vector<16xi32>, vector<16xi32>], vector<16xf32>,
    %gather3A_556 = tpu.vector_load_idx %arg8[%broadcast_in_dim3A_549, %add3A_3, %broadcast_in_dim3A_552] : memref<16x32x128xf32, #tpu.memory_space<vmem>>[vector<16xi32>, vector<16xi32>, vector<16xi32>], vector<16xf32>,
    tpu.vector_store_idx %arg9[%iota3A, %broadcast_in_dim3A_554], %gather3A_555 : memref<32x512xf32, #tpu.memory_space<vmem>>[vector<16xi32>, vector<16xi32>], vector<16xf32>,
    tpu.vector_store_idx %arg9[%add3A_3, %broadcast_in_dim3A_554], %gather3A_556 : memref<32x512xf32, #tpu.memory_space<vmem>>[vector<16xi32>, vector<16xi32>], vector<16xf32>,
    %slice3A_557 = vector.extract_strided_slice %get3A_326 {offsets = [9], sizes = [1], strides = [1]} : vector<16xi32> to vector<1xi32>
    %squeeze3A_558 = vector.extract %slice3A_557[0] : i32 from vector<1xi32>
    %dma_wait3A_559 = arith.constant 9 : i32
    %dma_wait3A_560 = arith.constant 0 : i32
    %dma_wait3A_561 = arith.constant 0 : i32
    %dma_wait3A_562 = tpu.memref_slice %arg8[%dma_wait3A_559, %dma_wait3A_560, %dma_wait3A_561] : memref<16x32x128xf32, #tpu.memory_space<vmem>> -> memref<1x32x128xf32, #tpu.memory_space<vmem>>
    %dma_wait3A_563 = tpu.memref_squeeze %dma_wait3A_562 : memref<1x32x128xf32, #tpu.memory_space<vmem>> -> memref<32x128xf32, #tpu.memory_space<vmem>>
    %dma_wait3A_564 = arith.constant 0 : i32
    %dma_wait3A_565 = arith.constant 0 : i32
    %dma_wait3A_566 = tpu.memref_slice %arg4[%dma_wait3A_564, %dma_wait3A_565] : memref<32x1000000xf32, #tpu.memory_space<hbm>> -> memref<32x128xf32, #tpu.memory_space<hbm>>
    %dma_wait3A_567 = arith.constant 0 : i32
    %dma_wait3A_568 = arith.constant 0 : i32
    %dma_wait3A_569 = tpu.memref_slice %arg8[%dma_wait3A_559, %dma_wait3A_567, %dma_wait3A_568] : memref<16x32x128xf32, #tpu.memory_space<vmem>> -> memref<1x32x128xf32, #tpu.memory_space<vmem>>
    %dma_wait3A_570 = tpu.memref_squeeze %dma_wait3A_569 : memref<1x32x128xf32, #tpu.memory_space<vmem>> -> memref<32x128xf32, #tpu.memory_space<vmem>>
    %dma_wait3A_571 = arith.constant 0 : i32
    %dma_wait3A_572 = arith.constant 0 : i32
    %dma_wait3A_573 = tpu.memref_slice %arg4[%dma_wait3A_571, %dma_wait3A_572] : memref<32x1000000xf32, #tpu.memory_space<hbm>> -> memref<32x128xf32, #tpu.memory_space<hbm>>
    tpu.wait_dma2 semaphore(%arg20 : memref<!tpu.dma_semaphore, #tpu.memory_space<semaphore_mem>>) src(%dma_wait3A_573 : memref<32x128xf32, #tpu.memory_space<hbm>>) dst(%dma_wait3A_570 : memref<32x128xf32, #tpu.memory_space<vmem>>)
    %broadcast_in_dim3A_574 = arith.constant 9 : i32
    %broadcast_in_dim3A_575 = vector.broadcast %broadcast_in_dim3A_574 : i32 to vector<16xi32>
    %and3A_576 = arith.constant 127 : i32
    %and3A_577 = arith.andi %squeeze3A_558, %and3A_576 : i32
    %broadcast_in_dim3A_578 = vector.broadcast %and3A_577 : i32 to vector<16xi32>
    %broadcast_in_dim3A_579 = arith.constant 505 : i32
    %broadcast_in_dim3A_580 = vector.broadcast %broadcast_in_dim3A_579 : i32 to vector<16xi32>
    %gather3A_581 = tpu.vector_load_idx %arg8[%broadcast_in_dim3A_575, %iota3A, %broadcast_in_dim3A_578] : memref<16x32x128xf32, #tpu.memory_space<vmem>>[vector<16xi32>, vector<16xi32>, vector<16xi32>], vector<16xf32>,
    %gather3A_582 = tpu.vector_load_idx %arg8[%broadcast_in_dim3A_575, %add3A_3, %broadcast_in_dim3A_578] : memref<16x32x128xf32, #tpu.memory_space<vmem>>[vector<16xi32>, vector<16xi32>, vector<16xi32>], vector<16xf32>,
    tpu.vector_store_idx %arg9[%iota3A, %broadcast_in_dim3A_580], %gather3A_581 : memref<32x512xf32, #tpu.memory_space<vmem>>[vector<16xi32>, vector<16xi32>], vector<16xf32>,
    tpu.vector_store_idx %arg9[%add3A_3, %broadcast_in_dim3A_580], %gather3A_582 : memref<32x512xf32, #tpu.memory_space<vmem>>[vector<16xi32>, vector<16xi32>], vector<16xf32>,
    %slice3A_583 = vector.extract_strided_slice %get3A_326 {offsets = [10], sizes = [1], strides = [1]} : vector<16xi32> to vector<1xi32>
    %squeeze3A_584 = vector.extract %slice3A_583[0] : i32 from vector<1xi32>
    %dma_wait3A_585 = arith.constant 10 : i32
    %dma_wait3A_586 = arith.constant 0 : i32
    %dma_wait3A_587 = arith.constant 0 : i32
    %dma_wait3A_588 = tpu.memref_slice %arg8[%dma_wait3A_585, %dma_wait3A_586, %dma_wait3A_587] : memref<16x32x128xf32, #tpu.memory_space<vmem>> -> memref<1x32x128xf32, #tpu.memory_space<vmem>>
    %dma_wait3A_589 = tpu.memref_squeeze %dma_wait3A_588 : memref<1x32x128xf32, #tpu.memory_space<vmem>> -> memref<32x128xf32, #tpu.memory_space<vmem>>
    %dma_wait3A_590 = arith.constant 0 : i32
    %dma_wait3A_591 = arith.constant 0 : i32
    %dma_wait3A_592 = tpu.memref_slice %arg4[%dma_wait3A_590, %dma_wait3A_591] : memref<32x1000000xf32, #tpu.memory_space<hbm>> -> memref<32x128xf32, #tpu.memory_space<hbm>>
    %dma_wait3A_593 = arith.constant 0 : i32
    %dma_wait3A_594 = arith.constant 0 : i32
    %dma_wait3A_595 = tpu.memref_slice %arg8[%dma_wait3A_585, %dma_wait3A_593, %dma_wait3A_594] : memref<16x32x128xf32, #tpu.memory_space<vmem>> -> memref<1x32x128xf32, #tpu.memory_space<vmem>>
    %dma_wait3A_596 = tpu.memref_squeeze %dma_wait3A_595 : memref<1x32x128xf32, #tpu.memory_space<vmem>> -> memref<32x128xf32, #tpu.memory_space<vmem>>
    %dma_wait3A_597 = arith.constant 0 : i32
    %dma_wait3A_598 = arith.constant 0 : i32
    %dma_wait3A_599 = tpu.memref_slice %arg4[%dma_wait3A_597, %dma_wait3A_598] : memref<32x1000000xf32, #tpu.memory_space<hbm>> -> memref<32x128xf32, #tpu.memory_space<hbm>>
    tpu.wait_dma2 semaphore(%arg21 : memref<!tpu.dma_semaphore, #tpu.memory_space<semaphore_mem>>) src(%dma_wait3A_599 : memref<32x128xf32, #tpu.memory_space<hbm>>) dst(%dma_wait3A_596 : memref<32x128xf32, #tpu.memory_space<vmem>>)
    %broadcast_in_dim3A_600 = arith.constant 10 : i32
    %broadcast_in_dim3A_601 = vector.broadcast %broadcast_in_dim3A_600 : i32 to vector<16xi32>
    %and3A_602 = arith.constant 127 : i32
    %and3A_603 = arith.andi %squeeze3A_584, %and3A_602 : i32
    %broadcast_in_dim3A_604 = vector.broadcast %and3A_603 : i32 to vector<16xi32>
    %broadcast_in_dim3A_605 = arith.constant 506 : i32
    %broadcast_in_dim3A_606 = vector.broadcast %broadcast_in_dim3A_605 : i32 to vector<16xi32>
    %gather3A_607 = tpu.vector_load_idx %arg8[%broadcast_in_dim3A_601, %iota3A, %broadcast_in_dim3A_604] : memref<16x32x128xf32, #tpu.memory_space<vmem>>[vector<16xi32>, vector<16xi32>, vector<16xi32>], vector<16xf32>,
    %gather3A_608 = tpu.vector_load_idx %arg8[%broadcast_in_dim3A_601, %add3A_3, %broadcast_in_dim3A_604] : memref<16x32x128xf32, #tpu.memory_space<vmem>>[vector<16xi32>, vector<16xi32>, vector<16xi32>], vector<16xf32>,
    tpu.vector_store_idx %arg9[%iota3A, %broadcast_in_dim3A_606], %gather3A_607 : memref<32x512xf32, #tpu.memory_space<vmem>>[vector<16xi32>, vector<16xi32>], vector<16xf32>,
    tpu.vector_store_idx %arg9[%add3A_3, %broadcast_in_dim3A_606], %gather3A_608 : memref<32x512xf32, #tpu.memory_space<vmem>>[vector<16xi32>, vector<16xi32>], vector<16xf32>,
    %slice3A_609 = vector.extract_strided_slice %get3A_326 {offsets = [11], sizes = [1], strides = [1]} : vector<16xi32> to vector<1xi32>
    %squeeze3A_610 = vector.extract %slice3A_609[0] : i32 from vector<1xi32>
    %dma_wait3A_611 = arith.constant 11 : i32
    %dma_wait3A_612 = arith.constant 0 : i32
    %dma_wait3A_613 = arith.constant 0 : i32
    %dma_wait3A_614 = tpu.memref_slice %arg8[%dma_wait3A_611, %dma_wait3A_612, %dma_wait3A_613] : memref<16x32x128xf32, #tpu.memory_space<vmem>> -> memref<1x32x128xf32, #tpu.memory_space<vmem>>
    %dma_wait3A_615 = tpu.memref_squeeze %dma_wait3A_614 : memref<1x32x128xf32, #tpu.memory_space<vmem>> -> memref<32x128xf32, #tpu.memory_space<vmem>>
    %dma_wait3A_616 = arith.constant 0 : i32
    %dma_wait3A_617 = arith.constant 0 : i32
    %dma_wait3A_618 = tpu.memref_slice %arg4[%dma_wait3A_616, %dma_wait3A_617] : memref<32x1000000xf32, #tpu.memory_space<hbm>> -> memref<32x128xf32, #tpu.memory_space<hbm>>
    %dma_wait3A_619 = arith.constant 0 : i32
    %dma_wait3A_620 = arith.constant 0 : i32
    %dma_wait3A_621 = tpu.memref_slice %arg8[%dma_wait3A_611, %dma_wait3A_619, %dma_wait3A_620] : memref<16x32x128xf32, #tpu.memory_space<vmem>> -> memref<1x32x128xf32, #tpu.memory_space<vmem>>
    %dma_wait3A_622 = tpu.memref_squeeze %dma_wait3A_621 : memref<1x32x128xf32, #tpu.memory_space<vmem>> -> memref<32x128xf32, #tpu.memory_space<vmem>>
    %dma_wait3A_623 = arith.constant 0 : i32
    %dma_wait3A_624 = arith.constant 0 : i32
    %dma_wait3A_625 = tpu.memref_slice %arg4[%dma_wait3A_623, %dma_wait3A_624] : memref<32x1000000xf32, #tpu.memory_space<hbm>> -> memref<32x128xf32, #tpu.memory_space<hbm>>
    tpu.wait_dma2 semaphore(%arg22 : memref<!tpu.dma_semaphore, #tpu.memory_space<semaphore_mem>>) src(%dma_wait3A_625 : memref<32x128xf32, #tpu.memory_space<hbm>>) dst(%dma_wait3A_622 : memref<32x128xf32, #tpu.memory_space<vmem>>)
    %broadcast_in_dim3A_626 = arith.constant 11 : i32
    %broadcast_in_dim3A_627 = vector.broadcast %broadcast_in_dim3A_626 : i32 to vector<16xi32>
    %and3A_628 = arith.constant 127 : i32
    %and3A_629 = arith.andi %squeeze3A_610, %and3A_628 : i32
    %broadcast_in_dim3A_630 = vector.broadcast %and3A_629 : i32 to vector<16xi32>
    %broadcast_in_dim3A_631 = arith.constant 507 : i32
    %broadcast_in_dim3A_632 = vector.broadcast %broadcast_in_dim3A_631 : i32 to vector<16xi32>
    %gather3A_633 = tpu.vector_load_idx %arg8[%broadcast_in_dim3A_627, %iota3A, %broadcast_in_dim3A_630] : memref<16x32x128xf32, #tpu.memory_space<vmem>>[vector<16xi32>, vector<16xi32>, vector<16xi32>], vector<16xf32>,
    %gather3A_634 = tpu.vector_load_idx %arg8[%broadcast_in_dim3A_627, %add3A_3, %broadcast_in_dim3A_630] : memref<16x32x128xf32, #tpu.memory_space<vmem>>[vector<16xi32>, vector<16xi32>, vector<16xi32>], vector<16xf32>,
    tpu.vector_store_idx %arg9[%iota3A, %broadcast_in_dim3A_632], %gather3A_633 : memref<32x512xf32, #tpu.memory_space<vmem>>[vector<16xi32>, vector<16xi32>], vector<16xf32>,
    tpu.vector_store_idx %arg9[%add3A_3, %broadcast_in_dim3A_632], %gather3A_634 : memref<32x512xf32, #tpu.memory_space<vmem>>[vector<16xi32>, vector<16xi32>], vector<16xf32>,
    %slice3A_635 = vector.extract_strided_slice %get3A_326 {offsets = [12], sizes = [1], strides = [1]} : vector<16xi32> to vector<1xi32>
    %squeeze3A_636 = vector.extract %slice3A_635[0] : i32 from vector<1xi32>
    %dma_wait3A_637 = arith.constant 12 : i32
    %dma_wait3A_638 = arith.constant 0 : i32
    %dma_wait3A_639 = arith.constant 0 : i32
    %dma_wait3A_640 = tpu.memref_slice %arg8[%dma_wait3A_637, %dma_wait3A_638, %dma_wait3A_639] : memref<16x32x128xf32, #tpu.memory_space<vmem>> -> memref<1x32x128xf32, #tpu.memory_space<vmem>>
    %dma_wait3A_641 = tpu.memref_squeeze %dma_wait3A_640 : memref<1x32x128xf32, #tpu.memory_space<vmem>> -> memref<32x128xf32, #tpu.memory_space<vmem>>
    %dma_wait3A_642 = arith.constant 0 : i32
    %dma_wait3A_643 = arith.constant 0 : i32
    %dma_wait3A_644 = tpu.memref_slice %arg4[%dma_wait3A_642, %dma_wait3A_643] : memref<32x1000000xf32, #tpu.memory_space<hbm>> -> memref<32x128xf32, #tpu.memory_space<hbm>>
    %dma_wait3A_645 = arith.constant 0 : i32
    %dma_wait3A_646 = arith.constant 0 : i32
    %dma_wait3A_647 = tpu.memref_slice %arg8[%dma_wait3A_637, %dma_wait3A_645, %dma_wait3A_646] : memref<16x32x128xf32, #tpu.memory_space<vmem>> -> memref<1x32x128xf32, #tpu.memory_space<vmem>>
    %dma_wait3A_648 = tpu.memref_squeeze %dma_wait3A_647 : memref<1x32x128xf32, #tpu.memory_space<vmem>> -> memref<32x128xf32, #tpu.memory_space<vmem>>
    %dma_wait3A_649 = arith.constant 0 : i32
    %dma_wait3A_650 = arith.constant 0 : i32
    %dma_wait3A_651 = tpu.memref_slice %arg4[%dma_wait3A_649, %dma_wait3A_650] : memref<32x1000000xf32, #tpu.memory_space<hbm>> -> memref<32x128xf32, #tpu.memory_space<hbm>>
    tpu.wait_dma2 semaphore(%arg23 : memref<!tpu.dma_semaphore, #tpu.memory_space<semaphore_mem>>) src(%dma_wait3A_651 : memref<32x128xf32, #tpu.memory_space<hbm>>) dst(%dma_wait3A_648 : memref<32x128xf32, #tpu.memory_space<vmem>>)
    %broadcast_in_dim3A_652 = arith.constant 12 : i32
    %broadcast_in_dim3A_653 = vector.broadcast %broadcast_in_dim3A_652 : i32 to vector<16xi32>
    %and3A_654 = arith.constant 127 : i32
    %and3A_655 = arith.andi %squeeze3A_636, %and3A_654 : i32
    %broadcast_in_dim3A_656 = vector.broadcast %and3A_655 : i32 to vector<16xi32>
    %broadcast_in_dim3A_657 = arith.constant 508 : i32
    %broadcast_in_dim3A_658 = vector.broadcast %broadcast_in_dim3A_657 : i32 to vector<16xi32>
    %gather3A_659 = tpu.vector_load_idx %arg8[%broadcast_in_dim3A_653, %iota3A, %broadcast_in_dim3A_656] : memref<16x32x128xf32, #tpu.memory_space<vmem>>[vector<16xi32>, vector<16xi32>, vector<16xi32>], vector<16xf32>,
    %gather3A_660 = tpu.vector_load_idx %arg8[%broadcast_in_dim3A_653, %add3A_3, %broadcast_in_dim3A_656] : memref<16x32x128xf32, #tpu.memory_space<vmem>>[vector<16xi32>, vector<16xi32>, vector<16xi32>], vector<16xf32>,
    tpu.vector_store_idx %arg9[%iota3A, %broadcast_in_dim3A_658], %gather3A_659 : memref<32x512xf32, #tpu.memory_space<vmem>>[vector<16xi32>, vector<16xi32>], vector<16xf32>,
    tpu.vector_store_idx %arg9[%add3A_3, %broadcast_in_dim3A_658], %gather3A_660 : memref<32x512xf32, #tpu.memory_space<vmem>>[vector<16xi32>, vector<16xi32>], vector<16xf32>,
    %slice3A_661 = vector.extract_strided_slice %get3A_326 {offsets = [13], sizes = [1], strides = [1]} : vector<16xi32> to vector<1xi32>
    %squeeze3A_662 = vector.extract %slice3A_661[0] : i32 from vector<1xi32>
    %dma_wait3A_663 = arith.constant 13 : i32
    %dma_wait3A_664 = arith.constant 0 : i32
    %dma_wait3A_665 = arith.constant 0 : i32
    %dma_wait3A_666 = tpu.memref_slice %arg8[%dma_wait3A_663, %dma_wait3A_664, %dma_wait3A_665] : memref<16x32x128xf32, #tpu.memory_space<vmem>> -> memref<1x32x128xf32, #tpu.memory_space<vmem>>
    %dma_wait3A_667 = tpu.memref_squeeze %dma_wait3A_666 : memref<1x32x128xf32, #tpu.memory_space<vmem>> -> memref<32x128xf32, #tpu.memory_space<vmem>>
    %dma_wait3A_668 = arith.constant 0 : i32
    %dma_wait3A_669 = arith.constant 0 : i32
    %dma_wait3A_670 = tpu.memref_slice %arg4[%dma_wait3A_668, %dma_wait3A_669] : memref<32x1000000xf32, #tpu.memory_space<hbm>> -> memref<32x128xf32, #tpu.memory_space<hbm>>
    %dma_wait3A_671 = arith.constant 0 : i32
    %dma_wait3A_672 = arith.constant 0 : i32
    %dma_wait3A_673 = tpu.memref_slice %arg8[%dma_wait3A_663, %dma_wait3A_671, %dma_wait3A_672] : memref<16x32x128xf32, #tpu.memory_space<vmem>> -> memref<1x32x128xf32, #tpu.memory_space<vmem>>
    %dma_wait3A_674 = tpu.memref_squeeze %dma_wait3A_673 : memref<1x32x128xf32, #tpu.memory_space<vmem>> -> memref<32x128xf32, #tpu.memory_space<vmem>>
    %dma_wait3A_675 = arith.constant 0 : i32
    %dma_wait3A_676 = arith.constant 0 : i32
    %dma_wait3A_677 = tpu.memref_slice %arg4[%dma_wait3A_675, %dma_wait3A_676] : memref<32x1000000xf32, #tpu.memory_space<hbm>> -> memref<32x128xf32, #tpu.memory_space<hbm>>
    tpu.wait_dma2 semaphore(%arg24 : memref<!tpu.dma_semaphore, #tpu.memory_space<semaphore_mem>>) src(%dma_wait3A_677 : memref<32x128xf32, #tpu.memory_space<hbm>>) dst(%dma_wait3A_674 : memref<32x128xf32, #tpu.memory_space<vmem>>)
    %broadcast_in_dim3A_678 = arith.constant 13 : i32
    %broadcast_in_dim3A_679 = vector.broadcast %broadcast_in_dim3A_678 : i32 to vector<16xi32>
    %and3A_680 = arith.constant 127 : i32
    %and3A_681 = arith.andi %squeeze3A_662, %and3A_680 : i32
    %broadcast_in_dim3A_682 = vector.broadcast %and3A_681 : i32 to vector<16xi32>
    %broadcast_in_dim3A_683 = arith.constant 509 : i32
    %broadcast_in_dim3A_684 = vector.broadcast %broadcast_in_dim3A_683 : i32 to vector<16xi32>
    %gather3A_685 = tpu.vector_load_idx %arg8[%broadcast_in_dim3A_679, %iota3A, %broadcast_in_dim3A_682] : memref<16x32x128xf32, #tpu.memory_space<vmem>>[vector<16xi32>, vector<16xi32>, vector<16xi32>], vector<16xf32>,
    %gather3A_686 = tpu.vector_load_idx %arg8[%broadcast_in_dim3A_679, %add3A_3, %broadcast_in_dim3A_682] : memref<16x32x128xf32, #tpu.memory_space<vmem>>[vector<16xi32>, vector<16xi32>, vector<16xi32>], vector<16xf32>,
    tpu.vector_store_idx %arg9[%iota3A, %broadcast_in_dim3A_684], %gather3A_685 : memref<32x512xf32, #tpu.memory_space<vmem>>[vector<16xi32>, vector<16xi32>], vector<16xf32>,
    tpu.vector_store_idx %arg9[%add3A_3, %broadcast_in_dim3A_684], %gather3A_686 : memref<32x512xf32, #tpu.memory_space<vmem>>[vector<16xi32>, vector<16xi32>], vector<16xf32>,
    %slice3A_687 = vector.extract_strided_slice %get3A_326 {offsets = [14], sizes = [1], strides = [1]} : vector<16xi32> to vector<1xi32>
    %squeeze3A_688 = vector.extract %slice3A_687[0] : i32 from vector<1xi32>
    %dma_wait3A_689 = arith.constant 14 : i32
    %dma_wait3A_690 = arith.constant 0 : i32
    %dma_wait3A_691 = arith.constant 0 : i32
    %dma_wait3A_692 = tpu.memref_slice %arg8[%dma_wait3A_689, %dma_wait3A_690, %dma_wait3A_691] : memref<16x32x128xf32, #tpu.memory_space<vmem>> -> memref<1x32x128xf32, #tpu.memory_space<vmem>>
    %dma_wait3A_693 = tpu.memref_squeeze %dma_wait3A_692 : memref<1x32x128xf32, #tpu.memory_space<vmem>> -> memref<32x128xf32, #tpu.memory_space<vmem>>
    %dma_wait3A_694 = arith.constant 0 : i32
    %dma_wait3A_695 = arith.constant 0 : i32
    %dma_wait3A_696 = tpu.memref_slice %arg4[%dma_wait3A_694, %dma_wait3A_695] : memref<32x1000000xf32, #tpu.memory_space<hbm>> -> memref<32x128xf32, #tpu.memory_space<hbm>>
    %dma_wait3A_697 = arith.constant 0 : i32
    %dma_wait3A_698 = arith.constant 0 : i32
    %dma_wait3A_699 = tpu.memref_slice %arg8[%dma_wait3A_689, %dma_wait3A_697, %dma_wait3A_698] : memref<16x32x128xf32, #tpu.memory_space<vmem>> -> memref<1x32x128xf32, #tpu.memory_space<vmem>>
    %dma_wait3A_700 = tpu.memref_squeeze %dma_wait3A_699 : memref<1x32x128xf32, #tpu.memory_space<vmem>> -> memref<32x128xf32, #tpu.memory_space<vmem>>
    %dma_wait3A_701 = arith.constant 0 : i32
    %dma_wait3A_702 = arith.constant 0 : i32
    %dma_wait3A_703 = tpu.memref_slice %arg4[%dma_wait3A_701, %dma_wait3A_702] : memref<32x1000000xf32, #tpu.memory_space<hbm>> -> memref<32x128xf32, #tpu.memory_space<hbm>>
    tpu.wait_dma2 semaphore(%arg25 : memref<!tpu.dma_semaphore, #tpu.memory_space<semaphore_mem>>) src(%dma_wait3A_703 : memref<32x128xf32, #tpu.memory_space<hbm>>) dst(%dma_wait3A_700 : memref<32x128xf32, #tpu.memory_space<vmem>>)
    %broadcast_in_dim3A_704 = arith.constant 14 : i32
    %broadcast_in_dim3A_705 = vector.broadcast %broadcast_in_dim3A_704 : i32 to vector<16xi32>
    %and3A_706 = arith.constant 127 : i32
    %and3A_707 = arith.andi %squeeze3A_688, %and3A_706 : i32
    %broadcast_in_dim3A_708 = vector.broadcast %and3A_707 : i32 to vector<16xi32>
    %broadcast_in_dim3A_709 = arith.constant 510 : i32
    %broadcast_in_dim3A_710 = vector.broadcast %broadcast_in_dim3A_709 : i32 to vector<16xi32>
    %gather3A_711 = tpu.vector_load_idx %arg8[%broadcast_in_dim3A_705, %iota3A, %broadcast_in_dim3A_708] : memref<16x32x128xf32, #tpu.memory_space<vmem>>[vector<16xi32>, vector<16xi32>, vector<16xi32>], vector<16xf32>,
    %gather3A_712 = tpu.vector_load_idx %arg8[%broadcast_in_dim3A_705, %add3A_3, %broadcast_in_dim3A_708] : memref<16x32x128xf32, #tpu.memory_space<vmem>>[vector<16xi32>, vector<16xi32>, vector<16xi32>], vector<16xf32>,
    tpu.vector_store_idx %arg9[%iota3A, %broadcast_in_dim3A_710], %gather3A_711 : memref<32x512xf32, #tpu.memory_space<vmem>>[vector<16xi32>, vector<16xi32>], vector<16xf32>,
    tpu.vector_store_idx %arg9[%add3A_3, %broadcast_in_dim3A_710], %gather3A_712 : memref<32x512xf32, #tpu.memory_space<vmem>>[vector<16xi32>, vector<16xi32>], vector<16xf32>,
    %slice3A_713 = vector.extract_strided_slice %get3A_326 {offsets = [15], sizes = [1], strides = [1]} : vector<16xi32> to vector<1xi32>
    %squeeze3A_714 = vector.extract %slice3A_713[0] : i32 from vector<1xi32>
    %dma_wait3A_715 = arith.constant 15 : i32
    %dma_wait3A_716 = arith.constant 0 : i32
    %dma_wait3A_717 = arith.constant 0 : i32
    %dma_wait3A_718 = tpu.memref_slice %arg8[%dma_wait3A_715, %dma_wait3A_716, %dma_wait3A_717] : memref<16x32x128xf32, #tpu.memory_space<vmem>> -> memref<1x32x128xf32, #tpu.memory_space<vmem>>
    %dma_wait3A_719 = tpu.memref_squeeze %dma_wait3A_718 : memref<1x32x128xf32, #tpu.memory_space<vmem>> -> memref<32x128xf32, #tpu.memory_space<vmem>>
    %dma_wait3A_720 = arith.constant 0 : i32
    %dma_wait3A_721 = arith.constant 0 : i32
    %dma_wait3A_722 = tpu.memref_slice %arg4[%dma_wait3A_720, %dma_wait3A_721] : memref<32x1000000xf32, #tpu.memory_space<hbm>> -> memref<32x128xf32, #tpu.memory_space<hbm>>
    %dma_wait3A_723 = arith.constant 0 : i32
    %dma_wait3A_724 = arith.constant 0 : i32
    %dma_wait3A_725 = tpu.memref_slice %arg8[%dma_wait3A_715, %dma_wait3A_723, %dma_wait3A_724] : memref<16x32x128xf32, #tpu.memory_space<vmem>> -> memref<1x32x128xf32, #tpu.memory_space<vmem>>
    %dma_wait3A_726 = tpu.memref_squeeze %dma_wait3A_725 : memref<1x32x128xf32, #tpu.memory_space<vmem>> -> memref<32x128xf32, #tpu.memory_space<vmem>>
    %dma_wait3A_727 = arith.constant 0 : i32
    %dma_wait3A_728 = arith.constant 0 : i32
    %dma_wait3A_729 = tpu.memref_slice %arg4[%dma_wait3A_727, %dma_wait3A_728] : memref<32x1000000xf32, #tpu.memory_space<hbm>> -> memref<32x128xf32, #tpu.memory_space<hbm>>
    tpu.wait_dma2 semaphore(%arg26 : memref<!tpu.dma_semaphore, #tpu.memory_space<semaphore_mem>>) src(%dma_wait3A_729 : memref<32x128xf32, #tpu.memory_space<hbm>>) dst(%dma_wait3A_726 : memref<32x128xf32, #tpu.memory_space<vmem>>)
    %broadcast_in_dim3A_730 = arith.constant 15 : i32
    %broadcast_in_dim3A_731 = vector.broadcast %broadcast_in_dim3A_730 : i32 to vector<16xi32>
    %and3A_732 = arith.constant 127 : i32
    %and3A_733 = arith.andi %squeeze3A_714, %and3A_732 : i32
    %broadcast_in_dim3A_734 = vector.broadcast %and3A_733 : i32 to vector<16xi32>
    %broadcast_in_dim3A_735 = arith.constant 511 : i32
    %broadcast_in_dim3A_736 = vector.broadcast %broadcast_in_dim3A_735 : i32 to vector<16xi32>
    %gather3A_737 = tpu.vector_load_idx %arg8[%broadcast_in_dim3A_731, %iota3A, %broadcast_in_dim3A_734] : memref<16x32x128xf32, #tpu.memory_space<vmem>>[vector<16xi32>, vector<16xi32>, vector<16xi32>], vector<16xf32>,
    %gather3A_738 = tpu.vector_load_idx %arg8[%broadcast_in_dim3A_731, %add3A_3, %broadcast_in_dim3A_734] : memref<16x32x128xf32, #tpu.memory_space<vmem>>[vector<16xi32>, vector<16xi32>, vector<16xi32>], vector<16xf32>,
    tpu.vector_store_idx %arg9[%iota3A, %broadcast_in_dim3A_736], %gather3A_737 : memref<32x512xf32, #tpu.memory_space<vmem>>[vector<16xi32>, vector<16xi32>], vector<16xf32>,
    tpu.vector_store_idx %arg9[%add3A_3, %broadcast_in_dim3A_736], %gather3A_738 : memref<32x512xf32, #tpu.memory_space<vmem>>[vector<16xi32>, vector<16xi32>], vector<16xf32>,
    %get3A_739 = arith.constant 0 : index
    %get3A_740 = tpu.vector_load %arg7[%get3A_739] {strides = array<i32>} : memref<512xi32, #tpu.memory_space<vmem>>, vector<16xi32>,
    %slice3A_741 = vector.extract_strided_slice %get3A_740 {offsets = [0], sizes = [1], strides = [1]} : vector<16xi32> to vector<1xi32>
    %squeeze3A_742 = vector.extract %slice3A_741[0] : i32 from vector<1xi32>
    %shift_right_arithmetic3A_743 = arith.constant 7 : i32
    %shift_right_arithmetic3A_744 = arith.shrsi %squeeze3A_742, %shift_right_arithmetic3A_743 : i32
    %mul3A_745 = arith.constant 128 : i32
    %mul3A_746 = arith.muli %shift_right_arithmetic3A_744, %mul3A_745 : i32
    %multiple_of3A_747 = tpu.assume_multiple %mul3A_746, 128 : i32
    %dma_start3A_748 = arith.constant 0 : i32
    %dma_start3A_749 = arith.constant 0 : i32
    %dma_start3A_750 = arith.constant 0 : i32
    %dma_start3A_751 = tpu.memref_slice %arg8[%dma_start3A_748, %dma_start3A_749, %dma_start3A_750] : memref<16x32x128xf32, #tpu.memory_space<vmem>> -> memref<1x32x128xf32, #tpu.memory_space<vmem>>
    %dma_start3A_752 = tpu.memref_squeeze %dma_start3A_751 : memref<1x32x128xf32, #tpu.memory_space<vmem>> -> memref<32x128xf32, #tpu.memory_space<vmem>>
    %dma_start3A_753 = arith.constant 0 : i32
    %dma_start3A_754 = tpu.memref_slice %arg4[%dma_start3A_753, %multiple_of3A_747] : memref<32x1000000xf32, #tpu.memory_space<hbm>> -> memref<32x128xf32, #tpu.memory_space<hbm>>
    %dma_start3A_755 = arith.constant 0 : i32
    %dma_start3A_756 = arith.constant 0 : i32
    %dma_start3A_757 = tpu.memref_slice %arg8[%dma_start3A_748, %dma_start3A_755, %dma_start3A_756] : memref<16x32x128xf32, #tpu.memory_space<vmem>> -> memref<1x32x128xf32, #tpu.memory_space<vmem>>
    %dma_start3A_758 = tpu.memref_squeeze %dma_start3A_757 : memref<1x32x128xf32, #tpu.memory_space<vmem>> -> memref<32x128xf32, #tpu.memory_space<vmem>>
    %dma_start3A_759 = arith.constant 0 : i32
    %dma_start3A_760 = tpu.memref_slice %arg4[%dma_start3A_759, %multiple_of3A_747] : memref<32x1000000xf32, #tpu.memory_space<hbm>> -> memref<32x128xf32, #tpu.memory_space<hbm>>
    tpu.enqueue_dma source(%dma_start3A_760 : memref<32x128xf32, #tpu.memory_space<hbm>>) target(%dma_start3A_758 : memref<32x128xf32, #tpu.memory_space<vmem>>) target_semaphore(%arg11 : memref<!tpu.dma_semaphore, #tpu.memory_space<semaphore_mem>>)
    %slice3A_761 = vector.extract_strided_slice %get3A_740 {offsets = [1], sizes = [1], strides = [1]} : vector<16xi32> to vector<1xi32>
    %squeeze3A_762 = vector.extract %slice3A_761[0] : i32 from vector<1xi32>
    %shift_right_arithmetic3A_763 = arith.constant 7 : i32
    %shift_right_arithmetic3A_764 = arith.shrsi %squeeze3A_762, %shift_right_arithmetic3A_763 : i32
    %mul3A_765 = arith.constant 128 : i32
    %mul3A_766 = arith.muli %shift_right_arithmetic3A_764, %mul3A_765 : i32
    %multiple_of3A_767 = tpu.assume_multiple %mul3A_766, 128 : i32
    %dma_start3A_768 = arith.constant 1 : i32
    %dma_start3A_769 = arith.constant 0 : i32
    %dma_start3A_770 = arith.constant 0 : i32
    %dma_start3A_771 = tpu.memref_slice %arg8[%dma_start3A_768, %dma_start3A_769, %dma_start3A_770] : memref<16x32x128xf32, #tpu.memory_space<vmem>> -> memref<1x32x128xf32, #tpu.memory_space<vmem>>
    %dma_start3A_772 = tpu.memref_squeeze %dma_start3A_771 : memref<1x32x128xf32, #tpu.memory_space<vmem>> -> memref<32x128xf32, #tpu.memory_space<vmem>>
    %dma_start3A_773 = arith.constant 0 : i32
    %dma_start3A_774 = tpu.memref_slice %arg4[%dma_start3A_773, %multiple_of3A_767] : memref<32x1000000xf32, #tpu.memory_space<hbm>> -> memref<32x128xf32, #tpu.memory_space<hbm>>
    %dma_start3A_775 = arith.constant 0 : i32
    %dma_start3A_776 = arith.constant 0 : i32
    %dma_start3A_777 = tpu.memref_slice %arg8[%dma_start3A_768, %dma_start3A_775, %dma_start3A_776] : memref<16x32x128xf32, #tpu.memory_space<vmem>> -> memref<1x32x128xf32, #tpu.memory_space<vmem>>
    %dma_start3A_778 = tpu.memref_squeeze %dma_start3A_777 : memref<1x32x128xf32, #tpu.memory_space<vmem>> -> memref<32x128xf32, #tpu.memory_space<vmem>>
    %dma_start3A_779 = arith.constant 0 : i32
    %dma_start3A_780 = tpu.memref_slice %arg4[%dma_start3A_779, %multiple_of3A_767] : memref<32x1000000xf32, #tpu.memory_space<hbm>> -> memref<32x128xf32, #tpu.memory_space<hbm>>
    tpu.enqueue_dma source(%dma_start3A_780 : memref<32x128xf32, #tpu.memory_space<hbm>>) target(%dma_start3A_778 : memref<32x128xf32, #tpu.memory_space<vmem>>) target_semaphore(%arg12 : memref<!tpu.dma_semaphore, #tpu.memory_space<semaphore_mem>>)
    %slice3A_781 = vector.extract_strided_slice %get3A_740 {offsets = [2], sizes = [1], strides = [1]} : vector<16xi32> to vector<1xi32>
    %squeeze3A_782 = vector.extract %slice3A_781[0] : i32 from vector<1xi32>
    %shift_right_arithmetic3A_783 = arith.constant 7 : i32
    %shift_right_arithmetic3A_784 = arith.shrsi %squeeze3A_782, %shift_right_arithmetic3A_783 : i32
    %mul3A_785 = arith.constant 128 : i32
    %mul3A_786 = arith.muli %shift_right_arithmetic3A_784, %mul3A_785 : i32
    %multiple_of3A_787 = tpu.assume_multiple %mul3A_786, 128 : i32
    %dma_start3A_788 = arith.constant 2 : i32
    %dma_start3A_789 = arith.constant 0 : i32
    %dma_start3A_790 = arith.constant 0 : i32
    %dma_start3A_791 = tpu.memref_slice %arg8[%dma_start3A_788, %dma_start3A_789, %dma_start3A_790] : memref<16x32x128xf32, #tpu.memory_space<vmem>> -> memref<1x32x128xf32, #tpu.memory_space<vmem>>
    %dma_start3A_792 = tpu.memref_squeeze %dma_start3A_791 : memref<1x32x128xf32, #tpu.memory_space<vmem>> -> memref<32x128xf32, #tpu.memory_space<vmem>>
    %dma_start3A_793 = arith.constant 0 : i32
    %dma_start3A_794 = tpu.memref_slice %arg4[%dma_start3A_793, %multiple_of3A_787] : memref<32x1000000xf32, #tpu.memory_space<hbm>> -> memref<32x128xf32, #tpu.memory_space<hbm>>
    %dma_start3A_795 = arith.constant 0 : i32
    %dma_start3A_796 = arith.constant 0 : i32
    %dma_start3A_797 = tpu.memref_slice %arg8[%dma_start3A_788, %dma_start3A_795, %dma_start3A_796] : memref<16x32x128xf32, #tpu.memory_space<vmem>> -> memref<1x32x128xf32, #tpu.memory_space<vmem>>
    %dma_start3A_798 = tpu.memref_squeeze %dma_start3A_797 : memref<1x32x128xf32, #tpu.memory_space<vmem>> -> memref<32x128xf32, #tpu.memory_space<vmem>>
    %dma_start3A_799 = arith.constant 0 : i32
    %dma_start3A_800 = tpu.memref_slice %arg4[%dma_start3A_799, %multiple_of3A_787] : memref<32x1000000xf32, #tpu.memory_space<hbm>> -> memref<32x128xf32, #tpu.memory_space<hbm>>
    tpu.enqueue_dma source(%dma_start3A_800 : memref<32x128xf32, #tpu.memory_space<hbm>>) target(%dma_start3A_798 : memref<32x128xf32, #tpu.memory_space<vmem>>) target_semaphore(%arg13 : memref<!tpu.dma_semaphore, #tpu.memory_space<semaphore_mem>>)
    %slice3A_801 = vector.extract_strided_slice %get3A_740 {offsets = [3], sizes = [1], strides = [1]} : vector<16xi32> to vector<1xi32>
    %squeeze3A_802 = vector.extract %slice3A_801[0] : i32 from vector<1xi32>
    %shift_right_arithmetic3A_803 = arith.constant 7 : i32
    %shift_right_arithmetic3A_804 = arith.shrsi %squeeze3A_802, %shift_right_arithmetic3A_803 : i32
    %mul3A_805 = arith.constant 128 : i32
    %mul3A_806 = arith.muli %shift_right_arithmetic3A_804, %mul3A_805 : i32
    %multiple_of3A_807 = tpu.assume_multiple %mul3A_806, 128 : i32
    %dma_start3A_808 = arith.constant 3 : i32
    %dma_start3A_809 = arith.constant 0 : i32
    %dma_start3A_810 = arith.constant 0 : i32
    %dma_start3A_811 = tpu.memref_slice %arg8[%dma_start3A_808, %dma_start3A_809, %dma_start3A_810] : memref<16x32x128xf32, #tpu.memory_space<vmem>> -> memref<1x32x128xf32, #tpu.memory_space<vmem>>
    %dma_start3A_812 = tpu.memref_squeeze %dma_start3A_811 : memref<1x32x128xf32, #tpu.memory_space<vmem>> -> memref<32x128xf32, #tpu.memory_space<vmem>>
    %dma_start3A_813 = arith.constant 0 : i32
    %dma_start3A_814 = tpu.memref_slice %arg4[%dma_start3A_813, %multiple_of3A_807] : memref<32x1000000xf32, #tpu.memory_space<hbm>> -> memref<32x128xf32, #tpu.memory_space<hbm>>
    %dma_start3A_815 = arith.constant 0 : i32
    %dma_start3A_816 = arith.constant 0 : i32
    %dma_start3A_817 = tpu.memref_slice %arg8[%dma_start3A_808, %dma_start3A_815, %dma_start3A_816] : memref<16x32x128xf32, #tpu.memory_space<vmem>> -> memref<1x32x128xf32, #tpu.memory_space<vmem>>
    %dma_start3A_818 = tpu.memref_squeeze %dma_start3A_817 : memref<1x32x128xf32, #tpu.memory_space<vmem>> -> memref<32x128xf32, #tpu.memory_space<vmem>>
    %dma_start3A_819 = arith.constant 0 : i32
    %dma_start3A_820 = tpu.memref_slice %arg4[%dma_start3A_819, %multiple_of3A_807] : memref<32x1000000xf32, #tpu.memory_space<hbm>> -> memref<32x128xf32, #tpu.memory_space<hbm>>
    tpu.enqueue_dma source(%dma_start3A_820 : memref<32x128xf32, #tpu.memory_space<hbm>>) target(%dma_start3A_818 : memref<32x128xf32, #tpu.memory_space<vmem>>) target_semaphore(%arg14 : memref<!tpu.dma_semaphore, #tpu.memory_space<semaphore_mem>>)
    %slice3A_821 = vector.extract_strided_slice %get3A_740 {offsets = [4], sizes = [1], strides = [1]} : vector<16xi32> to vector<1xi32>
    %squeeze3A_822 = vector.extract %slice3A_821[0] : i32 from vector<1xi32>
    %shift_right_arithmetic3A_823 = arith.constant 7 : i32
    %shift_right_arithmetic3A_824 = arith.shrsi %squeeze3A_822, %shift_right_arithmetic3A_823 : i32
    %mul3A_825 = arith.constant 128 : i32
    %mul3A_826 = arith.muli %shift_right_arithmetic3A_824, %mul3A_825 : i32
    %multiple_of3A_827 = tpu.assume_multiple %mul3A_826, 128 : i32
    %dma_start3A_828 = arith.constant 4 : i32
    %dma_start3A_829 = arith.constant 0 : i32
    %dma_start3A_830 = arith.constant 0 : i32
    %dma_start3A_831 = tpu.memref_slice %arg8[%dma_start3A_828, %dma_start3A_829, %dma_start3A_830] : memref<16x32x128xf32, #tpu.memory_space<vmem>> -> memref<1x32x128xf32, #tpu.memory_space<vmem>>
    %dma_start3A_832 = tpu.memref_squeeze %dma_start3A_831 : memref<1x32x128xf32, #tpu.memory_space<vmem>> -> memref<32x128xf32, #tpu.memory_space<vmem>>
    %dma_start3A_833 = arith.constant 0 : i32
    %dma_start3A_834 = tpu.memref_slice %arg4[%dma_start3A_833, %multiple_of3A_827] : memref<32x1000000xf32, #tpu.memory_space<hbm>> -> memref<32x128xf32, #tpu.memory_space<hbm>>
    %dma_start3A_835 = arith.constant 0 : i32
    %dma_start3A_836 = arith.constant 0 : i32
    %dma_start3A_837 = tpu.memref_slice %arg8[%dma_start3A_828, %dma_start3A_835, %dma_start3A_836] : memref<16x32x128xf32, #tpu.memory_space<vmem>> -> memref<1x32x128xf32, #tpu.memory_space<vmem>>
    %dma_start3A_838 = tpu.memref_squeeze %dma_start3A_837 : memref<1x32x128xf32, #tpu.memory_space<vmem>> -> memref<32x128xf32, #tpu.memory_space<vmem>>
    %dma_start3A_839 = arith.constant 0 : i32
    %dma_start3A_840 = tpu.memref_slice %arg4[%dma_start3A_839, %multiple_of3A_827] : memref<32x1000000xf32, #tpu.memory_space<hbm>> -> memref<32x128xf32, #tpu.memory_space<hbm>>
    tpu.enqueue_dma source(%dma_start3A_840 : memref<32x128xf32, #tpu.memory_space<hbm>>) target(%dma_start3A_838 : memref<32x128xf32, #tpu.memory_space<vmem>>) target_semaphore(%arg15 : memref<!tpu.dma_semaphore, #tpu.memory_space<semaphore_mem>>)
    %slice3A_841 = vector.extract_strided_slice %get3A_740 {offsets = [5], sizes = [1], strides = [1]} : vector<16xi32> to vector<1xi32>
    %squeeze3A_842 = vector.extract %slice3A_841[0] : i32 from vector<1xi32>
    %shift_right_arithmetic3A_843 = arith.constant 7 : i32
    %shift_right_arithmetic3A_844 = arith.shrsi %squeeze3A_842, %shift_right_arithmetic3A_843 : i32
    %mul3A_845 = arith.constant 128 : i32
    %mul3A_846 = arith.muli %shift_right_arithmetic3A_844, %mul3A_845 : i32
    %multiple_of3A_847 = tpu.assume_multiple %mul3A_846, 128 : i32
    %dma_start3A_848 = arith.constant 5 : i32
    %dma_start3A_849 = arith.constant 0 : i32
    %dma_start3A_850 = arith.constant 0 : i32
    %dma_start3A_851 = tpu.memref_slice %arg8[%dma_start3A_848, %dma_start3A_849, %dma_start3A_850] : memref<16x32x128xf32, #tpu.memory_space<vmem>> -> memref<1x32x128xf32, #tpu.memory_space<vmem>>
    %dma_start3A_852 = tpu.memref_squeeze %dma_start3A_851 : memref<1x32x128xf32, #tpu.memory_space<vmem>> -> memref<32x128xf32, #tpu.memory_space<vmem>>
    %dma_start3A_853 = arith.constant 0 : i32
    %dma_start3A_854 = tpu.memref_slice %arg4[%dma_start3A_853, %multiple_of3A_847] : memref<32x1000000xf32, #tpu.memory_space<hbm>> -> memref<32x128xf32, #tpu.memory_space<hbm>>
    %dma_start3A_855 = arith.constant 0 : i32
    %dma_start3A_856 = arith.constant 0 : i32
    %dma_start3A_857 = tpu.memref_slice %arg8[%dma_start3A_848, %dma_start3A_855, %dma_start3A_856] : memref<16x32x128xf32, #tpu.memory_space<vmem>> -> memref<1x32x128xf32, #tpu.memory_space<vmem>>
    %dma_start3A_858 = tpu.memref_squeeze %dma_start3A_857 : memref<1x32x128xf32, #tpu.memory_space<vmem>> -> memref<32x128xf32, #tpu.memory_space<vmem>>
    %dma_start3A_859 = arith.constant 0 : i32
    %dma_start3A_860 = tpu.memref_slice %arg4[%dma_start3A_859, %multiple_of3A_847] : memref<32x1000000xf32, #tpu.memory_space<hbm>> -> memref<32x128xf32, #tpu.memory_space<hbm>>
    tpu.enqueue_dma source(%dma_start3A_860 : memref<32x128xf32, #tpu.memory_space<hbm>>) target(%dma_start3A_858 : memref<32x128xf32, #tpu.memory_space<vmem>>) target_semaphore(%arg16 : memref<!tpu.dma_semaphore, #tpu.memory_space<semaphore_mem>>)
    %slice3A_861 = vector.extract_strided_slice %get3A_740 {offsets = [6], sizes = [1], strides = [1]} : vector<16xi32> to vector<1xi32>
    %squeeze3A_862 = vector.extract %slice3A_861[0] : i32 from vector<1xi32>
    %shift_right_arithmetic3A_863 = arith.constant 7 : i32
    %shift_right_arithmetic3A_864 = arith.shrsi %squeeze3A_862, %shift_right_arithmetic3A_863 : i32
    %mul3A_865 = arith.constant 128 : i32
    %mul3A_866 = arith.muli %shift_right_arithmetic3A_864, %mul3A_865 : i32
    %multiple_of3A_867 = tpu.assume_multiple %mul3A_866, 128 : i32
    %dma_start3A_868 = arith.constant 6 : i32
    %dma_start3A_869 = arith.constant 0 : i32
    %dma_start3A_870 = arith.constant 0 : i32
    %dma_start3A_871 = tpu.memref_slice %arg8[%dma_start3A_868, %dma_start3A_869, %dma_start3A_870] : memref<16x32x128xf32, #tpu.memory_space<vmem>> -> memref<1x32x128xf32, #tpu.memory_space<vmem>>
    %dma_start3A_872 = tpu.memref_squeeze %dma_start3A_871 : memref<1x32x128xf32, #tpu.memory_space<vmem>> -> memref<32x128xf32, #tpu.memory_space<vmem>>
    %dma_start3A_873 = arith.constant 0 : i32
    %dma_start3A_874 = tpu.memref_slice %arg4[%dma_start3A_873, %multiple_of3A_867] : memref<32x1000000xf32, #tpu.memory_space<hbm>> -> memref<32x128xf32, #tpu.memory_space<hbm>>
    %dma_start3A_875 = arith.constant 0 : i32
    %dma_start3A_876 = arith.constant 0 : i32
    %dma_start3A_877 = tpu.memref_slice %arg8[%dma_start3A_868, %dma_start3A_875, %dma_start3A_876] : memref<16x32x128xf32, #tpu.memory_space<vmem>> -> memref<1x32x128xf32, #tpu.memory_space<vmem>>
    %dma_start3A_878 = tpu.memref_squeeze %dma_start3A_877 : memref<1x32x128xf32, #tpu.memory_space<vmem>> -> memref<32x128xf32, #tpu.memory_space<vmem>>
    %dma_start3A_879 = arith.constant 0 : i32
    %dma_start3A_880 = tpu.memref_slice %arg4[%dma_start3A_879, %multiple_of3A_867] : memref<32x1000000xf32, #tpu.memory_space<hbm>> -> memref<32x128xf32, #tpu.memory_space<hbm>>
    tpu.enqueue_dma source(%dma_start3A_880 : memref<32x128xf32, #tpu.memory_space<hbm>>) target(%dma_start3A_878 : memref<32x128xf32, #tpu.memory_space<vmem>>) target_semaphore(%arg17 : memref<!tpu.dma_semaphore, #tpu.memory_space<semaphore_mem>>)
    %slice3A_881 = vector.extract_strided_slice %get3A_740 {offsets = [7], sizes = [1], strides = [1]} : vector<16xi32> to vector<1xi32>
    %squeeze3A_882 = vector.extract %slice3A_881[0] : i32 from vector<1xi32>
    %shift_right_arithmetic3A_883 = arith.constant 7 : i32
    %shift_right_arithmetic3A_884 = arith.shrsi %squeeze3A_882, %shift_right_arithmetic3A_883 : i32
    %mul3A_885 = arith.constant 128 : i32
    %mul3A_886 = arith.muli %shift_right_arithmetic3A_884, %mul3A_885 : i32
    %multiple_of3A_887 = tpu.assume_multiple %mul3A_886, 128 : i32
    %dma_start3A_888 = arith.constant 7 : i32
    %dma_start3A_889 = arith.constant 0 : i32
    %dma_start3A_890 = arith.constant 0 : i32
    %dma_start3A_891 = tpu.memref_slice %arg8[%dma_start3A_888, %dma_start3A_889, %dma_start3A_890] : memref<16x32x128xf32, #tpu.memory_space<vmem>> -> memref<1x32x128xf32, #tpu.memory_space<vmem>>
    %dma_start3A_892 = tpu.memref_squeeze %dma_start3A_891 : memref<1x32x128xf32, #tpu.memory_space<vmem>> -> memref<32x128xf32, #tpu.memory_space<vmem>>
    %dma_start3A_893 = arith.constant 0 : i32
    %dma_start3A_894 = tpu.memref_slice %arg4[%dma_start3A_893, %multiple_of3A_887] : memref<32x1000000xf32, #tpu.memory_space<hbm>> -> memref<32x128xf32, #tpu.memory_space<hbm>>
    %dma_start3A_895 = arith.constant 0 : i32
    %dma_start3A_896 = arith.constant 0 : i32
    %dma_start3A_897 = tpu.memref_slice %arg8[%dma_start3A_888, %dma_start3A_895, %dma_start3A_896] : memref<16x32x128xf32, #tpu.memory_space<vmem>> -> memref<1x32x128xf32, #tpu.memory_space<vmem>>
    %dma_start3A_898 = tpu.memref_squeeze %dma_start3A_897 : memref<1x32x128xf32, #tpu.memory_space<vmem>> -> memref<32x128xf32, #tpu.memory_space<vmem>>
    %dma_start3A_899 = arith.constant 0 : i32
    %dma_start3A_900 = tpu.memref_slice %arg4[%dma_start3A_899, %multiple_of3A_887] : memref<32x1000000xf32, #tpu.memory_space<hbm>> -> memref<32x128xf32, #tpu.memory_space<hbm>>
    tpu.enqueue_dma source(%dma_start3A_900 : memref<32x128xf32, #tpu.memory_space<hbm>>) target(%dma_start3A_898 : memref<32x128xf32, #tpu.memory_space<vmem>>) target_semaphore(%arg18 : memref<!tpu.dma_semaphore, #tpu.memory_space<semaphore_mem>>)
    %slice3A_901 = vector.extract_strided_slice %get3A_740 {offsets = [8], sizes = [1], strides = [1]} : vector<16xi32> to vector<1xi32>
    %squeeze3A_902 = vector.extract %slice3A_901[0] : i32 from vector<1xi32>
    %shift_right_arithmetic3A_903 = arith.constant 7 : i32
    %shift_right_arithmetic3A_904 = arith.shrsi %squeeze3A_902, %shift_right_arithmetic3A_903 : i32
    %mul3A_905 = arith.constant 128 : i32
    %mul3A_906 = arith.muli %shift_right_arithmetic3A_904, %mul3A_905 : i32
    %multiple_of3A_907 = tpu.assume_multiple %mul3A_906, 128 : i32
    %dma_start3A_908 = arith.constant 8 : i32
    %dma_start3A_909 = arith.constant 0 : i32
    %dma_start3A_910 = arith.constant 0 : i32
    %dma_start3A_911 = tpu.memref_slice %arg8[%dma_start3A_908, %dma_start3A_909, %dma_start3A_910] : memref<16x32x128xf32, #tpu.memory_space<vmem>> -> memref<1x32x128xf32, #tpu.memory_space<vmem>>
    %dma_start3A_912 = tpu.memref_squeeze %dma_start3A_911 : memref<1x32x128xf32, #tpu.memory_space<vmem>> -> memref<32x128xf32, #tpu.memory_space<vmem>>
    %dma_start3A_913 = arith.constant 0 : i32
    %dma_start3A_914 = tpu.memref_slice %arg4[%dma_start3A_913, %multiple_of3A_907] : memref<32x1000000xf32, #tpu.memory_space<hbm>> -> memref<32x128xf32, #tpu.memory_space<hbm>>
    %dma_start3A_915 = arith.constant 0 : i32
    %dma_start3A_916 = arith.constant 0 : i32
    %dma_start3A_917 = tpu.memref_slice %arg8[%dma_start3A_908, %dma_start3A_915, %dma_start3A_916] : memref<16x32x128xf32, #tpu.memory_space<vmem>> -> memref<1x32x128xf32, #tpu.memory_space<vmem>>
    %dma_start3A_918 = tpu.memref_squeeze %dma_start3A_917 : memref<1x32x128xf32, #tpu.memory_space<vmem>> -> memref<32x128xf32, #tpu.memory_space<vmem>>
    %dma_start3A_919 = arith.constant 0 : i32
    %dma_start3A_920 = tpu.memref_slice %arg4[%dma_start3A_919, %multiple_of3A_907] : memref<32x1000000xf32, #tpu.memory_space<hbm>> -> memref<32x128xf32, #tpu.memory_space<hbm>>
    tpu.enqueue_dma source(%dma_start3A_920 : memref<32x128xf32, #tpu.memory_space<hbm>>) target(%dma_start3A_918 : memref<32x128xf32, #tpu.memory_space<vmem>>) target_semaphore(%arg19 : memref<!tpu.dma_semaphore, #tpu.memory_space<semaphore_mem>>)
    %slice3A_921 = vector.extract_strided_slice %get3A_740 {offsets = [9], sizes = [1], strides = [1]} : vector<16xi32> to vector<1xi32>
    %squeeze3A_922 = vector.extract %slice3A_921[0] : i32 from vector<1xi32>
    %shift_right_arithmetic3A_923 = arith.constant 7 : i32
    %shift_right_arithmetic3A_924 = arith.shrsi %squeeze3A_922, %shift_right_arithmetic3A_923 : i32
    %mul3A_925 = arith.constant 128 : i32
    %mul3A_926 = arith.muli %shift_right_arithmetic3A_924, %mul3A_925 : i32
    %multiple_of3A_927 = tpu.assume_multiple %mul3A_926, 128 : i32
    %dma_start3A_928 = arith.constant 9 : i32
    %dma_start3A_929 = arith.constant 0 : i32
    %dma_start3A_930 = arith.constant 0 : i32
    %dma_start3A_931 = tpu.memref_slice %arg8[%dma_start3A_928, %dma_start3A_929, %dma_start3A_930] : memref<16x32x128xf32, #tpu.memory_space<vmem>> -> memref<1x32x128xf32, #tpu.memory_space<vmem>>
    %dma_start3A_932 = tpu.memref_squeeze %dma_start3A_931 : memref<1x32x128xf32, #tpu.memory_space<vmem>> -> memref<32x128xf32, #tpu.memory_space<vmem>>
    %dma_start3A_933 = arith.constant 0 : i32
    %dma_start3A_934 = tpu.memref_slice %arg4[%dma_start3A_933, %multiple_of3A_927] : memref<32x1000000xf32, #tpu.memory_space<hbm>> -> memref<32x128xf32, #tpu.memory_space<hbm>>
    %dma_start3A_935 = arith.constant 0 : i32
    %dma_start3A_936 = arith.constant 0 : i32
    %dma_start3A_937 = tpu.memref_slice %arg8[%dma_start3A_928, %dma_start3A_935, %dma_start3A_936] : memref<16x32x128xf32, #tpu.memory_space<vmem>> -> memref<1x32x128xf32, #tpu.memory_space<vmem>>
    %dma_start3A_938 = tpu.memref_squeeze %dma_start3A_937 : memref<1x32x128xf32, #tpu.memory_space<vmem>> -> memref<32x128xf32, #tpu.memory_space<vmem>>
    %dma_start3A_939 = arith.constant 0 : i32
    %dma_start3A_940 = tpu.memref_slice %arg4[%dma_start3A_939, %multiple_of3A_927] : memref<32x1000000xf32, #tpu.memory_space<hbm>> -> memref<32x128xf32, #tpu.memory_space<hbm>>
    tpu.enqueue_dma source(%dma_start3A_940 : memref<32x128xf32, #tpu.memory_space<hbm>>) target(%dma_start3A_938 : memref<32x128xf32, #tpu.memory_space<vmem>>) target_semaphore(%arg20 : memref<!tpu.dma_semaphore, #tpu.memory_space<semaphore_mem>>)
    %slice3A_941 = vector.extract_strided_slice %get3A_740 {offsets = [10], sizes = [1], strides = [1]} : vector<16xi32> to vector<1xi32>
    %squeeze3A_942 = vector.extract %slice3A_941[0] : i32 from vector<1xi32>
    %shift_right_arithmetic3A_943 = arith.constant 7 : i32
    %shift_right_arithmetic3A_944 = arith.shrsi %squeeze3A_942, %shift_right_arithmetic3A_943 : i32
    %mul3A_945 = arith.constant 128 : i32
    %mul3A_946 = arith.muli %shift_right_arithmetic3A_944, %mul3A_945 : i32
    %multiple_of3A_947 = tpu.assume_multiple %mul3A_946, 128 : i32
    %dma_start3A_948 = arith.constant 10 : i32
    %dma_start3A_949 = arith.constant 0 : i32
    %dma_start3A_950 = arith.constant 0 : i32
    %dma_start3A_951 = tpu.memref_slice %arg8[%dma_start3A_948, %dma_start3A_949, %dma_start3A_950] : memref<16x32x128xf32, #tpu.memory_space<vmem>> -> memref<1x32x128xf32, #tpu.memory_space<vmem>>
    %dma_start3A_952 = tpu.memref_squeeze %dma_start3A_951 : memref<1x32x128xf32, #tpu.memory_space<vmem>> -> memref<32x128xf32, #tpu.memory_space<vmem>>
    %dma_start3A_953 = arith.constant 0 : i32
    %dma_start3A_954 = tpu.memref_slice %arg4[%dma_start3A_953, %multiple_of3A_947] : memref<32x1000000xf32, #tpu.memory_space<hbm>> -> memref<32x128xf32, #tpu.memory_space<hbm>>
    %dma_start3A_955 = arith.constant 0 : i32
    %dma_start3A_956 = arith.constant 0 : i32
    %dma_start3A_957 = tpu.memref_slice %arg8[%dma_start3A_948, %dma_start3A_955, %dma_start3A_956] : memref<16x32x128xf32, #tpu.memory_space<vmem>> -> memref<1x32x128xf32, #tpu.memory_space<vmem>>
    %dma_start3A_958 = tpu.memref_squeeze %dma_start3A_957 : memref<1x32x128xf32, #tpu.memory_space<vmem>> -> memref<32x128xf32, #tpu.memory_space<vmem>>
    %dma_start3A_959 = arith.constant 0 : i32
    %dma_start3A_960 = tpu.memref_slice %arg4[%dma_start3A_959, %multiple_of3A_947] : memref<32x1000000xf32, #tpu.memory_space<hbm>> -> memref<32x128xf32, #tpu.memory_space<hbm>>
    tpu.enqueue_dma source(%dma_start3A_960 : memref<32x128xf32, #tpu.memory_space<hbm>>) target(%dma_start3A_958 : memref<32x128xf32, #tpu.memory_space<vmem>>) target_semaphore(%arg21 : memref<!tpu.dma_semaphore, #tpu.memory_space<semaphore_mem>>)
    %slice3A_961 = vector.extract_strided_slice %get3A_740 {offsets = [11], sizes = [1], strides = [1]} : vector<16xi32> to vector<1xi32>
    %squeeze3A_962 = vector.extract %slice3A_961[0] : i32 from vector<1xi32>
    %shift_right_arithmetic3A_963 = arith.constant 7 : i32
    %shift_right_arithmetic3A_964 = arith.shrsi %squeeze3A_962, %shift_right_arithmetic3A_963 : i32
    %mul3A_965 = arith.constant 128 : i32
    %mul3A_966 = arith.muli %shift_right_arithmetic3A_964, %mul3A_965 : i32
    %multiple_of3A_967 = tpu.assume_multiple %mul3A_966, 128 : i32
    %dma_start3A_968 = arith.constant 11 : i32
    %dma_start3A_969 = arith.constant 0 : i32
    %dma_start3A_970 = arith.constant 0 : i32
    %dma_start3A_971 = tpu.memref_slice %arg8[%dma_start3A_968, %dma_start3A_969, %dma_start3A_970] : memref<16x32x128xf32, #tpu.memory_space<vmem>> -> memref<1x32x128xf32, #tpu.memory_space<vmem>>
    %dma_start3A_972 = tpu.memref_squeeze %dma_start3A_971 : memref<1x32x128xf32, #tpu.memory_space<vmem>> -> memref<32x128xf32, #tpu.memory_space<vmem>>
    %dma_start3A_973 = arith.constant 0 : i32
    %dma_start3A_974 = tpu.memref_slice %arg4[%dma_start3A_973, %multiple_of3A_967] : memref<32x1000000xf32, #tpu.memory_space<hbm>> -> memref<32x128xf32, #tpu.memory_space<hbm>>
    %dma_start3A_975 = arith.constant 0 : i32
    %dma_start3A_976 = arith.constant 0 : i32
    %dma_start3A_977 = tpu.memref_slice %arg8[%dma_start3A_968, %dma_start3A_975, %dma_start3A_976] : memref<16x32x128xf32, #tpu.memory_space<vmem>> -> memref<1x32x128xf32, #tpu.memory_space<vmem>>
    %dma_start3A_978 = tpu.memref_squeeze %dma_start3A_977 : memref<1x32x128xf32, #tpu.memory_space<vmem>> -> memref<32x128xf32, #tpu.memory_space<vmem>>
    %dma_start3A_979 = arith.constant 0 : i32
    %dma_start3A_980 = tpu.memref_slice %arg4[%dma_start3A_979, %multiple_of3A_967] : memref<32x1000000xf32, #tpu.memory_space<hbm>> -> memref<32x128xf32, #tpu.memory_space<hbm>>
    tpu.enqueue_dma source(%dma_start3A_980 : memref<32x128xf32, #tpu.memory_space<hbm>>) target(%dma_start3A_978 : memref<32x128xf32, #tpu.memory_space<vmem>>) target_semaphore(%arg22 : memref<!tpu.dma_semaphore, #tpu.memory_space<semaphore_mem>>)
    %slice3A_981 = vector.extract_strided_slice %get3A_740 {offsets = [12], sizes = [1], strides = [1]} : vector<16xi32> to vector<1xi32>
    %squeeze3A_982 = vector.extract %slice3A_981[0] : i32 from vector<1xi32>
    %shift_right_arithmetic3A_983 = arith.constant 7 : i32
    %shift_right_arithmetic3A_984 = arith.shrsi %squeeze3A_982, %shift_right_arithmetic3A_983 : i32
    %mul3A_985 = arith.constant 128 : i32
    %mul3A_986 = arith.muli %shift_right_arithmetic3A_984, %mul3A_985 : i32
    %multiple_of3A_987 = tpu.assume_multiple %mul3A_986, 128 : i32
    %dma_start3A_988 = arith.constant 12 : i32
    %dma_start3A_989 = arith.constant 0 : i32
    %dma_start3A_990 = arith.constant 0 : i32
    %dma_start3A_991 = tpu.memref_slice %arg8[%dma_start3A_988, %dma_start3A_989, %dma_start3A_990] : memref<16x32x128xf32, #tpu.memory_space<vmem>> -> memref<1x32x128xf32, #tpu.memory_space<vmem>>
    %dma_start3A_992 = tpu.memref_squeeze %dma_start3A_991 : memref<1x32x128xf32, #tpu.memory_space<vmem>> -> memref<32x128xf32, #tpu.memory_space<vmem>>
    %dma_start3A_993 = arith.constant 0 : i32
    %dma_start3A_994 = tpu.memref_slice %arg4[%dma_start3A_993, %multiple_of3A_987] : memref<32x1000000xf32, #tpu.memory_space<hbm>> -> memref<32x128xf32, #tpu.memory_space<hbm>>
    %dma_start3A_995 = arith.constant 0 : i32
    %dma_start3A_996 = arith.constant 0 : i32
    %dma_start3A_997 = tpu.memref_slice %arg8[%dma_start3A_988, %dma_start3A_995, %dma_start3A_996] : memref<16x32x128xf32, #tpu.memory_space<vmem>> -> memref<1x32x128xf32, #tpu.memory_space<vmem>>
    %dma_start3A_998 = tpu.memref_squeeze %dma_start3A_997 : memref<1x32x128xf32, #tpu.memory_space<vmem>> -> memref<32x128xf32, #tpu.memory_space<vmem>>
    %dma_start3A_999 = arith.constant 0 : i32
    %dma_start3A_1000 = tpu.memref_slice %arg4[%dma_start3A_999, %multiple_of3A_987] : memref<32x1000000xf32, #tpu.memory_space<hbm>> -> memref<32x128xf32, #tpu.memory_space<hbm>>
    tpu.enqueue_dma source(%dma_start3A_1000 : memref<32x128xf32, #tpu.memory_space<hbm>>) target(%dma_start3A_998 : memref<32x128xf32, #tpu.memory_space<vmem>>) target_semaphore(%arg23 : memref<!tpu.dma_semaphore, #tpu.memory_space<semaphore_mem>>)
    %slice3A_1001 = vector.extract_strided_slice %get3A_740 {offsets = [13], sizes = [1], strides = [1]} : vector<16xi32> to vector<1xi32>
    %squeeze3A_1002 = vector.extract %slice3A_1001[0] : i32 from vector<1xi32>
    %shift_right_arithmetic3A_1003 = arith.constant 7 : i32
    %shift_right_arithmetic3A_1004 = arith.shrsi %squeeze3A_1002, %shift_right_arithmetic3A_1003 : i32
    %mul3A_1005 = arith.constant 128 : i32
    %mul3A_1006 = arith.muli %shift_right_arithmetic3A_1004, %mul3A_1005 : i32
    %multiple_of3A_1007 = tpu.assume_multiple %mul3A_1006, 128 : i32
    %dma_start3A_1008 = arith.constant 13 : i32
    %dma_start3A_1009 = arith.constant 0 : i32
    %dma_start3A_1010 = arith.constant 0 : i32
    %dma_start3A_1011 = tpu.memref_slice %arg8[%dma_start3A_1008, %dma_start3A_1009, %dma_start3A_1010] : memref<16x32x128xf32, #tpu.memory_space<vmem>> -> memref<1x32x128xf32, #tpu.memory_space<vmem>>
    %dma_start3A_1012 = tpu.memref_squeeze %dma_start3A_1011 : memref<1x32x128xf32, #tpu.memory_space<vmem>> -> memref<32x128xf32, #tpu.memory_space<vmem>>
    %dma_start3A_1013 = arith.constant 0 : i32
    %dma_start3A_1014 = tpu.memref_slice %arg4[%dma_start3A_1013, %multiple_of3A_1007] : memref<32x1000000xf32, #tpu.memory_space<hbm>> -> memref<32x128xf32, #tpu.memory_space<hbm>>
    %dma_start3A_1015 = arith.constant 0 : i32
    %dma_start3A_1016 = arith.constant 0 : i32
    %dma_start3A_1017 = tpu.memref_slice %arg8[%dma_start3A_1008, %dma_start3A_1015, %dma_start3A_1016] : memref<16x32x128xf32, #tpu.memory_space<vmem>> -> memref<1x32x128xf32, #tpu.memory_space<vmem>>
    %dma_start3A_1018 = tpu.memref_squeeze %dma_start3A_1017 : memref<1x32x128xf32, #tpu.memory_space<vmem>> -> memref<32x128xf32, #tpu.memory_space<vmem>>
    %dma_start3A_1019 = arith.constant 0 : i32
    %dma_start3A_1020 = tpu.memref_slice %arg4[%dma_start3A_1019, %multiple_of3A_1007] : memref<32x1000000xf32, #tpu.memory_space<hbm>> -> memref<32x128xf32, #tpu.memory_space<hbm>>
    tpu.enqueue_dma source(%dma_start3A_1020 : memref<32x128xf32, #tpu.memory_space<hbm>>) target(%dma_start3A_1018 : memref<32x128xf32, #tpu.memory_space<vmem>>) target_semaphore(%arg24 : memref<!tpu.dma_semaphore, #tpu.memory_space<semaphore_mem>>)
    %slice3A_1021 = vector.extract_strided_slice %get3A_740 {offsets = [14], sizes = [1], strides = [1]} : vector<16xi32> to vector<1xi32>
    %squeeze3A_1022 = vector.extract %slice3A_1021[0] : i32 from vector<1xi32>
    %shift_right_arithmetic3A_1023 = arith.constant 7 : i32
    %shift_right_arithmetic3A_1024 = arith.shrsi %squeeze3A_1022, %shift_right_arithmetic3A_1023 : i32
    %mul3A_1025 = arith.constant 128 : i32
    %mul3A_1026 = arith.muli %shift_right_arithmetic3A_1024, %mul3A_1025 : i32
    %multiple_of3A_1027 = tpu.assume_multiple %mul3A_1026, 128 : i32
    %dma_start3A_1028 = arith.constant 14 : i32
    %dma_start3A_1029 = arith.constant 0 : i32
    %dma_start3A_1030 = arith.constant 0 : i32
    %dma_start3A_1031 = tpu.memref_slice %arg8[%dma_start3A_1028, %dma_start3A_1029, %dma_start3A_1030] : memref<16x32x128xf32, #tpu.memory_space<vmem>> -> memref<1x32x128xf32, #tpu.memory_space<vmem>>
    %dma_start3A_1032 = tpu.memref_squeeze %dma_start3A_1031 : memref<1x32x128xf32, #tpu.memory_space<vmem>> -> memref<32x128xf32, #tpu.memory_space<vmem>>
    %dma_start3A_1033 = arith.constant 0 : i32
    %dma_start3A_1034 = tpu.memref_slice %arg4[%dma_start3A_1033, %multiple_of3A_1027] : memref<32x1000000xf32, #tpu.memory_space<hbm>> -> memref<32x128xf32, #tpu.memory_space<hbm>>
    %dma_start3A_1035 = arith.constant 0 : i32
    %dma_start3A_1036 = arith.constant 0 : i32
    %dma_start3A_1037 = tpu.memref_slice %arg8[%dma_start3A_1028, %dma_start3A_1035, %dma_start3A_1036] : memref<16x32x128xf32, #tpu.memory_space<vmem>> -> memref<1x32x128xf32, #tpu.memory_space<vmem>>
    %dma_start3A_1038 = tpu.memref_squeeze %dma_start3A_1037 : memref<1x32x128xf32, #tpu.memory_space<vmem>> -> memref<32x128xf32, #tpu.memory_space<vmem>>
    %dma_start3A_1039 = arith.constant 0 : i32
    %dma_start3A_1040 = tpu.memref_slice %arg4[%dma_start3A_1039, %multiple_of3A_1027] : memref<32x1000000xf32, #tpu.memory_space<hbm>> -> memref<32x128xf32, #tpu.memory_space<hbm>>
    tpu.enqueue_dma source(%dma_start3A_1040 : memref<32x128xf32, #tpu.memory_space<hbm>>) target(%dma_start3A_1038 : memref<32x128xf32, #tpu.memory_space<vmem>>) target_semaphore(%arg25 : memref<!tpu.dma_semaphore, #tpu.memory_space<semaphore_mem>>)
    %slice3A_1041 = vector.extract_strided_slice %get3A_740 {offsets = [15], sizes = [1], strides = [1]} : vector<16xi32> to vector<1xi32>
    %squeeze3A_1042 = vector.extract %slice3A_1041[0] : i32 from vector<1xi32>
    %shift_right_arithmetic3A_1043 = arith.constant 7 : i32
    %shift_right_arithmetic3A_1044 = arith.shrsi %squeeze3A_1042, %shift_right_arithmetic3A_1043 : i32
    %mul3A_1045 = arith.constant 128 : i32
    %mul3A_1046 = arith.muli %shift_right_arithmetic3A_1044, %mul3A_1045 : i32
    %multiple_of3A_1047 = tpu.assume_multiple %mul3A_1046, 128 : i32
    %dma_start3A_1048 = arith.constant 15 : i32
    %dma_start3A_1049 = arith.constant 0 : i32
    %dma_start3A_1050 = arith.constant 0 : i32
    %dma_start3A_1051 = tpu.memref_slice %arg8[%dma_start3A_1048, %dma_start3A_1049, %dma_start3A_1050] : memref<16x32x128xf32, #tpu.memory_space<vmem>> -> memref<1x32x128xf32, #tpu.memory_space<vmem>>
    %dma_start3A_1052 = tpu.memref_squeeze %dma_start3A_1051 : memref<1x32x128xf32, #tpu.memory_space<vmem>> -> memref<32x128xf32, #tpu.memory_space<vmem>>
    %dma_start3A_1053 = arith.constant 0 : i32
    %dma_start3A_1054 = tpu.memref_slice %arg4[%dma_start3A_1053, %multiple_of3A_1047] : memref<32x1000000xf32, #tpu.memory_space<hbm>> -> memref<32x128xf32, #tpu.memory_space<hbm>>
    %dma_start3A_1055 = arith.constant 0 : i32
    %dma_start3A_1056 = arith.constant 0 : i32
    %dma_start3A_1057 = tpu.memref_slice %arg8[%dma_start3A_1048, %dma_start3A_1055, %dma_start3A_1056] : memref<16x32x128xf32, #tpu.memory_space<vmem>> -> memref<1x32x128xf32, #tpu.memory_space<vmem>>
    %dma_start3A_1058 = tpu.memref_squeeze %dma_start3A_1057 : memref<1x32x128xf32, #tpu.memory_space<vmem>> -> memref<32x128xf32, #tpu.memory_space<vmem>>
    %dma_start3A_1059 = arith.constant 0 : i32
    %dma_start3A_1060 = tpu.memref_slice %arg4[%dma_start3A_1059, %multiple_of3A_1047] : memref<32x1000000xf32, #tpu.memory_space<hbm>> -> memref<32x128xf32, #tpu.memory_space<hbm>>
    tpu.enqueue_dma source(%dma_start3A_1060 : memref<32x128xf32, #tpu.memory_space<hbm>>) target(%dma_start3A_1058 : memref<32x128xf32, #tpu.memory_space<vmem>>) target_semaphore(%arg26 : memref<!tpu.dma_semaphore, #tpu.memory_space<semaphore_mem>>)
    %scan3A_1061 = arith.constant 0 : i32
    %scan3A_1062 = arith.constant 1 : i32
    %scan3A_1063 = arith.constant 31 : i32
    %scan3A_1064 = arith.addi %scan3A_1062, %scan3A_1063 : i32
    %scan3A_1065 = arith.constant 1 : i32
    scf.for %scan3A_1487 = %scan3A_1062 to %scan3A_1064 step %scan3A_1065  : i32 {
      %sub3A = arith.constant 1 : i32
      %sub3A_1488 = arith.subi %scan3A_1487, %sub3A : i32
      %mul3A_1489 = arith.constant 16 : i32
      %mul3A_1490 = arith.muli %sub3A_1488, %mul3A_1489 : i32
      %get3A_1491 = arith.index_cast %mul3A_1490 : i32 to index
      %get3A_1492 = tpu.vector_load %arg7[%get3A_1491] {strides = array<i32>} : memref<512xi32, #tpu.memory_space<vmem>>, vector<16xi32>,
      %mul3A_1493 = arith.constant 16 : i32
      %mul3A_1494 = arith.muli %scan3A_1487, %mul3A_1493 : i32
      %get3A_1495 = arith.index_cast %mul3A_1494 : i32 to index
      %get3A_1496 = tpu.vector_load %arg7[%get3A_1495] {strides = array<i32>} : memref<512xi32, #tpu.memory_space<vmem>>, vector<16xi32>,
      %slice3A_1497 = vector.extract_strided_slice %get3A_1492 {offsets = [0], sizes = [1], strides = [1]} : vector<16xi32> to vector<1xi32>
      %squeeze3A_1498 = vector.extract %slice3A_1497[0] : i32 from vector<1xi32>
      %sub3A_1499 = arith.constant 1 : i32
      %sub3A_1500 = arith.subi %scan3A_1487, %sub3A_1499 : i32
      %mul3A_1501 = arith.constant 16 : i32
      %mul3A_1502 = arith.muli %sub3A_1500, %mul3A_1501 : i32
      %add3A_1503 = arith.constant 0 : i32
      %add3A_1504 = arith.addi %mul3A_1502, %add3A_1503 : i32
      %dma_wait3A_1505 = arith.constant 0 : i32
      %dma_wait3A_1506 = arith.constant 0 : i32
      %dma_wait3A_1507 = arith.constant 0 : i32
      %dma_wait3A_1508 = tpu.memref_slice %arg8[%dma_wait3A_1505, %dma_wait3A_1506, %dma_wait3A_1507] : memref<16x32x128xf32, #tpu.memory_space<vmem>> -> memref<1x32x128xf32, #tpu.memory_space<vmem>>
      %dma_wait3A_1509 = tpu.memref_squeeze %dma_wait3A_1508 : memref<1x32x128xf32, #tpu.memory_space<vmem>> -> memref<32x128xf32, #tpu.memory_space<vmem>>
      %dma_wait3A_1510 = arith.constant 0 : i32
      %dma_wait3A_1511 = arith.constant 0 : i32
      %dma_wait3A_1512 = tpu.memref_slice %arg4[%dma_wait3A_1510, %dma_wait3A_1511] : memref<32x1000000xf32, #tpu.memory_space<hbm>> -> memref<32x128xf32, #tpu.memory_space<hbm>>
      %dma_wait3A_1513 = arith.constant 0 : i32
      %dma_wait3A_1514 = arith.constant 0 : i32
      %dma_wait3A_1515 = tpu.memref_slice %arg8[%dma_wait3A_1505, %dma_wait3A_1513, %dma_wait3A_1514] : memref<16x32x128xf32, #tpu.memory_space<vmem>> -> memref<1x32x128xf32, #tpu.memory_space<vmem>>
      %dma_wait3A_1516 = tpu.memref_squeeze %dma_wait3A_1515 : memref<1x32x128xf32, #tpu.memory_space<vmem>> -> memref<32x128xf32, #tpu.memory_space<vmem>>
      %dma_wait3A_1517 = arith.constant 0 : i32
      %dma_wait3A_1518 = arith.constant 0 : i32
      %dma_wait3A_1519 = tpu.memref_slice %arg4[%dma_wait3A_1517, %dma_wait3A_1518] : memref<32x1000000xf32, #tpu.memory_space<hbm>> -> memref<32x128xf32, #tpu.memory_space<hbm>>
      tpu.wait_dma2 semaphore(%arg11 : memref<!tpu.dma_semaphore, #tpu.memory_space<semaphore_mem>>) src(%dma_wait3A_1519 : memref<32x128xf32, #tpu.memory_space<hbm>>) dst(%dma_wait3A_1516 : memref<32x128xf32, #tpu.memory_space<vmem>>)
      %broadcast_in_dim3A_1520 = arith.constant 0 : i32
      %broadcast_in_dim3A_1521 = vector.broadcast %broadcast_in_dim3A_1520 : i32 to vector<16xi32>
      %and3A_1522 = arith.constant 127 : i32
      %and3A_1523 = arith.andi %squeeze3A_1498, %and3A_1522 : i32
      %broadcast_in_dim3A_1524 = vector.broadcast %and3A_1523 : i32 to vector<16xi32>
      %broadcast_in_dim3A_1525 = vector.broadcast %add3A_1504 : i32 to vector<16xi32>
      %gather3A_1526 = tpu.vector_load_idx %arg8[%broadcast_in_dim3A_1521, %iota3A, %broadcast_in_dim3A_1524] : memref<16x32x128xf32, #tpu.memory_space<vmem>>[vector<16xi32>, vector<16xi32>, vector<16xi32>], vector<16xf32>,
      %gather3A_1527 = tpu.vector_load_idx %arg8[%broadcast_in_dim3A_1521, %add3A_3, %broadcast_in_dim3A_1524] : memref<16x32x128xf32, #tpu.memory_space<vmem>>[vector<16xi32>, vector<16xi32>, vector<16xi32>], vector<16xf32>,
      tpu.vector_store_idx %arg10[%iota3A, %broadcast_in_dim3A_1525], %gather3A_1526 : memref<32x512xf32, #tpu.memory_space<vmem>>[vector<16xi32>, vector<16xi32>], vector<16xf32>,
      tpu.vector_store_idx %arg10[%add3A_3, %broadcast_in_dim3A_1525], %gather3A_1527 : memref<32x512xf32, #tpu.memory_space<vmem>>[vector<16xi32>, vector<16xi32>], vector<16xf32>,
      %slice3A_1528 = vector.extract_strided_slice %get3A_1496 {offsets = [0], sizes = [1], strides = [1]} : vector<16xi32> to vector<1xi32>
      %squeeze3A_1529 = vector.extract %slice3A_1528[0] : i32 from vector<1xi32>
      %shift_right_arithmetic3A_1530 = arith.constant 7 : i32
      %shift_right_arithmetic3A_1531 = arith.shrsi %squeeze3A_1529, %shift_right_arithmetic3A_1530 : i32
      %mul3A_1532 = arith.constant 128 : i32
      %mul3A_1533 = arith.muli %shift_right_arithmetic3A_1531, %mul3A_1532 : i32
      %multiple_of3A_1534 = tpu.assume_multiple %mul3A_1533, 128 : i32
      %dma_start3A_1535 = arith.constant 0 : i32
      %dma_start3A_1536 = arith.constant 0 : i32
      %dma_start3A_1537 = arith.constant 0 : i32
      %dma_start3A_1538 = tpu.memref_slice %arg8[%dma_start3A_1535, %dma_start3A_1536, %dma_start3A_1537] : memref<16x32x128xf32, #tpu.memory_space<vmem>> -> memref<1x32x128xf32, #tpu.memory_space<vmem>>
      %dma_start3A_1539 = tpu.memref_squeeze %dma_start3A_1538 : memref<1x32x128xf32, #tpu.memory_space<vmem>> -> memref<32x128xf32, #tpu.memory_space<vmem>>
      %dma_start3A_1540 = arith.constant 0 : i32
      %dma_start3A_1541 = tpu.memref_slice %arg4[%dma_start3A_1540, %multiple_of3A_1534] : memref<32x1000000xf32, #tpu.memory_space<hbm>> -> memref<32x128xf32, #tpu.memory_space<hbm>>
      %dma_start3A_1542 = arith.constant 0 : i32
      %dma_start3A_1543 = arith.constant 0 : i32
      %dma_start3A_1544 = tpu.memref_slice %arg8[%dma_start3A_1535, %dma_start3A_1542, %dma_start3A_1543] : memref<16x32x128xf32, #tpu.memory_space<vmem>> -> memref<1x32x128xf32, #tpu.memory_space<vmem>>
      %dma_start3A_1545 = tpu.memref_squeeze %dma_start3A_1544 : memref<1x32x128xf32, #tpu.memory_space<vmem>> -> memref<32x128xf32, #tpu.memory_space<vmem>>
      %dma_start3A_1546 = arith.constant 0 : i32
      %dma_start3A_1547 = tpu.memref_slice %arg4[%dma_start3A_1546, %multiple_of3A_1534] : memref<32x1000000xf32, #tpu.memory_space<hbm>> -> memref<32x128xf32, #tpu.memory_space<hbm>>
      tpu.enqueue_dma source(%dma_start3A_1547 : memref<32x128xf32, #tpu.memory_space<hbm>>) target(%dma_start3A_1545 : memref<32x128xf32, #tpu.memory_space<vmem>>) target_semaphore(%arg11 : memref<!tpu.dma_semaphore, #tpu.memory_space<semaphore_mem>>)
      %slice3A_1548 = vector.extract_strided_slice %get3A_1492 {offsets = [1], sizes = [1], strides = [1]} : vector<16xi32> to vector<1xi32>
      %squeeze3A_1549 = vector.extract %slice3A_1548[0] : i32 from vector<1xi32>
      %sub3A_1550 = arith.constant 1 : i32
      %sub3A_1551 = arith.subi %scan3A_1487, %sub3A_1550 : i32
      %mul3A_1552 = arith.constant 16 : i32
      %mul3A_1553 = arith.muli %sub3A_1551, %mul3A_1552 : i32
      %add3A_1554 = arith.constant 1 : i32
      %add3A_1555 = arith.addi %mul3A_1553, %add3A_1554 : i32
      %dma_wait3A_1556 = arith.constant 1 : i32
      %dma_wait3A_1557 = arith.constant 0 : i32
      %dma_wait3A_1558 = arith.constant 0 : i32
      %dma_wait3A_1559 = tpu.memref_slice %arg8[%dma_wait3A_1556, %dma_wait3A_1557, %dma_wait3A_1558] : memref<16x32x128xf32, #tpu.memory_space<vmem>> -> memref<1x32x128xf32, #tpu.memory_space<vmem>>
      %dma_wait3A_1560 = tpu.memref_squeeze %dma_wait3A_1559 : memref<1x32x128xf32, #tpu.memory_space<vmem>> -> memref<32x128xf32, #tpu.memory_space<vmem>>
      %dma_wait3A_1561 = arith.constant 0 : i32
      %dma_wait3A_1562 = arith.constant 0 : i32
      %dma_wait3A_1563 = tpu.memref_slice %arg4[%dma_wait3A_1561, %dma_wait3A_1562] : memref<32x1000000xf32, #tpu.memory_space<hbm>> -> memref<32x128xf32, #tpu.memory_space<hbm>>
      %dma_wait3A_1564 = arith.constant 0 : i32
      %dma_wait3A_1565 = arith.constant 0 : i32
      %dma_wait3A_1566 = tpu.memref_slice %arg8[%dma_wait3A_1556, %dma_wait3A_1564, %dma_wait3A_1565] : memref<16x32x128xf32, #tpu.memory_space<vmem>> -> memref<1x32x128xf32, #tpu.memory_space<vmem>>
      %dma_wait3A_1567 = tpu.memref_squeeze %dma_wait3A_1566 : memref<1x32x128xf32, #tpu.memory_space<vmem>> -> memref<32x128xf32, #tpu.memory_space<vmem>>
      %dma_wait3A_1568 = arith.constant 0 : i32
      %dma_wait3A_1569 = arith.constant 0 : i32
      %dma_wait3A_1570 = tpu.memref_slice %arg4[%dma_wait3A_1568, %dma_wait3A_1569] : memref<32x1000000xf32, #tpu.memory_space<hbm>> -> memref<32x128xf32, #tpu.memory_space<hbm>>
      tpu.wait_dma2 semaphore(%arg12 : memref<!tpu.dma_semaphore, #tpu.memory_space<semaphore_mem>>) src(%dma_wait3A_1570 : memref<32x128xf32, #tpu.memory_space<hbm>>) dst(%dma_wait3A_1567 : memref<32x128xf32, #tpu.memory_space<vmem>>)
      %broadcast_in_dim3A_1571 = arith.constant 1 : i32
      %broadcast_in_dim3A_1572 = vector.broadcast %broadcast_in_dim3A_1571 : i32 to vector<16xi32>
      %and3A_1573 = arith.constant 127 : i32
      %and3A_1574 = arith.andi %squeeze3A_1549, %and3A_1573 : i32
      %broadcast_in_dim3A_1575 = vector.broadcast %and3A_1574 : i32 to vector<16xi32>
      %broadcast_in_dim3A_1576 = vector.broadcast %add3A_1555 : i32 to vector<16xi32>
      %gather3A_1577 = tpu.vector_load_idx %arg8[%broadcast_in_dim3A_1572, %iota3A, %broadcast_in_dim3A_1575] : memref<16x32x128xf32, #tpu.memory_space<vmem>>[vector<16xi32>, vector<16xi32>, vector<16xi32>], vector<16xf32>,
      %gather3A_1578 = tpu.vector_load_idx %arg8[%broadcast_in_dim3A_1572, %add3A_3, %broadcast_in_dim3A_1575] : memref<16x32x128xf32, #tpu.memory_space<vmem>>[vector<16xi32>, vector<16xi32>, vector<16xi32>], vector<16xf32>,
      tpu.vector_store_idx %arg10[%iota3A, %broadcast_in_dim3A_1576], %gather3A_1577 : memref<32x512xf32, #tpu.memory_space<vmem>>[vector<16xi32>, vector<16xi32>], vector<16xf32>,
      tpu.vector_store_idx %arg10[%add3A_3, %broadcast_in_dim3A_1576], %gather3A_1578 : memref<32x512xf32, #tpu.memory_space<vmem>>[vector<16xi32>, vector<16xi32>], vector<16xf32>,
      %slice3A_1579 = vector.extract_strided_slice %get3A_1496 {offsets = [1], sizes = [1], strides = [1]} : vector<16xi32> to vector<1xi32>
      %squeeze3A_1580 = vector.extract %slice3A_1579[0] : i32 from vector<1xi32>
      %shift_right_arithmetic3A_1581 = arith.constant 7 : i32
      %shift_right_arithmetic3A_1582 = arith.shrsi %squeeze3A_1580, %shift_right_arithmetic3A_1581 : i32
      %mul3A_1583 = arith.constant 128 : i32
      %mul3A_1584 = arith.muli %shift_right_arithmetic3A_1582, %mul3A_1583 : i32
      %multiple_of3A_1585 = tpu.assume_multiple %mul3A_1584, 128 : i32
      %dma_start3A_1586 = arith.constant 1 : i32
      %dma_start3A_1587 = arith.constant 0 : i32
      %dma_start3A_1588 = arith.constant 0 : i32
      %dma_start3A_1589 = tpu.memref_slice %arg8[%dma_start3A_1586, %dma_start3A_1587, %dma_start3A_1588] : memref<16x32x128xf32, #tpu.memory_space<vmem>> -> memref<1x32x128xf32, #tpu.memory_space<vmem>>
      %dma_start3A_1590 = tpu.memref_squeeze %dma_start3A_1589 : memref<1x32x128xf32, #tpu.memory_space<vmem>> -> memref<32x128xf32, #tpu.memory_space<vmem>>
      %dma_start3A_1591 = arith.constant 0 : i32
      %dma_start3A_1592 = tpu.memref_slice %arg4[%dma_start3A_1591, %multiple_of3A_1585] : memref<32x1000000xf32, #tpu.memory_space<hbm>> -> memref<32x128xf32, #tpu.memory_space<hbm>>
      %dma_start3A_1593 = arith.constant 0 : i32
      %dma_start3A_1594 = arith.constant 0 : i32
      %dma_start3A_1595 = tpu.memref_slice %arg8[%dma_start3A_1586, %dma_start3A_1593, %dma_start3A_1594] : memref<16x32x128xf32, #tpu.memory_space<vmem>> -> memref<1x32x128xf32, #tpu.memory_space<vmem>>
      %dma_start3A_1596 = tpu.memref_squeeze %dma_start3A_1595 : memref<1x32x128xf32, #tpu.memory_space<vmem>> -> memref<32x128xf32, #tpu.memory_space<vmem>>
      %dma_start3A_1597 = arith.constant 0 : i32
      %dma_start3A_1598 = tpu.memref_slice %arg4[%dma_start3A_1597, %multiple_of3A_1585] : memref<32x1000000xf32, #tpu.memory_space<hbm>> -> memref<32x128xf32, #tpu.memory_space<hbm>>
      tpu.enqueue_dma source(%dma_start3A_1598 : memref<32x128xf32, #tpu.memory_space<hbm>>) target(%dma_start3A_1596 : memref<32x128xf32, #tpu.memory_space<vmem>>) target_semaphore(%arg12 : memref<!tpu.dma_semaphore, #tpu.memory_space<semaphore_mem>>)
      %slice3A_1599 = vector.extract_strided_slice %get3A_1492 {offsets = [2], sizes = [1], strides = [1]} : vector<16xi32> to vector<1xi32>
      %squeeze3A_1600 = vector.extract %slice3A_1599[0] : i32 from vector<1xi32>
      %sub3A_1601 = arith.constant 1 : i32
      %sub3A_1602 = arith.subi %scan3A_1487, %sub3A_1601 : i32
      %mul3A_1603 = arith.constant 16 : i32
      %mul3A_1604 = arith.muli %sub3A_1602, %mul3A_1603 : i32
      %add3A_1605 = arith.constant 2 : i32
      %add3A_1606 = arith.addi %mul3A_1604, %add3A_1605 : i32
      %dma_wait3A_1607 = arith.constant 2 : i32
      %dma_wait3A_1608 = arith.constant 0 : i32
      %dma_wait3A_1609 = arith.constant 0 : i32
      %dma_wait3A_1610 = tpu.memref_slice %arg8[%dma_wait3A_1607, %dma_wait3A_1608, %dma_wait3A_1609] : memref<16x32x128xf32, #tpu.memory_space<vmem>> -> memref<1x32x128xf32, #tpu.memory_space<vmem>>
      %dma_wait3A_1611 = tpu.memref_squeeze %dma_wait3A_1610 : memref<1x32x128xf32, #tpu.memory_space<vmem>> -> memref<32x128xf32, #tpu.memory_space<vmem>>
      %dma_wait3A_1612 = arith.constant 0 : i32
      %dma_wait3A_1613 = arith.constant 0 : i32
      %dma_wait3A_1614 = tpu.memref_slice %arg4[%dma_wait3A_1612, %dma_wait3A_1613] : memref<32x1000000xf32, #tpu.memory_space<hbm>> -> memref<32x128xf32, #tpu.memory_space<hbm>>
      %dma_wait3A_1615 = arith.constant 0 : i32
      %dma_wait3A_1616 = arith.constant 0 : i32
      %dma_wait3A_1617 = tpu.memref_slice %arg8[%dma_wait3A_1607, %dma_wait3A_1615, %dma_wait3A_1616] : memref<16x32x128xf32, #tpu.memory_space<vmem>> -> memref<1x32x128xf32, #tpu.memory_space<vmem>>
      %dma_wait3A_1618 = tpu.memref_squeeze %dma_wait3A_1617 : memref<1x32x128xf32, #tpu.memory_space<vmem>> -> memref<32x128xf32, #tpu.memory_space<vmem>>
      %dma_wait3A_1619 = arith.constant 0 : i32
      %dma_wait3A_1620 = arith.constant 0 : i32
      %dma_wait3A_1621 = tpu.memref_slice %arg4[%dma_wait3A_1619, %dma_wait3A_1620] : memref<32x1000000xf32, #tpu.memory_space<hbm>> -> memref<32x128xf32, #tpu.memory_space<hbm>>
      tpu.wait_dma2 semaphore(%arg13 : memref<!tpu.dma_semaphore, #tpu.memory_space<semaphore_mem>>) src(%dma_wait3A_1621 : memref<32x128xf32, #tpu.memory_space<hbm>>) dst(%dma_wait3A_1618 : memref<32x128xf32, #tpu.memory_space<vmem>>)
      %broadcast_in_dim3A_1622 = arith.constant 2 : i32
      %broadcast_in_dim3A_1623 = vector.broadcast %broadcast_in_dim3A_1622 : i32 to vector<16xi32>
      %and3A_1624 = arith.constant 127 : i32
      %and3A_1625 = arith.andi %squeeze3A_1600, %and3A_1624 : i32
      %broadcast_in_dim3A_1626 = vector.broadcast %and3A_1625 : i32 to vector<16xi32>
      %broadcast_in_dim3A_1627 = vector.broadcast %add3A_1606 : i32 to vector<16xi32>
      %gather3A_1628 = tpu.vector_load_idx %arg8[%broadcast_in_dim3A_1623, %iota3A, %broadcast_in_dim3A_1626] : memref<16x32x128xf32, #tpu.memory_space<vmem>>[vector<16xi32>, vector<16xi32>, vector<16xi32>], vector<16xf32>,
      %gather3A_1629 = tpu.vector_load_idx %arg8[%broadcast_in_dim3A_1623, %add3A_3, %broadcast_in_dim3A_1626] : memref<16x32x128xf32, #tpu.memory_space<vmem>>[vector<16xi32>, vector<16xi32>, vector<16xi32>], vector<16xf32>,
      tpu.vector_store_idx %arg10[%iota3A, %broadcast_in_dim3A_1627], %gather3A_1628 : memref<32x512xf32, #tpu.memory_space<vmem>>[vector<16xi32>, vector<16xi32>], vector<16xf32>,
      tpu.vector_store_idx %arg10[%add3A_3, %broadcast_in_dim3A_1627], %gather3A_1629 : memref<32x512xf32, #tpu.memory_space<vmem>>[vector<16xi32>, vector<16xi32>], vector<16xf32>,
      %slice3A_1630 = vector.extract_strided_slice %get3A_1496 {offsets = [2], sizes = [1], strides = [1]} : vector<16xi32> to vector<1xi32>
      %squeeze3A_1631 = vector.extract %slice3A_1630[0] : i32 from vector<1xi32>
      %shift_right_arithmetic3A_1632 = arith.constant 7 : i32
      %shift_right_arithmetic3A_1633 = arith.shrsi %squeeze3A_1631, %shift_right_arithmetic3A_1632 : i32
      %mul3A_1634 = arith.constant 128 : i32
      %mul3A_1635 = arith.muli %shift_right_arithmetic3A_1633, %mul3A_1634 : i32
      %multiple_of3A_1636 = tpu.assume_multiple %mul3A_1635, 128 : i32
      %dma_start3A_1637 = arith.constant 2 : i32
      %dma_start3A_1638 = arith.constant 0 : i32
      %dma_start3A_1639 = arith.constant 0 : i32
      %dma_start3A_1640 = tpu.memref_slice %arg8[%dma_start3A_1637, %dma_start3A_1638, %dma_start3A_1639] : memref<16x32x128xf32, #tpu.memory_space<vmem>> -> memref<1x32x128xf32, #tpu.memory_space<vmem>>
      %dma_start3A_1641 = tpu.memref_squeeze %dma_start3A_1640 : memref<1x32x128xf32, #tpu.memory_space<vmem>> -> memref<32x128xf32, #tpu.memory_space<vmem>>
      %dma_start3A_1642 = arith.constant 0 : i32
      %dma_start3A_1643 = tpu.memref_slice %arg4[%dma_start3A_1642, %multiple_of3A_1636] : memref<32x1000000xf32, #tpu.memory_space<hbm>> -> memref<32x128xf32, #tpu.memory_space<hbm>>
      %dma_start3A_1644 = arith.constant 0 : i32
      %dma_start3A_1645 = arith.constant 0 : i32
      %dma_start3A_1646 = tpu.memref_slice %arg8[%dma_start3A_1637, %dma_start3A_1644, %dma_start3A_1645] : memref<16x32x128xf32, #tpu.memory_space<vmem>> -> memref<1x32x128xf32, #tpu.memory_space<vmem>>
      %dma_start3A_1647 = tpu.memref_squeeze %dma_start3A_1646 : memref<1x32x128xf32, #tpu.memory_space<vmem>> -> memref<32x128xf32, #tpu.memory_space<vmem>>
      %dma_start3A_1648 = arith.constant 0 : i32
      %dma_start3A_1649 = tpu.memref_slice %arg4[%dma_start3A_1648, %multiple_of3A_1636] : memref<32x1000000xf32, #tpu.memory_space<hbm>> -> memref<32x128xf32, #tpu.memory_space<hbm>>
      tpu.enqueue_dma source(%dma_start3A_1649 : memref<32x128xf32, #tpu.memory_space<hbm>>) target(%dma_start3A_1647 : memref<32x128xf32, #tpu.memory_space<vmem>>) target_semaphore(%arg13 : memref<!tpu.dma_semaphore, #tpu.memory_space<semaphore_mem>>)
      %slice3A_1650 = vector.extract_strided_slice %get3A_1492 {offsets = [3], sizes = [1], strides = [1]} : vector<16xi32> to vector<1xi32>
      %squeeze3A_1651 = vector.extract %slice3A_1650[0] : i32 from vector<1xi32>
      %sub3A_1652 = arith.constant 1 : i32
      %sub3A_1653 = arith.subi %scan3A_1487, %sub3A_1652 : i32
      %mul3A_1654 = arith.constant 16 : i32
      %mul3A_1655 = arith.muli %sub3A_1653, %mul3A_1654 : i32
      %add3A_1656 = arith.constant 3 : i32
      %add3A_1657 = arith.addi %mul3A_1655, %add3A_1656 : i32
      %dma_wait3A_1658 = arith.constant 3 : i32
      %dma_wait3A_1659 = arith.constant 0 : i32
      %dma_wait3A_1660 = arith.constant 0 : i32
      %dma_wait3A_1661 = tpu.memref_slice %arg8[%dma_wait3A_1658, %dma_wait3A_1659, %dma_wait3A_1660] : memref<16x32x128xf32, #tpu.memory_space<vmem>> -> memref<1x32x128xf32, #tpu.memory_space<vmem>>
      %dma_wait3A_1662 = tpu.memref_squeeze %dma_wait3A_1661 : memref<1x32x128xf32, #tpu.memory_space<vmem>> -> memref<32x128xf32, #tpu.memory_space<vmem>>
      %dma_wait3A_1663 = arith.constant 0 : i32
      %dma_wait3A_1664 = arith.constant 0 : i32
      %dma_wait3A_1665 = tpu.memref_slice %arg4[%dma_wait3A_1663, %dma_wait3A_1664] : memref<32x1000000xf32, #tpu.memory_space<hbm>> -> memref<32x128xf32, #tpu.memory_space<hbm>>
      %dma_wait3A_1666 = arith.constant 0 : i32
      %dma_wait3A_1667 = arith.constant 0 : i32
      %dma_wait3A_1668 = tpu.memref_slice %arg8[%dma_wait3A_1658, %dma_wait3A_1666, %dma_wait3A_1667] : memref<16x32x128xf32, #tpu.memory_space<vmem>> -> memref<1x32x128xf32, #tpu.memory_space<vmem>>
      %dma_wait3A_1669 = tpu.memref_squeeze %dma_wait3A_1668 : memref<1x32x128xf32, #tpu.memory_space<vmem>> -> memref<32x128xf32, #tpu.memory_space<vmem>>
      %dma_wait3A_1670 = arith.constant 0 : i32
      %dma_wait3A_1671 = arith.constant 0 : i32
      %dma_wait3A_1672 = tpu.memref_slice %arg4[%dma_wait3A_1670, %dma_wait3A_1671] : memref<32x1000000xf32, #tpu.memory_space<hbm>> -> memref<32x128xf32, #tpu.memory_space<hbm>>
      tpu.wait_dma2 semaphore(%arg14 : memref<!tpu.dma_semaphore, #tpu.memory_space<semaphore_mem>>) src(%dma_wait3A_1672 : memref<32x128xf32, #tpu.memory_space<hbm>>) dst(%dma_wait3A_1669 : memref<32x128xf32, #tpu.memory_space<vmem>>)
      %broadcast_in_dim3A_1673 = arith.constant 3 : i32
      %broadcast_in_dim3A_1674 = vector.broadcast %broadcast_in_dim3A_1673 : i32 to vector<16xi32>
      %and3A_1675 = arith.constant 127 : i32
      %and3A_1676 = arith.andi %squeeze3A_1651, %and3A_1675 : i32
      %broadcast_in_dim3A_1677 = vector.broadcast %and3A_1676 : i32 to vector<16xi32>
      %broadcast_in_dim3A_1678 = vector.broadcast %add3A_1657 : i32 to vector<16xi32>
      %gather3A_1679 = tpu.vector_load_idx %arg8[%broadcast_in_dim3A_1674, %iota3A, %broadcast_in_dim3A_1677] : memref<16x32x128xf32, #tpu.memory_space<vmem>>[vector<16xi32>, vector<16xi32>, vector<16xi32>], vector<16xf32>,
      %gather3A_1680 = tpu.vector_load_idx %arg8[%broadcast_in_dim3A_1674, %add3A_3, %broadcast_in_dim3A_1677] : memref<16x32x128xf32, #tpu.memory_space<vmem>>[vector<16xi32>, vector<16xi32>, vector<16xi32>], vector<16xf32>,
      tpu.vector_store_idx %arg10[%iota3A, %broadcast_in_dim3A_1678], %gather3A_1679 : memref<32x512xf32, #tpu.memory_space<vmem>>[vector<16xi32>, vector<16xi32>], vector<16xf32>,
      tpu.vector_store_idx %arg10[%add3A_3, %broadcast_in_dim3A_1678], %gather3A_1680 : memref<32x512xf32, #tpu.memory_space<vmem>>[vector<16xi32>, vector<16xi32>], vector<16xf32>,
      %slice3A_1681 = vector.extract_strided_slice %get3A_1496 {offsets = [3], sizes = [1], strides = [1]} : vector<16xi32> to vector<1xi32>
      %squeeze3A_1682 = vector.extract %slice3A_1681[0] : i32 from vector<1xi32>
      %shift_right_arithmetic3A_1683 = arith.constant 7 : i32
      %shift_right_arithmetic3A_1684 = arith.shrsi %squeeze3A_1682, %shift_right_arithmetic3A_1683 : i32
      %mul3A_1685 = arith.constant 128 : i32
      %mul3A_1686 = arith.muli %shift_right_arithmetic3A_1684, %mul3A_1685 : i32
      %multiple_of3A_1687 = tpu.assume_multiple %mul3A_1686, 128 : i32
      %dma_start3A_1688 = arith.constant 3 : i32
      %dma_start3A_1689 = arith.constant 0 : i32
      %dma_start3A_1690 = arith.constant 0 : i32
      %dma_start3A_1691 = tpu.memref_slice %arg8[%dma_start3A_1688, %dma_start3A_1689, %dma_start3A_1690] : memref<16x32x128xf32, #tpu.memory_space<vmem>> -> memref<1x32x128xf32, #tpu.memory_space<vmem>>
      %dma_start3A_1692 = tpu.memref_squeeze %dma_start3A_1691 : memref<1x32x128xf32, #tpu.memory_space<vmem>> -> memref<32x128xf32, #tpu.memory_space<vmem>>
      %dma_start3A_1693 = arith.constant 0 : i32
      %dma_start3A_1694 = tpu.memref_slice %arg4[%dma_start3A_1693, %multiple_of3A_1687] : memref<32x1000000xf32, #tpu.memory_space<hbm>> -> memref<32x128xf32, #tpu.memory_space<hbm>>
      %dma_start3A_1695 = arith.constant 0 : i32
      %dma_start3A_1696 = arith.constant 0 : i32
      %dma_start3A_1697 = tpu.memref_slice %arg8[%dma_start3A_1688, %dma_start3A_1695, %dma_start3A_1696] : memref<16x32x128xf32, #tpu.memory_space<vmem>> -> memref<1x32x128xf32, #tpu.memory_space<vmem>>
      %dma_start3A_1698 = tpu.memref_squeeze %dma_start3A_1697 : memref<1x32x128xf32, #tpu.memory_space<vmem>> -> memref<32x128xf32, #tpu.memory_space<vmem>>
      %dma_start3A_1699 = arith.constant 0 : i32
      %dma_start3A_1700 = tpu.memref_slice %arg4[%dma_start3A_1699, %multiple_of3A_1687] : memref<32x1000000xf32, #tpu.memory_space<hbm>> -> memref<32x128xf32, #tpu.memory_space<hbm>>
      tpu.enqueue_dma source(%dma_start3A_1700 : memref<32x128xf32, #tpu.memory_space<hbm>>) target(%dma_start3A_1698 : memref<32x128xf32, #tpu.memory_space<vmem>>) target_semaphore(%arg14 : memref<!tpu.dma_semaphore, #tpu.memory_space<semaphore_mem>>)
      %slice3A_1701 = vector.extract_strided_slice %get3A_1492 {offsets = [4], sizes = [1], strides = [1]} : vector<16xi32> to vector<1xi32>
      %squeeze3A_1702 = vector.extract %slice3A_1701[0] : i32 from vector<1xi32>
      %sub3A_1703 = arith.constant 1 : i32
      %sub3A_1704 = arith.subi %scan3A_1487, %sub3A_1703 : i32
      %mul3A_1705 = arith.constant 16 : i32
      %mul3A_1706 = arith.muli %sub3A_1704, %mul3A_1705 : i32
      %add3A_1707 = arith.constant 4 : i32
      %add3A_1708 = arith.addi %mul3A_1706, %add3A_1707 : i32
      %dma_wait3A_1709 = arith.constant 4 : i32
      %dma_wait3A_1710 = arith.constant 0 : i32
      %dma_wait3A_1711 = arith.constant 0 : i32
      %dma_wait3A_1712 = tpu.memref_slice %arg8[%dma_wait3A_1709, %dma_wait3A_1710, %dma_wait3A_1711] : memref<16x32x128xf32, #tpu.memory_space<vmem>> -> memref<1x32x128xf32, #tpu.memory_space<vmem>>
      %dma_wait3A_1713 = tpu.memref_squeeze %dma_wait3A_1712 : memref<1x32x128xf32, #tpu.memory_space<vmem>> -> memref<32x128xf32, #tpu.memory_space<vmem>>
      %dma_wait3A_1714 = arith.constant 0 : i32
      %dma_wait3A_1715 = arith.constant 0 : i32
      %dma_wait3A_1716 = tpu.memref_slice %arg4[%dma_wait3A_1714, %dma_wait3A_1715] : memref<32x1000000xf32, #tpu.memory_space<hbm>> -> memref<32x128xf32, #tpu.memory_space<hbm>>
      %dma_wait3A_1717 = arith.constant 0 : i32
      %dma_wait3A_1718 = arith.constant 0 : i32
      %dma_wait3A_1719 = tpu.memref_slice %arg8[%dma_wait3A_1709, %dma_wait3A_1717, %dma_wait3A_1718] : memref<16x32x128xf32, #tpu.memory_space<vmem>> -> memref<1x32x128xf32, #tpu.memory_space<vmem>>
      %dma_wait3A_1720 = tpu.memref_squeeze %dma_wait3A_1719 : memref<1x32x128xf32, #tpu.memory_space<vmem>> -> memref<32x128xf32, #tpu.memory_space<vmem>>
      %dma_wait3A_1721 = arith.constant 0 : i32
      %dma_wait3A_1722 = arith.constant 0 : i32
      %dma_wait3A_1723 = tpu.memref_slice %arg4[%dma_wait3A_1721, %dma_wait3A_1722] : memref<32x1000000xf32, #tpu.memory_space<hbm>> -> memref<32x128xf32, #tpu.memory_space<hbm>>
      tpu.wait_dma2 semaphore(%arg15 : memref<!tpu.dma_semaphore, #tpu.memory_space<semaphore_mem>>) src(%dma_wait3A_1723 : memref<32x128xf32, #tpu.memory_space<hbm>>) dst(%dma_wait3A_1720 : memref<32x128xf32, #tpu.memory_space<vmem>>)
      %broadcast_in_dim3A_1724 = arith.constant 4 : i32
      %broadcast_in_dim3A_1725 = vector.broadcast %broadcast_in_dim3A_1724 : i32 to vector<16xi32>
      %and3A_1726 = arith.constant 127 : i32
      %and3A_1727 = arith.andi %squeeze3A_1702, %and3A_1726 : i32
      %broadcast_in_dim3A_1728 = vector.broadcast %and3A_1727 : i32 to vector<16xi32>
      %broadcast_in_dim3A_1729 = vector.broadcast %add3A_1708 : i32 to vector<16xi32>
      %gather3A_1730 = tpu.vector_load_idx %arg8[%broadcast_in_dim3A_1725, %iota3A, %broadcast_in_dim3A_1728] : memref<16x32x128xf32, #tpu.memory_space<vmem>>[vector<16xi32>, vector<16xi32>, vector<16xi32>], vector<16xf32>,
      %gather3A_1731 = tpu.vector_load_idx %arg8[%broadcast_in_dim3A_1725, %add3A_3, %broadcast_in_dim3A_1728] : memref<16x32x128xf32, #tpu.memory_space<vmem>>[vector<16xi32>, vector<16xi32>, vector<16xi32>], vector<16xf32>,
      tpu.vector_store_idx %arg10[%iota3A, %broadcast_in_dim3A_1729], %gather3A_1730 : memref<32x512xf32, #tpu.memory_space<vmem>>[vector<16xi32>, vector<16xi32>], vector<16xf32>,
      tpu.vector_store_idx %arg10[%add3A_3, %broadcast_in_dim3A_1729], %gather3A_1731 : memref<32x512xf32, #tpu.memory_space<vmem>>[vector<16xi32>, vector<16xi32>], vector<16xf32>,
      %slice3A_1732 = vector.extract_strided_slice %get3A_1496 {offsets = [4], sizes = [1], strides = [1]} : vector<16xi32> to vector<1xi32>
      %squeeze3A_1733 = vector.extract %slice3A_1732[0] : i32 from vector<1xi32>
      %shift_right_arithmetic3A_1734 = arith.constant 7 : i32
      %shift_right_arithmetic3A_1735 = arith.shrsi %squeeze3A_1733, %shift_right_arithmetic3A_1734 : i32
      %mul3A_1736 = arith.constant 128 : i32
      %mul3A_1737 = arith.muli %shift_right_arithmetic3A_1735, %mul3A_1736 : i32
      %multiple_of3A_1738 = tpu.assume_multiple %mul3A_1737, 128 : i32
      %dma_start3A_1739 = arith.constant 4 : i32
      %dma_start3A_1740 = arith.constant 0 : i32
      %dma_start3A_1741 = arith.constant 0 : i32
      %dma_start3A_1742 = tpu.memref_slice %arg8[%dma_start3A_1739, %dma_start3A_1740, %dma_start3A_1741] : memref<16x32x128xf32, #tpu.memory_space<vmem>> -> memref<1x32x128xf32, #tpu.memory_space<vmem>>
      %dma_start3A_1743 = tpu.memref_squeeze %dma_start3A_1742 : memref<1x32x128xf32, #tpu.memory_space<vmem>> -> memref<32x128xf32, #tpu.memory_space<vmem>>
      %dma_start3A_1744 = arith.constant 0 : i32
      %dma_start3A_1745 = tpu.memref_slice %arg4[%dma_start3A_1744, %multiple_of3A_1738] : memref<32x1000000xf32, #tpu.memory_space<hbm>> -> memref<32x128xf32, #tpu.memory_space<hbm>>
      %dma_start3A_1746 = arith.constant 0 : i32
      %dma_start3A_1747 = arith.constant 0 : i32
      %dma_start3A_1748 = tpu.memref_slice %arg8[%dma_start3A_1739, %dma_start3A_1746, %dma_start3A_1747] : memref<16x32x128xf32, #tpu.memory_space<vmem>> -> memref<1x32x128xf32, #tpu.memory_space<vmem>>
      %dma_start3A_1749 = tpu.memref_squeeze %dma_start3A_1748 : memref<1x32x128xf32, #tpu.memory_space<vmem>> -> memref<32x128xf32, #tpu.memory_space<vmem>>
      %dma_start3A_1750 = arith.constant 0 : i32
      %dma_start3A_1751 = tpu.memref_slice %arg4[%dma_start3A_1750, %multiple_of3A_1738] : memref<32x1000000xf32, #tpu.memory_space<hbm>> -> memref<32x128xf32, #tpu.memory_space<hbm>>
      tpu.enqueue_dma source(%dma_start3A_1751 : memref<32x128xf32, #tpu.memory_space<hbm>>) target(%dma_start3A_1749 : memref<32x128xf32, #tpu.memory_space<vmem>>) target_semaphore(%arg15 : memref<!tpu.dma_semaphore, #tpu.memory_space<semaphore_mem>>)
      %slice3A_1752 = vector.extract_strided_slice %get3A_1492 {offsets = [5], sizes = [1], strides = [1]} : vector<16xi32> to vector<1xi32>
      %squeeze3A_1753 = vector.extract %slice3A_1752[0] : i32 from vector<1xi32>
      %sub3A_1754 = arith.constant 1 : i32
      %sub3A_1755 = arith.subi %scan3A_1487, %sub3A_1754 : i32
      %mul3A_1756 = arith.constant 16 : i32
      %mul3A_1757 = arith.muli %sub3A_1755, %mul3A_1756 : i32
      %add3A_1758 = arith.constant 5 : i32
      %add3A_1759 = arith.addi %mul3A_1757, %add3A_1758 : i32
      %dma_wait3A_1760 = arith.constant 5 : i32
      %dma_wait3A_1761 = arith.constant 0 : i32
      %dma_wait3A_1762 = arith.constant 0 : i32
      %dma_wait3A_1763 = tpu.memref_slice %arg8[%dma_wait3A_1760, %dma_wait3A_1761, %dma_wait3A_1762] : memref<16x32x128xf32, #tpu.memory_space<vmem>> -> memref<1x32x128xf32, #tpu.memory_space<vmem>>
      %dma_wait3A_1764 = tpu.memref_squeeze %dma_wait3A_1763 : memref<1x32x128xf32, #tpu.memory_space<vmem>> -> memref<32x128xf32, #tpu.memory_space<vmem>>
      %dma_wait3A_1765 = arith.constant 0 : i32
      %dma_wait3A_1766 = arith.constant 0 : i32
      %dma_wait3A_1767 = tpu.memref_slice %arg4[%dma_wait3A_1765, %dma_wait3A_1766] : memref<32x1000000xf32, #tpu.memory_space<hbm>> -> memref<32x128xf32, #tpu.memory_space<hbm>>
      %dma_wait3A_1768 = arith.constant 0 : i32
      %dma_wait3A_1769 = arith.constant 0 : i32
      %dma_wait3A_1770 = tpu.memref_slice %arg8[%dma_wait3A_1760, %dma_wait3A_1768, %dma_wait3A_1769] : memref<16x32x128xf32, #tpu.memory_space<vmem>> -> memref<1x32x128xf32, #tpu.memory_space<vmem>>
      %dma_wait3A_1771 = tpu.memref_squeeze %dma_wait3A_1770 : memref<1x32x128xf32, #tpu.memory_space<vmem>> -> memref<32x128xf32, #tpu.memory_space<vmem>>
      %dma_wait3A_1772 = arith.constant 0 : i32
      %dma_wait3A_1773 = arith.constant 0 : i32
      %dma_wait3A_1774 = tpu.memref_slice %arg4[%dma_wait3A_1772, %dma_wait3A_1773] : memref<32x1000000xf32, #tpu.memory_space<hbm>> -> memref<32x128xf32, #tpu.memory_space<hbm>>
      tpu.wait_dma2 semaphore(%arg16 : memref<!tpu.dma_semaphore, #tpu.memory_space<semaphore_mem>>) src(%dma_wait3A_1774 : memref<32x128xf32, #tpu.memory_space<hbm>>) dst(%dma_wait3A_1771 : memref<32x128xf32, #tpu.memory_space<vmem>>)
      %broadcast_in_dim3A_1775 = arith.constant 5 : i32
      %broadcast_in_dim3A_1776 = vector.broadcast %broadcast_in_dim3A_1775 : i32 to vector<16xi32>
      %and3A_1777 = arith.constant 127 : i32
      %and3A_1778 = arith.andi %squeeze3A_1753, %and3A_1777 : i32
      %broadcast_in_dim3A_1779 = vector.broadcast %and3A_1778 : i32 to vector<16xi32>
      %broadcast_in_dim3A_1780 = vector.broadcast %add3A_1759 : i32 to vector<16xi32>
      %gather3A_1781 = tpu.vector_load_idx %arg8[%broadcast_in_dim3A_1776, %iota3A, %broadcast_in_dim3A_1779] : memref<16x32x128xf32, #tpu.memory_space<vmem>>[vector<16xi32>, vector<16xi32>, vector<16xi32>], vector<16xf32>,
      %gather3A_1782 = tpu.vector_load_idx %arg8[%broadcast_in_dim3A_1776, %add3A_3, %broadcast_in_dim3A_1779] : memref<16x32x128xf32, #tpu.memory_space<vmem>>[vector<16xi32>, vector<16xi32>, vector<16xi32>], vector<16xf32>,
      tpu.vector_store_idx %arg10[%iota3A, %broadcast_in_dim3A_1780], %gather3A_1781 : memref<32x512xf32, #tpu.memory_space<vmem>>[vector<16xi32>, vector<16xi32>], vector<16xf32>,
      tpu.vector_store_idx %arg10[%add3A_3, %broadcast_in_dim3A_1780], %gather3A_1782 : memref<32x512xf32, #tpu.memory_space<vmem>>[vector<16xi32>, vector<16xi32>], vector<16xf32>,
      %slice3A_1783 = vector.extract_strided_slice %get3A_1496 {offsets = [5], sizes = [1], strides = [1]} : vector<16xi32> to vector<1xi32>
      %squeeze3A_1784 = vector.extract %slice3A_1783[0] : i32 from vector<1xi32>
      %shift_right_arithmetic3A_1785 = arith.constant 7 : i32
      %shift_right_arithmetic3A_1786 = arith.shrsi %squeeze3A_1784, %shift_right_arithmetic3A_1785 : i32
      %mul3A_1787 = arith.constant 128 : i32
      %mul3A_1788 = arith.muli %shift_right_arithmetic3A_1786, %mul3A_1787 : i32
      %multiple_of3A_1789 = tpu.assume_multiple %mul3A_1788, 128 : i32
      %dma_start3A_1790 = arith.constant 5 : i32
      %dma_start3A_1791 = arith.constant 0 : i32
      %dma_start3A_1792 = arith.constant 0 : i32
      %dma_start3A_1793 = tpu.memref_slice %arg8[%dma_start3A_1790, %dma_start3A_1791, %dma_start3A_1792] : memref<16x32x128xf32, #tpu.memory_space<vmem>> -> memref<1x32x128xf32, #tpu.memory_space<vmem>>
      %dma_start3A_1794 = tpu.memref_squeeze %dma_start3A_1793 : memref<1x32x128xf32, #tpu.memory_space<vmem>> -> memref<32x128xf32, #tpu.memory_space<vmem>>
      %dma_start3A_1795 = arith.constant 0 : i32
      %dma_start3A_1796 = tpu.memref_slice %arg4[%dma_start3A_1795, %multiple_of3A_1789] : memref<32x1000000xf32, #tpu.memory_space<hbm>> -> memref<32x128xf32, #tpu.memory_space<hbm>>
      %dma_start3A_1797 = arith.constant 0 : i32
      %dma_start3A_1798 = arith.constant 0 : i32
      %dma_start3A_1799 = tpu.memref_slice %arg8[%dma_start3A_1790, %dma_start3A_1797, %dma_start3A_1798] : memref<16x32x128xf32, #tpu.memory_space<vmem>> -> memref<1x32x128xf32, #tpu.memory_space<vmem>>
      %dma_start3A_1800 = tpu.memref_squeeze %dma_start3A_1799 : memref<1x32x128xf32, #tpu.memory_space<vmem>> -> memref<32x128xf32, #tpu.memory_space<vmem>>
      %dma_start3A_1801 = arith.constant 0 : i32
      %dma_start3A_1802 = tpu.memref_slice %arg4[%dma_start3A_1801, %multiple_of3A_1789] : memref<32x1000000xf32, #tpu.memory_space<hbm>> -> memref<32x128xf32, #tpu.memory_space<hbm>>
      tpu.enqueue_dma source(%dma_start3A_1802 : memref<32x128xf32, #tpu.memory_space<hbm>>) target(%dma_start3A_1800 : memref<32x128xf32, #tpu.memory_space<vmem>>) target_semaphore(%arg16 : memref<!tpu.dma_semaphore, #tpu.memory_space<semaphore_mem>>)
      %slice3A_1803 = vector.extract_strided_slice %get3A_1492 {offsets = [6], sizes = [1], strides = [1]} : vector<16xi32> to vector<1xi32>
      %squeeze3A_1804 = vector.extract %slice3A_1803[0] : i32 from vector<1xi32>
      %sub3A_1805 = arith.constant 1 : i32
      %sub3A_1806 = arith.subi %scan3A_1487, %sub3A_1805 : i32
      %mul3A_1807 = arith.constant 16 : i32
      %mul3A_1808 = arith.muli %sub3A_1806, %mul3A_1807 : i32
      %add3A_1809 = arith.constant 6 : i32
      %add3A_1810 = arith.addi %mul3A_1808, %add3A_1809 : i32
      %dma_wait3A_1811 = arith.constant 6 : i32
      %dma_wait3A_1812 = arith.constant 0 : i32
      %dma_wait3A_1813 = arith.constant 0 : i32
      %dma_wait3A_1814 = tpu.memref_slice %arg8[%dma_wait3A_1811, %dma_wait3A_1812, %dma_wait3A_1813] : memref<16x32x128xf32, #tpu.memory_space<vmem>> -> memref<1x32x128xf32, #tpu.memory_space<vmem>>
      %dma_wait3A_1815 = tpu.memref_squeeze %dma_wait3A_1814 : memref<1x32x128xf32, #tpu.memory_space<vmem>> -> memref<32x128xf32, #tpu.memory_space<vmem>>
      %dma_wait3A_1816 = arith.constant 0 : i32
      %dma_wait3A_1817 = arith.constant 0 : i32
      %dma_wait3A_1818 = tpu.memref_slice %arg4[%dma_wait3A_1816, %dma_wait3A_1817] : memref<32x1000000xf32, #tpu.memory_space<hbm>> -> memref<32x128xf32, #tpu.memory_space<hbm>>
      %dma_wait3A_1819 = arith.constant 0 : i32
      %dma_wait3A_1820 = arith.constant 0 : i32
      %dma_wait3A_1821 = tpu.memref_slice %arg8[%dma_wait3A_1811, %dma_wait3A_1819, %dma_wait3A_1820] : memref<16x32x128xf32, #tpu.memory_space<vmem>> -> memref<1x32x128xf32, #tpu.memory_space<vmem>>
      %dma_wait3A_1822 = tpu.memref_squeeze %dma_wait3A_1821 : memref<1x32x128xf32, #tpu.memory_space<vmem>> -> memref<32x128xf32, #tpu.memory_space<vmem>>
      %dma_wait3A_1823 = arith.constant 0 : i32
      %dma_wait3A_1824 = arith.constant 0 : i32
      %dma_wait3A_1825 = tpu.memref_slice %arg4[%dma_wait3A_1823, %dma_wait3A_1824] : memref<32x1000000xf32, #tpu.memory_space<hbm>> -> memref<32x128xf32, #tpu.memory_space<hbm>>
      tpu.wait_dma2 semaphore(%arg17 : memref<!tpu.dma_semaphore, #tpu.memory_space<semaphore_mem>>) src(%dma_wait3A_1825 : memref<32x128xf32, #tpu.memory_space<hbm>>) dst(%dma_wait3A_1822 : memref<32x128xf32, #tpu.memory_space<vmem>>)
      %broadcast_in_dim3A_1826 = arith.constant 6 : i32
      %broadcast_in_dim3A_1827 = vector.broadcast %broadcast_in_dim3A_1826 : i32 to vector<16xi32>
      %and3A_1828 = arith.constant 127 : i32
      %and3A_1829 = arith.andi %squeeze3A_1804, %and3A_1828 : i32
      %broadcast_in_dim3A_1830 = vector.broadcast %and3A_1829 : i32 to vector<16xi32>
      %broadcast_in_dim3A_1831 = vector.broadcast %add3A_1810 : i32 to vector<16xi32>
      %gather3A_1832 = tpu.vector_load_idx %arg8[%broadcast_in_dim3A_1827, %iota3A, %broadcast_in_dim3A_1830] : memref<16x32x128xf32, #tpu.memory_space<vmem>>[vector<16xi32>, vector<16xi32>, vector<16xi32>], vector<16xf32>,
      %gather3A_1833 = tpu.vector_load_idx %arg8[%broadcast_in_dim3A_1827, %add3A_3, %broadcast_in_dim3A_1830] : memref<16x32x128xf32, #tpu.memory_space<vmem>>[vector<16xi32>, vector<16xi32>, vector<16xi32>], vector<16xf32>,
      tpu.vector_store_idx %arg10[%iota3A, %broadcast_in_dim3A_1831], %gather3A_1832 : memref<32x512xf32, #tpu.memory_space<vmem>>[vector<16xi32>, vector<16xi32>], vector<16xf32>,
      tpu.vector_store_idx %arg10[%add3A_3, %broadcast_in_dim3A_1831], %gather3A_1833 : memref<32x512xf32, #tpu.memory_space<vmem>>[vector<16xi32>, vector<16xi32>], vector<16xf32>,
      %slice3A_1834 = vector.extract_strided_slice %get3A_1496 {offsets = [6], sizes = [1], strides = [1]} : vector<16xi32> to vector<1xi32>
      %squeeze3A_1835 = vector.extract %slice3A_1834[0] : i32 from vector<1xi32>
      %shift_right_arithmetic3A_1836 = arith.constant 7 : i32
      %shift_right_arithmetic3A_1837 = arith.shrsi %squeeze3A_1835, %shift_right_arithmetic3A_1836 : i32
      %mul3A_1838 = arith.constant 128 : i32
      %mul3A_1839 = arith.muli %shift_right_arithmetic3A_1837, %mul3A_1838 : i32
      %multiple_of3A_1840 = tpu.assume_multiple %mul3A_1839, 128 : i32
      %dma_start3A_1841 = arith.constant 6 : i32
      %dma_start3A_1842 = arith.constant 0 : i32
      %dma_start3A_1843 = arith.constant 0 : i32
      %dma_start3A_1844 = tpu.memref_slice %arg8[%dma_start3A_1841, %dma_start3A_1842, %dma_start3A_1843] : memref<16x32x128xf32, #tpu.memory_space<vmem>> -> memref<1x32x128xf32, #tpu.memory_space<vmem>>
      %dma_start3A_1845 = tpu.memref_squeeze %dma_start3A_1844 : memref<1x32x128xf32, #tpu.memory_space<vmem>> -> memref<32x128xf32, #tpu.memory_space<vmem>>
      %dma_start3A_1846 = arith.constant 0 : i32
      %dma_start3A_1847 = tpu.memref_slice %arg4[%dma_start3A_1846, %multiple_of3A_1840] : memref<32x1000000xf32, #tpu.memory_space<hbm>> -> memref<32x128xf32, #tpu.memory_space<hbm>>
      %dma_start3A_1848 = arith.constant 0 : i32
      %dma_start3A_1849 = arith.constant 0 : i32
      %dma_start3A_1850 = tpu.memref_slice %arg8[%dma_start3A_1841, %dma_start3A_1848, %dma_start3A_1849] : memref<16x32x128xf32, #tpu.memory_space<vmem>> -> memref<1x32x128xf32, #tpu.memory_space<vmem>>
      %dma_start3A_1851 = tpu.memref_squeeze %dma_start3A_1850 : memref<1x32x128xf32, #tpu.memory_space<vmem>> -> memref<32x128xf32, #tpu.memory_space<vmem>>
      %dma_start3A_1852 = arith.constant 0 : i32
      %dma_start3A_1853 = tpu.memref_slice %arg4[%dma_start3A_1852, %multiple_of3A_1840] : memref<32x1000000xf32, #tpu.memory_space<hbm>> -> memref<32x128xf32, #tpu.memory_space<hbm>>
      tpu.enqueue_dma source(%dma_start3A_1853 : memref<32x128xf32, #tpu.memory_space<hbm>>) target(%dma_start3A_1851 : memref<32x128xf32, #tpu.memory_space<vmem>>) target_semaphore(%arg17 : memref<!tpu.dma_semaphore, #tpu.memory_space<semaphore_mem>>)
      %slice3A_1854 = vector.extract_strided_slice %get3A_1492 {offsets = [7], sizes = [1], strides = [1]} : vector<16xi32> to vector<1xi32>
      %squeeze3A_1855 = vector.extract %slice3A_1854[0] : i32 from vector<1xi32>
      %sub3A_1856 = arith.constant 1 : i32
      %sub3A_1857 = arith.subi %scan3A_1487, %sub3A_1856 : i32
      %mul3A_1858 = arith.constant 16 : i32
      %mul3A_1859 = arith.muli %sub3A_1857, %mul3A_1858 : i32
      %add3A_1860 = arith.constant 7 : i32
      %add3A_1861 = arith.addi %mul3A_1859, %add3A_1860 : i32
      %dma_wait3A_1862 = arith.constant 7 : i32
      %dma_wait3A_1863 = arith.constant 0 : i32
      %dma_wait3A_1864 = arith.constant 0 : i32
      %dma_wait3A_1865 = tpu.memref_slice %arg8[%dma_wait3A_1862, %dma_wait3A_1863, %dma_wait3A_1864] : memref<16x32x128xf32, #tpu.memory_space<vmem>> -> memref<1x32x128xf32, #tpu.memory_space<vmem>>
      %dma_wait3A_1866 = tpu.memref_squeeze %dma_wait3A_1865 : memref<1x32x128xf32, #tpu.memory_space<vmem>> -> memref<32x128xf32, #tpu.memory_space<vmem>>
      %dma_wait3A_1867 = arith.constant 0 : i32
      %dma_wait3A_1868 = arith.constant 0 : i32
      %dma_wait3A_1869 = tpu.memref_slice %arg4[%dma_wait3A_1867, %dma_wait3A_1868] : memref<32x1000000xf32, #tpu.memory_space<hbm>> -> memref<32x128xf32, #tpu.memory_space<hbm>>
      %dma_wait3A_1870 = arith.constant 0 : i32
      %dma_wait3A_1871 = arith.constant 0 : i32
      %dma_wait3A_1872 = tpu.memref_slice %arg8[%dma_wait3A_1862, %dma_wait3A_1870, %dma_wait3A_1871] : memref<16x32x128xf32, #tpu.memory_space<vmem>> -> memref<1x32x128xf32, #tpu.memory_space<vmem>>
      %dma_wait3A_1873 = tpu.memref_squeeze %dma_wait3A_1872 : memref<1x32x128xf32, #tpu.memory_space<vmem>> -> memref<32x128xf32, #tpu.memory_space<vmem>>
      %dma_wait3A_1874 = arith.constant 0 : i32
      %dma_wait3A_1875 = arith.constant 0 : i32
      %dma_wait3A_1876 = tpu.memref_slice %arg4[%dma_wait3A_1874, %dma_wait3A_1875] : memref<32x1000000xf32, #tpu.memory_space<hbm>> -> memref<32x128xf32, #tpu.memory_space<hbm>>
      tpu.wait_dma2 semaphore(%arg18 : memref<!tpu.dma_semaphore, #tpu.memory_space<semaphore_mem>>) src(%dma_wait3A_1876 : memref<32x128xf32, #tpu.memory_space<hbm>>) dst(%dma_wait3A_1873 : memref<32x128xf32, #tpu.memory_space<vmem>>)
      %broadcast_in_dim3A_1877 = arith.constant 7 : i32
      %broadcast_in_dim3A_1878 = vector.broadcast %broadcast_in_dim3A_1877 : i32 to vector<16xi32>
      %and3A_1879 = arith.constant 127 : i32
      %and3A_1880 = arith.andi %squeeze3A_1855, %and3A_1879 : i32
      %broadcast_in_dim3A_1881 = vector.broadcast %and3A_1880 : i32 to vector<16xi32>
      %broadcast_in_dim3A_1882 = vector.broadcast %add3A_1861 : i32 to vector<16xi32>
      %gather3A_1883 = tpu.vector_load_idx %arg8[%broadcast_in_dim3A_1878, %iota3A, %broadcast_in_dim3A_1881] : memref<16x32x128xf32, #tpu.memory_space<vmem>>[vector<16xi32>, vector<16xi32>, vector<16xi32>], vector<16xf32>,
      %gather3A_1884 = tpu.vector_load_idx %arg8[%broadcast_in_dim3A_1878, %add3A_3, %broadcast_in_dim3A_1881] : memref<16x32x128xf32, #tpu.memory_space<vmem>>[vector<16xi32>, vector<16xi32>, vector<16xi32>], vector<16xf32>,
      tpu.vector_store_idx %arg10[%iota3A, %broadcast_in_dim3A_1882], %gather3A_1883 : memref<32x512xf32, #tpu.memory_space<vmem>>[vector<16xi32>, vector<16xi32>], vector<16xf32>,
      tpu.vector_store_idx %arg10[%add3A_3, %broadcast_in_dim3A_1882], %gather3A_1884 : memref<32x512xf32, #tpu.memory_space<vmem>>[vector<16xi32>, vector<16xi32>], vector<16xf32>,
      %slice3A_1885 = vector.extract_strided_slice %get3A_1496 {offsets = [7], sizes = [1], strides = [1]} : vector<16xi32> to vector<1xi32>
      %squeeze3A_1886 = vector.extract %slice3A_1885[0] : i32 from vector<1xi32>
      %shift_right_arithmetic3A_1887 = arith.constant 7 : i32
      %shift_right_arithmetic3A_1888 = arith.shrsi %squeeze3A_1886, %shift_right_arithmetic3A_1887 : i32
      %mul3A_1889 = arith.constant 128 : i32
      %mul3A_1890 = arith.muli %shift_right_arithmetic3A_1888, %mul3A_1889 : i32
      %multiple_of3A_1891 = tpu.assume_multiple %mul3A_1890, 128 : i32
      %dma_start3A_1892 = arith.constant 7 : i32
      %dma_start3A_1893 = arith.constant 0 : i32
      %dma_start3A_1894 = arith.constant 0 : i32
      %dma_start3A_1895 = tpu.memref_slice %arg8[%dma_start3A_1892, %dma_start3A_1893, %dma_start3A_1894] : memref<16x32x128xf32, #tpu.memory_space<vmem>> -> memref<1x32x128xf32, #tpu.memory_space<vmem>>
      %dma_start3A_1896 = tpu.memref_squeeze %dma_start3A_1895 : memref<1x32x128xf32, #tpu.memory_space<vmem>> -> memref<32x128xf32, #tpu.memory_space<vmem>>
      %dma_start3A_1897 = arith.constant 0 : i32
      %dma_start3A_1898 = tpu.memref_slice %arg4[%dma_start3A_1897, %multiple_of3A_1891] : memref<32x1000000xf32, #tpu.memory_space<hbm>> -> memref<32x128xf32, #tpu.memory_space<hbm>>
      %dma_start3A_1899 = arith.constant 0 : i32
      %dma_start3A_1900 = arith.constant 0 : i32
      %dma_start3A_1901 = tpu.memref_slice %arg8[%dma_start3A_1892, %dma_start3A_1899, %dma_start3A_1900] : memref<16x32x128xf32, #tpu.memory_space<vmem>> -> memref<1x32x128xf32, #tpu.memory_space<vmem>>
      %dma_start3A_1902 = tpu.memref_squeeze %dma_start3A_1901 : memref<1x32x128xf32, #tpu.memory_space<vmem>> -> memref<32x128xf32, #tpu.memory_space<vmem>>
      %dma_start3A_1903 = arith.constant 0 : i32
      %dma_start3A_1904 = tpu.memref_slice %arg4[%dma_start3A_1903, %multiple_of3A_1891] : memref<32x1000000xf32, #tpu.memory_space<hbm>> -> memref<32x128xf32, #tpu.memory_space<hbm>>
      tpu.enqueue_dma source(%dma_start3A_1904 : memref<32x128xf32, #tpu.memory_space<hbm>>) target(%dma_start3A_1902 : memref<32x128xf32, #tpu.memory_space<vmem>>) target_semaphore(%arg18 : memref<!tpu.dma_semaphore, #tpu.memory_space<semaphore_mem>>)
      %slice3A_1905 = vector.extract_strided_slice %get3A_1492 {offsets = [8], sizes = [1], strides = [1]} : vector<16xi32> to vector<1xi32>
      %squeeze3A_1906 = vector.extract %slice3A_1905[0] : i32 from vector<1xi32>
      %sub3A_1907 = arith.constant 1 : i32
      %sub3A_1908 = arith.subi %scan3A_1487, %sub3A_1907 : i32
      %mul3A_1909 = arith.constant 16 : i32
      %mul3A_1910 = arith.muli %sub3A_1908, %mul3A_1909 : i32
      %add3A_1911 = arith.constant 8 : i32
      %add3A_1912 = arith.addi %mul3A_1910, %add3A_1911 : i32
      %dma_wait3A_1913 = arith.constant 8 : i32
      %dma_wait3A_1914 = arith.constant 0 : i32
      %dma_wait3A_1915 = arith.constant 0 : i32
      %dma_wait3A_1916 = tpu.memref_slice %arg8[%dma_wait3A_1913, %dma_wait3A_1914, %dma_wait3A_1915] : memref<16x32x128xf32, #tpu.memory_space<vmem>> -> memref<1x32x128xf32, #tpu.memory_space<vmem>>
      %dma_wait3A_1917 = tpu.memref_squeeze %dma_wait3A_1916 : memref<1x32x128xf32, #tpu.memory_space<vmem>> -> memref<32x128xf32, #tpu.memory_space<vmem>>
      %dma_wait3A_1918 = arith.constant 0 : i32
      %dma_wait3A_1919 = arith.constant 0 : i32
      %dma_wait3A_1920 = tpu.memref_slice %arg4[%dma_wait3A_1918, %dma_wait3A_1919] : memref<32x1000000xf32, #tpu.memory_space<hbm>> -> memref<32x128xf32, #tpu.memory_space<hbm>>
      %dma_wait3A_1921 = arith.constant 0 : i32
      %dma_wait3A_1922 = arith.constant 0 : i32
      %dma_wait3A_1923 = tpu.memref_slice %arg8[%dma_wait3A_1913, %dma_wait3A_1921, %dma_wait3A_1922] : memref<16x32x128xf32, #tpu.memory_space<vmem>> -> memref<1x32x128xf32, #tpu.memory_space<vmem>>
      %dma_wait3A_1924 = tpu.memref_squeeze %dma_wait3A_1923 : memref<1x32x128xf32, #tpu.memory_space<vmem>> -> memref<32x128xf32, #tpu.memory_space<vmem>>
      %dma_wait3A_1925 = arith.constant 0 : i32
      %dma_wait3A_1926 = arith.constant 0 : i32
      %dma_wait3A_1927 = tpu.memref_slice %arg4[%dma_wait3A_1925, %dma_wait3A_1926] : memref<32x1000000xf32, #tpu.memory_space<hbm>> -> memref<32x128xf32, #tpu.memory_space<hbm>>
      tpu.wait_dma2 semaphore(%arg19 : memref<!tpu.dma_semaphore, #tpu.memory_space<semaphore_mem>>) src(%dma_wait3A_1927 : memref<32x128xf32, #tpu.memory_space<hbm>>) dst(%dma_wait3A_1924 : memref<32x128xf32, #tpu.memory_space<vmem>>)
      %broadcast_in_dim3A_1928 = arith.constant 8 : i32
      %broadcast_in_dim3A_1929 = vector.broadcast %broadcast_in_dim3A_1928 : i32 to vector<16xi32>
      %and3A_1930 = arith.constant 127 : i32
      %and3A_1931 = arith.andi %squeeze3A_1906, %and3A_1930 : i32
      %broadcast_in_dim3A_1932 = vector.broadcast %and3A_1931 : i32 to vector<16xi32>
      %broadcast_in_dim3A_1933 = vector.broadcast %add3A_1912 : i32 to vector<16xi32>
      %gather3A_1934 = tpu.vector_load_idx %arg8[%broadcast_in_dim3A_1929, %iota3A, %broadcast_in_dim3A_1932] : memref<16x32x128xf32, #tpu.memory_space<vmem>>[vector<16xi32>, vector<16xi32>, vector<16xi32>], vector<16xf32>,
      %gather3A_1935 = tpu.vector_load_idx %arg8[%broadcast_in_dim3A_1929, %add3A_3, %broadcast_in_dim3A_1932] : memref<16x32x128xf32, #tpu.memory_space<vmem>>[vector<16xi32>, vector<16xi32>, vector<16xi32>], vector<16xf32>,
      tpu.vector_store_idx %arg10[%iota3A, %broadcast_in_dim3A_1933], %gather3A_1934 : memref<32x512xf32, #tpu.memory_space<vmem>>[vector<16xi32>, vector<16xi32>], vector<16xf32>,
      tpu.vector_store_idx %arg10[%add3A_3, %broadcast_in_dim3A_1933], %gather3A_1935 : memref<32x512xf32, #tpu.memory_space<vmem>>[vector<16xi32>, vector<16xi32>], vector<16xf32>,
      %slice3A_1936 = vector.extract_strided_slice %get3A_1496 {offsets = [8], sizes = [1], strides = [1]} : vector<16xi32> to vector<1xi32>
      %squeeze3A_1937 = vector.extract %slice3A_1936[0] : i32 from vector<1xi32>
      %shift_right_arithmetic3A_1938 = arith.constant 7 : i32
      %shift_right_arithmetic3A_1939 = arith.shrsi %squeeze3A_1937, %shift_right_arithmetic3A_1938 : i32
      %mul3A_1940 = arith.constant 128 : i32
      %mul3A_1941 = arith.muli %shift_right_arithmetic3A_1939, %mul3A_1940 : i32
      %multiple_of3A_1942 = tpu.assume_multiple %mul3A_1941, 128 : i32
      %dma_start3A_1943 = arith.constant 8 : i32
      %dma_start3A_1944 = arith.constant 0 : i32
      %dma_start3A_1945 = arith.constant 0 : i32
      %dma_start3A_1946 = tpu.memref_slice %arg8[%dma_start3A_1943, %dma_start3A_1944, %dma_start3A_1945] : memref<16x32x128xf32, #tpu.memory_space<vmem>> -> memref<1x32x128xf32, #tpu.memory_space<vmem>>
      %dma_start3A_1947 = tpu.memref_squeeze %dma_start3A_1946 : memref<1x32x128xf32, #tpu.memory_space<vmem>> -> memref<32x128xf32, #tpu.memory_space<vmem>>
      %dma_start3A_1948 = arith.constant 0 : i32
      %dma_start3A_1949 = tpu.memref_slice %arg4[%dma_start3A_1948, %multiple_of3A_1942] : memref<32x1000000xf32, #tpu.memory_space<hbm>> -> memref<32x128xf32, #tpu.memory_space<hbm>>
      %dma_start3A_1950 = arith.constant 0 : i32
      %dma_start3A_1951 = arith.constant 0 : i32
      %dma_start3A_1952 = tpu.memref_slice %arg8[%dma_start3A_1943, %dma_start3A_1950, %dma_start3A_1951] : memref<16x32x128xf32, #tpu.memory_space<vmem>> -> memref<1x32x128xf32, #tpu.memory_space<vmem>>
      %dma_start3A_1953 = tpu.memref_squeeze %dma_start3A_1952 : memref<1x32x128xf32, #tpu.memory_space<vmem>> -> memref<32x128xf32, #tpu.memory_space<vmem>>
      %dma_start3A_1954 = arith.constant 0 : i32
      %dma_start3A_1955 = tpu.memref_slice %arg4[%dma_start3A_1954, %multiple_of3A_1942] : memref<32x1000000xf32, #tpu.memory_space<hbm>> -> memref<32x128xf32, #tpu.memory_space<hbm>>
      tpu.enqueue_dma source(%dma_start3A_1955 : memref<32x128xf32, #tpu.memory_space<hbm>>) target(%dma_start3A_1953 : memref<32x128xf32, #tpu.memory_space<vmem>>) target_semaphore(%arg19 : memref<!tpu.dma_semaphore, #tpu.memory_space<semaphore_mem>>)
      %slice3A_1956 = vector.extract_strided_slice %get3A_1492 {offsets = [9], sizes = [1], strides = [1]} : vector<16xi32> to vector<1xi32>
      %squeeze3A_1957 = vector.extract %slice3A_1956[0] : i32 from vector<1xi32>
      %sub3A_1958 = arith.constant 1 : i32
      %sub3A_1959 = arith.subi %scan3A_1487, %sub3A_1958 : i32
      %mul3A_1960 = arith.constant 16 : i32
      %mul3A_1961 = arith.muli %sub3A_1959, %mul3A_1960 : i32
      %add3A_1962 = arith.constant 9 : i32
      %add3A_1963 = arith.addi %mul3A_1961, %add3A_1962 : i32
      %dma_wait3A_1964 = arith.constant 9 : i32
      %dma_wait3A_1965 = arith.constant 0 : i32
      %dma_wait3A_1966 = arith.constant 0 : i32
      %dma_wait3A_1967 = tpu.memref_slice %arg8[%dma_wait3A_1964, %dma_wait3A_1965, %dma_wait3A_1966] : memref<16x32x128xf32, #tpu.memory_space<vmem>> -> memref<1x32x128xf32, #tpu.memory_space<vmem>>
      %dma_wait3A_1968 = tpu.memref_squeeze %dma_wait3A_1967 : memref<1x32x128xf32, #tpu.memory_space<vmem>> -> memref<32x128xf32, #tpu.memory_space<vmem>>
      %dma_wait3A_1969 = arith.constant 0 : i32
      %dma_wait3A_1970 = arith.constant 0 : i32
      %dma_wait3A_1971 = tpu.memref_slice %arg4[%dma_wait3A_1969, %dma_wait3A_1970] : memref<32x1000000xf32, #tpu.memory_space<hbm>> -> memref<32x128xf32, #tpu.memory_space<hbm>>
      %dma_wait3A_1972 = arith.constant 0 : i32
      %dma_wait3A_1973 = arith.constant 0 : i32
      %dma_wait3A_1974 = tpu.memref_slice %arg8[%dma_wait3A_1964, %dma_wait3A_1972, %dma_wait3A_1973] : memref<16x32x128xf32, #tpu.memory_space<vmem>> -> memref<1x32x128xf32, #tpu.memory_space<vmem>>
      %dma_wait3A_1975 = tpu.memref_squeeze %dma_wait3A_1974 : memref<1x32x128xf32, #tpu.memory_space<vmem>> -> memref<32x128xf32, #tpu.memory_space<vmem>>
      %dma_wait3A_1976 = arith.constant 0 : i32
      %dma_wait3A_1977 = arith.constant 0 : i32
      %dma_wait3A_1978 = tpu.memref_slice %arg4[%dma_wait3A_1976, %dma_wait3A_1977] : memref<32x1000000xf32, #tpu.memory_space<hbm>> -> memref<32x128xf32, #tpu.memory_space<hbm>>
      tpu.wait_dma2 semaphore(%arg20 : memref<!tpu.dma_semaphore, #tpu.memory_space<semaphore_mem>>) src(%dma_wait3A_1978 : memref<32x128xf32, #tpu.memory_space<hbm>>) dst(%dma_wait3A_1975 : memref<32x128xf32, #tpu.memory_space<vmem>>)
      %broadcast_in_dim3A_1979 = arith.constant 9 : i32
      %broadcast_in_dim3A_1980 = vector.broadcast %broadcast_in_dim3A_1979 : i32 to vector<16xi32>
      %and3A_1981 = arith.constant 127 : i32
      %and3A_1982 = arith.andi %squeeze3A_1957, %and3A_1981 : i32
      %broadcast_in_dim3A_1983 = vector.broadcast %and3A_1982 : i32 to vector<16xi32>
      %broadcast_in_dim3A_1984 = vector.broadcast %add3A_1963 : i32 to vector<16xi32>
      %gather3A_1985 = tpu.vector_load_idx %arg8[%broadcast_in_dim3A_1980, %iota3A, %broadcast_in_dim3A_1983] : memref<16x32x128xf32, #tpu.memory_space<vmem>>[vector<16xi32>, vector<16xi32>, vector<16xi32>], vector<16xf32>,
      %gather3A_1986 = tpu.vector_load_idx %arg8[%broadcast_in_dim3A_1980, %add3A_3, %broadcast_in_dim3A_1983] : memref<16x32x128xf32, #tpu.memory_space<vmem>>[vector<16xi32>, vector<16xi32>, vector<16xi32>], vector<16xf32>,
      tpu.vector_store_idx %arg10[%iota3A, %broadcast_in_dim3A_1984], %gather3A_1985 : memref<32x512xf32, #tpu.memory_space<vmem>>[vector<16xi32>, vector<16xi32>], vector<16xf32>,
      tpu.vector_store_idx %arg10[%add3A_3, %broadcast_in_dim3A_1984], %gather3A_1986 : memref<32x512xf32, #tpu.memory_space<vmem>>[vector<16xi32>, vector<16xi32>], vector<16xf32>,
      %slice3A_1987 = vector.extract_strided_slice %get3A_1496 {offsets = [9], sizes = [1], strides = [1]} : vector<16xi32> to vector<1xi32>
      %squeeze3A_1988 = vector.extract %slice3A_1987[0] : i32 from vector<1xi32>
      %shift_right_arithmetic3A_1989 = arith.constant 7 : i32
      %shift_right_arithmetic3A_1990 = arith.shrsi %squeeze3A_1988, %shift_right_arithmetic3A_1989 : i32
      %mul3A_1991 = arith.constant 128 : i32
      %mul3A_1992 = arith.muli %shift_right_arithmetic3A_1990, %mul3A_1991 : i32
      %multiple_of3A_1993 = tpu.assume_multiple %mul3A_1992, 128 : i32
      %dma_start3A_1994 = arith.constant 9 : i32
      %dma_start3A_1995 = arith.constant 0 : i32
      %dma_start3A_1996 = arith.constant 0 : i32
      %dma_start3A_1997 = tpu.memref_slice %arg8[%dma_start3A_1994, %dma_start3A_1995, %dma_start3A_1996] : memref<16x32x128xf32, #tpu.memory_space<vmem>> -> memref<1x32x128xf32, #tpu.memory_space<vmem>>
      %dma_start3A_1998 = tpu.memref_squeeze %dma_start3A_1997 : memref<1x32x128xf32, #tpu.memory_space<vmem>> -> memref<32x128xf32, #tpu.memory_space<vmem>>
      %dma_start3A_1999 = arith.constant 0 : i32
      %dma_start3A_2000 = tpu.memref_slice %arg4[%dma_start3A_1999, %multiple_of3A_1993] : memref<32x1000000xf32, #tpu.memory_space<hbm>> -> memref<32x128xf32, #tpu.memory_space<hbm>>
      %dma_start3A_2001 = arith.constant 0 : i32
      %dma_start3A_2002 = arith.constant 0 : i32
      %dma_start3A_2003 = tpu.memref_slice %arg8[%dma_start3A_1994, %dma_start3A_2001, %dma_start3A_2002] : memref<16x32x128xf32, #tpu.memory_space<vmem>> -> memref<1x32x128xf32, #tpu.memory_space<vmem>>
      %dma_start3A_2004 = tpu.memref_squeeze %dma_start3A_2003 : memref<1x32x128xf32, #tpu.memory_space<vmem>> -> memref<32x128xf32, #tpu.memory_space<vmem>>
      %dma_start3A_2005 = arith.constant 0 : i32
      %dma_start3A_2006 = tpu.memref_slice %arg4[%dma_start3A_2005, %multiple_of3A_1993] : memref<32x1000000xf32, #tpu.memory_space<hbm>> -> memref<32x128xf32, #tpu.memory_space<hbm>>
      tpu.enqueue_dma source(%dma_start3A_2006 : memref<32x128xf32, #tpu.memory_space<hbm>>) target(%dma_start3A_2004 : memref<32x128xf32, #tpu.memory_space<vmem>>) target_semaphore(%arg20 : memref<!tpu.dma_semaphore, #tpu.memory_space<semaphore_mem>>)
      %slice3A_2007 = vector.extract_strided_slice %get3A_1492 {offsets = [10], sizes = [1], strides = [1]} : vector<16xi32> to vector<1xi32>
      %squeeze3A_2008 = vector.extract %slice3A_2007[0] : i32 from vector<1xi32>
      %sub3A_2009 = arith.constant 1 : i32
      %sub3A_2010 = arith.subi %scan3A_1487, %sub3A_2009 : i32
      %mul3A_2011 = arith.constant 16 : i32
      %mul3A_2012 = arith.muli %sub3A_2010, %mul3A_2011 : i32
      %add3A_2013 = arith.constant 10 : i32
      %add3A_2014 = arith.addi %mul3A_2012, %add3A_2013 : i32
      %dma_wait3A_2015 = arith.constant 10 : i32
      %dma_wait3A_2016 = arith.constant 0 : i32
      %dma_wait3A_2017 = arith.constant 0 : i32
      %dma_wait3A_2018 = tpu.memref_slice %arg8[%dma_wait3A_2015, %dma_wait3A_2016, %dma_wait3A_2017] : memref<16x32x128xf32, #tpu.memory_space<vmem>> -> memref<1x32x128xf32, #tpu.memory_space<vmem>>
      %dma_wait3A_2019 = tpu.memref_squeeze %dma_wait3A_2018 : memref<1x32x128xf32, #tpu.memory_space<vmem>> -> memref<32x128xf32, #tpu.memory_space<vmem>>
      %dma_wait3A_2020 = arith.constant 0 : i32
      %dma_wait3A_2021 = arith.constant 0 : i32
      %dma_wait3A_2022 = tpu.memref_slice %arg4[%dma_wait3A_2020, %dma_wait3A_2021] : memref<32x1000000xf32, #tpu.memory_space<hbm>> -> memref<32x128xf32, #tpu.memory_space<hbm>>
      %dma_wait3A_2023 = arith.constant 0 : i32
      %dma_wait3A_2024 = arith.constant 0 : i32
      %dma_wait3A_2025 = tpu.memref_slice %arg8[%dma_wait3A_2015, %dma_wait3A_2023, %dma_wait3A_2024] : memref<16x32x128xf32, #tpu.memory_space<vmem>> -> memref<1x32x128xf32, #tpu.memory_space<vmem>>
      %dma_wait3A_2026 = tpu.memref_squeeze %dma_wait3A_2025 : memref<1x32x128xf32, #tpu.memory_space<vmem>> -> memref<32x128xf32, #tpu.memory_space<vmem>>
      %dma_wait3A_2027 = arith.constant 0 : i32
      %dma_wait3A_2028 = arith.constant 0 : i32
      %dma_wait3A_2029 = tpu.memref_slice %arg4[%dma_wait3A_2027, %dma_wait3A_2028] : memref<32x1000000xf32, #tpu.memory_space<hbm>> -> memref<32x128xf32, #tpu.memory_space<hbm>>
      tpu.wait_dma2 semaphore(%arg21 : memref<!tpu.dma_semaphore, #tpu.memory_space<semaphore_mem>>) src(%dma_wait3A_2029 : memref<32x128xf32, #tpu.memory_space<hbm>>) dst(%dma_wait3A_2026 : memref<32x128xf32, #tpu.memory_space<vmem>>)
      %broadcast_in_dim3A_2030 = arith.constant 10 : i32
      %broadcast_in_dim3A_2031 = vector.broadcast %broadcast_in_dim3A_2030 : i32 to vector<16xi32>
      %and3A_2032 = arith.constant 127 : i32
      %and3A_2033 = arith.andi %squeeze3A_2008, %and3A_2032 : i32
      %broadcast_in_dim3A_2034 = vector.broadcast %and3A_2033 : i32 to vector<16xi32>
      %broadcast_in_dim3A_2035 = vector.broadcast %add3A_2014 : i32 to vector<16xi32>
      %gather3A_2036 = tpu.vector_load_idx %arg8[%broadcast_in_dim3A_2031, %iota3A, %broadcast_in_dim3A_2034] : memref<16x32x128xf32, #tpu.memory_space<vmem>>[vector<16xi32>, vector<16xi32>, vector<16xi32>], vector<16xf32>,
      %gather3A_2037 = tpu.vector_load_idx %arg8[%broadcast_in_dim3A_2031, %add3A_3, %broadcast_in_dim3A_2034] : memref<16x32x128xf32, #tpu.memory_space<vmem>>[vector<16xi32>, vector<16xi32>, vector<16xi32>], vector<16xf32>,
      tpu.vector_store_idx %arg10[%iota3A, %broadcast_in_dim3A_2035], %gather3A_2036 : memref<32x512xf32, #tpu.memory_space<vmem>>[vector<16xi32>, vector<16xi32>], vector<16xf32>,
      tpu.vector_store_idx %arg10[%add3A_3, %broadcast_in_dim3A_2035], %gather3A_2037 : memref<32x512xf32, #tpu.memory_space<vmem>>[vector<16xi32>, vector<16xi32>], vector<16xf32>,
      %slice3A_2038 = vector.extract_strided_slice %get3A_1496 {offsets = [10], sizes = [1], strides = [1]} : vector<16xi32> to vector<1xi32>
      %squeeze3A_2039 = vector.extract %slice3A_2038[0] : i32 from vector<1xi32>
      %shift_right_arithmetic3A_2040 = arith.constant 7 : i32
      %shift_right_arithmetic3A_2041 = arith.shrsi %squeeze3A_2039, %shift_right_arithmetic3A_2040 : i32
      %mul3A_2042 = arith.constant 128 : i32
      %mul3A_2043 = arith.muli %shift_right_arithmetic3A_2041, %mul3A_2042 : i32
      %multiple_of3A_2044 = tpu.assume_multiple %mul3A_2043, 128 : i32
      %dma_start3A_2045 = arith.constant 10 : i32
      %dma_start3A_2046 = arith.constant 0 : i32
      %dma_start3A_2047 = arith.constant 0 : i32
      %dma_start3A_2048 = tpu.memref_slice %arg8[%dma_start3A_2045, %dma_start3A_2046, %dma_start3A_2047] : memref<16x32x128xf32, #tpu.memory_space<vmem>> -> memref<1x32x128xf32, #tpu.memory_space<vmem>>
      %dma_start3A_2049 = tpu.memref_squeeze %dma_start3A_2048 : memref<1x32x128xf32, #tpu.memory_space<vmem>> -> memref<32x128xf32, #tpu.memory_space<vmem>>
      %dma_start3A_2050 = arith.constant 0 : i32
      %dma_start3A_2051 = tpu.memref_slice %arg4[%dma_start3A_2050, %multiple_of3A_2044] : memref<32x1000000xf32, #tpu.memory_space<hbm>> -> memref<32x128xf32, #tpu.memory_space<hbm>>
      %dma_start3A_2052 = arith.constant 0 : i32
      %dma_start3A_2053 = arith.constant 0 : i32
      %dma_start3A_2054 = tpu.memref_slice %arg8[%dma_start3A_2045, %dma_start3A_2052, %dma_start3A_2053] : memref<16x32x128xf32, #tpu.memory_space<vmem>> -> memref<1x32x128xf32, #tpu.memory_space<vmem>>
      %dma_start3A_2055 = tpu.memref_squeeze %dma_start3A_2054 : memref<1x32x128xf32, #tpu.memory_space<vmem>> -> memref<32x128xf32, #tpu.memory_space<vmem>>
      %dma_start3A_2056 = arith.constant 0 : i32
      %dma_start3A_2057 = tpu.memref_slice %arg4[%dma_start3A_2056, %multiple_of3A_2044] : memref<32x1000000xf32, #tpu.memory_space<hbm>> -> memref<32x128xf32, #tpu.memory_space<hbm>>
      tpu.enqueue_dma source(%dma_start3A_2057 : memref<32x128xf32, #tpu.memory_space<hbm>>) target(%dma_start3A_2055 : memref<32x128xf32, #tpu.memory_space<vmem>>) target_semaphore(%arg21 : memref<!tpu.dma_semaphore, #tpu.memory_space<semaphore_mem>>)
      %slice3A_2058 = vector.extract_strided_slice %get3A_1492 {offsets = [11], sizes = [1], strides = [1]} : vector<16xi32> to vector<1xi32>
      %squeeze3A_2059 = vector.extract %slice3A_2058[0] : i32 from vector<1xi32>
      %sub3A_2060 = arith.constant 1 : i32
      %sub3A_2061 = arith.subi %scan3A_1487, %sub3A_2060 : i32
      %mul3A_2062 = arith.constant 16 : i32
      %mul3A_2063 = arith.muli %sub3A_2061, %mul3A_2062 : i32
      %add3A_2064 = arith.constant 11 : i32
      %add3A_2065 = arith.addi %mul3A_2063, %add3A_2064 : i32
      %dma_wait3A_2066 = arith.constant 11 : i32
      %dma_wait3A_2067 = arith.constant 0 : i32
      %dma_wait3A_2068 = arith.constant 0 : i32
      %dma_wait3A_2069 = tpu.memref_slice %arg8[%dma_wait3A_2066, %dma_wait3A_2067, %dma_wait3A_2068] : memref<16x32x128xf32, #tpu.memory_space<vmem>> -> memref<1x32x128xf32, #tpu.memory_space<vmem>>
      %dma_wait3A_2070 = tpu.memref_squeeze %dma_wait3A_2069 : memref<1x32x128xf32, #tpu.memory_space<vmem>> -> memref<32x128xf32, #tpu.memory_space<vmem>>
      %dma_wait3A_2071 = arith.constant 0 : i32
      %dma_wait3A_2072 = arith.constant 0 : i32
      %dma_wait3A_2073 = tpu.memref_slice %arg4[%dma_wait3A_2071, %dma_wait3A_2072] : memref<32x1000000xf32, #tpu.memory_space<hbm>> -> memref<32x128xf32, #tpu.memory_space<hbm>>
      %dma_wait3A_2074 = arith.constant 0 : i32
      %dma_wait3A_2075 = arith.constant 0 : i32
      %dma_wait3A_2076 = tpu.memref_slice %arg8[%dma_wait3A_2066, %dma_wait3A_2074, %dma_wait3A_2075] : memref<16x32x128xf32, #tpu.memory_space<vmem>> -> memref<1x32x128xf32, #tpu.memory_space<vmem>>
      %dma_wait3A_2077 = tpu.memref_squeeze %dma_wait3A_2076 : memref<1x32x128xf32, #tpu.memory_space<vmem>> -> memref<32x128xf32, #tpu.memory_space<vmem>>
      %dma_wait3A_2078 = arith.constant 0 : i32
      %dma_wait3A_2079 = arith.constant 0 : i32
      %dma_wait3A_2080 = tpu.memref_slice %arg4[%dma_wait3A_2078, %dma_wait3A_2079] : memref<32x1000000xf32, #tpu.memory_space<hbm>> -> memref<32x128xf32, #tpu.memory_space<hbm>>
      tpu.wait_dma2 semaphore(%arg22 : memref<!tpu.dma_semaphore, #tpu.memory_space<semaphore_mem>>) src(%dma_wait3A_2080 : memref<32x128xf32, #tpu.memory_space<hbm>>) dst(%dma_wait3A_2077 : memref<32x128xf32, #tpu.memory_space<vmem>>)
      %broadcast_in_dim3A_2081 = arith.constant 11 : i32
      %broadcast_in_dim3A_2082 = vector.broadcast %broadcast_in_dim3A_2081 : i32 to vector<16xi32>
      %and3A_2083 = arith.constant 127 : i32
      %and3A_2084 = arith.andi %squeeze3A_2059, %and3A_2083 : i32
      %broadcast_in_dim3A_2085 = vector.broadcast %and3A_2084 : i32 to vector<16xi32>
      %broadcast_in_dim3A_2086 = vector.broadcast %add3A_2065 : i32 to vector<16xi32>
      %gather3A_2087 = tpu.vector_load_idx %arg8[%broadcast_in_dim3A_2082, %iota3A, %broadcast_in_dim3A_2085] : memref<16x32x128xf32, #tpu.memory_space<vmem>>[vector<16xi32>, vector<16xi32>, vector<16xi32>], vector<16xf32>,
      %gather3A_2088 = tpu.vector_load_idx %arg8[%broadcast_in_dim3A_2082, %add3A_3, %broadcast_in_dim3A_2085] : memref<16x32x128xf32, #tpu.memory_space<vmem>>[vector<16xi32>, vector<16xi32>, vector<16xi32>], vector<16xf32>,
      tpu.vector_store_idx %arg10[%iota3A, %broadcast_in_dim3A_2086], %gather3A_2087 : memref<32x512xf32, #tpu.memory_space<vmem>>[vector<16xi32>, vector<16xi32>], vector<16xf32>,
      tpu.vector_store_idx %arg10[%add3A_3, %broadcast_in_dim3A_2086], %gather3A_2088 : memref<32x512xf32, #tpu.memory_space<vmem>>[vector<16xi32>, vector<16xi32>], vector<16xf32>,
      %slice3A_2089 = vector.extract_strided_slice %get3A_1496 {offsets = [11], sizes = [1], strides = [1]} : vector<16xi32> to vector<1xi32>
      %squeeze3A_2090 = vector.extract %slice3A_2089[0] : i32 from vector<1xi32>
      %shift_right_arithmetic3A_2091 = arith.constant 7 : i32
      %shift_right_arithmetic3A_2092 = arith.shrsi %squeeze3A_2090, %shift_right_arithmetic3A_2091 : i32
      %mul3A_2093 = arith.constant 128 : i32
      %mul3A_2094 = arith.muli %shift_right_arithmetic3A_2092, %mul3A_2093 : i32
      %multiple_of3A_2095 = tpu.assume_multiple %mul3A_2094, 128 : i32
      %dma_start3A_2096 = arith.constant 11 : i32
      %dma_start3A_2097 = arith.constant 0 : i32
      %dma_start3A_2098 = arith.constant 0 : i32
      %dma_start3A_2099 = tpu.memref_slice %arg8[%dma_start3A_2096, %dma_start3A_2097, %dma_start3A_2098] : memref<16x32x128xf32, #tpu.memory_space<vmem>> -> memref<1x32x128xf32, #tpu.memory_space<vmem>>
      %dma_start3A_2100 = tpu.memref_squeeze %dma_start3A_2099 : memref<1x32x128xf32, #tpu.memory_space<vmem>> -> memref<32x128xf32, #tpu.memory_space<vmem>>
      %dma_start3A_2101 = arith.constant 0 : i32
      %dma_start3A_2102 = tpu.memref_slice %arg4[%dma_start3A_2101, %multiple_of3A_2095] : memref<32x1000000xf32, #tpu.memory_space<hbm>> -> memref<32x128xf32, #tpu.memory_space<hbm>>
      %dma_start3A_2103 = arith.constant 0 : i32
      %dma_start3A_2104 = arith.constant 0 : i32
      %dma_start3A_2105 = tpu.memref_slice %arg8[%dma_start3A_2096, %dma_start3A_2103, %dma_start3A_2104] : memref<16x32x128xf32, #tpu.memory_space<vmem>> -> memref<1x32x128xf32, #tpu.memory_space<vmem>>
      %dma_start3A_2106 = tpu.memref_squeeze %dma_start3A_2105 : memref<1x32x128xf32, #tpu.memory_space<vmem>> -> memref<32x128xf32, #tpu.memory_space<vmem>>
      %dma_start3A_2107 = arith.constant 0 : i32
      %dma_start3A_2108 = tpu.memref_slice %arg4[%dma_start3A_2107, %multiple_of3A_2095] : memref<32x1000000xf32, #tpu.memory_space<hbm>> -> memref<32x128xf32, #tpu.memory_space<hbm>>
      tpu.enqueue_dma source(%dma_start3A_2108 : memref<32x128xf32, #tpu.memory_space<hbm>>) target(%dma_start3A_2106 : memref<32x128xf32, #tpu.memory_space<vmem>>) target_semaphore(%arg22 : memref<!tpu.dma_semaphore, #tpu.memory_space<semaphore_mem>>)
      %slice3A_2109 = vector.extract_strided_slice %get3A_1492 {offsets = [12], sizes = [1], strides = [1]} : vector<16xi32> to vector<1xi32>
      %squeeze3A_2110 = vector.extract %slice3A_2109[0] : i32 from vector<1xi32>
      %sub3A_2111 = arith.constant 1 : i32
      %sub3A_2112 = arith.subi %scan3A_1487, %sub3A_2111 : i32
      %mul3A_2113 = arith.constant 16 : i32
      %mul3A_2114 = arith.muli %sub3A_2112, %mul3A_2113 : i32
      %add3A_2115 = arith.constant 12 : i32
      %add3A_2116 = arith.addi %mul3A_2114, %add3A_2115 : i32
      %dma_wait3A_2117 = arith.constant 12 : i32
      %dma_wait3A_2118 = arith.constant 0 : i32
      %dma_wait3A_2119 = arith.constant 0 : i32
      %dma_wait3A_2120 = tpu.memref_slice %arg8[%dma_wait3A_2117, %dma_wait3A_2118, %dma_wait3A_2119] : memref<16x32x128xf32, #tpu.memory_space<vmem>> -> memref<1x32x128xf32, #tpu.memory_space<vmem>>
      %dma_wait3A_2121 = tpu.memref_squeeze %dma_wait3A_2120 : memref<1x32x128xf32, #tpu.memory_space<vmem>> -> memref<32x128xf32, #tpu.memory_space<vmem>>
      %dma_wait3A_2122 = arith.constant 0 : i32
      %dma_wait3A_2123 = arith.constant 0 : i32
      %dma_wait3A_2124 = tpu.memref_slice %arg4[%dma_wait3A_2122, %dma_wait3A_2123] : memref<32x1000000xf32, #tpu.memory_space<hbm>> -> memref<32x128xf32, #tpu.memory_space<hbm>>
      %dma_wait3A_2125 = arith.constant 0 : i32
      %dma_wait3A_2126 = arith.constant 0 : i32
      %dma_wait3A_2127 = tpu.memref_slice %arg8[%dma_wait3A_2117, %dma_wait3A_2125, %dma_wait3A_2126] : memref<16x32x128xf32, #tpu.memory_space<vmem>> -> memref<1x32x128xf32, #tpu.memory_space<vmem>>
      %dma_wait3A_2128 = tpu.memref_squeeze %dma_wait3A_2127 : memref<1x32x128xf32, #tpu.memory_space<vmem>> -> memref<32x128xf32, #tpu.memory_space<vmem>>
      %dma_wait3A_2129 = arith.constant 0 : i32
      %dma_wait3A_2130 = arith.constant 0 : i32
      %dma_wait3A_2131 = tpu.memref_slice %arg4[%dma_wait3A_2129, %dma_wait3A_2130] : memref<32x1000000xf32, #tpu.memory_space<hbm>> -> memref<32x128xf32, #tpu.memory_space<hbm>>
      tpu.wait_dma2 semaphore(%arg23 : memref<!tpu.dma_semaphore, #tpu.memory_space<semaphore_mem>>) src(%dma_wait3A_2131 : memref<32x128xf32, #tpu.memory_space<hbm>>) dst(%dma_wait3A_2128 : memref<32x128xf32, #tpu.memory_space<vmem>>)
      %broadcast_in_dim3A_2132 = arith.constant 12 : i32
      %broadcast_in_dim3A_2133 = vector.broadcast %broadcast_in_dim3A_2132 : i32 to vector<16xi32>
      %and3A_2134 = arith.constant 127 : i32
      %and3A_2135 = arith.andi %squeeze3A_2110, %and3A_2134 : i32
      %broadcast_in_dim3A_2136 = vector.broadcast %and3A_2135 : i32 to vector<16xi32>
      %broadcast_in_dim3A_2137 = vector.broadcast %add3A_2116 : i32 to vector<16xi32>
      %gather3A_2138 = tpu.vector_load_idx %arg8[%broadcast_in_dim3A_2133, %iota3A, %broadcast_in_dim3A_2136] : memref<16x32x128xf32, #tpu.memory_space<vmem>>[vector<16xi32>, vector<16xi32>, vector<16xi32>], vector<16xf32>,
      %gather3A_2139 = tpu.vector_load_idx %arg8[%broadcast_in_dim3A_2133, %add3A_3, %broadcast_in_dim3A_2136] : memref<16x32x128xf32, #tpu.memory_space<vmem>>[vector<16xi32>, vector<16xi32>, vector<16xi32>], vector<16xf32>,
      tpu.vector_store_idx %arg10[%iota3A, %broadcast_in_dim3A_2137], %gather3A_2138 : memref<32x512xf32, #tpu.memory_space<vmem>>[vector<16xi32>, vector<16xi32>], vector<16xf32>,
      tpu.vector_store_idx %arg10[%add3A_3, %broadcast_in_dim3A_2137], %gather3A_2139 : memref<32x512xf32, #tpu.memory_space<vmem>>[vector<16xi32>, vector<16xi32>], vector<16xf32>,
      %slice3A_2140 = vector.extract_strided_slice %get3A_1496 {offsets = [12], sizes = [1], strides = [1]} : vector<16xi32> to vector<1xi32>
      %squeeze3A_2141 = vector.extract %slice3A_2140[0] : i32 from vector<1xi32>
      %shift_right_arithmetic3A_2142 = arith.constant 7 : i32
      %shift_right_arithmetic3A_2143 = arith.shrsi %squeeze3A_2141, %shift_right_arithmetic3A_2142 : i32
      %mul3A_2144 = arith.constant 128 : i32
      %mul3A_2145 = arith.muli %shift_right_arithmetic3A_2143, %mul3A_2144 : i32
      %multiple_of3A_2146 = tpu.assume_multiple %mul3A_2145, 128 : i32
      %dma_start3A_2147 = arith.constant 12 : i32
      %dma_start3A_2148 = arith.constant 0 : i32
      %dma_start3A_2149 = arith.constant 0 : i32
      %dma_start3A_2150 = tpu.memref_slice %arg8[%dma_start3A_2147, %dma_start3A_2148, %dma_start3A_2149] : memref<16x32x128xf32, #tpu.memory_space<vmem>> -> memref<1x32x128xf32, #tpu.memory_space<vmem>>
      %dma_start3A_2151 = tpu.memref_squeeze %dma_start3A_2150 : memref<1x32x128xf32, #tpu.memory_space<vmem>> -> memref<32x128xf32, #tpu.memory_space<vmem>>
      %dma_start3A_2152 = arith.constant 0 : i32
      %dma_start3A_2153 = tpu.memref_slice %arg4[%dma_start3A_2152, %multiple_of3A_2146] : memref<32x1000000xf32, #tpu.memory_space<hbm>> -> memref<32x128xf32, #tpu.memory_space<hbm>>
      %dma_start3A_2154 = arith.constant 0 : i32
      %dma_start3A_2155 = arith.constant 0 : i32
      %dma_start3A_2156 = tpu.memref_slice %arg8[%dma_start3A_2147, %dma_start3A_2154, %dma_start3A_2155] : memref<16x32x128xf32, #tpu.memory_space<vmem>> -> memref<1x32x128xf32, #tpu.memory_space<vmem>>
      %dma_start3A_2157 = tpu.memref_squeeze %dma_start3A_2156 : memref<1x32x128xf32, #tpu.memory_space<vmem>> -> memref<32x128xf32, #tpu.memory_space<vmem>>
      %dma_start3A_2158 = arith.constant 0 : i32
      %dma_start3A_2159 = tpu.memref_slice %arg4[%dma_start3A_2158, %multiple_of3A_2146] : memref<32x1000000xf32, #tpu.memory_space<hbm>> -> memref<32x128xf32, #tpu.memory_space<hbm>>
      tpu.enqueue_dma source(%dma_start3A_2159 : memref<32x128xf32, #tpu.memory_space<hbm>>) target(%dma_start3A_2157 : memref<32x128xf32, #tpu.memory_space<vmem>>) target_semaphore(%arg23 : memref<!tpu.dma_semaphore, #tpu.memory_space<semaphore_mem>>)
      %slice3A_2160 = vector.extract_strided_slice %get3A_1492 {offsets = [13], sizes = [1], strides = [1]} : vector<16xi32> to vector<1xi32>
      %squeeze3A_2161 = vector.extract %slice3A_2160[0] : i32 from vector<1xi32>
      %sub3A_2162 = arith.constant 1 : i32
      %sub3A_2163 = arith.subi %scan3A_1487, %sub3A_2162 : i32
      %mul3A_2164 = arith.constant 16 : i32
      %mul3A_2165 = arith.muli %sub3A_2163, %mul3A_2164 : i32
      %add3A_2166 = arith.constant 13 : i32
      %add3A_2167 = arith.addi %mul3A_2165, %add3A_2166 : i32
      %dma_wait3A_2168 = arith.constant 13 : i32
      %dma_wait3A_2169 = arith.constant 0 : i32
      %dma_wait3A_2170 = arith.constant 0 : i32
      %dma_wait3A_2171 = tpu.memref_slice %arg8[%dma_wait3A_2168, %dma_wait3A_2169, %dma_wait3A_2170] : memref<16x32x128xf32, #tpu.memory_space<vmem>> -> memref<1x32x128xf32, #tpu.memory_space<vmem>>
      %dma_wait3A_2172 = tpu.memref_squeeze %dma_wait3A_2171 : memref<1x32x128xf32, #tpu.memory_space<vmem>> -> memref<32x128xf32, #tpu.memory_space<vmem>>
      %dma_wait3A_2173 = arith.constant 0 : i32
      %dma_wait3A_2174 = arith.constant 0 : i32
      %dma_wait3A_2175 = tpu.memref_slice %arg4[%dma_wait3A_2173, %dma_wait3A_2174] : memref<32x1000000xf32, #tpu.memory_space<hbm>> -> memref<32x128xf32, #tpu.memory_space<hbm>>
      %dma_wait3A_2176 = arith.constant 0 : i32
      %dma_wait3A_2177 = arith.constant 0 : i32
      %dma_wait3A_2178 = tpu.memref_slice %arg8[%dma_wait3A_2168, %dma_wait3A_2176, %dma_wait3A_2177] : memref<16x32x128xf32, #tpu.memory_space<vmem>> -> memref<1x32x128xf32, #tpu.memory_space<vmem>>
      %dma_wait3A_2179 = tpu.memref_squeeze %dma_wait3A_2178 : memref<1x32x128xf32, #tpu.memory_space<vmem>> -> memref<32x128xf32, #tpu.memory_space<vmem>>
      %dma_wait3A_2180 = arith.constant 0 : i32
      %dma_wait3A_2181 = arith.constant 0 : i32
      %dma_wait3A_2182 = tpu.memref_slice %arg4[%dma_wait3A_2180, %dma_wait3A_2181] : memref<32x1000000xf32, #tpu.memory_space<hbm>> -> memref<32x128xf32, #tpu.memory_space<hbm>>
      tpu.wait_dma2 semaphore(%arg24 : memref<!tpu.dma_semaphore, #tpu.memory_space<semaphore_mem>>) src(%dma_wait3A_2182 : memref<32x128xf32, #tpu.memory_space<hbm>>) dst(%dma_wait3A_2179 : memref<32x128xf32, #tpu.memory_space<vmem>>)
      %broadcast_in_dim3A_2183 = arith.constant 13 : i32
      %broadcast_in_dim3A_2184 = vector.broadcast %broadcast_in_dim3A_2183 : i32 to vector<16xi32>
      %and3A_2185 = arith.constant 127 : i32
      %and3A_2186 = arith.andi %squeeze3A_2161, %and3A_2185 : i32
      %broadcast_in_dim3A_2187 = vector.broadcast %and3A_2186 : i32 to vector<16xi32>
      %broadcast_in_dim3A_2188 = vector.broadcast %add3A_2167 : i32 to vector<16xi32>
      %gather3A_2189 = tpu.vector_load_idx %arg8[%broadcast_in_dim3A_2184, %iota3A, %broadcast_in_dim3A_2187] : memref<16x32x128xf32, #tpu.memory_space<vmem>>[vector<16xi32>, vector<16xi32>, vector<16xi32>], vector<16xf32>,
      %gather3A_2190 = tpu.vector_load_idx %arg8[%broadcast_in_dim3A_2184, %add3A_3, %broadcast_in_dim3A_2187] : memref<16x32x128xf32, #tpu.memory_space<vmem>>[vector<16xi32>, vector<16xi32>, vector<16xi32>], vector<16xf32>,
      tpu.vector_store_idx %arg10[%iota3A, %broadcast_in_dim3A_2188], %gather3A_2189 : memref<32x512xf32, #tpu.memory_space<vmem>>[vector<16xi32>, vector<16xi32>], vector<16xf32>,
      tpu.vector_store_idx %arg10[%add3A_3, %broadcast_in_dim3A_2188], %gather3A_2190 : memref<32x512xf32, #tpu.memory_space<vmem>>[vector<16xi32>, vector<16xi32>], vector<16xf32>,
      %slice3A_2191 = vector.extract_strided_slice %get3A_1496 {offsets = [13], sizes = [1], strides = [1]} : vector<16xi32> to vector<1xi32>
      %squeeze3A_2192 = vector.extract %slice3A_2191[0] : i32 from vector<1xi32>
      %shift_right_arithmetic3A_2193 = arith.constant 7 : i32
      %shift_right_arithmetic3A_2194 = arith.shrsi %squeeze3A_2192, %shift_right_arithmetic3A_2193 : i32
      %mul3A_2195 = arith.constant 128 : i32
      %mul3A_2196 = arith.muli %shift_right_arithmetic3A_2194, %mul3A_2195 : i32
      %multiple_of3A_2197 = tpu.assume_multiple %mul3A_2196, 128 : i32
      %dma_start3A_2198 = arith.constant 13 : i32
      %dma_start3A_2199 = arith.constant 0 : i32
      %dma_start3A_2200 = arith.constant 0 : i32
      %dma_start3A_2201 = tpu.memref_slice %arg8[%dma_start3A_2198, %dma_start3A_2199, %dma_start3A_2200] : memref<16x32x128xf32, #tpu.memory_space<vmem>> -> memref<1x32x128xf32, #tpu.memory_space<vmem>>
      %dma_start3A_2202 = tpu.memref_squeeze %dma_start3A_2201 : memref<1x32x128xf32, #tpu.memory_space<vmem>> -> memref<32x128xf32, #tpu.memory_space<vmem>>
      %dma_start3A_2203 = arith.constant 0 : i32
      %dma_start3A_2204 = tpu.memref_slice %arg4[%dma_start3A_2203, %multiple_of3A_2197] : memref<32x1000000xf32, #tpu.memory_space<hbm>> -> memref<32x128xf32, #tpu.memory_space<hbm>>
      %dma_start3A_2205 = arith.constant 0 : i32
      %dma_start3A_2206 = arith.constant 0 : i32
      %dma_start3A_2207 = tpu.memref_slice %arg8[%dma_start3A_2198, %dma_start3A_2205, %dma_start3A_2206] : memref<16x32x128xf32, #tpu.memory_space<vmem>> -> memref<1x32x128xf32, #tpu.memory_space<vmem>>
      %dma_start3A_2208 = tpu.memref_squeeze %dma_start3A_2207 : memref<1x32x128xf32, #tpu.memory_space<vmem>> -> memref<32x128xf32, #tpu.memory_space<vmem>>
      %dma_start3A_2209 = arith.constant 0 : i32
      %dma_start3A_2210 = tpu.memref_slice %arg4[%dma_start3A_2209, %multiple_of3A_2197] : memref<32x1000000xf32, #tpu.memory_space<hbm>> -> memref<32x128xf32, #tpu.memory_space<hbm>>
      tpu.enqueue_dma source(%dma_start3A_2210 : memref<32x128xf32, #tpu.memory_space<hbm>>) target(%dma_start3A_2208 : memref<32x128xf32, #tpu.memory_space<vmem>>) target_semaphore(%arg24 : memref<!tpu.dma_semaphore, #tpu.memory_space<semaphore_mem>>)
      %slice3A_2211 = vector.extract_strided_slice %get3A_1492 {offsets = [14], sizes = [1], strides = [1]} : vector<16xi32> to vector<1xi32>
      %squeeze3A_2212 = vector.extract %slice3A_2211[0] : i32 from vector<1xi32>
      %sub3A_2213 = arith.constant 1 : i32
      %sub3A_2214 = arith.subi %scan3A_1487, %sub3A_2213 : i32
      %mul3A_2215 = arith.constant 16 : i32
      %mul3A_2216 = arith.muli %sub3A_2214, %mul3A_2215 : i32
      %add3A_2217 = arith.constant 14 : i32
      %add3A_2218 = arith.addi %mul3A_2216, %add3A_2217 : i32
      %dma_wait3A_2219 = arith.constant 14 : i32
      %dma_wait3A_2220 = arith.constant 0 : i32
      %dma_wait3A_2221 = arith.constant 0 : i32
      %dma_wait3A_2222 = tpu.memref_slice %arg8[%dma_wait3A_2219, %dma_wait3A_2220, %dma_wait3A_2221] : memref<16x32x128xf32, #tpu.memory_space<vmem>> -> memref<1x32x128xf32, #tpu.memory_space<vmem>>
      %dma_wait3A_2223 = tpu.memref_squeeze %dma_wait3A_2222 : memref<1x32x128xf32, #tpu.memory_space<vmem>> -> memref<32x128xf32, #tpu.memory_space<vmem>>
      %dma_wait3A_2224 = arith.constant 0 : i32
      %dma_wait3A_2225 = arith.constant 0 : i32
      %dma_wait3A_2226 = tpu.memref_slice %arg4[%dma_wait3A_2224, %dma_wait3A_2225] : memref<32x1000000xf32, #tpu.memory_space<hbm>> -> memref<32x128xf32, #tpu.memory_space<hbm>>
      %dma_wait3A_2227 = arith.constant 0 : i32
      %dma_wait3A_2228 = arith.constant 0 : i32
      %dma_wait3A_2229 = tpu.memref_slice %arg8[%dma_wait3A_2219, %dma_wait3A_2227, %dma_wait3A_2228] : memref<16x32x128xf32, #tpu.memory_space<vmem>> -> memref<1x32x128xf32, #tpu.memory_space<vmem>>
      %dma_wait3A_2230 = tpu.memref_squeeze %dma_wait3A_2229 : memref<1x32x128xf32, #tpu.memory_space<vmem>> -> memref<32x128xf32, #tpu.memory_space<vmem>>
      %dma_wait3A_2231 = arith.constant 0 : i32
      %dma_wait3A_2232 = arith.constant 0 : i32
      %dma_wait3A_2233 = tpu.memref_slice %arg4[%dma_wait3A_2231, %dma_wait3A_2232] : memref<32x1000000xf32, #tpu.memory_space<hbm>> -> memref<32x128xf32, #tpu.memory_space<hbm>>
      tpu.wait_dma2 semaphore(%arg25 : memref<!tpu.dma_semaphore, #tpu.memory_space<semaphore_mem>>) src(%dma_wait3A_2233 : memref<32x128xf32, #tpu.memory_space<hbm>>) dst(%dma_wait3A_2230 : memref<32x128xf32, #tpu.memory_space<vmem>>)
      %broadcast_in_dim3A_2234 = arith.constant 14 : i32
      %broadcast_in_dim3A_2235 = vector.broadcast %broadcast_in_dim3A_2234 : i32 to vector<16xi32>
      %and3A_2236 = arith.constant 127 : i32
      %and3A_2237 = arith.andi %squeeze3A_2212, %and3A_2236 : i32
      %broadcast_in_dim3A_2238 = vector.broadcast %and3A_2237 : i32 to vector<16xi32>
      %broadcast_in_dim3A_2239 = vector.broadcast %add3A_2218 : i32 to vector<16xi32>
      %gather3A_2240 = tpu.vector_load_idx %arg8[%broadcast_in_dim3A_2235, %iota3A, %broadcast_in_dim3A_2238] : memref<16x32x128xf32, #tpu.memory_space<vmem>>[vector<16xi32>, vector<16xi32>, vector<16xi32>], vector<16xf32>,
      %gather3A_2241 = tpu.vector_load_idx %arg8[%broadcast_in_dim3A_2235, %add3A_3, %broadcast_in_dim3A_2238] : memref<16x32x128xf32, #tpu.memory_space<vmem>>[vector<16xi32>, vector<16xi32>, vector<16xi32>], vector<16xf32>,
      tpu.vector_store_idx %arg10[%iota3A, %broadcast_in_dim3A_2239], %gather3A_2240 : memref<32x512xf32, #tpu.memory_space<vmem>>[vector<16xi32>, vector<16xi32>], vector<16xf32>,
      tpu.vector_store_idx %arg10[%add3A_3, %broadcast_in_dim3A_2239], %gather3A_2241 : memref<32x512xf32, #tpu.memory_space<vmem>>[vector<16xi32>, vector<16xi32>], vector<16xf32>,
      %slice3A_2242 = vector.extract_strided_slice %get3A_1496 {offsets = [14], sizes = [1], strides = [1]} : vector<16xi32> to vector<1xi32>
      %squeeze3A_2243 = vector.extract %slice3A_2242[0] : i32 from vector<1xi32>
      %shift_right_arithmetic3A_2244 = arith.constant 7 : i32
      %shift_right_arithmetic3A_2245 = arith.shrsi %squeeze3A_2243, %shift_right_arithmetic3A_2244 : i32
      %mul3A_2246 = arith.constant 128 : i32
      %mul3A_2247 = arith.muli %shift_right_arithmetic3A_2245, %mul3A_2246 : i32
      %multiple_of3A_2248 = tpu.assume_multiple %mul3A_2247, 128 : i32
      %dma_start3A_2249 = arith.constant 14 : i32
      %dma_start3A_2250 = arith.constant 0 : i32
      %dma_start3A_2251 = arith.constant 0 : i32
      %dma_start3A_2252 = tpu.memref_slice %arg8[%dma_start3A_2249, %dma_start3A_2250, %dma_start3A_2251] : memref<16x32x128xf32, #tpu.memory_space<vmem>> -> memref<1x32x128xf32, #tpu.memory_space<vmem>>
      %dma_start3A_2253 = tpu.memref_squeeze %dma_start3A_2252 : memref<1x32x128xf32, #tpu.memory_space<vmem>> -> memref<32x128xf32, #tpu.memory_space<vmem>>
      %dma_start3A_2254 = arith.constant 0 : i32
      %dma_start3A_2255 = tpu.memref_slice %arg4[%dma_start3A_2254, %multiple_of3A_2248] : memref<32x1000000xf32, #tpu.memory_space<hbm>> -> memref<32x128xf32, #tpu.memory_space<hbm>>
      %dma_start3A_2256 = arith.constant 0 : i32
      %dma_start3A_2257 = arith.constant 0 : i32
      %dma_start3A_2258 = tpu.memref_slice %arg8[%dma_start3A_2249, %dma_start3A_2256, %dma_start3A_2257] : memref<16x32x128xf32, #tpu.memory_space<vmem>> -> memref<1x32x128xf32, #tpu.memory_space<vmem>>
      %dma_start3A_2259 = tpu.memref_squeeze %dma_start3A_2258 : memref<1x32x128xf32, #tpu.memory_space<vmem>> -> memref<32x128xf32, #tpu.memory_space<vmem>>
      %dma_start3A_2260 = arith.constant 0 : i32
      %dma_start3A_2261 = tpu.memref_slice %arg4[%dma_start3A_2260, %multiple_of3A_2248] : memref<32x1000000xf32, #tpu.memory_space<hbm>> -> memref<32x128xf32, #tpu.memory_space<hbm>>
      tpu.enqueue_dma source(%dma_start3A_2261 : memref<32x128xf32, #tpu.memory_space<hbm>>) target(%dma_start3A_2259 : memref<32x128xf32, #tpu.memory_space<vmem>>) target_semaphore(%arg25 : memref<!tpu.dma_semaphore, #tpu.memory_space<semaphore_mem>>)
      %slice3A_2262 = vector.extract_strided_slice %get3A_1492 {offsets = [15], sizes = [1], strides = [1]} : vector<16xi32> to vector<1xi32>
      %squeeze3A_2263 = vector.extract %slice3A_2262[0] : i32 from vector<1xi32>
      %sub3A_2264 = arith.constant 1 : i32
      %sub3A_2265 = arith.subi %scan3A_1487, %sub3A_2264 : i32
      %mul3A_2266 = arith.constant 16 : i32
      %mul3A_2267 = arith.muli %sub3A_2265, %mul3A_2266 : i32
      %add3A_2268 = arith.constant 15 : i32
      %add3A_2269 = arith.addi %mul3A_2267, %add3A_2268 : i32
      %dma_wait3A_2270 = arith.constant 15 : i32
      %dma_wait3A_2271 = arith.constant 0 : i32
      %dma_wait3A_2272 = arith.constant 0 : i32
      %dma_wait3A_2273 = tpu.memref_slice %arg8[%dma_wait3A_2270, %dma_wait3A_2271, %dma_wait3A_2272] : memref<16x32x128xf32, #tpu.memory_space<vmem>> -> memref<1x32x128xf32, #tpu.memory_space<vmem>>
      %dma_wait3A_2274 = tpu.memref_squeeze %dma_wait3A_2273 : memref<1x32x128xf32, #tpu.memory_space<vmem>> -> memref<32x128xf32, #tpu.memory_space<vmem>>
      %dma_wait3A_2275 = arith.constant 0 : i32
      %dma_wait3A_2276 = arith.constant 0 : i32
      %dma_wait3A_2277 = tpu.memref_slice %arg4[%dma_wait3A_2275, %dma_wait3A_2276] : memref<32x1000000xf32, #tpu.memory_space<hbm>> -> memref<32x128xf32, #tpu.memory_space<hbm>>
      %dma_wait3A_2278 = arith.constant 0 : i32
      %dma_wait3A_2279 = arith.constant 0 : i32
      %dma_wait3A_2280 = tpu.memref_slice %arg8[%dma_wait3A_2270, %dma_wait3A_2278, %dma_wait3A_2279] : memref<16x32x128xf32, #tpu.memory_space<vmem>> -> memref<1x32x128xf32, #tpu.memory_space<vmem>>
      %dma_wait3A_2281 = tpu.memref_squeeze %dma_wait3A_2280 : memref<1x32x128xf32, #tpu.memory_space<vmem>> -> memref<32x128xf32, #tpu.memory_space<vmem>>
      %dma_wait3A_2282 = arith.constant 0 : i32
      %dma_wait3A_2283 = arith.constant 0 : i32
      %dma_wait3A_2284 = tpu.memref_slice %arg4[%dma_wait3A_2282, %dma_wait3A_2283] : memref<32x1000000xf32, #tpu.memory_space<hbm>> -> memref<32x128xf32, #tpu.memory_space<hbm>>
      tpu.wait_dma2 semaphore(%arg26 : memref<!tpu.dma_semaphore, #tpu.memory_space<semaphore_mem>>) src(%dma_wait3A_2284 : memref<32x128xf32, #tpu.memory_space<hbm>>) dst(%dma_wait3A_2281 : memref<32x128xf32, #tpu.memory_space<vmem>>)
      %broadcast_in_dim3A_2285 = arith.constant 15 : i32
      %broadcast_in_dim3A_2286 = vector.broadcast %broadcast_in_dim3A_2285 : i32 to vector<16xi32>
      %and3A_2287 = arith.constant 127 : i32
      %and3A_2288 = arith.andi %squeeze3A_2263, %and3A_2287 : i32
      %broadcast_in_dim3A_2289 = vector.broadcast %and3A_2288 : i32 to vector<16xi32>
      %broadcast_in_dim3A_2290 = vector.broadcast %add3A_2269 : i32 to vector<16xi32>
      %gather3A_2291 = tpu.vector_load_idx %arg8[%broadcast_in_dim3A_2286, %iota3A, %broadcast_in_dim3A_2289] : memref<16x32x128xf32, #tpu.memory_space<vmem>>[vector<16xi32>, vector<16xi32>, vector<16xi32>], vector<16xf32>,
      %gather3A_2292 = tpu.vector_load_idx %arg8[%broadcast_in_dim3A_2286, %add3A_3, %broadcast_in_dim3A_2289] : memref<16x32x128xf32, #tpu.memory_space<vmem>>[vector<16xi32>, vector<16xi32>, vector<16xi32>], vector<16xf32>,
      tpu.vector_store_idx %arg10[%iota3A, %broadcast_in_dim3A_2290], %gather3A_2291 : memref<32x512xf32, #tpu.memory_space<vmem>>[vector<16xi32>, vector<16xi32>], vector<16xf32>,
      tpu.vector_store_idx %arg10[%add3A_3, %broadcast_in_dim3A_2290], %gather3A_2292 : memref<32x512xf32, #tpu.memory_space<vmem>>[vector<16xi32>, vector<16xi32>], vector<16xf32>,
      %slice3A_2293 = vector.extract_strided_slice %get3A_1496 {offsets = [15], sizes = [1], strides = [1]} : vector<16xi32> to vector<1xi32>
      %squeeze3A_2294 = vector.extract %slice3A_2293[0] : i32 from vector<1xi32>
      %shift_right_arithmetic3A_2295 = arith.constant 7 : i32
      %shift_right_arithmetic3A_2296 = arith.shrsi %squeeze3A_2294, %shift_right_arithmetic3A_2295 : i32
      %mul3A_2297 = arith.constant 128 : i32
      %mul3A_2298 = arith.muli %shift_right_arithmetic3A_2296, %mul3A_2297 : i32
      %multiple_of3A_2299 = tpu.assume_multiple %mul3A_2298, 128 : i32
      %dma_start3A_2300 = arith.constant 15 : i32
      %dma_start3A_2301 = arith.constant 0 : i32
      %dma_start3A_2302 = arith.constant 0 : i32
      %dma_start3A_2303 = tpu.memref_slice %arg8[%dma_start3A_2300, %dma_start3A_2301, %dma_start3A_2302] : memref<16x32x128xf32, #tpu.memory_space<vmem>> -> memref<1x32x128xf32, #tpu.memory_space<vmem>>
      %dma_start3A_2304 = tpu.memref_squeeze %dma_start3A_2303 : memref<1x32x128xf32, #tpu.memory_space<vmem>> -> memref<32x128xf32, #tpu.memory_space<vmem>>
      %dma_start3A_2305 = arith.constant 0 : i32
      %dma_start3A_2306 = tpu.memref_slice %arg4[%dma_start3A_2305, %multiple_of3A_2299] : memref<32x1000000xf32, #tpu.memory_space<hbm>> -> memref<32x128xf32, #tpu.memory_space<hbm>>
      %dma_start3A_2307 = arith.constant 0 : i32
      %dma_start3A_2308 = arith.constant 0 : i32
      %dma_start3A_2309 = tpu.memref_slice %arg8[%dma_start3A_2300, %dma_start3A_2307, %dma_start3A_2308] : memref<16x32x128xf32, #tpu.memory_space<vmem>> -> memref<1x32x128xf32, #tpu.memory_space<vmem>>
      %dma_start3A_2310 = tpu.memref_squeeze %dma_start3A_2309 : memref<1x32x128xf32, #tpu.memory_space<vmem>> -> memref<32x128xf32, #tpu.memory_space<vmem>>
      %dma_start3A_2311 = arith.constant 0 : i32
      %dma_start3A_2312 = tpu.memref_slice %arg4[%dma_start3A_2311, %multiple_of3A_2299] : memref<32x1000000xf32, #tpu.memory_space<hbm>> -> memref<32x128xf32, #tpu.memory_space<hbm>>
      tpu.enqueue_dma source(%dma_start3A_2312 : memref<32x128xf32, #tpu.memory_space<hbm>>) target(%dma_start3A_2310 : memref<32x128xf32, #tpu.memory_space<vmem>>) target_semaphore(%arg26 : memref<!tpu.dma_semaphore, #tpu.memory_space<semaphore_mem>>)
    }
    %scan3A_1066 = arith.constant 31 : i32
    %get3A_1067 = arith.constant 496 : index
    %get3A_1068 = tpu.vector_load %arg7[%get3A_1067] {strides = array<i32>} : memref<512xi32, #tpu.memory_space<vmem>>, vector<16xi32>,
    %slice3A_1069 = vector.extract_strided_slice %get3A_1068 {offsets = [0], sizes = [1], strides = [1]} : vector<16xi32> to vector<1xi32>
    %squeeze3A_1070 = vector.extract %slice3A_1069[0] : i32 from vector<1xi32>
    %dma_wait3A_1071 = arith.constant 0 : i32
    %dma_wait3A_1072 = arith.constant 0 : i32
    %dma_wait3A_1073 = arith.constant 0 : i32
    %dma_wait3A_1074 = tpu.memref_slice %arg8[%dma_wait3A_1071, %dma_wait3A_1072, %dma_wait3A_1073] : memref<16x32x128xf32, #tpu.memory_space<vmem>> -> memref<1x32x128xf32, #tpu.memory_space<vmem>>
    %dma_wait3A_1075 = tpu.memref_squeeze %dma_wait3A_1074 : memref<1x32x128xf32, #tpu.memory_space<vmem>> -> memref<32x128xf32, #tpu.memory_space<vmem>>
    %dma_wait3A_1076 = arith.constant 0 : i32
    %dma_wait3A_1077 = arith.constant 0 : i32
    %dma_wait3A_1078 = tpu.memref_slice %arg4[%dma_wait3A_1076, %dma_wait3A_1077] : memref<32x1000000xf32, #tpu.memory_space<hbm>> -> memref<32x128xf32, #tpu.memory_space<hbm>>
    %dma_wait3A_1079 = arith.constant 0 : i32
    %dma_wait3A_1080 = arith.constant 0 : i32
    %dma_wait3A_1081 = tpu.memref_slice %arg8[%dma_wait3A_1071, %dma_wait3A_1079, %dma_wait3A_1080] : memref<16x32x128xf32, #tpu.memory_space<vmem>> -> memref<1x32x128xf32, #tpu.memory_space<vmem>>
    %dma_wait3A_1082 = tpu.memref_squeeze %dma_wait3A_1081 : memref<1x32x128xf32, #tpu.memory_space<vmem>> -> memref<32x128xf32, #tpu.memory_space<vmem>>
    %dma_wait3A_1083 = arith.constant 0 : i32
    %dma_wait3A_1084 = arith.constant 0 : i32
    %dma_wait3A_1085 = tpu.memref_slice %arg4[%dma_wait3A_1083, %dma_wait3A_1084] : memref<32x1000000xf32, #tpu.memory_space<hbm>> -> memref<32x128xf32, #tpu.memory_space<hbm>>
    tpu.wait_dma2 semaphore(%arg11 : memref<!tpu.dma_semaphore, #tpu.memory_space<semaphore_mem>>) src(%dma_wait3A_1085 : memref<32x128xf32, #tpu.memory_space<hbm>>) dst(%dma_wait3A_1082 : memref<32x128xf32, #tpu.memory_space<vmem>>)
    %broadcast_in_dim3A_1086 = arith.constant 0 : i32
    %broadcast_in_dim3A_1087 = vector.broadcast %broadcast_in_dim3A_1086 : i32 to vector<16xi32>
    %and3A_1088 = arith.constant 127 : i32
    %and3A_1089 = arith.andi %squeeze3A_1070, %and3A_1088 : i32
    %broadcast_in_dim3A_1090 = vector.broadcast %and3A_1089 : i32 to vector<16xi32>
    %broadcast_in_dim3A_1091 = arith.constant 496 : i32
    %broadcast_in_dim3A_1092 = vector.broadcast %broadcast_in_dim3A_1091 : i32 to vector<16xi32>
    %gather3A_1093 = tpu.vector_load_idx %arg8[%broadcast_in_dim3A_1087, %iota3A, %broadcast_in_dim3A_1090] : memref<16x32x128xf32, #tpu.memory_space<vmem>>[vector<16xi32>, vector<16xi32>, vector<16xi32>], vector<16xf32>,
    %gather3A_1094 = tpu.vector_load_idx %arg8[%broadcast_in_dim3A_1087, %add3A_3, %broadcast_in_dim3A_1090] : memref<16x32x128xf32, #tpu.memory_space<vmem>>[vector<16xi32>, vector<16xi32>, vector<16xi32>], vector<16xf32>,
    tpu.vector_store_idx %arg10[%iota3A, %broadcast_in_dim3A_1092], %gather3A_1093 : memref<32x512xf32, #tpu.memory_space<vmem>>[vector<16xi32>, vector<16xi32>], vector<16xf32>,
    tpu.vector_store_idx %arg10[%add3A_3, %broadcast_in_dim3A_1092], %gather3A_1094 : memref<32x512xf32, #tpu.memory_space<vmem>>[vector<16xi32>, vector<16xi32>], vector<16xf32>,
    %slice3A_1095 = vector.extract_strided_slice %get3A_1068 {offsets = [1], sizes = [1], strides = [1]} : vector<16xi32> to vector<1xi32>
    %squeeze3A_1096 = vector.extract %slice3A_1095[0] : i32 from vector<1xi32>
    %dma_wait3A_1097 = arith.constant 1 : i32
    %dma_wait3A_1098 = arith.constant 0 : i32
    %dma_wait3A_1099 = arith.constant 0 : i32
    %dma_wait3A_1100 = tpu.memref_slice %arg8[%dma_wait3A_1097, %dma_wait3A_1098, %dma_wait3A_1099] : memref<16x32x128xf32, #tpu.memory_space<vmem>> -> memref<1x32x128xf32, #tpu.memory_space<vmem>>
    %dma_wait3A_1101 = tpu.memref_squeeze %dma_wait3A_1100 : memref<1x32x128xf32, #tpu.memory_space<vmem>> -> memref<32x128xf32, #tpu.memory_space<vmem>>
    %dma_wait3A_1102 = arith.constant 0 : i32
    %dma_wait3A_1103 = arith.constant 0 : i32
    %dma_wait3A_1104 = tpu.memref_slice %arg4[%dma_wait3A_1102, %dma_wait3A_1103] : memref<32x1000000xf32, #tpu.memory_space<hbm>> -> memref<32x128xf32, #tpu.memory_space<hbm>>
    %dma_wait3A_1105 = arith.constant 0 : i32
    %dma_wait3A_1106 = arith.constant 0 : i32
    %dma_wait3A_1107 = tpu.memref_slice %arg8[%dma_wait3A_1097, %dma_wait3A_1105, %dma_wait3A_1106] : memref<16x32x128xf32, #tpu.memory_space<vmem>> -> memref<1x32x128xf32, #tpu.memory_space<vmem>>
    %dma_wait3A_1108 = tpu.memref_squeeze %dma_wait3A_1107 : memref<1x32x128xf32, #tpu.memory_space<vmem>> -> memref<32x128xf32, #tpu.memory_space<vmem>>
    %dma_wait3A_1109 = arith.constant 0 : i32
    %dma_wait3A_1110 = arith.constant 0 : i32
    %dma_wait3A_1111 = tpu.memref_slice %arg4[%dma_wait3A_1109, %dma_wait3A_1110] : memref<32x1000000xf32, #tpu.memory_space<hbm>> -> memref<32x128xf32, #tpu.memory_space<hbm>>
    tpu.wait_dma2 semaphore(%arg12 : memref<!tpu.dma_semaphore, #tpu.memory_space<semaphore_mem>>) src(%dma_wait3A_1111 : memref<32x128xf32, #tpu.memory_space<hbm>>) dst(%dma_wait3A_1108 : memref<32x128xf32, #tpu.memory_space<vmem>>)
    %broadcast_in_dim3A_1112 = arith.constant 1 : i32
    %broadcast_in_dim3A_1113 = vector.broadcast %broadcast_in_dim3A_1112 : i32 to vector<16xi32>
    %and3A_1114 = arith.constant 127 : i32
    %and3A_1115 = arith.andi %squeeze3A_1096, %and3A_1114 : i32
    %broadcast_in_dim3A_1116 = vector.broadcast %and3A_1115 : i32 to vector<16xi32>
    %broadcast_in_dim3A_1117 = arith.constant 497 : i32
    %broadcast_in_dim3A_1118 = vector.broadcast %broadcast_in_dim3A_1117 : i32 to vector<16xi32>
    %gather3A_1119 = tpu.vector_load_idx %arg8[%broadcast_in_dim3A_1113, %iota3A, %broadcast_in_dim3A_1116] : memref<16x32x128xf32, #tpu.memory_space<vmem>>[vector<16xi32>, vector<16xi32>, vector<16xi32>], vector<16xf32>,
    %gather3A_1120 = tpu.vector_load_idx %arg8[%broadcast_in_dim3A_1113, %add3A_3, %broadcast_in_dim3A_1116] : memref<16x32x128xf32, #tpu.memory_space<vmem>>[vector<16xi32>, vector<16xi32>, vector<16xi32>], vector<16xf32>,
    tpu.vector_store_idx %arg10[%iota3A, %broadcast_in_dim3A_1118], %gather3A_1119 : memref<32x512xf32, #tpu.memory_space<vmem>>[vector<16xi32>, vector<16xi32>], vector<16xf32>,
    tpu.vector_store_idx %arg10[%add3A_3, %broadcast_in_dim3A_1118], %gather3A_1120 : memref<32x512xf32, #tpu.memory_space<vmem>>[vector<16xi32>, vector<16xi32>], vector<16xf32>,
    %slice3A_1121 = vector.extract_strided_slice %get3A_1068 {offsets = [2], sizes = [1], strides = [1]} : vector<16xi32> to vector<1xi32>
    %squeeze3A_1122 = vector.extract %slice3A_1121[0] : i32 from vector<1xi32>
    %dma_wait3A_1123 = arith.constant 2 : i32
    %dma_wait3A_1124 = arith.constant 0 : i32
    %dma_wait3A_1125 = arith.constant 0 : i32
    %dma_wait3A_1126 = tpu.memref_slice %arg8[%dma_wait3A_1123, %dma_wait3A_1124, %dma_wait3A_1125] : memref<16x32x128xf32, #tpu.memory_space<vmem>> -> memref<1x32x128xf32, #tpu.memory_space<vmem>>
    %dma_wait3A_1127 = tpu.memref_squeeze %dma_wait3A_1126 : memref<1x32x128xf32, #tpu.memory_space<vmem>> -> memref<32x128xf32, #tpu.memory_space<vmem>>
    %dma_wait3A_1128 = arith.constant 0 : i32
    %dma_wait3A_1129 = arith.constant 0 : i32
    %dma_wait3A_1130 = tpu.memref_slice %arg4[%dma_wait3A_1128, %dma_wait3A_1129] : memref<32x1000000xf32, #tpu.memory_space<hbm>> -> memref<32x128xf32, #tpu.memory_space<hbm>>
    %dma_wait3A_1131 = arith.constant 0 : i32
    %dma_wait3A_1132 = arith.constant 0 : i32
    %dma_wait3A_1133 = tpu.memref_slice %arg8[%dma_wait3A_1123, %dma_wait3A_1131, %dma_wait3A_1132] : memref<16x32x128xf32, #tpu.memory_space<vmem>> -> memref<1x32x128xf32, #tpu.memory_space<vmem>>
    %dma_wait3A_1134 = tpu.memref_squeeze %dma_wait3A_1133 : memref<1x32x128xf32, #tpu.memory_space<vmem>> -> memref<32x128xf32, #tpu.memory_space<vmem>>
    %dma_wait3A_1135 = arith.constant 0 : i32
    %dma_wait3A_1136 = arith.constant 0 : i32
    %dma_wait3A_1137 = tpu.memref_slice %arg4[%dma_wait3A_1135, %dma_wait3A_1136] : memref<32x1000000xf32, #tpu.memory_space<hbm>> -> memref<32x128xf32, #tpu.memory_space<hbm>>
    tpu.wait_dma2 semaphore(%arg13 : memref<!tpu.dma_semaphore, #tpu.memory_space<semaphore_mem>>) src(%dma_wait3A_1137 : memref<32x128xf32, #tpu.memory_space<hbm>>) dst(%dma_wait3A_1134 : memref<32x128xf32, #tpu.memory_space<vmem>>)
    %broadcast_in_dim3A_1138 = arith.constant 2 : i32
    %broadcast_in_dim3A_1139 = vector.broadcast %broadcast_in_dim3A_1138 : i32 to vector<16xi32>
    %and3A_1140 = arith.constant 127 : i32
    %and3A_1141 = arith.andi %squeeze3A_1122, %and3A_1140 : i32
    %broadcast_in_dim3A_1142 = vector.broadcast %and3A_1141 : i32 to vector<16xi32>
    %broadcast_in_dim3A_1143 = arith.constant 498 : i32
    %broadcast_in_dim3A_1144 = vector.broadcast %broadcast_in_dim3A_1143 : i32 to vector<16xi32>
    %gather3A_1145 = tpu.vector_load_idx %arg8[%broadcast_in_dim3A_1139, %iota3A, %broadcast_in_dim3A_1142] : memref<16x32x128xf32, #tpu.memory_space<vmem>>[vector<16xi32>, vector<16xi32>, vector<16xi32>], vector<16xf32>,
    %gather3A_1146 = tpu.vector_load_idx %arg8[%broadcast_in_dim3A_1139, %add3A_3, %broadcast_in_dim3A_1142] : memref<16x32x128xf32, #tpu.memory_space<vmem>>[vector<16xi32>, vector<16xi32>, vector<16xi32>], vector<16xf32>,
    tpu.vector_store_idx %arg10[%iota3A, %broadcast_in_dim3A_1144], %gather3A_1145 : memref<32x512xf32, #tpu.memory_space<vmem>>[vector<16xi32>, vector<16xi32>], vector<16xf32>,
    tpu.vector_store_idx %arg10[%add3A_3, %broadcast_in_dim3A_1144], %gather3A_1146 : memref<32x512xf32, #tpu.memory_space<vmem>>[vector<16xi32>, vector<16xi32>], vector<16xf32>,
    %slice3A_1147 = vector.extract_strided_slice %get3A_1068 {offsets = [3], sizes = [1], strides = [1]} : vector<16xi32> to vector<1xi32>
    %squeeze3A_1148 = vector.extract %slice3A_1147[0] : i32 from vector<1xi32>
    %dma_wait3A_1149 = arith.constant 3 : i32
    %dma_wait3A_1150 = arith.constant 0 : i32
    %dma_wait3A_1151 = arith.constant 0 : i32
    %dma_wait3A_1152 = tpu.memref_slice %arg8[%dma_wait3A_1149, %dma_wait3A_1150, %dma_wait3A_1151] : memref<16x32x128xf32, #tpu.memory_space<vmem>> -> memref<1x32x128xf32, #tpu.memory_space<vmem>>
    %dma_wait3A_1153 = tpu.memref_squeeze %dma_wait3A_1152 : memref<1x32x128xf32, #tpu.memory_space<vmem>> -> memref<32x128xf32, #tpu.memory_space<vmem>>
    %dma_wait3A_1154 = arith.constant 0 : i32
    %dma_wait3A_1155 = arith.constant 0 : i32
    %dma_wait3A_1156 = tpu.memref_slice %arg4[%dma_wait3A_1154, %dma_wait3A_1155] : memref<32x1000000xf32, #tpu.memory_space<hbm>> -> memref<32x128xf32, #tpu.memory_space<hbm>>
    %dma_wait3A_1157 = arith.constant 0 : i32
    %dma_wait3A_1158 = arith.constant 0 : i32
    %dma_wait3A_1159 = tpu.memref_slice %arg8[%dma_wait3A_1149, %dma_wait3A_1157, %dma_wait3A_1158] : memref<16x32x128xf32, #tpu.memory_space<vmem>> -> memref<1x32x128xf32, #tpu.memory_space<vmem>>
    %dma_wait3A_1160 = tpu.memref_squeeze %dma_wait3A_1159 : memref<1x32x128xf32, #tpu.memory_space<vmem>> -> memref<32x128xf32, #tpu.memory_space<vmem>>
    %dma_wait3A_1161 = arith.constant 0 : i32
    %dma_wait3A_1162 = arith.constant 0 : i32
    %dma_wait3A_1163 = tpu.memref_slice %arg4[%dma_wait3A_1161, %dma_wait3A_1162] : memref<32x1000000xf32, #tpu.memory_space<hbm>> -> memref<32x128xf32, #tpu.memory_space<hbm>>
    tpu.wait_dma2 semaphore(%arg14 : memref<!tpu.dma_semaphore, #tpu.memory_space<semaphore_mem>>) src(%dma_wait3A_1163 : memref<32x128xf32, #tpu.memory_space<hbm>>) dst(%dma_wait3A_1160 : memref<32x128xf32, #tpu.memory_space<vmem>>)
    %broadcast_in_dim3A_1164 = arith.constant 3 : i32
    %broadcast_in_dim3A_1165 = vector.broadcast %broadcast_in_dim3A_1164 : i32 to vector<16xi32>
    %and3A_1166 = arith.constant 127 : i32
    %and3A_1167 = arith.andi %squeeze3A_1148, %and3A_1166 : i32
    %broadcast_in_dim3A_1168 = vector.broadcast %and3A_1167 : i32 to vector<16xi32>
    %broadcast_in_dim3A_1169 = arith.constant 499 : i32
    %broadcast_in_dim3A_1170 = vector.broadcast %broadcast_in_dim3A_1169 : i32 to vector<16xi32>
    %gather3A_1171 = tpu.vector_load_idx %arg8[%broadcast_in_dim3A_1165, %iota3A, %broadcast_in_dim3A_1168] : memref<16x32x128xf32, #tpu.memory_space<vmem>>[vector<16xi32>, vector<16xi32>, vector<16xi32>], vector<16xf32>,
    %gather3A_1172 = tpu.vector_load_idx %arg8[%broadcast_in_dim3A_1165, %add3A_3, %broadcast_in_dim3A_1168] : memref<16x32x128xf32, #tpu.memory_space<vmem>>[vector<16xi32>, vector<16xi32>, vector<16xi32>], vector<16xf32>,
    tpu.vector_store_idx %arg10[%iota3A, %broadcast_in_dim3A_1170], %gather3A_1171 : memref<32x512xf32, #tpu.memory_space<vmem>>[vector<16xi32>, vector<16xi32>], vector<16xf32>,
    tpu.vector_store_idx %arg10[%add3A_3, %broadcast_in_dim3A_1170], %gather3A_1172 : memref<32x512xf32, #tpu.memory_space<vmem>>[vector<16xi32>, vector<16xi32>], vector<16xf32>,
    %slice3A_1173 = vector.extract_strided_slice %get3A_1068 {offsets = [4], sizes = [1], strides = [1]} : vector<16xi32> to vector<1xi32>
    %squeeze3A_1174 = vector.extract %slice3A_1173[0] : i32 from vector<1xi32>
    %dma_wait3A_1175 = arith.constant 4 : i32
    %dma_wait3A_1176 = arith.constant 0 : i32
    %dma_wait3A_1177 = arith.constant 0 : i32
    %dma_wait3A_1178 = tpu.memref_slice %arg8[%dma_wait3A_1175, %dma_wait3A_1176, %dma_wait3A_1177] : memref<16x32x128xf32, #tpu.memory_space<vmem>> -> memref<1x32x128xf32, #tpu.memory_space<vmem>>
    %dma_wait3A_1179 = tpu.memref_squeeze %dma_wait3A_1178 : memref<1x32x128xf32, #tpu.memory_space<vmem>> -> memref<32x128xf32, #tpu.memory_space<vmem>>
    %dma_wait3A_1180 = arith.constant 0 : i32
    %dma_wait3A_1181 = arith.constant 0 : i32
    %dma_wait3A_1182 = tpu.memref_slice %arg4[%dma_wait3A_1180, %dma_wait3A_1181] : memref<32x1000000xf32, #tpu.memory_space<hbm>> -> memref<32x128xf32, #tpu.memory_space<hbm>>
    %dma_wait3A_1183 = arith.constant 0 : i32
    %dma_wait3A_1184 = arith.constant 0 : i32
    %dma_wait3A_1185 = tpu.memref_slice %arg8[%dma_wait3A_1175, %dma_wait3A_1183, %dma_wait3A_1184] : memref<16x32x128xf32, #tpu.memory_space<vmem>> -> memref<1x32x128xf32, #tpu.memory_space<vmem>>
    %dma_wait3A_1186 = tpu.memref_squeeze %dma_wait3A_1185 : memref<1x32x128xf32, #tpu.memory_space<vmem>> -> memref<32x128xf32, #tpu.memory_space<vmem>>
    %dma_wait3A_1187 = arith.constant 0 : i32
    %dma_wait3A_1188 = arith.constant 0 : i32
    %dma_wait3A_1189 = tpu.memref_slice %arg4[%dma_wait3A_1187, %dma_wait3A_1188] : memref<32x1000000xf32, #tpu.memory_space<hbm>> -> memref<32x128xf32, #tpu.memory_space<hbm>>
    tpu.wait_dma2 semaphore(%arg15 : memref<!tpu.dma_semaphore, #tpu.memory_space<semaphore_mem>>) src(%dma_wait3A_1189 : memref<32x128xf32, #tpu.memory_space<hbm>>) dst(%dma_wait3A_1186 : memref<32x128xf32, #tpu.memory_space<vmem>>)
    %broadcast_in_dim3A_1190 = arith.constant 4 : i32
    %broadcast_in_dim3A_1191 = vector.broadcast %broadcast_in_dim3A_1190 : i32 to vector<16xi32>
    %and3A_1192 = arith.constant 127 : i32
    %and3A_1193 = arith.andi %squeeze3A_1174, %and3A_1192 : i32
    %broadcast_in_dim3A_1194 = vector.broadcast %and3A_1193 : i32 to vector<16xi32>
    %broadcast_in_dim3A_1195 = arith.constant 500 : i32
    %broadcast_in_dim3A_1196 = vector.broadcast %broadcast_in_dim3A_1195 : i32 to vector<16xi32>
    %gather3A_1197 = tpu.vector_load_idx %arg8[%broadcast_in_dim3A_1191, %iota3A, %broadcast_in_dim3A_1194] : memref<16x32x128xf32, #tpu.memory_space<vmem>>[vector<16xi32>, vector<16xi32>, vector<16xi32>], vector<16xf32>,
    %gather3A_1198 = tpu.vector_load_idx %arg8[%broadcast_in_dim3A_1191, %add3A_3, %broadcast_in_dim3A_1194] : memref<16x32x128xf32, #tpu.memory_space<vmem>>[vector<16xi32>, vector<16xi32>, vector<16xi32>], vector<16xf32>,
    tpu.vector_store_idx %arg10[%iota3A, %broadcast_in_dim3A_1196], %gather3A_1197 : memref<32x512xf32, #tpu.memory_space<vmem>>[vector<16xi32>, vector<16xi32>], vector<16xf32>,
    tpu.vector_store_idx %arg10[%add3A_3, %broadcast_in_dim3A_1196], %gather3A_1198 : memref<32x512xf32, #tpu.memory_space<vmem>>[vector<16xi32>, vector<16xi32>], vector<16xf32>,
    %slice3A_1199 = vector.extract_strided_slice %get3A_1068 {offsets = [5], sizes = [1], strides = [1]} : vector<16xi32> to vector<1xi32>
    %squeeze3A_1200 = vector.extract %slice3A_1199[0] : i32 from vector<1xi32>
    %dma_wait3A_1201 = arith.constant 5 : i32
    %dma_wait3A_1202 = arith.constant 0 : i32
    %dma_wait3A_1203 = arith.constant 0 : i32
    %dma_wait3A_1204 = tpu.memref_slice %arg8[%dma_wait3A_1201, %dma_wait3A_1202, %dma_wait3A_1203] : memref<16x32x128xf32, #tpu.memory_space<vmem>> -> memref<1x32x128xf32, #tpu.memory_space<vmem>>
    %dma_wait3A_1205 = tpu.memref_squeeze %dma_wait3A_1204 : memref<1x32x128xf32, #tpu.memory_space<vmem>> -> memref<32x128xf32, #tpu.memory_space<vmem>>
    %dma_wait3A_1206 = arith.constant 0 : i32
    %dma_wait3A_1207 = arith.constant 0 : i32
    %dma_wait3A_1208 = tpu.memref_slice %arg4[%dma_wait3A_1206, %dma_wait3A_1207] : memref<32x1000000xf32, #tpu.memory_space<hbm>> -> memref<32x128xf32, #tpu.memory_space<hbm>>
    %dma_wait3A_1209 = arith.constant 0 : i32
    %dma_wait3A_1210 = arith.constant 0 : i32
    %dma_wait3A_1211 = tpu.memref_slice %arg8[%dma_wait3A_1201, %dma_wait3A_1209, %dma_wait3A_1210] : memref<16x32x128xf32, #tpu.memory_space<vmem>> -> memref<1x32x128xf32, #tpu.memory_space<vmem>>
    %dma_wait3A_1212 = tpu.memref_squeeze %dma_wait3A_1211 : memref<1x32x128xf32, #tpu.memory_space<vmem>> -> memref<32x128xf32, #tpu.memory_space<vmem>>
    %dma_wait3A_1213 = arith.constant 0 : i32
    %dma_wait3A_1214 = arith.constant 0 : i32
    %dma_wait3A_1215 = tpu.memref_slice %arg4[%dma_wait3A_1213, %dma_wait3A_1214] : memref<32x1000000xf32, #tpu.memory_space<hbm>> -> memref<32x128xf32, #tpu.memory_space<hbm>>
    tpu.wait_dma2 semaphore(%arg16 : memref<!tpu.dma_semaphore, #tpu.memory_space<semaphore_mem>>) src(%dma_wait3A_1215 : memref<32x128xf32, #tpu.memory_space<hbm>>) dst(%dma_wait3A_1212 : memref<32x128xf32, #tpu.memory_space<vmem>>)
    %broadcast_in_dim3A_1216 = arith.constant 5 : i32
    %broadcast_in_dim3A_1217 = vector.broadcast %broadcast_in_dim3A_1216 : i32 to vector<16xi32>
    %and3A_1218 = arith.constant 127 : i32
    %and3A_1219 = arith.andi %squeeze3A_1200, %and3A_1218 : i32
    %broadcast_in_dim3A_1220 = vector.broadcast %and3A_1219 : i32 to vector<16xi32>
    %broadcast_in_dim3A_1221 = arith.constant 501 : i32
    %broadcast_in_dim3A_1222 = vector.broadcast %broadcast_in_dim3A_1221 : i32 to vector<16xi32>
    %gather3A_1223 = tpu.vector_load_idx %arg8[%broadcast_in_dim3A_1217, %iota3A, %broadcast_in_dim3A_1220] : memref<16x32x128xf32, #tpu.memory_space<vmem>>[vector<16xi32>, vector<16xi32>, vector<16xi32>], vector<16xf32>,
    %gather3A_1224 = tpu.vector_load_idx %arg8[%broadcast_in_dim3A_1217, %add3A_3, %broadcast_in_dim3A_1220] : memref<16x32x128xf32, #tpu.memory_space<vmem>>[vector<16xi32>, vector<16xi32>, vector<16xi32>], vector<16xf32>,
    tpu.vector_store_idx %arg10[%iota3A, %broadcast_in_dim3A_1222], %gather3A_1223 : memref<32x512xf32, #tpu.memory_space<vmem>>[vector<16xi32>, vector<16xi32>], vector<16xf32>,
    tpu.vector_store_idx %arg10[%add3A_3, %broadcast_in_dim3A_1222], %gather3A_1224 : memref<32x512xf32, #tpu.memory_space<vmem>>[vector<16xi32>, vector<16xi32>], vector<16xf32>,
    %slice3A_1225 = vector.extract_strided_slice %get3A_1068 {offsets = [6], sizes = [1], strides = [1]} : vector<16xi32> to vector<1xi32>
    %squeeze3A_1226 = vector.extract %slice3A_1225[0] : i32 from vector<1xi32>
    %dma_wait3A_1227 = arith.constant 6 : i32
    %dma_wait3A_1228 = arith.constant 0 : i32
    %dma_wait3A_1229 = arith.constant 0 : i32
    %dma_wait3A_1230 = tpu.memref_slice %arg8[%dma_wait3A_1227, %dma_wait3A_1228, %dma_wait3A_1229] : memref<16x32x128xf32, #tpu.memory_space<vmem>> -> memref<1x32x128xf32, #tpu.memory_space<vmem>>
    %dma_wait3A_1231 = tpu.memref_squeeze %dma_wait3A_1230 : memref<1x32x128xf32, #tpu.memory_space<vmem>> -> memref<32x128xf32, #tpu.memory_space<vmem>>
    %dma_wait3A_1232 = arith.constant 0 : i32
    %dma_wait3A_1233 = arith.constant 0 : i32
    %dma_wait3A_1234 = tpu.memref_slice %arg4[%dma_wait3A_1232, %dma_wait3A_1233] : memref<32x1000000xf32, #tpu.memory_space<hbm>> -> memref<32x128xf32, #tpu.memory_space<hbm>>
    %dma_wait3A_1235 = arith.constant 0 : i32
    %dma_wait3A_1236 = arith.constant 0 : i32
    %dma_wait3A_1237 = tpu.memref_slice %arg8[%dma_wait3A_1227, %dma_wait3A_1235, %dma_wait3A_1236] : memref<16x32x128xf32, #tpu.memory_space<vmem>> -> memref<1x32x128xf32, #tpu.memory_space<vmem>>
    %dma_wait3A_1238 = tpu.memref_squeeze %dma_wait3A_1237 : memref<1x32x128xf32, #tpu.memory_space<vmem>> -> memref<32x128xf32, #tpu.memory_space<vmem>>
    %dma_wait3A_1239 = arith.constant 0 : i32
    %dma_wait3A_1240 = arith.constant 0 : i32
    %dma_wait3A_1241 = tpu.memref_slice %arg4[%dma_wait3A_1239, %dma_wait3A_1240] : memref<32x1000000xf32, #tpu.memory_space<hbm>> -> memref<32x128xf32, #tpu.memory_space<hbm>>
    tpu.wait_dma2 semaphore(%arg17 : memref<!tpu.dma_semaphore, #tpu.memory_space<semaphore_mem>>) src(%dma_wait3A_1241 : memref<32x128xf32, #tpu.memory_space<hbm>>) dst(%dma_wait3A_1238 : memref<32x128xf32, #tpu.memory_space<vmem>>)
    %broadcast_in_dim3A_1242 = arith.constant 6 : i32
    %broadcast_in_dim3A_1243 = vector.broadcast %broadcast_in_dim3A_1242 : i32 to vector<16xi32>
    %and3A_1244 = arith.constant 127 : i32
    %and3A_1245 = arith.andi %squeeze3A_1226, %and3A_1244 : i32
    %broadcast_in_dim3A_1246 = vector.broadcast %and3A_1245 : i32 to vector<16xi32>
    %broadcast_in_dim3A_1247 = arith.constant 502 : i32
    %broadcast_in_dim3A_1248 = vector.broadcast %broadcast_in_dim3A_1247 : i32 to vector<16xi32>
    %gather3A_1249 = tpu.vector_load_idx %arg8[%broadcast_in_dim3A_1243, %iota3A, %broadcast_in_dim3A_1246] : memref<16x32x128xf32, #tpu.memory_space<vmem>>[vector<16xi32>, vector<16xi32>, vector<16xi32>], vector<16xf32>,
    %gather3A_1250 = tpu.vector_load_idx %arg8[%broadcast_in_dim3A_1243, %add3A_3, %broadcast_in_dim3A_1246] : memref<16x32x128xf32, #tpu.memory_space<vmem>>[vector<16xi32>, vector<16xi32>, vector<16xi32>], vector<16xf32>,
    tpu.vector_store_idx %arg10[%iota3A, %broadcast_in_dim3A_1248], %gather3A_1249 : memref<32x512xf32, #tpu.memory_space<vmem>>[vector<16xi32>, vector<16xi32>], vector<16xf32>,
    tpu.vector_store_idx %arg10[%add3A_3, %broadcast_in_dim3A_1248], %gather3A_1250 : memref<32x512xf32, #tpu.memory_space<vmem>>[vector<16xi32>, vector<16xi32>], vector<16xf32>,
    %slice3A_1251 = vector.extract_strided_slice %get3A_1068 {offsets = [7], sizes = [1], strides = [1]} : vector<16xi32> to vector<1xi32>
    %squeeze3A_1252 = vector.extract %slice3A_1251[0] : i32 from vector<1xi32>
    %dma_wait3A_1253 = arith.constant 7 : i32
    %dma_wait3A_1254 = arith.constant 0 : i32
    %dma_wait3A_1255 = arith.constant 0 : i32
    %dma_wait3A_1256 = tpu.memref_slice %arg8[%dma_wait3A_1253, %dma_wait3A_1254, %dma_wait3A_1255] : memref<16x32x128xf32, #tpu.memory_space<vmem>> -> memref<1x32x128xf32, #tpu.memory_space<vmem>>
    %dma_wait3A_1257 = tpu.memref_squeeze %dma_wait3A_1256 : memref<1x32x128xf32, #tpu.memory_space<vmem>> -> memref<32x128xf32, #tpu.memory_space<vmem>>
    %dma_wait3A_1258 = arith.constant 0 : i32
    %dma_wait3A_1259 = arith.constant 0 : i32
    %dma_wait3A_1260 = tpu.memref_slice %arg4[%dma_wait3A_1258, %dma_wait3A_1259] : memref<32x1000000xf32, #tpu.memory_space<hbm>> -> memref<32x128xf32, #tpu.memory_space<hbm>>
    %dma_wait3A_1261 = arith.constant 0 : i32
    %dma_wait3A_1262 = arith.constant 0 : i32
    %dma_wait3A_1263 = tpu.memref_slice %arg8[%dma_wait3A_1253, %dma_wait3A_1261, %dma_wait3A_1262] : memref<16x32x128xf32, #tpu.memory_space<vmem>> -> memref<1x32x128xf32, #tpu.memory_space<vmem>>
    %dma_wait3A_1264 = tpu.memref_squeeze %dma_wait3A_1263 : memref<1x32x128xf32, #tpu.memory_space<vmem>> -> memref<32x128xf32, #tpu.memory_space<vmem>>
    %dma_wait3A_1265 = arith.constant 0 : i32
    %dma_wait3A_1266 = arith.constant 0 : i32
    %dma_wait3A_1267 = tpu.memref_slice %arg4[%dma_wait3A_1265, %dma_wait3A_1266] : memref<32x1000000xf32, #tpu.memory_space<hbm>> -> memref<32x128xf32, #tpu.memory_space<hbm>>
    tpu.wait_dma2 semaphore(%arg18 : memref<!tpu.dma_semaphore, #tpu.memory_space<semaphore_mem>>) src(%dma_wait3A_1267 : memref<32x128xf32, #tpu.memory_space<hbm>>) dst(%dma_wait3A_1264 : memref<32x128xf32, #tpu.memory_space<vmem>>)
    %broadcast_in_dim3A_1268 = arith.constant 7 : i32
    %broadcast_in_dim3A_1269 = vector.broadcast %broadcast_in_dim3A_1268 : i32 to vector<16xi32>
    %and3A_1270 = arith.constant 127 : i32
    %and3A_1271 = arith.andi %squeeze3A_1252, %and3A_1270 : i32
    %broadcast_in_dim3A_1272 = vector.broadcast %and3A_1271 : i32 to vector<16xi32>
    %broadcast_in_dim3A_1273 = arith.constant 503 : i32
    %broadcast_in_dim3A_1274 = vector.broadcast %broadcast_in_dim3A_1273 : i32 to vector<16xi32>
    %gather3A_1275 = tpu.vector_load_idx %arg8[%broadcast_in_dim3A_1269, %iota3A, %broadcast_in_dim3A_1272] : memref<16x32x128xf32, #tpu.memory_space<vmem>>[vector<16xi32>, vector<16xi32>, vector<16xi32>], vector<16xf32>,
    %gather3A_1276 = tpu.vector_load_idx %arg8[%broadcast_in_dim3A_1269, %add3A_3, %broadcast_in_dim3A_1272] : memref<16x32x128xf32, #tpu.memory_space<vmem>>[vector<16xi32>, vector<16xi32>, vector<16xi32>], vector<16xf32>,
    tpu.vector_store_idx %arg10[%iota3A, %broadcast_in_dim3A_1274], %gather3A_1275 : memref<32x512xf32, #tpu.memory_space<vmem>>[vector<16xi32>, vector<16xi32>], vector<16xf32>,
    tpu.vector_store_idx %arg10[%add3A_3, %broadcast_in_dim3A_1274], %gather3A_1276 : memref<32x512xf32, #tpu.memory_space<vmem>>[vector<16xi32>, vector<16xi32>], vector<16xf32>,
    %slice3A_1277 = vector.extract_strided_slice %get3A_1068 {offsets = [8], sizes = [1], strides = [1]} : vector<16xi32> to vector<1xi32>
    %squeeze3A_1278 = vector.extract %slice3A_1277[0] : i32 from vector<1xi32>
    %dma_wait3A_1279 = arith.constant 8 : i32
    %dma_wait3A_1280 = arith.constant 0 : i32
    %dma_wait3A_1281 = arith.constant 0 : i32
    %dma_wait3A_1282 = tpu.memref_slice %arg8[%dma_wait3A_1279, %dma_wait3A_1280, %dma_wait3A_1281] : memref<16x32x128xf32, #tpu.memory_space<vmem>> -> memref<1x32x128xf32, #tpu.memory_space<vmem>>
    %dma_wait3A_1283 = tpu.memref_squeeze %dma_wait3A_1282 : memref<1x32x128xf32, #tpu.memory_space<vmem>> -> memref<32x128xf32, #tpu.memory_space<vmem>>
    %dma_wait3A_1284 = arith.constant 0 : i32
    %dma_wait3A_1285 = arith.constant 0 : i32
    %dma_wait3A_1286 = tpu.memref_slice %arg4[%dma_wait3A_1284, %dma_wait3A_1285] : memref<32x1000000xf32, #tpu.memory_space<hbm>> -> memref<32x128xf32, #tpu.memory_space<hbm>>
    %dma_wait3A_1287 = arith.constant 0 : i32
    %dma_wait3A_1288 = arith.constant 0 : i32
    %dma_wait3A_1289 = tpu.memref_slice %arg8[%dma_wait3A_1279, %dma_wait3A_1287, %dma_wait3A_1288] : memref<16x32x128xf32, #tpu.memory_space<vmem>> -> memref<1x32x128xf32, #tpu.memory_space<vmem>>
    %dma_wait3A_1290 = tpu.memref_squeeze %dma_wait3A_1289 : memref<1x32x128xf32, #tpu.memory_space<vmem>> -> memref<32x128xf32, #tpu.memory_space<vmem>>
    %dma_wait3A_1291 = arith.constant 0 : i32
    %dma_wait3A_1292 = arith.constant 0 : i32
    %dma_wait3A_1293 = tpu.memref_slice %arg4[%dma_wait3A_1291, %dma_wait3A_1292] : memref<32x1000000xf32, #tpu.memory_space<hbm>> -> memref<32x128xf32, #tpu.memory_space<hbm>>
    tpu.wait_dma2 semaphore(%arg19 : memref<!tpu.dma_semaphore, #tpu.memory_space<semaphore_mem>>) src(%dma_wait3A_1293 : memref<32x128xf32, #tpu.memory_space<hbm>>) dst(%dma_wait3A_1290 : memref<32x128xf32, #tpu.memory_space<vmem>>)
    %broadcast_in_dim3A_1294 = arith.constant 8 : i32
    %broadcast_in_dim3A_1295 = vector.broadcast %broadcast_in_dim3A_1294 : i32 to vector<16xi32>
    %and3A_1296 = arith.constant 127 : i32
    %and3A_1297 = arith.andi %squeeze3A_1278, %and3A_1296 : i32
    %broadcast_in_dim3A_1298 = vector.broadcast %and3A_1297 : i32 to vector<16xi32>
    %broadcast_in_dim3A_1299 = arith.constant 504 : i32
    %broadcast_in_dim3A_1300 = vector.broadcast %broadcast_in_dim3A_1299 : i32 to vector<16xi32>
    %gather3A_1301 = tpu.vector_load_idx %arg8[%broadcast_in_dim3A_1295, %iota3A, %broadcast_in_dim3A_1298] : memref<16x32x128xf32, #tpu.memory_space<vmem>>[vector<16xi32>, vector<16xi32>, vector<16xi32>], vector<16xf32>,
    %gather3A_1302 = tpu.vector_load_idx %arg8[%broadcast_in_dim3A_1295, %add3A_3, %broadcast_in_dim3A_1298] : memref<16x32x128xf32, #tpu.memory_space<vmem>>[vector<16xi32>, vector<16xi32>, vector<16xi32>], vector<16xf32>,
    tpu.vector_store_idx %arg10[%iota3A, %broadcast_in_dim3A_1300], %gather3A_1301 : memref<32x512xf32, #tpu.memory_space<vmem>>[vector<16xi32>, vector<16xi32>], vector<16xf32>,
    tpu.vector_store_idx %arg10[%add3A_3, %broadcast_in_dim3A_1300], %gather3A_1302 : memref<32x512xf32, #tpu.memory_space<vmem>>[vector<16xi32>, vector<16xi32>], vector<16xf32>,
    %slice3A_1303 = vector.extract_strided_slice %get3A_1068 {offsets = [9], sizes = [1], strides = [1]} : vector<16xi32> to vector<1xi32>
    %squeeze3A_1304 = vector.extract %slice3A_1303[0] : i32 from vector<1xi32>
    %dma_wait3A_1305 = arith.constant 9 : i32
    %dma_wait3A_1306 = arith.constant 0 : i32
    %dma_wait3A_1307 = arith.constant 0 : i32
    %dma_wait3A_1308 = tpu.memref_slice %arg8[%dma_wait3A_1305, %dma_wait3A_1306, %dma_wait3A_1307] : memref<16x32x128xf32, #tpu.memory_space<vmem>> -> memref<1x32x128xf32, #tpu.memory_space<vmem>>
    %dma_wait3A_1309 = tpu.memref_squeeze %dma_wait3A_1308 : memref<1x32x128xf32, #tpu.memory_space<vmem>> -> memref<32x128xf32, #tpu.memory_space<vmem>>
    %dma_wait3A_1310 = arith.constant 0 : i32
    %dma_wait3A_1311 = arith.constant 0 : i32
    %dma_wait3A_1312 = tpu.memref_slice %arg4[%dma_wait3A_1310, %dma_wait3A_1311] : memref<32x1000000xf32, #tpu.memory_space<hbm>> -> memref<32x128xf32, #tpu.memory_space<hbm>>
    %dma_wait3A_1313 = arith.constant 0 : i32
    %dma_wait3A_1314 = arith.constant 0 : i32
    %dma_wait3A_1315 = tpu.memref_slice %arg8[%dma_wait3A_1305, %dma_wait3A_1313, %dma_wait3A_1314] : memref<16x32x128xf32, #tpu.memory_space<vmem>> -> memref<1x32x128xf32, #tpu.memory_space<vmem>>
    %dma_wait3A_1316 = tpu.memref_squeeze %dma_wait3A_1315 : memref<1x32x128xf32, #tpu.memory_space<vmem>> -> memref<32x128xf32, #tpu.memory_space<vmem>>
    %dma_wait3A_1317 = arith.constant 0 : i32
    %dma_wait3A_1318 = arith.constant 0 : i32
    %dma_wait3A_1319 = tpu.memref_slice %arg4[%dma_wait3A_1317, %dma_wait3A_1318] : memref<32x1000000xf32, #tpu.memory_space<hbm>> -> memref<32x128xf32, #tpu.memory_space<hbm>>
    tpu.wait_dma2 semaphore(%arg20 : memref<!tpu.dma_semaphore, #tpu.memory_space<semaphore_mem>>) src(%dma_wait3A_1319 : memref<32x128xf32, #tpu.memory_space<hbm>>) dst(%dma_wait3A_1316 : memref<32x128xf32, #tpu.memory_space<vmem>>)
    %broadcast_in_dim3A_1320 = arith.constant 9 : i32
    %broadcast_in_dim3A_1321 = vector.broadcast %broadcast_in_dim3A_1320 : i32 to vector<16xi32>
    %and3A_1322 = arith.constant 127 : i32
    %and3A_1323 = arith.andi %squeeze3A_1304, %and3A_1322 : i32
    %broadcast_in_dim3A_1324 = vector.broadcast %and3A_1323 : i32 to vector<16xi32>
    %broadcast_in_dim3A_1325 = arith.constant 505 : i32
    %broadcast_in_dim3A_1326 = vector.broadcast %broadcast_in_dim3A_1325 : i32 to vector<16xi32>
    %gather3A_1327 = tpu.vector_load_idx %arg8[%broadcast_in_dim3A_1321, %iota3A, %broadcast_in_dim3A_1324] : memref<16x32x128xf32, #tpu.memory_space<vmem>>[vector<16xi32>, vector<16xi32>, vector<16xi32>], vector<16xf32>,
    %gather3A_1328 = tpu.vector_load_idx %arg8[%broadcast_in_dim3A_1321, %add3A_3, %broadcast_in_dim3A_1324] : memref<16x32x128xf32, #tpu.memory_space<vmem>>[vector<16xi32>, vector<16xi32>, vector<16xi32>], vector<16xf32>,
    tpu.vector_store_idx %arg10[%iota3A, %broadcast_in_dim3A_1326], %gather3A_1327 : memref<32x512xf32, #tpu.memory_space<vmem>>[vector<16xi32>, vector<16xi32>], vector<16xf32>,
    tpu.vector_store_idx %arg10[%add3A_3, %broadcast_in_dim3A_1326], %gather3A_1328 : memref<32x512xf32, #tpu.memory_space<vmem>>[vector<16xi32>, vector<16xi32>], vector<16xf32>,
    %slice3A_1329 = vector.extract_strided_slice %get3A_1068 {offsets = [10], sizes = [1], strides = [1]} : vector<16xi32> to vector<1xi32>
    %squeeze3A_1330 = vector.extract %slice3A_1329[0] : i32 from vector<1xi32>
    %dma_wait3A_1331 = arith.constant 10 : i32
    %dma_wait3A_1332 = arith.constant 0 : i32
    %dma_wait3A_1333 = arith.constant 0 : i32
    %dma_wait3A_1334 = tpu.memref_slice %arg8[%dma_wait3A_1331, %dma_wait3A_1332, %dma_wait3A_1333] : memref<16x32x128xf32, #tpu.memory_space<vmem>> -> memref<1x32x128xf32, #tpu.memory_space<vmem>>
    %dma_wait3A_1335 = tpu.memref_squeeze %dma_wait3A_1334 : memref<1x32x128xf32, #tpu.memory_space<vmem>> -> memref<32x128xf32, #tpu.memory_space<vmem>>
    %dma_wait3A_1336 = arith.constant 0 : i32
    %dma_wait3A_1337 = arith.constant 0 : i32
    %dma_wait3A_1338 = tpu.memref_slice %arg4[%dma_wait3A_1336, %dma_wait3A_1337] : memref<32x1000000xf32, #tpu.memory_space<hbm>> -> memref<32x128xf32, #tpu.memory_space<hbm>>
    %dma_wait3A_1339 = arith.constant 0 : i32
    %dma_wait3A_1340 = arith.constant 0 : i32
    %dma_wait3A_1341 = tpu.memref_slice %arg8[%dma_wait3A_1331, %dma_wait3A_1339, %dma_wait3A_1340] : memref<16x32x128xf32, #tpu.memory_space<vmem>> -> memref<1x32x128xf32, #tpu.memory_space<vmem>>
    %dma_wait3A_1342 = tpu.memref_squeeze %dma_wait3A_1341 : memref<1x32x128xf32, #tpu.memory_space<vmem>> -> memref<32x128xf32, #tpu.memory_space<vmem>>
    %dma_wait3A_1343 = arith.constant 0 : i32
    %dma_wait3A_1344 = arith.constant 0 : i32
    %dma_wait3A_1345 = tpu.memref_slice %arg4[%dma_wait3A_1343, %dma_wait3A_1344] : memref<32x1000000xf32, #tpu.memory_space<hbm>> -> memref<32x128xf32, #tpu.memory_space<hbm>>
    tpu.wait_dma2 semaphore(%arg21 : memref<!tpu.dma_semaphore, #tpu.memory_space<semaphore_mem>>) src(%dma_wait3A_1345 : memref<32x128xf32, #tpu.memory_space<hbm>>) dst(%dma_wait3A_1342 : memref<32x128xf32, #tpu.memory_space<vmem>>)
    %broadcast_in_dim3A_1346 = arith.constant 10 : i32
    %broadcast_in_dim3A_1347 = vector.broadcast %broadcast_in_dim3A_1346 : i32 to vector<16xi32>
    %and3A_1348 = arith.constant 127 : i32
    %and3A_1349 = arith.andi %squeeze3A_1330, %and3A_1348 : i32
    %broadcast_in_dim3A_1350 = vector.broadcast %and3A_1349 : i32 to vector<16xi32>
    %broadcast_in_dim3A_1351 = arith.constant 506 : i32
    %broadcast_in_dim3A_1352 = vector.broadcast %broadcast_in_dim3A_1351 : i32 to vector<16xi32>
    %gather3A_1353 = tpu.vector_load_idx %arg8[%broadcast_in_dim3A_1347, %iota3A, %broadcast_in_dim3A_1350] : memref<16x32x128xf32, #tpu.memory_space<vmem>>[vector<16xi32>, vector<16xi32>, vector<16xi32>], vector<16xf32>,
    %gather3A_1354 = tpu.vector_load_idx %arg8[%broadcast_in_dim3A_1347, %add3A_3, %broadcast_in_dim3A_1350] : memref<16x32x128xf32, #tpu.memory_space<vmem>>[vector<16xi32>, vector<16xi32>, vector<16xi32>], vector<16xf32>,
    tpu.vector_store_idx %arg10[%iota3A, %broadcast_in_dim3A_1352], %gather3A_1353 : memref<32x512xf32, #tpu.memory_space<vmem>>[vector<16xi32>, vector<16xi32>], vector<16xf32>,
    tpu.vector_store_idx %arg10[%add3A_3, %broadcast_in_dim3A_1352], %gather3A_1354 : memref<32x512xf32, #tpu.memory_space<vmem>>[vector<16xi32>, vector<16xi32>], vector<16xf32>,
    %slice3A_1355 = vector.extract_strided_slice %get3A_1068 {offsets = [11], sizes = [1], strides = [1]} : vector<16xi32> to vector<1xi32>
    %squeeze3A_1356 = vector.extract %slice3A_1355[0] : i32 from vector<1xi32>
    %dma_wait3A_1357 = arith.constant 11 : i32
    %dma_wait3A_1358 = arith.constant 0 : i32
    %dma_wait3A_1359 = arith.constant 0 : i32
    %dma_wait3A_1360 = tpu.memref_slice %arg8[%dma_wait3A_1357, %dma_wait3A_1358, %dma_wait3A_1359] : memref<16x32x128xf32, #tpu.memory_space<vmem>> -> memref<1x32x128xf32, #tpu.memory_space<vmem>>
    %dma_wait3A_1361 = tpu.memref_squeeze %dma_wait3A_1360 : memref<1x32x128xf32, #tpu.memory_space<vmem>> -> memref<32x128xf32, #tpu.memory_space<vmem>>
    %dma_wait3A_1362 = arith.constant 0 : i32
    %dma_wait3A_1363 = arith.constant 0 : i32
    %dma_wait3A_1364 = tpu.memref_slice %arg4[%dma_wait3A_1362, %dma_wait3A_1363] : memref<32x1000000xf32, #tpu.memory_space<hbm>> -> memref<32x128xf32, #tpu.memory_space<hbm>>
    %dma_wait3A_1365 = arith.constant 0 : i32
    %dma_wait3A_1366 = arith.constant 0 : i32
    %dma_wait3A_1367 = tpu.memref_slice %arg8[%dma_wait3A_1357, %dma_wait3A_1365, %dma_wait3A_1366] : memref<16x32x128xf32, #tpu.memory_space<vmem>> -> memref<1x32x128xf32, #tpu.memory_space<vmem>>
    %dma_wait3A_1368 = tpu.memref_squeeze %dma_wait3A_1367 : memref<1x32x128xf32, #tpu.memory_space<vmem>> -> memref<32x128xf32, #tpu.memory_space<vmem>>
    %dma_wait3A_1369 = arith.constant 0 : i32
    %dma_wait3A_1370 = arith.constant 0 : i32
    %dma_wait3A_1371 = tpu.memref_slice %arg4[%dma_wait3A_1369, %dma_wait3A_1370] : memref<32x1000000xf32, #tpu.memory_space<hbm>> -> memref<32x128xf32, #tpu.memory_space<hbm>>
    tpu.wait_dma2 semaphore(%arg22 : memref<!tpu.dma_semaphore, #tpu.memory_space<semaphore_mem>>) src(%dma_wait3A_1371 : memref<32x128xf32, #tpu.memory_space<hbm>>) dst(%dma_wait3A_1368 : memref<32x128xf32, #tpu.memory_space<vmem>>)
    %broadcast_in_dim3A_1372 = arith.constant 11 : i32
    %broadcast_in_dim3A_1373 = vector.broadcast %broadcast_in_dim3A_1372 : i32 to vector<16xi32>
    %and3A_1374 = arith.constant 127 : i32
    %and3A_1375 = arith.andi %squeeze3A_1356, %and3A_1374 : i32
    %broadcast_in_dim3A_1376 = vector.broadcast %and3A_1375 : i32 to vector<16xi32>
    %broadcast_in_dim3A_1377 = arith.constant 507 : i32
    %broadcast_in_dim3A_1378 = vector.broadcast %broadcast_in_dim3A_1377 : i32 to vector<16xi32>
    %gather3A_1379 = tpu.vector_load_idx %arg8[%broadcast_in_dim3A_1373, %iota3A, %broadcast_in_dim3A_1376] : memref<16x32x128xf32, #tpu.memory_space<vmem>>[vector<16xi32>, vector<16xi32>, vector<16xi32>], vector<16xf32>,
    %gather3A_1380 = tpu.vector_load_idx %arg8[%broadcast_in_dim3A_1373, %add3A_3, %broadcast_in_dim3A_1376] : memref<16x32x128xf32, #tpu.memory_space<vmem>>[vector<16xi32>, vector<16xi32>, vector<16xi32>], vector<16xf32>,
    tpu.vector_store_idx %arg10[%iota3A, %broadcast_in_dim3A_1378], %gather3A_1379 : memref<32x512xf32, #tpu.memory_space<vmem>>[vector<16xi32>, vector<16xi32>], vector<16xf32>,
    tpu.vector_store_idx %arg10[%add3A_3, %broadcast_in_dim3A_1378], %gather3A_1380 : memref<32x512xf32, #tpu.memory_space<vmem>>[vector<16xi32>, vector<16xi32>], vector<16xf32>,
    %slice3A_1381 = vector.extract_strided_slice %get3A_1068 {offsets = [12], sizes = [1], strides = [1]} : vector<16xi32> to vector<1xi32>
    %squeeze3A_1382 = vector.extract %slice3A_1381[0] : i32 from vector<1xi32>
    %dma_wait3A_1383 = arith.constant 12 : i32
    %dma_wait3A_1384 = arith.constant 0 : i32
    %dma_wait3A_1385 = arith.constant 0 : i32
    %dma_wait3A_1386 = tpu.memref_slice %arg8[%dma_wait3A_1383, %dma_wait3A_1384, %dma_wait3A_1385] : memref<16x32x128xf32, #tpu.memory_space<vmem>> -> memref<1x32x128xf32, #tpu.memory_space<vmem>>
    %dma_wait3A_1387 = tpu.memref_squeeze %dma_wait3A_1386 : memref<1x32x128xf32, #tpu.memory_space<vmem>> -> memref<32x128xf32, #tpu.memory_space<vmem>>
    %dma_wait3A_1388 = arith.constant 0 : i32
    %dma_wait3A_1389 = arith.constant 0 : i32
    %dma_wait3A_1390 = tpu.memref_slice %arg4[%dma_wait3A_1388, %dma_wait3A_1389] : memref<32x1000000xf32, #tpu.memory_space<hbm>> -> memref<32x128xf32, #tpu.memory_space<hbm>>
    %dma_wait3A_1391 = arith.constant 0 : i32
    %dma_wait3A_1392 = arith.constant 0 : i32
    %dma_wait3A_1393 = tpu.memref_slice %arg8[%dma_wait3A_1383, %dma_wait3A_1391, %dma_wait3A_1392] : memref<16x32x128xf32, #tpu.memory_space<vmem>> -> memref<1x32x128xf32, #tpu.memory_space<vmem>>
    %dma_wait3A_1394 = tpu.memref_squeeze %dma_wait3A_1393 : memref<1x32x128xf32, #tpu.memory_space<vmem>> -> memref<32x128xf32, #tpu.memory_space<vmem>>
    %dma_wait3A_1395 = arith.constant 0 : i32
    %dma_wait3A_1396 = arith.constant 0 : i32
    %dma_wait3A_1397 = tpu.memref_slice %arg4[%dma_wait3A_1395, %dma_wait3A_1396] : memref<32x1000000xf32, #tpu.memory_space<hbm>> -> memref<32x128xf32, #tpu.memory_space<hbm>>
    tpu.wait_dma2 semaphore(%arg23 : memref<!tpu.dma_semaphore, #tpu.memory_space<semaphore_mem>>) src(%dma_wait3A_1397 : memref<32x128xf32, #tpu.memory_space<hbm>>) dst(%dma_wait3A_1394 : memref<32x128xf32, #tpu.memory_space<vmem>>)
    %broadcast_in_dim3A_1398 = arith.constant 12 : i32
    %broadcast_in_dim3A_1399 = vector.broadcast %broadcast_in_dim3A_1398 : i32 to vector<16xi32>
    %and3A_1400 = arith.constant 127 : i32
    %and3A_1401 = arith.andi %squeeze3A_1382, %and3A_1400 : i32
    %broadcast_in_dim3A_1402 = vector.broadcast %and3A_1401 : i32 to vector<16xi32>
    %broadcast_in_dim3A_1403 = arith.constant 508 : i32
    %broadcast_in_dim3A_1404 = vector.broadcast %broadcast_in_dim3A_1403 : i32 to vector<16xi32>
    %gather3A_1405 = tpu.vector_load_idx %arg8[%broadcast_in_dim3A_1399, %iota3A, %broadcast_in_dim3A_1402] : memref<16x32x128xf32, #tpu.memory_space<vmem>>[vector<16xi32>, vector<16xi32>, vector<16xi32>], vector<16xf32>,
    %gather3A_1406 = tpu.vector_load_idx %arg8[%broadcast_in_dim3A_1399, %add3A_3, %broadcast_in_dim3A_1402] : memref<16x32x128xf32, #tpu.memory_space<vmem>>[vector<16xi32>, vector<16xi32>, vector<16xi32>], vector<16xf32>,
    tpu.vector_store_idx %arg10[%iota3A, %broadcast_in_dim3A_1404], %gather3A_1405 : memref<32x512xf32, #tpu.memory_space<vmem>>[vector<16xi32>, vector<16xi32>], vector<16xf32>,
    tpu.vector_store_idx %arg10[%add3A_3, %broadcast_in_dim3A_1404], %gather3A_1406 : memref<32x512xf32, #tpu.memory_space<vmem>>[vector<16xi32>, vector<16xi32>], vector<16xf32>,
    %slice3A_1407 = vector.extract_strided_slice %get3A_1068 {offsets = [13], sizes = [1], strides = [1]} : vector<16xi32> to vector<1xi32>
    %squeeze3A_1408 = vector.extract %slice3A_1407[0] : i32 from vector<1xi32>
    %dma_wait3A_1409 = arith.constant 13 : i32
    %dma_wait3A_1410 = arith.constant 0 : i32
    %dma_wait3A_1411 = arith.constant 0 : i32
    %dma_wait3A_1412 = tpu.memref_slice %arg8[%dma_wait3A_1409, %dma_wait3A_1410, %dma_wait3A_1411] : memref<16x32x128xf32, #tpu.memory_space<vmem>> -> memref<1x32x128xf32, #tpu.memory_space<vmem>>
    %dma_wait3A_1413 = tpu.memref_squeeze %dma_wait3A_1412 : memref<1x32x128xf32, #tpu.memory_space<vmem>> -> memref<32x128xf32, #tpu.memory_space<vmem>>
    %dma_wait3A_1414 = arith.constant 0 : i32
    %dma_wait3A_1415 = arith.constant 0 : i32
    %dma_wait3A_1416 = tpu.memref_slice %arg4[%dma_wait3A_1414, %dma_wait3A_1415] : memref<32x1000000xf32, #tpu.memory_space<hbm>> -> memref<32x128xf32, #tpu.memory_space<hbm>>
    %dma_wait3A_1417 = arith.constant 0 : i32
    %dma_wait3A_1418 = arith.constant 0 : i32
    %dma_wait3A_1419 = tpu.memref_slice %arg8[%dma_wait3A_1409, %dma_wait3A_1417, %dma_wait3A_1418] : memref<16x32x128xf32, #tpu.memory_space<vmem>> -> memref<1x32x128xf32, #tpu.memory_space<vmem>>
    %dma_wait3A_1420 = tpu.memref_squeeze %dma_wait3A_1419 : memref<1x32x128xf32, #tpu.memory_space<vmem>> -> memref<32x128xf32, #tpu.memory_space<vmem>>
    %dma_wait3A_1421 = arith.constant 0 : i32
    %dma_wait3A_1422 = arith.constant 0 : i32
    %dma_wait3A_1423 = tpu.memref_slice %arg4[%dma_wait3A_1421, %dma_wait3A_1422] : memref<32x1000000xf32, #tpu.memory_space<hbm>> -> memref<32x128xf32, #tpu.memory_space<hbm>>
    tpu.wait_dma2 semaphore(%arg24 : memref<!tpu.dma_semaphore, #tpu.memory_space<semaphore_mem>>) src(%dma_wait3A_1423 : memref<32x128xf32, #tpu.memory_space<hbm>>) dst(%dma_wait3A_1420 : memref<32x128xf32, #tpu.memory_space<vmem>>)
    %broadcast_in_dim3A_1424 = arith.constant 13 : i32
    %broadcast_in_dim3A_1425 = vector.broadcast %broadcast_in_dim3A_1424 : i32 to vector<16xi32>
    %and3A_1426 = arith.constant 127 : i32
    %and3A_1427 = arith.andi %squeeze3A_1408, %and3A_1426 : i32
    %broadcast_in_dim3A_1428 = vector.broadcast %and3A_1427 : i32 to vector<16xi32>
    %broadcast_in_dim3A_1429 = arith.constant 509 : i32
    %broadcast_in_dim3A_1430 = vector.broadcast %broadcast_in_dim3A_1429 : i32 to vector<16xi32>
    %gather3A_1431 = tpu.vector_load_idx %arg8[%broadcast_in_dim3A_1425, %iota3A, %broadcast_in_dim3A_1428] : memref<16x32x128xf32, #tpu.memory_space<vmem>>[vector<16xi32>, vector<16xi32>, vector<16xi32>], vector<16xf32>,
    %gather3A_1432 = tpu.vector_load_idx %arg8[%broadcast_in_dim3A_1425, %add3A_3, %broadcast_in_dim3A_1428] : memref<16x32x128xf32, #tpu.memory_space<vmem>>[vector<16xi32>, vector<16xi32>, vector<16xi32>], vector<16xf32>,
    tpu.vector_store_idx %arg10[%iota3A, %broadcast_in_dim3A_1430], %gather3A_1431 : memref<32x512xf32, #tpu.memory_space<vmem>>[vector<16xi32>, vector<16xi32>], vector<16xf32>,
    tpu.vector_store_idx %arg10[%add3A_3, %broadcast_in_dim3A_1430], %gather3A_1432 : memref<32x512xf32, #tpu.memory_space<vmem>>[vector<16xi32>, vector<16xi32>], vector<16xf32>,
    %slice3A_1433 = vector.extract_strided_slice %get3A_1068 {offsets = [14], sizes = [1], strides = [1]} : vector<16xi32> to vector<1xi32>
    %squeeze3A_1434 = vector.extract %slice3A_1433[0] : i32 from vector<1xi32>
    %dma_wait3A_1435 = arith.constant 14 : i32
    %dma_wait3A_1436 = arith.constant 0 : i32
    %dma_wait3A_1437 = arith.constant 0 : i32
    %dma_wait3A_1438 = tpu.memref_slice %arg8[%dma_wait3A_1435, %dma_wait3A_1436, %dma_wait3A_1437] : memref<16x32x128xf32, #tpu.memory_space<vmem>> -> memref<1x32x128xf32, #tpu.memory_space<vmem>>
    %dma_wait3A_1439 = tpu.memref_squeeze %dma_wait3A_1438 : memref<1x32x128xf32, #tpu.memory_space<vmem>> -> memref<32x128xf32, #tpu.memory_space<vmem>>
    %dma_wait3A_1440 = arith.constant 0 : i32
    %dma_wait3A_1441 = arith.constant 0 : i32
    %dma_wait3A_1442 = tpu.memref_slice %arg4[%dma_wait3A_1440, %dma_wait3A_1441] : memref<32x1000000xf32, #tpu.memory_space<hbm>> -> memref<32x128xf32, #tpu.memory_space<hbm>>
    %dma_wait3A_1443 = arith.constant 0 : i32
    %dma_wait3A_1444 = arith.constant 0 : i32
    %dma_wait3A_1445 = tpu.memref_slice %arg8[%dma_wait3A_1435, %dma_wait3A_1443, %dma_wait3A_1444] : memref<16x32x128xf32, #tpu.memory_space<vmem>> -> memref<1x32x128xf32, #tpu.memory_space<vmem>>
    %dma_wait3A_1446 = tpu.memref_squeeze %dma_wait3A_1445 : memref<1x32x128xf32, #tpu.memory_space<vmem>> -> memref<32x128xf32, #tpu.memory_space<vmem>>
    %dma_wait3A_1447 = arith.constant 0 : i32
    %dma_wait3A_1448 = arith.constant 0 : i32
    %dma_wait3A_1449 = tpu.memref_slice %arg4[%dma_wait3A_1447, %dma_wait3A_1448] : memref<32x1000000xf32, #tpu.memory_space<hbm>> -> memref<32x128xf32, #tpu.memory_space<hbm>>
    tpu.wait_dma2 semaphore(%arg25 : memref<!tpu.dma_semaphore, #tpu.memory_space<semaphore_mem>>) src(%dma_wait3A_1449 : memref<32x128xf32, #tpu.memory_space<hbm>>) dst(%dma_wait3A_1446 : memref<32x128xf32, #tpu.memory_space<vmem>>)
    %broadcast_in_dim3A_1450 = arith.constant 14 : i32
    %broadcast_in_dim3A_1451 = vector.broadcast %broadcast_in_dim3A_1450 : i32 to vector<16xi32>
    %and3A_1452 = arith.constant 127 : i32
    %and3A_1453 = arith.andi %squeeze3A_1434, %and3A_1452 : i32
    %broadcast_in_dim3A_1454 = vector.broadcast %and3A_1453 : i32 to vector<16xi32>
    %broadcast_in_dim3A_1455 = arith.constant 510 : i32
    %broadcast_in_dim3A_1456 = vector.broadcast %broadcast_in_dim3A_1455 : i32 to vector<16xi32>
    %gather3A_1457 = tpu.vector_load_idx %arg8[%broadcast_in_dim3A_1451, %iota3A, %broadcast_in_dim3A_1454] : memref<16x32x128xf32, #tpu.memory_space<vmem>>[vector<16xi32>, vector<16xi32>, vector<16xi32>], vector<16xf32>,
    %gather3A_1458 = tpu.vector_load_idx %arg8[%broadcast_in_dim3A_1451, %add3A_3, %broadcast_in_dim3A_1454] : memref<16x32x128xf32, #tpu.memory_space<vmem>>[vector<16xi32>, vector<16xi32>, vector<16xi32>], vector<16xf32>,
    tpu.vector_store_idx %arg10[%iota3A, %broadcast_in_dim3A_1456], %gather3A_1457 : memref<32x512xf32, #tpu.memory_space<vmem>>[vector<16xi32>, vector<16xi32>], vector<16xf32>,
    tpu.vector_store_idx %arg10[%add3A_3, %broadcast_in_dim3A_1456], %gather3A_1458 : memref<32x512xf32, #tpu.memory_space<vmem>>[vector<16xi32>, vector<16xi32>], vector<16xf32>,
    %slice3A_1459 = vector.extract_strided_slice %get3A_1068 {offsets = [15], sizes = [1], strides = [1]} : vector<16xi32> to vector<1xi32>
    %squeeze3A_1460 = vector.extract %slice3A_1459[0] : i32 from vector<1xi32>
    %dma_wait3A_1461 = arith.constant 15 : i32
    %dma_wait3A_1462 = arith.constant 0 : i32
    %dma_wait3A_1463 = arith.constant 0 : i32
    %dma_wait3A_1464 = tpu.memref_slice %arg8[%dma_wait3A_1461, %dma_wait3A_1462, %dma_wait3A_1463] : memref<16x32x128xf32, #tpu.memory_space<vmem>> -> memref<1x32x128xf32, #tpu.memory_space<vmem>>
    %dma_wait3A_1465 = tpu.memref_squeeze %dma_wait3A_1464 : memref<1x32x128xf32, #tpu.memory_space<vmem>> -> memref<32x128xf32, #tpu.memory_space<vmem>>
    %dma_wait3A_1466 = arith.constant 0 : i32
    %dma_wait3A_1467 = arith.constant 0 : i32
    %dma_wait3A_1468 = tpu.memref_slice %arg4[%dma_wait3A_1466, %dma_wait3A_1467] : memref<32x1000000xf32, #tpu.memory_space<hbm>> -> memref<32x128xf32, #tpu.memory_space<hbm>>
    %dma_wait3A_1469 = arith.constant 0 : i32
    %dma_wait3A_1470 = arith.constant 0 : i32
    %dma_wait3A_1471 = tpu.memref_slice %arg8[%dma_wait3A_1461, %dma_wait3A_1469, %dma_wait3A_1470] : memref<16x32x128xf32, #tpu.memory_space<vmem>> -> memref<1x32x128xf32, #tpu.memory_space<vmem>>
    %dma_wait3A_1472 = tpu.memref_squeeze %dma_wait3A_1471 : memref<1x32x128xf32, #tpu.memory_space<vmem>> -> memref<32x128xf32, #tpu.memory_space<vmem>>
    %dma_wait3A_1473 = arith.constant 0 : i32
    %dma_wait3A_1474 = arith.constant 0 : i32
    %dma_wait3A_1475 = tpu.memref_slice %arg4[%dma_wait3A_1473, %dma_wait3A_1474] : memref<32x1000000xf32, #tpu.memory_space<hbm>> -> memref<32x128xf32, #tpu.memory_space<hbm>>
    tpu.wait_dma2 semaphore(%arg26 : memref<!tpu.dma_semaphore, #tpu.memory_space<semaphore_mem>>) src(%dma_wait3A_1475 : memref<32x128xf32, #tpu.memory_space<hbm>>) dst(%dma_wait3A_1472 : memref<32x128xf32, #tpu.memory_space<vmem>>)
    %broadcast_in_dim3A_1476 = arith.constant 15 : i32
    %broadcast_in_dim3A_1477 = vector.broadcast %broadcast_in_dim3A_1476 : i32 to vector<16xi32>
    %and3A_1478 = arith.constant 127 : i32
    %and3A_1479 = arith.andi %squeeze3A_1460, %and3A_1478 : i32
    %broadcast_in_dim3A_1480 = vector.broadcast %and3A_1479 : i32 to vector<16xi32>
    %broadcast_in_dim3A_1481 = arith.constant 511 : i32
    %broadcast_in_dim3A_1482 = vector.broadcast %broadcast_in_dim3A_1481 : i32 to vector<16xi32>
    %gather3A_1483 = tpu.vector_load_idx %arg8[%broadcast_in_dim3A_1477, %iota3A, %broadcast_in_dim3A_1480] : memref<16x32x128xf32, #tpu.memory_space<vmem>>[vector<16xi32>, vector<16xi32>, vector<16xi32>], vector<16xf32>,
    %gather3A_1484 = tpu.vector_load_idx %arg8[%broadcast_in_dim3A_1477, %add3A_3, %broadcast_in_dim3A_1480] : memref<16x32x128xf32, #tpu.memory_space<vmem>>[vector<16xi32>, vector<16xi32>, vector<16xi32>], vector<16xf32>,
    tpu.vector_store_idx %arg10[%iota3A, %broadcast_in_dim3A_1482], %gather3A_1483 : memref<32x512xf32, #tpu.memory_space<vmem>>[vector<16xi32>, vector<16xi32>], vector<16xf32>,
    tpu.vector_store_idx %arg10[%add3A_3, %broadcast_in_dim3A_1482], %gather3A_1484 : memref<32x512xf32, #tpu.memory_space<vmem>>[vector<16xi32>, vector<16xi32>], vector<16xf32>,
    %mul3A_1485 = arith.constant 512 : i32
    %mul3A_1486 = arith.muli %add3A, %mul3A_1485 : i32
    "tpu.region"() ({
      %run_scoped3A = tpu.sem_alloc : memref<!tpu.dma_semaphore, #tpu.memory_space<semaphore_mem>>
      %dma_start3A_1487 = arith.constant 0 : i32
      %dma_start3A_1488 = tpu.memref_slice %arg5[%dma_start3A_1487, %mul3A_1486] : memref<64x16384xf32, #tpu.memory_space<hbm>> -> memref<32x512xf32, #tpu.memory_space<hbm>>
      %dma_start3A_1489 = arith.constant 0 : i32
      %dma_start3A_1490 = tpu.memref_slice %arg5[%dma_start3A_1489, %mul3A_1486] : memref<64x16384xf32, #tpu.memory_space<hbm>> -> memref<32x512xf32, #tpu.memory_space<hbm>>
      tpu.enqueue_dma source(%arg9 : memref<32x512xf32, #tpu.memory_space<vmem>>) target(%dma_start3A_1490 : memref<32x512xf32, #tpu.memory_space<hbm>>) target_semaphore(%run_scoped3A : memref<!tpu.dma_semaphore, #tpu.memory_space<semaphore_mem>>)
      %dma_wait3A_1491 = arith.constant 0 : i32
      %dma_wait3A_1492 = tpu.memref_slice %arg5[%dma_wait3A_1491, %mul3A_1486] : memref<64x16384xf32, #tpu.memory_space<hbm>> -> memref<32x512xf32, #tpu.memory_space<hbm>>
      %dma_wait3A_1493 = arith.constant 0 : i32
      %dma_wait3A_1494 = tpu.memref_slice %arg5[%dma_wait3A_1493, %mul3A_1486] : memref<64x16384xf32, #tpu.memory_space<hbm>> -> memref<32x512xf32, #tpu.memory_space<hbm>>
      tpu.wait_dma2 semaphore(%run_scoped3A : memref<!tpu.dma_semaphore, #tpu.memory_space<semaphore_mem>>) src(%arg9 : memref<32x512xf32, #tpu.memory_space<vmem>>) dst(%dma_wait3A_1494 : memref<32x512xf32, #tpu.memory_space<hbm>>)
      tpu.yield
    }) : () -> ()
    "tpu.region"() ({
      %run_scoped3A = tpu.sem_alloc : memref<!tpu.dma_semaphore, #tpu.memory_space<semaphore_mem>>
      %dma_start3A_1487 = arith.constant 32 : i32
      %dma_start3A_1488 = tpu.memref_slice %arg5[%dma_start3A_1487, %mul3A_1486] : memref<64x16384xf32, #tpu.memory_space<hbm>> -> memref<32x512xf32, #tpu.memory_space<hbm>>
      %dma_start3A_1489 = arith.constant 32 : i32
      %dma_start3A_1490 = tpu.memref_slice %arg5[%dma_start3A_1489, %mul3A_1486] : memref<64x16384xf32, #tpu.memory_space<hbm>> -> memref<32x512xf32, #tpu.memory_space<hbm>>
      tpu.enqueue_dma source(%arg10 : memref<32x512xf32, #tpu.memory_space<vmem>>) target(%dma_start3A_1490 : memref<32x512xf32, #tpu.memory_space<hbm>>) target_semaphore(%run_scoped3A : memref<!tpu.dma_semaphore, #tpu.memory_space<semaphore_mem>>)
      %dma_wait3A_1491 = arith.constant 32 : i32
      %dma_wait3A_1492 = tpu.memref_slice %arg5[%dma_wait3A_1491, %mul3A_1486] : memref<64x16384xf32, #tpu.memory_space<hbm>> -> memref<32x512xf32, #tpu.memory_space<hbm>>
      %dma_wait3A_1493 = arith.constant 32 : i32
      %dma_wait3A_1494 = tpu.memref_slice %arg5[%dma_wait3A_1493, %mul3A_1486] : memref<64x16384xf32, #tpu.memory_space<hbm>> -> memref<32x512xf32, #tpu.memory_space<hbm>>
      tpu.wait_dma2 semaphore(%run_scoped3A : memref<!tpu.dma_semaphore, #tpu.memory_space<semaphore_mem>>) src(%arg10 : memref<32x512xf32, #tpu.memory_space<vmem>>) dst(%dma_wait3A_1494 : memref<32x512xf32, #tpu.memory_space<hbm>>)
      tpu.yield
    }) : () -> ()
    return
  }
}

</mosaic_0001>

<sc_bundles>
// kernel: kernel.3.cloned.1.call-start
scs
__scs_entry_jumppad:
0x0: {  	(pc) =	sbr.rel $0x88, $3  }
0x1: {  	(tag) =	ssettag $0x0;
	lr =	simm.s32 $0x1  }
0x2: {  	[smem:$0x3F9E] =	sst lr;
	_ =	strace $0xD0000000  }
0x3: {  	_ = 	snop  }
0x4: {  	_ = 	snop  }
0x5: {  	_ = 	snop  }
0x6: {  	_ = 	snop  }
0x7: {  	_ = 	snop  }
__scs_overlays_trampoline_lowered:
0x8: {  	[smem:$0x3FAD] =	sst s0  }
0x9: {  	[smem:$0x3FAE] =	sst s1  }
0xa: {  	[smem:$0x3FAF] =	sst s2  }
0xb: {  	[smem:$0x3FB0] =	sst s3  }
0xc: {  	[smem:$0x3FB1] =	sst s4  }
0xd: {  	[smem:$0x3FB2] =	sst s5  }
0xe: {  	[smem:$0x3FB3] =	sst s6  }
0xf: {  	[smem:$0x3FB4] =	sst s7  }
0x10: {  	[smem:$0x3FB5] =	sst s8  }
0x11: {  	[smem:$0x3FB6] =	sst s9;
	s0 =	simm.s32 @!p0 $0x0  }
0x12: {  	s1 =	sld [smem:$0x3F9C];
	s0 =	simm.s32 @p0 $0x1  }
0x13: {  	[smem:$0x3FB7] =	sst s0;
	s0 =	simm.s32 @!p1 $0x0  }
0x14: {  	s2 =	sld [smem:$0x3F9B];
	s0 =	simm.s32 @p1 $0x1  }
0x15: {  	[smem:$0x3FB8] =	sst s0;
	s0 =	simm.s32 @!p2 $0x0  }
0x16: {  	s3 =	sld [smem:$0x3FDB];
	s0 =	simm.s32 @p2 $0x1  }
0x17: {  	s4 =	simm.s32 $0x1BF5;
	[smem:$0x3FBA] =	sst s0  }
0x18: {  	s0 =	sld [smem:$0x3F9D];
	_ =	swait.ge [sflag:s4], $0x0  }
0x19: {  	s7 =	sld [smem:$0x3F9E]  }
0x1a: {  	s8 =	sadd.s32 $0xFFFFE003, lr  }
0x1b: {  	s9 =	sadd.s32 $0xFFFFFEF7, lr;
	s5 =	simm.s32 $0xFFFFFFFF;
	p2 =	slt.u32 s8, $0xFFFFF086  }
0x1c: {  	p1 =	slt.u32 s9, $0xF7A;
	s5 =	simm.s32 @!p2 $0x0  }
0x1d: {  	s5 =	simm.s32 @p1 $0x1;
	p0 =	seq.s32 s7, s2  }
0x1e: {  	s7 =	smul.u32 @!p0 $0xF7A, s2;
	p2 =	seq.s32 @!p0 s5, $0x0  }
0x1f: {  	s9 =	smul.u32 $0xF7A, s1;
	s8 =	simm.s32 @!p0 $0x1BF5;
	p2 =	por !p2, p0  }
0x20: {  	[sflag:s8] =	ssyncset.s32 @!p0 $0xFFFFF086;
	s6 =	sadd.s32 @!p0 s3, s7;
	s7 =	simm.s32 @!p0 $0x108  }
0x21: {  	s3 =	sadd.s32 s3, s9;
	s6 =	sadd.s32 @!p0 $0x88, s6;
	s7 =	simm.s32 @p2 $0x1082  }
0x22: {  	[simem:s7], [sflag:s8] =	dma.local @!p0 [hbm:s6], $0xF7A  }
0x23: {  	s9 =	sor.u32 $0xD0000000, s2;
	s6 =	simm.s32 $0x108;
	_ =	swait.ge @!p0 [sflag:s8], $0x0  }
0x24: {  	s3 =	sadd.s32 $0x88, s3;
	s6 =	simm.s32 @!p1 $0x1082;
	[sflag:s4] =	ssyncset.s32 $0xFFFFF086  }
0x25: {  	[simem:s6], [sflag:s4] =	dma.local [hbm:s3], $0xF7A  }
0x26: {  	[smem:$0x3F9E] =	sst s1;
	(tag) =	ssettag s2;
	_ =	strace s9  }
0x27: {  	s1 =	sld [smem:$0x3FAE]  }
0x28: {  	s2 =	sld [smem:$0x3FAF]  }
0x29: {  	s4 =	sld [smem:$0x3FB1]  }
0x2a: {  	p0 =	seq.s32 s5, $0x0;
	s5 =	sld [smem:$0x3FB2]  }
0x2b: {  	s6 =	sld [smem:$0x3FB3]  }
0x2c: {  	s7 =	sld [smem:$0x3FB4]  }
0x2d: {  	s3 =	simm.s32 $0x108;
	s8 =	sld [smem:$0x3FB5]  }
0x2e: {  	s3 =	simm.s32 @!p0 $0x1082;
	s9 =	sld [smem:$0x3FB6]  }
0x2f: {  	lr =	sadd.s32 s0, s3;
	s0 =	sld [smem:$0x3FAD]  }
0x30: {  	s3 =	sld [smem:$0x3FB0]  }
0x31: {  	[smem:$0x3FB9] =	sst s10  }
0x32: {  	s10 =	sld [smem:$0x3FB7];
	_ =	sdelay $0x3  }
0x33: {  	p0 =	seq.s32 s10, $0x1;
	s10 =	sld [smem:$0x3FB9];
	_ =	sdelay $0x3  }
0x34: {  	[smem:$0x3FB9] =	sst s10  }
0x35: {  	s10 =	sld [smem:$0x3FB8];
	_ =	sdelay $0x3  }
0x36: {  	p1 =	seq.s32 s10, $0x1;
	s10 =	sld [smem:$0x3FB9];
	_ =	sdelay $0x3  }
0x37: {  	[smem:$0x3FB9] =	sst s10  }
0x38: {  	s10 =	sld [smem:$0x3FBA]  }
0x39: {  	_ = 	snop;
	(pc) =	sbr.ind lr, $3  }
0x3a: {  	_ = 	snop  }
0x3b: {  	_ = 	snop  }
0x3c: {  	p2 =	seq.s32 s10, $0x1;
	s10 =	sld [smem:$0x3FB9]  }
0x3d: {  	_ =	shalt  }
0x3e: {  	_ =	shalt  }
0x3f: {  	_ =	shalt  }
0x40: {  	_ =	shalt  }
0x41: {  	_ =	shalt  }
0x42: {  	_ =	shalt  }
0x43: {  	_ =	shalt  }
0x44: {  	_ =	shalt  }
0x45: {  	_ =	shalt  }
0x46: {  	_ =	shalt  }
0x47: {  	_ =	shalt  }
0x48: {  	_ =	shalt  }
0x49: {  	_ =	shalt  }
0x4a: {  	_ =	shalt  }
0x4b: {  	_ =	shalt  }
0x4c: {  	_ =	shalt  }
0x4d: {  	_ =	shalt  }
0x4e: {  	_ =	shalt  }
0x4f: {  	_ =	shalt  }
0x50: {  	_ =	shalt  }
0x51: {  	_ =	shalt  }
0x52: {  	_ =	shalt  }
0x53: {  	_ =	shalt  }
0x54: {  	_ =	shalt  }
0x55: {  	_ =	shalt  }
0x56: {  	_ =	shalt  }
0x57: {  	_ =	shalt  }
0x58: {  	_ =	shalt  }
0x59: {  	_ =	shalt  }
0x5a: {  	_ =	shalt  }
0x5b: {  	_ =	shalt  }
0x5c: {  	_ =	shalt  }
0x5d: {  	_ =	shalt  }
0x5e: {  	_ =	shalt  }
0x5f: {  	_ =	shalt  }
0x60: {  	_ =	shalt  }
0x61: {  	_ =	shalt  }
0x62: {  	_ =	shalt  }
0x63: {  	_ =	shalt  }
0x64: {  	_ =	shalt  }
0x65: {  	_ =	shalt  }
0x66: {  	_ =	shalt  }
0x67: {  	_ =	shalt  }
0x68: {  	_ =	shalt  }
0x69: {  	_ =	shalt  }
0x6a: {  	_ =	shalt  }
0x6b: {  	_ =	shalt  }
0x6c: {  	_ =	shalt  }
0x6d: {  	_ =	shalt  }
0x6e: {  	_ =	shalt  }
0x6f: {  	_ =	shalt  }
0x70: {  	_ =	shalt  }
0x71: {  	_ =	shalt  }
0x72: {  	_ =	shalt  }
0x73: {  	_ =	shalt  }
0x74: {  	_ =	shalt  }
0x75: {  	_ =	shalt  }
0x76: {  	_ =	shalt  }
0x77: {  	_ =	shalt  }
0x78: {  	_ =	shalt  }
0x79: {  	_ =	shalt  }
0x7a: {  	_ =	shalt  }
0x7b: {  	_ =	shalt  }
0x7c: {  	_ =	shalt  }
0x7d: {  	_ =	shalt  }
0x7e: {  	_ =	shalt  }
0x7f: {  	_ =	shalt  }
0x80: {  	_ =	shalt  }
0x81: {  	_ =	shalt  }
0x82: {  	_ =	shalt  }
0x83: {  	_ =	shalt  }
0x84: {  	_ =	shalt  }
0x85: {  	_ =	shalt  }
0x86: {  	_ =	shalt  }
0x87: {  	_ =	shalt  }
.Lfunc_end0:
.L_simem_size_0:
called_computation_lowered:
.L_overlay_start_0:
0x88: {  	s2 =	sld [smem:$0x3FD9]  }
0x89: {  	s3 =	sld [smem:$0x3FFE];
	_ =	sdelay $0x1  }
0x8a: {  	s1 =	srdreg.scid  }
0x8b: {  	s0 =	sand.u32 $0x1, s1  }
0x8c: {  	s17 =	sshll.u32 s0, $0xA;
	s2 =	sadd.s32 s3, s2  }
0x8d: {  	s2 =	sadd.s32 s2, s17  }
0x8e: {  	[smem:$0x3FC5] =	sst s2  }
0x8f: {  	_ = 	snop  }
0x90: {  	s2 =	sld [smem:$0x3FC7]  }
0x91: {  	s18 =	sld [smem:$0x3FD0];
	(tm) =	ssettm $0x1  }
0x92: {  	s4 =	sld [smem:$0x3FFB];
	_ =	sdelay $0x3  }
0x93: {  	_ =	strace s4  }
0x94: {  	s4 =	sld [smem:$0x3FFC];
	_ =	sdelay $0x3  }
0x95: {  	_ =	strace s4  }
0x96: {  	s4 =	sld [smem:$0x3FFD];
	_ =	sdelay $0x3  }
0x97: {  	_ =	strace s4  }
0x98: {  	_ =	strace $0x8FFFFFFF  }
0x99: {  	s19 =	sld [smem:$0x3FDB];
	_ =	sdelay $0x1  }
0x9a: {  	s5 =	simm.s32 $_scs_section_size  }
0x9b: {  	s6 =	simm.s32 $_size__tile_overlayer_lowered;
	s7 =	simm.s32 $_tile_overlayer_lowered  }
0x9c: {  	s22 =	simm.s32 $0x1BFF;
	s21 =	sshll.u32 s7, $0x1;
	s4 =	sadd.s32 s5, s19  }
0x9d: {  	s8 =	simm.s32 $0x0;
	s20 =	sshll.u32 s6, $0x1;
	s6 =	sadd.s32 s21, s4  }
0x9e: {  	[timem:s8], [sflag:s22] =	dma.local [hbm:s6], s20  }
0x9f: {  	_ =	swait.ge [sflag:s22], s20  }
0xa0: {  	s5 =	ssub.s32 $0x0, s20;
	[sflag:s22] =	ssyncset.done $0x0  }
0xa1: {  	[sflag:s22] =	ssyncadd.s32 s5;
	_ =	sdelay $0x1  }
0xa2: {  	s23 =	simm.s32 $0x1B8B  }
0xa3: {  	_ =	swait.ge [sflag:s23], $0x1  }
0xa4: {  	[sflag:s23] =	ssyncset.done $0x0  }
0xa5: {  	s25 =	simm.s32 $0x1B8E;
	s24 =	sld [smem:$0x3FFE];
	[sflag:s23] =	ssyncadd.s32 $0xFFFFFFFF  }
0xa6: {  	s26 =	simm.s32 $execute0_lowered;
	[smem:$0x3FD2] =	sst s25  }
0xa7: {  	s6 =	sshll.u32 s26, $0x1;
	_ =	strace $0x80000046;
	[dreg:$0x1] =	wrdreg $0xFFFFFFFF  }
0xa8: {  	s28 =	simm.s32 $_size_execute0_lowered;
	s4 =	sadd.s32 s4, s6;
	[dreg:$0x0] =	wrdreg $0x0  }
0xa9: {  	s6 =	sshll.u32 s28, $0x1;
	[dreg:$0x2] =	wrdreg s4  }
0xaa: {  	[dreg:$0x3] =	wrdreg s6  }
0xab: {  	[dreg:$0x4] =	wrdreg $0xC0  }
0xac: {  	_ =	task [dreg:s8], $0x5FFFF  }
0xad: {  	[dreg:$0x1] =	wrdreg $0xFFFFFFFF  }
0xae: {  	[dreg:$0x0] =	wrdreg $0x60  }
0xaf: {  	[dreg:$0x2] =	wrdreg s24  }
0xb0: {  	[dreg:$0x3] =	wrdreg s2  }
0xb1: {  	[dreg:$0x4] =	wrdreg s18  }
0xb2: {  	[dreg:$0x5] =	wrdreg $0x9  }
0xb3: {  	_ =	task.clear_ibuf [dreg:s8], $0x6FFFF;
	_ =	strace $0x90000046  }
0xb4: {  	s29 =	simm.s32 $0x9;
	_ =	strace $0x80000048  }
0xb5: {  	_ =	swait.ge [sflag:s29], $0x1  }
0xb6: {  	[sflag:s29] =	ssyncadd.s32 $0xFFFFFFFF  }
0xb7: {  	_ =	strace $0x90000048  }
0xb8: {  	_ =	sfence  }
0xb9: {  	s30 =	sld [smem:$0x0];
	_ =	sdelay $0x2  }
0xba: {  	s31 =	sshll.u32 s1, $0xD;
	s1 =	sshrl.u32 s1, $0x2  }
0xbb: {  	s3 =	sand.u32 $0x4000, s31;
	s1 =	sadd.s32 s1, s30  }
0xbc: {  	s0 =	sor.u32 s3, s0;
	s1 =	sshll.u32 s1, $0x11  }
0xbd: {  	s0 =	sor.u32 s1, s0  }
0xbe: {  	s0 =	sadd.s32 $0x8F2B, s0  }
0xbf: {  	[sflag:s0] =	ssyncadd.remote.s32 $0x1  }
0xc0: {  	_ =	sfence.sel $0xFFFF  }
0xc1: {  	[dreg:$0x0] =	wrdreg $0xFFFFFFFF;
	(pc) =	sbr.abs _section_cstart, $3  }
0xc2: {  	[dreg:$0x1] =	wrdreg $0xFFFFFFFF  }
0xc3: {  	_ =	task.clear_ibuf [dreg:s8], $0x2FFFF;
	_ =	strace $0x9FFFFFFF  }
0xc4: {  	(tm) =	ssettm $0x7FFFFFFF  }
0xc5: {  	_ =	shalt  }
tec
execute0_lowered:
.L_overlay_start_1:
0x0: {  	(tag) =	ssettag $0x1  }
0x1: {  	v0 =	vlaneseq.u32  }
0x2: {  	v1 =	vimm.s32 $0x1380;
	vm14 =	vcmask $0x300;
	vm13 =	vcmask $0x704  }
0x3: {  	v2 =	vimm.s32 $0x3380;
	vm12 =	vcmask $0xB08;
	vm11 =	vcmask $0xF0C  }
0x4: {  	vm10 =	vcmask $0x1310;
	vm9 =	vcmask $0x1714;
	vm7 =	vcmask $0x1B18  }
0x5: {  	vm8 =	vcmask $0x1F1C;
	vm6 =	vcmask $0x2320;
	vm5 =	vcmask $0x2724  }
0x6: {  	vm4 =	vcmask $0x2B28;
	vm3 =	vcmask $0x2F2C;
	vm2 =	vcmask $0x3330  }
0x7: {  	vm1 =	vcmask $0x3734;
	vm0 =	vcmask $0x3B38;
	v18 =	vimm.s32 $0x1FF0  }
0x8: {  	v20 =	vimm.s32 $0x3FF0;
	v58 =	vimm.s32 $0x1FF1;
	v59 =	vimm.s32 $0x3FF1  }
0x9: {  	v34 =	vimm.s32 $0x1FF2;
	v62 =	vimm.s32 $0x3FF2;
	v63 =	vimm.s32 $0x1FF3  }
0xa: {  	v36 =	vimm.s32 $0x3FF3;
	v39 =	vimm.s32 $0x1FF4;
	v40 =	vimm.s32 $0x3FF4  }
0xb: {  	v41 =	vimm.s32 $0x1FF5;
	v43 =	vimm.s32 $0x3FF5;
	v44 =	vimm.s32 $0x1FF6  }
0xc: {  	v45 =	vimm.s32 $0x3FF6;
	v47 =	vimm.s32 $0x1FF7;
	v48 =	vimm.s32 $0x3FF7  }
0xd: {  	v49 =	vimm.s32 $0x1FF8;
	v51 =	vimm.s32 $0x3FF8;
	v52 =	vimm.s32 $0x1FF9  }
0xe: {  	v53 =	vimm.s32 $0x3FF9;
	v55 =	vimm.s32 $0x1FFA;
	v56 =	vimm.s32 $0x3FFA  }
0xf: {  	v57 =	vimm.s32 $0x1FFB;
	v0 =	vmul.u32 $0x80, v0;
	v1 =	vsel vm14, $0x0, v1  }
0x10: {  	v2 =	vsel vm14, $0x2000, v2;
	v19 =	vsel vm14, $0xC70, v18;
	v20 =	vsel vm14, $0x2C70, v20  }
0x11: {  	v34 =	vsel vm14, $0xC72, v34;
	v1 =	vsel vm13, $0x80, v1;
	v2 =	vsel vm13, $0x2080, v2  }
0x12: {  	v21 =	vsel vm13, $0xCF0, v19;
	v22 =	vsel vm13, $0x2CF0, v20;
	v34 =	vsel vm13, $0xCF2, v34  }
0x13: {  	v1 =	vsel vm12, $0x100, v1;
	v2 =	vsel vm12, $0x2100, v2;
	v5 =	vor.u32 $0x1800, v0  }
0x14: {  	v6 =	vor.u32 $0x2000, v0;
	v7 =	vor.u32 $0x2800, v0;
	v8 =	vor.u32 $0x3000, v0  }
0x15: {  	v9 =	vor.u32 $0x3800, v0;
	v10 =	vor.u32 $0x4000, v0;
	v11 =	vor.u32 $0x4800, v0  }
0x16: {  	v12 =	vor.u32 $0x5000, v0;
	v13 =	vor.u32 $0x5800, v0;
	v14 =	vor.u32 $0x6000, v0  }
0x17: {  	v15 =	vor.u32 $0x6800, v0;
	v16 =	vor.u32 $0x7000, v0;
	v17 =	vor.u32 $0x7800, v0  }
0x18: {  	v18 =	vor.u32 $0x8000, v0;
	v19 =	vor.u32 $0x8800, v0;
	v21 =	vsel vm12, $0xD70, v21  }
0x19: {  	v20 =	vor.u32 $0x9000, v0;
	v22 =	vsel vm12, $0x2D70, v22;
	v34 =	vsel vm12, $0xD72, v34  }
0x1a: {  	v1 =	vsel vm11, $0x180, v1;
	v2 =	vsel vm11, $0x2180, v2;
	v23 =	vsel vm11, $0xDF0, v21  }
0x1b: {  	v21 =	vor.u32 $0x9800, v0;
	v24 =	vsel vm11, $0x2DF0, v22;
	v22 =	vor.u32 $0xA000, v0  }
0x1c: {  	v34 =	vsel vm11, $0xDF2, v34;
	v1 =	vsel vm10, $0x200, v1;
	v2 =	vsel vm10, $0x2200, v2  }
0x1d: {  	v23 =	vsel vm10, $0xE70, v23;
	v24 =	vsel vm10, $0x2E70, v24;
	v34 =	vsel vm10, $0xE72, v34  }
0x1e: {  	v1 =	vsel vm9, $0x280, v1;
	v2 =	vsel vm9, $0x2280, v2;
	v25 =	vsel vm9, $0xEF0, v23  }
0x1f: {  	v23 =	vor.u32 $0xA800, v0;
	v26 =	vsel vm9, $0x2EF0, v24;
	v24 =	vor.u32 $0xB000, v0  }
0x20: {  	v34 =	vsel vm9, $0xEF2, v34;
	v1 =	vsel vm7, $0x300, v1;
	v2 =	vsel vm7, $0x2300, v2  }
0x21: {  	v25 =	vsel vm7, $0xF70, v25;
	v26 =	vsel vm7, $0x2F70, v26;
	v34 =	vsel vm7, $0xF72, v34  }
0x22: {  	v1 =	vsel vm8, $0x380, v1;
	v2 =	vsel vm8, $0x2380, v2;
	v27 =	vsel vm8, $0xFF0, v25  }
0x23: {  	v25 =	vor.u32 $0xB800, v0;
	v28 =	vsel vm8, $0x2FF0, v26;
	v26 =	vor.u32 $0xC000, v0  }
0x24: {  	v34 =	vsel vm8, $0xFF2, v34;
	v1 =	vsel vm6, $0x1000, v1;
	v2 =	vsel vm6, $0x3000, v2  }
0x25: {  	v27 =	vsel vm6, $0x1C70, v27;
	v28 =	vsel vm6, $0x3C70, v28;
	v34 =	vsel vm6, $0x1C72, v34  }
0x26: {  	v1 =	vsel vm5, $0x1080, v1;
	v2 =	vsel vm5, $0x3080, v2;
	v29 =	vsel vm5, $0x1CF0, v27  }
0x27: {  	v27 =	vor.u32 $0xC800, v0;
	v30 =	vsel vm5, $0x3CF0, v28;
	v28 =	vor.u32 $0xD000, v0  }
0x28: {  	v34 =	vsel vm5, $0x1CF2, v34;
	v1 =	vsel vm4, $0x1100, v1;
	v2 =	vsel vm4, $0x3100, v2  }
0x29: {  	v29 =	vsel vm4, $0x1D70, v29;
	v30 =	vsel vm4, $0x3D70, v30;
	v34 =	vsel vm4, $0x1D72, v34  }
0x2a: {  	v1 =	vsel vm3, $0x1180, v1;
	v2 =	vsel vm3, $0x3180, v2;
	v31 =	vsel vm3, $0x1DF0, v29  }
0x2b: {  	v29 =	vor.u32 $0xD800, v0;
	v32 =	vsel vm3, $0x3DF0, v30;
	v30 =	vor.u32 $0xE000, v0  }
0x2c: {  	v34 =	vsel vm3, $0x1DF2, v34;
	v1 =	vsel vm2, $0x1200, v1;
	v4 =	vsel vm2, $0x3200, v2  }
0x2d: {  	v31 =	vsel vm2, $0x1E70, v31;
	v32 =	vsel vm2, $0x3E70, v32;
	v34 =	vsel vm2, $0x1E72, v34  }
0x2e: {  	v3 =	vsel vm1, $0x1280, v1;
	v1 =	vor.u32 $0x800, v0;
	v33 =	vsel vm1, $0x1EF0, v31  }
0x2f: {  	v31 =	vor.u32 $0xE800, v0;
	v32 =	vsel vm1, $0x3EF0, v32;
	v61 =	vsel vm1, $0x1EF2, v34  }
0x30: {  	v34 =	vsel vm14, $0x2C73, v36;
	v36 =	vimm.s32 $0x3FFD;
	v2 =	vsel vm0, $0x1300, v3  }
0x31: {  	v3 =	vsel vm1, $0x3280, v4;
	v4 =	vor.u32 $0x1000, v0;
	v33 =	vsel vm0, $0x1F70, v33  }
0x32: {  	v32 =	vsel vm0, $0x3F70, v32;
	v34 =	vsel vm13, $0x2CF3, v34;
	v3 =	vsel vm0, $0x3300, v3;
	[tilespmem:$0x1FF80] =	vst v33  }
0x33: {  	[tilespmem:$0x1FF90] =	vst v32;
	v32 =	vsel vm14, $0xC71, v58;
	v33 =	vsel vm14, $0x2C71, v59;
	v34 =	vsel vm12, $0x2D73, v34  }
0x34: {  	v59 =	vimm.s32 $0x3FFB;
	v32 =	vsel vm13, $0xCF1, v32;
	v33 =	vsel vm13, $0x2CF1, v33  }
0x35: {  	v34 =	vsel vm11, $0x2DF3, v34;
	v32 =	vsel vm12, $0xD71, v32;
	v33 =	vsel vm12, $0x2D71, v33  }
0x36: {  	v34 =	vsel vm10, $0x2E73, v34;
	v32 =	vsel vm11, $0xDF1, v32;
	v33 =	vsel vm11, $0x2DF1, v33  }
0x37: {  	v34 =	vsel vm9, $0x2EF3, v34;
	v32 =	vsel vm10, $0xE71, v32;
	v33 =	vsel vm10, $0x2E71, v33  }
0x38: {  	v34 =	vsel vm7, $0x2F73, v34;
	v32 =	vsel vm9, $0xEF1, v32;
	v33 =	vsel vm9, $0x2EF1, v33  }
0x39: {  	v34 =	vsel vm8, $0x2FF3, v34;
	v32 =	vsel vm7, $0xF71, v32;
	v33 =	vsel vm7, $0x2F71, v33  }
0x3a: {  	v34 =	vsel vm6, $0x3C73, v34;
	v32 =	vsel vm8, $0xFF1, v32;
	v33 =	vsel vm8, $0x2FF1, v33  }
0x3b: {  	v34 =	vsel vm5, $0x3CF3, v34;
	v32 =	vsel vm6, $0x1C71, v32;
	v33 =	vsel vm6, $0x3C71, v33  }
0x3c: {  	v34 =	vsel vm4, $0x3D73, v34;
	v32 =	vsel vm5, $0x1CF1, v32;
	v33 =	vsel vm5, $0x3CF1, v33  }
0x3d: {  	v34 =	vsel vm3, $0x3DF3, v34;
	v32 =	vsel vm4, $0x1D71, v32;
	v33 =	vsel vm4, $0x3D71, v33  }
0x3e: {  	v34 =	vsel vm2, $0x3E73, v34;
	v32 =	vsel vm3, $0x1DF1, v32;
	v33 =	vsel vm3, $0x3DF1, v33  }
0x3f: {  	v38 =	vsel vm1, $0x3EF3, v34;
	v34 =	vsel vm14, $0xC75, v41;
	v32 =	vsel vm2, $0x1E71, v32  }
0x40: {  	v33 =	vsel vm2, $0x3E71, v33;
	v34 =	vsel vm13, $0xCF5, v34;
	v32 =	vsel vm1, $0x1EF1, v32  }
0x41: {  	v33 =	vsel vm1, $0x3EF1, v33;
	v34 =	vsel vm12, $0xD75, v34;
	v32 =	vsel vm0, $0x1F71, v32  }
0x42: {  	v60 =	vsel vm0, $0x3F71, v33;
	v33 =	vsel vm14, $0xC73, v63;
	v34 =	vsel vm11, $0xDF5, v34  }
0x43: {  	v63 =	vimm.s32 $0x1FFD;
	[tilespmem:$0x1FFA0] =	vst v32;
	v32 =	vsel vm0, $0x1F72, v61;
	v33 =	vsel vm13, $0xCF3, v33  }
0x44: {  	[tilespmem:$0x1FFB0] =	vst v60;
	v34 =	vsel vm10, $0xE75, v34;
	v60 =	vimm.s32 $0x1FFC;
	v61 =	vimm.s32 $0x3FFC  }
0x45: {  	[tilespmem:$0x1FFC0] =	vst v32;
	v32 =	vsel vm14, $0x2C72, v62;
	v33 =	vsel vm12, $0xD73, v33;
	v34 =	vsel vm9, $0xEF5, v34  }
0x46: {  	v32 =	vsel vm13, $0x2CF2, v32;
	v33 =	vsel vm11, $0xDF3, v33;
	v34 =	vsel vm7, $0xF75, v34  }
0x47: {  	v32 =	vsel vm12, $0x2D72, v32;
	v33 =	vsel vm10, $0xE73, v33;
	v34 =	vsel vm8, $0xFF5, v34  }
0x48: {  	v32 =	vsel vm11, $0x2DF2, v32;
	v33 =	vsel vm9, $0xEF3, v33;
	v34 =	vsel vm6, $0x1C75, v34  }
0x49: {  	v32 =	vsel vm10, $0x2E72, v32;
	v33 =	vsel vm7, $0xF73, v33;
	v34 =	vsel vm5, $0x1CF5, v34  }
0x4a: {  	v32 =	vsel vm9, $0x2EF2, v32;
	v33 =	vsel vm8, $0xFF3, v33;
	v34 =	vsel vm4, $0x1D75, v34  }
0x4b: {  	v32 =	vsel vm7, $0x2F72, v32;
	v33 =	vsel vm6, $0x1C73, v33;
	v34 =	vsel vm3, $0x1DF5, v34  }
0x4c: {  	v32 =	vsel vm8, $0x2FF2, v32;
	v33 =	vsel vm5, $0x1CF3, v33;
	v34 =	vsel vm2, $0x1E75, v34  }
0x4d: {  	v32 =	vsel vm6, $0x3C72, v32;
	v33 =	vsel vm4, $0x1D73, v33;
	v42 =	vsel vm1, $0x1EF5, v34  }
0x4e: {  	v34 =	vsel vm14, $0x2C76, v45;
	v32 =	vsel vm5, $0x3CF2, v32;
	v33 =	vsel vm3, $0x1DF3, v33  }
0x4f: {  	v42 =	vsel vm0, $0x1F75, v42;
	v34 =	vsel vm13, $0x2CF6, v34;
	v32 =	vsel vm4, $0x3D72, v32  }
0x50: {  	v33 =	vsel vm2, $0x1E73, v33;
	v34 =	vsel vm12, $0x2D76, v34;
	v32 =	vsel vm3, $0x3DF2, v32  }
0x51: {  	v33 =	vsel vm1, $0x1EF3, v33;
	v34 =	vsel vm11, $0x2DF6, v34;
	v32 =	vsel vm2, $0x3E72, v32  }
0x52: {  	v37 =	vsel vm0, $0x1F73, v33;
	v33 =	vsel vm14, $0x2C74, v40;
	v34 =	vsel vm10, $0x2E76, v34  }
0x53: {  	v32 =	vsel vm1, $0x3EF2, v32;
	v33 =	vsel vm13, $0x2CF4, v33;
	v34 =	vsel vm9, $0x2EF6, v34  }
0x54: {  	[tilespmem:$0x1FFE0] =	vst v37;
	v37 =	vimm.s32 $0x1FFE;
	v32 =	vsel vm0, $0x3F72, v32;
	v33 =	vsel vm12, $0x2D74, v33  }
0x55: {  	v34 =	vsel vm7, $0x2F76, v34;
	[tilespmem:$0x1FFD0] =	vst v32;
	v32 =	vsel vm0, $0x3F73, v38;
	v33 =	vsel vm11, $0x2DF4, v33  }
0x56: {  	v34 =	vsel vm8, $0x2FF6, v34;
	[tilespmem:$0x1FFF0] =	vst v32;
	v32 =	vsel vm14, $0xC74, v39;
	v33 =	vsel vm10, $0x2E74, v33  }
0x57: {  	v34 =	vsel vm6, $0x3C76, v34;
	v39 =	vimm.s32 $0x3FFE;
	v32 =	vsel vm13, $0xCF4, v32  }
0x58: {  	v33 =	vsel vm9, $0x2EF4, v33;
	v34 =	vsel vm5, $0x3CF6, v34;
	v32 =	vsel vm12, $0xD74, v32  }
0x59: {  	v33 =	vsel vm7, $0x2F74, v33;
	v34 =	vsel vm4, $0x3D76, v34;
	v32 =	vsel vm11, $0xDF4, v32  }
0x5a: {  	v33 =	vsel vm8, $0x2FF4, v33;
	v34 =	vsel vm3, $0x3DF6, v34;
	v32 =	vsel vm10, $0xE74, v32  }
0x5b: {  	v33 =	vsel vm6, $0x3C74, v33;
	v34 =	vsel vm2, $0x3E76, v34;
	v32 =	vsel vm9, $0xEF4, v32  }
0x5c: {  	v33 =	vsel vm5, $0x3CF4, v33;
	v46 =	vsel vm1, $0x3EF6, v34;
	v32 =	vsel vm7, $0xF74, v32  }
0x5d: {  	v34 =	vsel vm14, $0xC78, v49;
	v33 =	vsel vm4, $0x3D74, v33;
	v32 =	vsel vm8, $0xFF4, v32  }
0x5e: {  	v45 =	vsel vm0, $0x3F76, v46;
	v34 =	vsel vm13, $0xCF8, v34;
	v32 =	vsel vm6, $0x1C74, v32  }
0x5f: {  	v33 =	vsel vm3, $0x3DF4, v33;
	v34 =	vsel vm12, $0xD78, v34;
	v32 =	vsel vm5, $0x1CF4, v32  }
0x60: {  	v33 =	vsel vm2, $0x3E74, v33;
	v34 =	vsel vm11, $0xDF8, v34;
	v32 =	vsel vm4, $0x1D74, v32  }
0x61: {  	v33 =	vsel vm1, $0x3EF4, v33;
	v34 =	vsel vm10, $0xE78, v34;
	v32 =	vsel vm3, $0x1DF4, v32  }
0x62: {  	v41 =	vsel vm0, $0x3F74, v33;
	v33 =	vsel vm14, $0xC76, v44;
	v32 =	vsel vm2, $0x1E74, v32  }
0x63: {  	v34 =	vsel vm9, $0xEF8, v34;
	v33 =	vsel vm13, $0xCF6, v33;
	v32 =	vsel vm1, $0x1EF4, v32  }
0x64: {  	v34 =	vsel vm7, $0xF78, v34;
	v40 =	vsel vm0, $0x1F74, v32;
	v32 =	vsel vm14, $0x2C75, v43  }
0x65: {  	v33 =	vsel vm12, $0xD76, v33;
	v34 =	vsel vm8, $0xFF8, v34;
	v32 =	vsel vm13, $0x2CF5, v32  }
0x66: {  	v33 =	vsel vm11, $0xDF6, v33;
	v34 =	vsel vm6, $0x1C78, v34;
	v32 =	vsel vm12, $0x2D75, v32  }
0x67: {  	v33 =	vsel vm10, $0xE76, v33;
	v34 =	vsel vm5, $0x1CF8, v34;
	v32 =	vsel vm11, $0x2DF5, v32  }
0x68: {  	v33 =	vsel vm9, $0xEF6, v33;
	v34 =	vsel vm4, $0x1D78, v34;
	v32 =	vsel vm10, $0x2E75, v32  }
0x69: {  	v33 =	vsel vm7, $0xF76, v33;
	v34 =	vsel vm3, $0x1DF8, v34;
	v32 =	vsel vm9, $0x2EF5, v32  }
0x6a: {  	v33 =	vsel vm8, $0xFF6, v33;
	v34 =	vsel vm2, $0x1E78, v34;
	v32 =	vsel vm7, $0x2F75, v32  }
0x6b: {  	v33 =	vsel vm6, $0x1C76, v33;
	v50 =	vsel vm1, $0x1EF8, v34;
	v32 =	vsel vm8, $0x2FF5, v32  }
0x6c: {  	v34 =	vsel vm14, $0x2C79, v53;
	v33 =	vsel vm5, $0x1CF6, v33;
	v32 =	vsel vm6, $0x3C75, v32  }
0x6d: {  	v34 =	vsel vm13, $0x2CF9, v34;
	v33 =	vsel vm4, $0x1D76, v33;
	v32 =	vsel vm5, $0x3CF5, v32  }
0x6e: {  	v34 =	vsel vm12, $0x2D79, v34;
	v33 =	vsel vm3, $0x1DF6, v33;
	v32 =	vsel vm4, $0x3D75, v32  }
0x6f: {  	v34 =	vsel vm11, $0x2DF9, v34;
	v33 =	vsel vm2, $0x1E76, v33;
	v32 =	vsel vm3, $0x3DF5, v32  }
0x70: {  	v34 =	vsel vm10, $0x2E79, v34;
	v33 =	vsel vm1, $0x1EF6, v33;
	v32 =	vsel vm2, $0x3E75, v32  }
0x71: {  	v44 =	vsel vm0, $0x1F76, v33;
	v33 =	vsel vm14, $0x2C77, v48;
	v32 =	vsel vm1, $0x3EF5, v32  }
0x72: {  	v33 =	vsel vm13, $0x2CF7, v33;
	v43 =	vsel vm0, $0x3F75, v32;
	v32 =	vsel vm14, $0xC77, v47  }
0x73: {  	v34 =	vsel vm9, $0x2EF9, v34;
	v33 =	vsel vm12, $0x2D77, v33;
	v32 =	vsel vm13, $0xCF7, v32  }
0x74: {  	v48 =	vsel vm0, $0x1F78, v50;
	v33 =	vsel vm11, $0x2DF7, v33;
	v32 =	vsel vm12, $0xD77, v32  }
0x75: {  	v34 =	vsel vm7, $0x2F79, v34;
	v33 =	vsel vm10, $0x2E77, v33;
	v32 =	vsel vm11, $0xDF7, v32  }
0x76: {  	v34 =	vsel vm8, $0x2FF9, v34;
	v33 =	vsel vm9, $0x2EF7, v33;
	v32 =	vsel vm10, $0xE77, v32  }
0x77: {  	v34 =	vsel vm6, $0x3C79, v34;
	v33 =	vsel vm7, $0x2F77, v33;
	v32 =	vsel vm9, $0xEF7, v32  }
0x78: {  	v34 =	vsel vm5, $0x3CF9, v34;
	v33 =	vsel vm8, $0x2FF7, v33;
	v32 =	vsel vm7, $0xF77, v32  }
0x79: {  	v34 =	vsel vm4, $0x3D79, v34;
	v33 =	vsel vm6, $0x3C77, v33;
	v32 =	vsel vm8, $0xFF7, v32  }
0x7a: {  	v34 =	vsel vm3, $0x3DF9, v34;
	v33 =	vsel vm5, $0x3CF7, v33;
	v32 =	vsel vm6, $0x1C77, v32  }
0x7b: {  	v34 =	vsel vm2, $0x3E79, v34;
	v33 =	vsel vm4, $0x3D77, v33;
	v32 =	vsel vm5, $0x1CF7, v32  }
0x7c: {  	v54 =	vsel vm1, $0x3EF9, v34;
	v33 =	vsel vm3, $0x3DF7, v33;
	v32 =	vsel vm4, $0x1D77, v32  }
0x7d: {  	v34 =	vsel vm14, $0xC7B, v57;
	v33 =	vsel vm2, $0x3E77, v33;
	v32 =	vsel vm3, $0x1DF7, v32  }
0x7e: {  	v34 =	vsel vm13, $0xCFB, v34;
	v33 =	vsel vm1, $0x3EF7, v33;
	v32 =	vsel vm2, $0x1E77, v32  }
0x7f: {  	v47 =	vsel vm0, $0x3F77, v33;
	v33 =	vsel vm14, $0xC79, v52;
	v32 =	vsel vm1, $0x1EF7, v32  }
0x80: {  	v33 =	vsel vm13, $0xCF9, v33;
	v46 =	vsel vm0, $0x1F77, v32;
	v32 =	vsel vm14, $0x2C78, v51  }
0x81: {  	v34 =	vsel vm12, $0xD7B, v34;
	v33 =	vsel vm12, $0xD79, v33;
	v32 =	vsel vm13, $0x2CF8, v32  }
0x82: {  	v34 =	vsel vm11, $0xDFB, v34;
	v33 =	vsel vm11, $0xDF9, v33;
	v32 =	vsel vm12, $0x2D78, v32  }
0x83: {  	v34 =	vsel vm10, $0xE7B, v34;
	v33 =	vsel vm10, $0xE79, v33;
	v32 =	vsel vm11, $0x2DF8, v32  }
0x84: {  	v34 =	vsel vm9, $0xEFB, v34;
	v33 =	vsel vm9, $0xEF9, v33;
	v32 =	vsel vm10, $0x2E78, v32  }
0x85: {  	v34 =	vsel vm7, $0xF7B, v34;
	v33 =	vsel vm7, $0xF79, v33;
	v32 =	vsel vm9, $0x2EF8, v32  }
0x86: {  	v34 =	vsel vm8, $0xFFB, v34;
	v33 =	vsel vm8, $0xFF9, v33;
	v32 =	vsel vm7, $0x2F78, v32  }
0x87: {  	v34 =	vsel vm6, $0x1C7B, v34;
	v33 =	vsel vm6, $0x1C79, v33;
	v32 =	vsel vm8, $0x2FF8, v32  }
0x88: {  	v34 =	vsel vm5, $0x1CFB, v34;
	v33 =	vsel vm5, $0x1CF9, v33;
	v32 =	vsel vm6, $0x3C78, v32  }
0x89: {  	v34 =	vsel vm4, $0x1D7B, v34;
	v33 =	vsel vm4, $0x1D79, v33;
	v32 =	vsel vm5, $0x3CF8, v32  }
0x8a: {  	v51 =	vsel vm0, $0x3F79, v54;
	v33 =	vsel vm3, $0x1DF9, v33;
	v32 =	vsel vm4, $0x3D78, v32  }
0x8b: {  	v34 =	vsel vm3, $0x1DFB, v34;
	v33 =	vsel vm2, $0x1E79, v33;
	v32 =	vsel vm3, $0x3DF8, v32  }
0x8c: {  	v34 =	vsel vm2, $0x1E7B, v34;
	v33 =	vsel vm1, $0x1EF9, v33;
	v32 =	vsel vm2, $0x3E78, v32  }
0x8d: {  	v50 =	vsel vm0, $0x1F79, v33;
	v33 =	vsel vm14, $0x2C7A, v56;
	v32 =	vsel vm1, $0x3EF8, v32  }
0x8e: {  	v33 =	vsel vm13, $0x2CFA, v33;
	v49 =	vsel vm0, $0x3F78, v32;
	v32 =	vsel vm14, $0xC7A, v55  }
0x8f: {  	v58 =	vsel vm1, $0x1EFB, v34;
	v33 =	vsel vm12, $0x2D7A, v33;
	v32 =	vsel vm13, $0xCFA, v32  }
0x90: {  	v34 =	vsel vm14, $0x2C7C, v61;
	v33 =	vsel vm11, $0x2DFA, v33;
	v32 =	vsel vm12, $0xD7A, v32  }
0x91: {  	v61 =	vimm.s32 $0x1FFF;
	v33 =	vsel vm10, $0x2E7A, v33;
	v32 =	vsel vm11, $0xDFA, v32  }
0x92: {  	v54 =	vsel vm0, $0x1F7B, v58;
	v33 =	vsel vm9, $0x2EFA, v33;
	v32 =	vsel vm10, $0xE7A, v32  }
0x93: {  	v34 =	vsel vm13, $0x2CFC, v34;
	v33 =	vsel vm7, $0x2F7A, v33;
	v32 =	vsel vm9, $0xEFA, v32  }
0x94: {  	v34 =	vsel vm12, $0x2D7C, v34;
	v33 =	vsel vm8, $0x2FFA, v33;
	v32 =	vsel vm7, $0xF7A, v32  }
0x95: {  	v34 =	vsel vm11, $0x2DFC, v34;
	v33 =	vsel vm6, $0x3C7A, v33;
	v32 =	vsel vm8, $0xFFA, v32  }
0x96: {  	v34 =	vsel vm10, $0x2E7C, v34;
	v33 =	vsel vm5, $0x3CFA, v33;
	v32 =	vsel vm6, $0x1C7A, v32  }
0x97: {  	v34 =	vsel vm9, $0x2EFC, v34;
	v33 =	vsel vm4, $0x3D7A, v33;
	v32 =	vsel vm5, $0x1CFA, v32  }
0x98: {  	v34 =	vsel vm7, $0x2F7C, v34;
	v33 =	vsel vm3, $0x3DFA, v33;
	v32 =	vsel vm4, $0x1D7A, v32  }
0x99: {  	v34 =	vsel vm8, $0x2FFC, v34;
	v33 =	vsel vm2, $0x3E7A, v33;
	v32 =	vsel vm3, $0x1DFA, v32  }
0x9a: {  	v34 =	vsel vm6, $0x3C7C, v34;
	v33 =	vsel vm1, $0x3EFA, v33;
	v32 =	vsel vm2, $0x1E7A, v32  }
0x9b: {  	v53 =	vsel vm0, $0x3F7A, v33;
	v33 =	vsel vm14, $0xC7C, v60;
	v32 =	vsel vm1, $0x1EFA, v32  }
0x9c: {  	v33 =	vsel vm13, $0xCFC, v33;
	v52 =	vsel vm0, $0x1F7A, v32;
	v32 =	vsel vm14, $0x2C7B, v59  }
0x9d: {  	v34 =	vsel vm5, $0x3CFC, v34;
	v33 =	vsel vm12, $0xD7C, v33;
	v32 =	vsel vm13, $0x2CFB, v32  }
0x9e: {  	v34 =	vsel vm4, $0x3D7C, v34;
	v33 =	vsel vm11, $0xDFC, v33;
	v32 =	vsel vm12, $0x2D7B, v32  }
0x9f: {  	v34 =	vsel vm3, $0x3DFC, v34;
	v33 =	vsel vm10, $0xE7C, v33;
	v32 =	vsel vm11, $0x2DFB, v32  }
0xa0: {  	v34 =	vsel vm2, $0x3E7C, v34;
	v33 =	vsel vm9, $0xEFC, v33;
	v32 =	vsel vm10, $0x2E7B, v32  }
0xa1: {  	v62 =	vsel vm1, $0x3EFC, v34;
	v33 =	vsel vm7, $0xF7C, v33;
	v32 =	vsel vm9, $0x2EFB, v32  }
0xa2: {  	v34 =	vsel vm14, $0xC7E, v37;
	v33 =	vsel vm8, $0xFFC, v33;
	v32 =	vsel vm7, $0x2F7B, v32  }
0xa3: {  	v57 =	vsel vm0, $0x3F7C, v62;
	v33 =	vsel vm6, $0x1C7C, v33;
	v32 =	vsel vm8, $0x2FFB, v32  }
0xa4: {  	v34 =	vsel vm13, $0xCFE, v34;
	v33 =	vsel vm5, $0x1CFC, v33;
	v32 =	vsel vm6, $0x3C7B, v32  }
0xa5: {  	v62 =	vimm.s32 $0x3FFF;
	v33 =	vsel vm4, $0x1D7C, v33;
	v32 =	vsel vm5, $0x3CFB, v32  }
0xa6: {  	v34 =	vsel vm12, $0xD7E, v34;
	v33 =	vsel vm3, $0x1DFC, v33;
	v32 =	vsel vm4, $0x3D7B, v32  }
0xa7: {  	v34 =	vsel vm11, $0xDFE, v34;
	v33 =	vsel vm2, $0x1E7C, v33;
	v32 =	vsel vm3, $0x3DFB, v32  }
0xa8: {  	v34 =	vsel vm10, $0xE7E, v34;
	v33 =	vsel vm1, $0x1EFC, v33;
	v32 =	vsel vm2, $0x3E7B, v32  }
0xa9: {  	v56 =	vsel vm0, $0x1F7C, v33;
	v33 =	vsel vm14, $0x2C7D, v36;
	v32 =	vsel vm1, $0x3EFB, v32  }
0xaa: {  	v33 =	vsel vm13, $0x2CFD, v33;
	v55 =	vsel vm0, $0x3F7B, v32;
	v32 =	vsel vm14, $0xC7D, v63  }
0xab: {  	v34 =	vsel vm9, $0xEFE, v34;
	v33 =	vsel vm12, $0x2D7D, v33;
	v32 =	vsel vm13, $0xCFD, v32  }
0xac: {  	v34 =	vsel vm7, $0xF7E, v34;
	v33 =	vsel vm11, $0x2DFD, v33;
	v32 =	vsel vm12, $0xD7D, v32  }
0xad: {  	v34 =	vsel vm8, $0xFFE, v34;
	v33 =	vsel vm10, $0x2E7D, v33;
	v32 =	vsel vm11, $0xDFD, v32  }
0xae: {  	v34 =	vsel vm6, $0x1C7E, v34;
	v33 =	vsel vm9, $0x2EFD, v33;
	v32 =	vsel vm10, $0xE7D, v32  }
0xaf: {  	v34 =	vsel vm5, $0x1CFE, v34;
	v33 =	vsel vm7, $0x2F7D, v33;
	v32 =	vsel vm9, $0xEFD, v32  }
0xb0: {  	v34 =	vsel vm4, $0x1D7E, v34;
	v33 =	vsel vm8, $0x2FFD, v33;
	v32 =	vsel vm7, $0xF7D, v32  }
0xb1: {  	v34 =	vsel vm3, $0x1DFE, v34;
	v33 =	vsel vm6, $0x3C7D, v33;
	v32 =	vsel vm8, $0xFFD, v32  }
0xb2: {  	v34 =	vsel vm2, $0x1E7E, v34;
	v33 =	vsel vm5, $0x3CFD, v33;
	v32 =	vsel vm6, $0x1C7D, v32  }
0xb3: {  	v38 =	vsel vm1, $0x1EFE, v34;
	v33 =	vsel vm4, $0x3D7D, v33;
	v32 =	vsel vm5, $0x1CFD, v32  }
0xb4: {  	v34 =	vsel vm14, $0x2C7F, v62;
	v33 =	vsel vm3, $0x3DFD, v33;
	v32 =	vsel vm4, $0x1D7D, v32  }
0xb5: {  	v60 =	vsel vm0, $0x1F7E, v38;
	v33 =	vsel vm2, $0x3E7D, v33;
	v32 =	vsel vm3, $0x1DFD, v32  }
0xb6: {  	s0 =	rddreg [dreg:$0x0];
	v34 =	vsel vm13, $0x2CFF, v34;
	v33 =	vsel vm1, $0x3EFD, v33;
	v32 =	vsel vm2, $0x1E7D, v32  }
0xb7: {  	s1 =	srdreg.scid;
	s31 =	rddreg [dreg:$0x1];
	v59 =	vsel vm0, $0x3F7D, v33;
	v33 =	vsel vm14, $0xC7F, v61;
	v32 =	vsel vm1, $0x1EFD, v32  }
0xb8: {  	s2 =	stileid.u32;
	s3 =	rddreg [dreg:$0x2];
	s9 =	simm.s32 $0x400;
	v33 =	vsel vm13, $0xCFF, v33;
	v58 =	vsel vm0, $0x1F7D, v32;
	v32 =	vsel vm14, $0x2C7E, v39  }
0xb9: {  	s6 =	simm.s32 $0x0;
	s18 =	simm.s32 $0x7A1400;
	s29 =	simm.s32 $0x1400;
	v34 =	vsel vm12, $0x2D7F, v34;
	v33 =	vsel vm12, $0xD7F, v33;
	v32 =	vsel vm13, $0x2CFE, v32  }
0xba: {  	s30 =	simm.s32 $0x2400;
	s16 =	simm.s32 $0x8400;
	s15 =	simm.s32 $0x9400;
	v34 =	vsel vm11, $0x2DFF, v34;
	v33 =	vsel vm11, $0xDFF, v33;
	v32 =	vsel vm12, $0x2D7E, v32  }
0xbb: {  	s13 =	simm.s32 $0xA400;
	s1 =	sand.u32 $0x1, s1;
	s2 =	sshll.u32 s2, $0x1;
	v34 =	vsel vm10, $0x2E7F, v34;
	v33 =	vsel vm10, $0xE7F, v33;
	v32 =	vsel vm11, $0x2DFE, v32  }
0xbc: {  	s8 =	simm.s32 $0xB400;
	s10 =	simm.s32 $0xC400;
	s2 =	sor.u32 s1, s2;
	v34 =	vsel vm9, $0x2EFF, v34;
	v33 =	vsel vm9, $0xEFF, v33;
	v32 =	vsel vm10, $0x2E7E, v32  }
0xbd: {  	s7 =	simm.s32 $0xD400;
	s4 =	sshll.u32 s2, $0x9;
	s2 =	sshll.u32 s2, $0x7;
	v34 =	vsel vm7, $0x2F7F, v34;
	v33 =	vsel vm7, $0xF7F, v33;
	v32 =	vsel vm9, $0x2EFE, v32  }
0xbe: {  	s14 =	simm.s32 $0xE400;
	s5 =	sand.u32 $0x3000, s4;
	s2 =	sand.u32 $0x380, s2;
	v34 =	vsel vm8, $0x2FFF, v34;
	v33 =	vsel vm8, $0xFFF, v33;
	v32 =	vsel vm7, $0x2F7E, v32  }
0xbf: {  	s12 =	simm.s32 $0x10400;
	[smem:$0x7FF] =	sst s6;
	s2 =	sor.u32 s2, s5;
	v34 =	vsel vm6, $0x3C7F, v34;
	v33 =	vsel vm6, $0x1C7F, v33;
	v32 =	vsel vm8, $0x2FFE, v32  }
0xc0: {  	s6 =	simm.s32 $0x7400;
	s1 =	ssub.s32 $0x2, s1;
	s2 =	sshrl.u32 s2, $0x3;
	v34 =	vsel vm5, $0x3CFF, v34;
	v33 =	vsel vm5, $0x1CFF, v33;
	v32 =	vsel vm6, $0x3C7E, v32  }
0xc1: {  	s24 =	sshrl.u32 s1, $0x1;
	s3 =	sadd.s32 s3, s4;
	s2 =	sadd.s32 s0, s2;
	v34 =	vsel vm4, $0x3D7F, v34;
	v33 =	vsel vm4, $0x1D7F, v33;
	v32 =	vsel vm5, $0x3CFE, v32  }
0xc2: {  	s26 =	sadd.s32 $0x800, s2;
	_ =	strace $0x80000047;
	[dreg:$0xe] =	wrdreg s2;
	v34 =	vsel vm3, $0x3DFF, v34;
	v33 =	vsel vm3, $0x1DFF, v33;
	v32 =	vsel vm4, $0x3D7E, v32  }
0xc3: {  	s25 =	ssub.s32 s1, s24;
	s4 =	simm.s32 $0x4400;
	[dreg:$0x10] =	wrdreg s26;
	v34 =	vsel vm2, $0x3E7F, v34;
	v33 =	vsel vm2, $0x1E7F, v33;
	v32 =	vsel vm3, $0x3DFE, v32  }
0xc4: {  	s24 =	simm.s32 $0x6400;
	s28 =	sadd.s32 $0x10000, s3;
	[dreg:$0xf] =	wrdreg s3;
	v63 =	vsel vm1, $0x3EFF, v34;
	v33 =	vsel vm1, $0x1EFF, v33;
	v32 =	vsel vm2, $0x3E7E, v32  }
0xc5: {  	s1 =	simm.s32 $0x0;
	s0 =	smax.u32 s25, $0x1;
	[dreg:$0x11] =	wrdreg s28;
	v63 =	vsel vm0, $0x3F7F, v63;
	v62 =	vsel vm0, $0x1F7F, v33;
	v32 =	vsel vm1, $0x3EFE, v32  }
0xc6: {  	s5 =	simm.s32 $0x5400;
	[dreg:$0x12] =	wrdreg s0;
	s2 =	simm.s32 $0x11;
	v33 =	vor.u32 $0xF800, v0;
	v61 =	vsel vm0, $0x3F7E, v32;
	v32 =	vor.u32 $0xF000, v0  }
.LBB2_1:
0xc7: {  	[dreg:$0x13] =	wrdreg s1  }
0xc8: {  	s0 =	simm.s32 $0x0;
	s23 =	rddreg [dreg:$0xe];
	s3 =	simm.s32 $0x80  }
0xc9: {  	[tilespmem:s0], [sflag:$0x11] =	stream.strided.gather [hbm4b:s23+s3], $0x200, s9, s3, $0x38;
	[tilespmem:$0x18400] =	vst v63  }
0xca: {  	_ =	swait.ge [sflag:s2], $0x200  }
0xcb: {  	[sflag:s2] =	ssyncset.done $0x0  }
0xcc: {  	s26 =	simm.s32 $0x200;
	s25 =	rddreg [dreg:$0x10];
	[sflag:s2] =	ssyncadd.s32 $0xFFFFFE00  }
0xcd: {  	[tilespmem:s26], [sflag:$0x11] =	stream.strided.gather [hbm4b:s25+s3], $0x200, s9, s3, $0x38;
	[tilespmem:$0x18400] =	vst v63  }
0xce: {  	_ =	swait.ge [sflag:s2], $0x200  }
0xcf: {  	[sflag:s2] =	ssyncset.done $0x0  }
0xd0: {  	[sflag:s2] =	ssyncadd.s32 $0xFFFFFE00  }
0xd1: {  	v34 =	vld [tilespmem:$0x0];
	_ =	sdelay $0x4  }
0xd2: {  	(v2sf) =	vpush v34, $0x0;
	_ =	sdelay $0x1  }
0xd3: {  	(v2sf) =	vpush v34, $0x1;
	_ =	sdelay $0x2  }
0xd4: {  	(v2sf) =	vpush v34, $0x2;
	_ =	sdelay $0x2  }
0xd5: {  	(v2sf) =	vpush v34, $0x3;
	_ =	sdelay $0x2  }
0xd6: {  	(v2sf) =	vpush v34, $0x4;
	_ =	sdelay $0x2  }
0xd7: {  	(v2sf) =	vpush v34, $0x5  }
0xd8: {  	s28 =	spop (v2sf)  }
0xd9: {  	s0 =	sand.u32 $0xFFFFF80, s28  }
0xda: {  	(v2sf) =	vpush v34, $0x6;
	s1 =	spop (v2sf);
	s0 =	sadd.s32 s31, s0  }
0xdb: {  	[tilespmem:s9], [sflag:$0x1] =	stream.strided.gather [hbm4b:s0+s9], $0x1000, s18, s9, $0x38;
	[tilespmem:$0x18400] =	vst v63  }
0xdc: {  	s0 =	sand.u32 $0xFFFFF80, s1  }
0xdd: {  	(v2sf) =	vpush v34, $0x7;
	s2 =	spop (v2sf);
	s0 =	sadd.s32 s31, s0  }
0xde: {  	[tilespmem:s29], [sflag:$0x2] =	stream.strided.gather [hbm4b:s0+s9], $0x1000, s18, s9, $0x38;
	[tilespmem:$0x18400] =	vst v63  }
0xdf: {  	s0 =	sand.u32 $0xFFFFF80, s2  }
0xe0: {  	(v2sf) =	vpush v34, $0x8;
	s3 =	spop (v2sf);
	s0 =	sadd.s32 s31, s0  }
0xe1: {  	[tilespmem:s30], [sflag:$0x3] =	stream.strided.gather [hbm4b:s0+s9], $0x1000, s18, s9, $0x38;
	[tilespmem:$0x18400] =	vst v63  }
0xe2: {  	s0 =	sand.u32 $0xFFFFF80, s3  }
0xe3: {  	s11 =	simm.s32 $0x3400;
	(v2sf) =	vpush v34, $0x9;
	s17 =	spop (v2sf);
	s0 =	sadd.s32 s31, s0  }
0xe4: {  	[tilespmem:s11], [sflag:$0x4] =	stream.strided.gather [hbm4b:s0+s9], $0x1000, s18, s9, $0x38;
	[tilespmem:$0x18400] =	vst v63  }
0xe5: {  	s0 =	sand.u32 $0xFFFFF80, s17  }
0xe6: {  	(v2sf) =	vpush v34, $0xA;
	s19 =	spop (v2sf);
	s0 =	sadd.s32 s31, s0  }
0xe7: {  	[tilespmem:s4], [sflag:$0x5] =	stream.strided.gather [hbm4b:s0+s9], $0x1000, s18, s9, $0x38;
	[tilespmem:$0x18400] =	vst v63  }
0xe8: {  	s0 =	sand.u32 $0xFFFFF80, s19  }
0xe9: {  	(v2sf) =	vpush v34, $0xB;
	s20 =	spop (v2sf);
	s0 =	sadd.s32 s31, s0  }
0xea: {  	[tilespmem:s5], [sflag:$0x6] =	stream.strided.gather [hbm4b:s0+s9], $0x1000, s18, s9, $0x38;
	[tilespmem:$0x18400] =	vst v63  }
0xeb: {  	s0 =	sand.u32 $0xFFFFF80, s20  }
0xec: {  	(v2sf) =	vpush v34, $0xC;
	s21 =	spop (v2sf);
	s0 =	sadd.s32 s31, s0  }
0xed: {  	[tilespmem:s24], [sflag:$0x7] =	stream.strided.gather [hbm4b:s0+s9], $0x1000, s18, s9, $0x38;
	[tilespmem:$0x18400] =	vst v63  }
0xee: {  	s0 =	sand.u32 $0xFFFFF80, s21  }
0xef: {  	(v2sf) =	vpush v34, $0xD;
	s22 =	spop (v2sf);
	s0 =	sadd.s32 s31, s0  }
0xf0: {  	[tilespmem:s6], [sflag:$0x8] =	stream.strided.gather [hbm4b:s0+s9], $0x1000, s18, s9, $0x38;
	[tilespmem:$0x18400] =	vst v63  }
0xf1: {  	s0 =	sand.u32 $0xFFFFF80, s22  }
0xf2: {  	(v2sf) =	vpush v34, $0xE;
	s23 =	spop (v2sf);
	s0 =	sadd.s32 s31, s0  }
0xf3: {  	[tilespmem:s16], [sflag:$0x9] =	stream.strided.gather [hbm4b:s0+s9], $0x1000, s18, s9, $0x38;
	[tilespmem:$0x18400] =	vst v63  }
0xf4: {  	s0 =	sand.u32 $0xFFFFF80, s23  }
0xf5: {  	(v2sf) =	vpush v34, $0xF;
	s24 =	spop (v2sf);
	s0 =	sadd.s32 s31, s0  }
0xf6: {  	[tilespmem:s15], [sflag:$0xA] =	stream.strided.gather [hbm4b:s0+s9], $0x1000, s18, s9, $0x38;
	[tilespmem:$0x18400] =	vst v63  }
0xf7: {  	s0 =	sand.u32 $0xFFFFF80, s24  }
0xf8: {  	s25 =	spop (v2sf);
	s0 =	sadd.s32 s31, s0  }
0xf9: {  	[tilespmem:s13], [sflag:$0xB] =	stream.strided.gather [hbm4b:s0+s9], $0x1000, s18, s9, $0x38;
	[tilespmem:$0x18400] =	vst v63  }
0xfa: {  	s0 =	sand.u32 $0xFFFFF80, s25  }
0xfb: {  	s26 =	spop (v2sf);
	s0 =	sadd.s32 s31, s0  }
0xfc: {  	[tilespmem:s8], [sflag:$0xC] =	stream.strided.gather [hbm4b:s0+s9], $0x1000, s18, s9, $0x38;
	[tilespmem:$0x18400] =	vst v63  }
0xfd: {  	s0 =	sand.u32 $0xFFFFF80, s26  }
0xfe: {  	s28 =	spop (v2sf);
	s0 =	sadd.s32 s31, s0  }
0xff: {  	[tilespmem:s10], [sflag:$0xD] =	stream.strided.gather [hbm4b:s0+s9], $0x1000, s18, s9, $0x38;
	[tilespmem:$0x18400] =	vst v63  }
0x100: {  	s0 =	sand.u32 $0xFFFFF80, s28  }
0x101: {  	s1 =	spop (v2sf);
	s0 =	sadd.s32 s31, s0  }
0x102: {  	[tilespmem:s7], [sflag:$0xE] =	stream.strided.gather [hbm4b:s0+s9], $0x1000, s18, s9, $0x38;
	[tilespmem:$0x18400] =	vst v63  }
0x103: {  	s0 =	sand.u32 $0xFFFFF80, s1  }
0x104: {  	s2 =	spop (v2sf);
	s0 =	sadd.s32 s31, s0  }
0x105: {  	[tilespmem:s14], [sflag:$0xF] =	stream.strided.gather [hbm4b:s0+s9], $0x1000, s18, s9, $0x38;
	[tilespmem:$0x18400] =	vst v63  }
0x106: {  	s0 =	sand.u32 $0xFFFFF80, s2  }
0x107: {  	s3 =	simm.s32 $0xF400;
	s4 =	simm.s32 $0x10;
	s0 =	sadd.s32 s31, s0  }
0x108: {  	[tilespmem:s3], [sflag:$0x10] =	stream.strided.gather [hbm4b:s0+s9], $0x1000, s18, s9, $0x38;
	[tilespmem:$0x18400] =	vst v63  }
0x109: {  	v34 =	vld [tilespmem:s4+$0xFFFFFFF0]  }
0x10a: {  	v35 =	vld [tilespmem:s4+$0x0];
	_ =	sdelay $0x3  }
0x10b: {  	(v2sf) =	vpush v34, $0x0  }
0x10c: {  	(v2sf) =	vpush v35, $0x0  }
0x10d: {  	(v2sf) =	vpush v35, $0x3  }
0x10e: {  	(v2sf) =	vpush v35, $0x1;
	_ =	sdelay $0x1  }
0x10f: {  	(v2sf) =	vpush v34, $0x2  }
0x110: {  	(v2sf) =	vpush v35, $0x2  }
0x111: {  	(v2sf) =	vpush v34, $0x3  }
0x112: {  	(v2sf) =	vpush v34, $0x4  }
0x113: {  	(v2sf) =	vpush v35, $0x4  }
0x114: {  	(v2sf) =	vpush v34, $0x5  }
0x115: {  	(v2sf) =	vpush v35, $0x5  }
0x116: {  	(v2sf) =	vpush v34, $0x6  }
0x117: {  	(v2sf) =	vpush v34, $0x1  }
0x118: {  	(v2sf) =	vpush v35, $0x6  }
0x119: {  	s5 =	spop (v2sf)  }
0x11a: {  	(v2sf) =	vpush v34, $0x7;
	s6 =	spop (v2sf)  }
0x11b: {  	(v2sf) =	vpush v35, $0x7;
	s0 =	sand.u32 $0x7F, s5;
	s23 =	spop (v2sf)  }
0x11c: {  	s8 =	simm.s32 $0x0;
	s10 =	simm.s32 $0x1;
	(v2sf) =	vpush v34, $0x8;
	v36 =	vor.u32 s0, v0;
	s7 =	spop (v2sf)  }
0x11d: {  	v38 =	vmov s8;
	v37 =	vor.u32 s0, v1;
	_ =	swait.ge [sflag:s10], $0x1000  }
0x11e: {  	v39 =	vshll.u32 v38, $0x3;
	s11 =	spop (v2sf);
	(v2sf) =	vpush v35, $0x8  }
0x11f: {  	v38 =	vand.u32 $0x70, v38;
	v39 =	vand.u32 $0xFFFFFC00, v39;
	[sflag:s10] =	ssyncset.done $0x0;
	s0 =	spop (v2sf);
	(v2sf) =	vpush v34, $0x9  }
0x120: {  	v38 =	vor.u32 v38, v39;
	[sflag:s10] =	ssyncadd.s32 $0xFFFFF000;
	s28 =	spop (v2sf);
	(v2sf) =	vpush v35, $0x9  }
0x121: {  	v39 =	vadd.s32 v2, v38;
	v36 =	vld.idx.msk [tilespmem:v36+s9+$0x0], $0xffff;
	s26 =	spop (v2sf);
	(v2sf) =	vpush v34, $0xA  }
0x122: {  	v38 =	vadd.s32 v3, v38;
	v37 =	vld.idx.msk [tilespmem:v37+s9+$0x0], $0xffff;
	s24 =	spop (v2sf);
	(v2sf) =	vpush v35, $0xA  }
0x123: {  	s25 =	spop (v2sf);
	(v2sf) =	vpush v34, $0xB  }
0x124: {  	s21 =	spop (v2sf);
	(v2sf) =	vpush v35, $0xB  }
0x125: {  	s2 =	simm.s32 $0x1;
	s22 =	spop (v2sf)  }
0x126: {  	s1 =	sand.u32 $0xFFFFF80, s6;
	s6 =	simm.s32 $0x2;
	[tilespmem:v39+s12+$0x0] =	vst.idx.msk $0xffff, v36;
	s20 =	spop (v2sf)  }
0x127: {  	s1 =	sadd.s32 s31, s1;
	(v2sf) =	vpush v34, $0xC;
	[tilespmem:v38+s12+$0x0] =	vst.idx.msk $0xffff, v37;
	s5 =	sand.u32 $0x7F, s20;
	s20 =	spop (v2sf)  }
0x128: {  	(v2sf) =	vpush v35, $0xC;
	[tilespmem:s9], [sflag:$0x1] =	stream.strided.gather [hbm4b:s1+s9], $0x1000, s18, s9, $0x38;
	v36 =	vor.u32 s5, v4;
	[tilespmem:$0x18400] =	vst v63  }
0x129: {  	v37 =	vmov s2;
	v38 =	vor.u32 s5, v5;
	_ =	swait.ge [sflag:s6], $0x1000  }
0x12a: {  	v39 =	vshll.u32 v37, $0x3;
	s13 =	spop (v2sf);
	(v2sf) =	vpush v34, $0xD  }
0x12b: {  	v37 =	vand.u32 $0x71, v37;
	v39 =	vand.u32 $0xFFFFFC00, v39;
	[sflag:s6] =	ssyncset.done $0x0;
	s17 =	spop (v2sf);
	(v2sf) =	vpush v35, $0xD  }
0x12c: {  	v37 =	vor.u32 v37, v39;
	[sflag:s6] =	ssyncadd.s32 $0xFFFFF000;
	s19 =	spop (v2sf);
	(v2sf) =	vpush v34, $0xE  }
0x12d: {  	v39 =	vadd.s32 v2, v37;
	v36 =	vld.idx.msk [tilespmem:v36+s9+$0x0], $0xffff;
	s15 =	spop (v2sf);
	(v2sf) =	vpush v35, $0xE  }
0x12e: {  	v37 =	vadd.s32 v3, v37;
	v38 =	vld.idx.msk [tilespmem:v38+s9+$0x0], $0xffff;
	s16 =	spop (v2sf);
	(v2sf) =	vpush v34, $0xF  }
0x12f: {  	s1 =	spop (v2sf)  }
0x130: {  	s14 =	spop (v2sf)  }
0x131: {  	s3 =	sand.u32 $0xFFFFF80, s7;
	s2 =	simm.s32 $0x10400;
	(v2sf) =	vpush v35, $0xF;
	s10 =	spop (v2sf)  }
0x132: {  	s7 =	simm.s32 $0x2;
	s4 =	sand.u32 $0x7F, s11;
	s12 =	spop (v2sf);
	[tilespmem:v39+s2+$0x0] =	vst.idx.msk $0xffff, v36  }
0x133: {  	s3 =	sadd.s32 s31, s3;
	s11 =	simm.s32 $0x3;
	v34 =	vor.u32 s4, v6;
	s8 =	spop (v2sf);
	[tilespmem:v37+s2+$0x0] =	vst.idx.msk $0xffff, v38  }
0x134: {  	v35 =	vmov s7;
	v36 =	vor.u32 s4, v7;
	[tilespmem:s29], [sflag:$0x2] =	stream.strided.gather [hbm4b:s3+s9], $0x1000, s18, s9, $0x38;
	[tilespmem:$0x18400] =	vst v63  }
0x135: {  	v37 =	vshll.u32 v35, $0x3;
	_ =	swait.ge [sflag:s11], $0x1000  }
0x136: {  	v35 =	vand.u32 $0x72, v35;
	v37 =	vand.u32 $0xFFFFFC00, v37;
	[sflag:s11] =	ssyncset.done $0x0  }
0x137: {  	v35 =	vor.u32 v35, v37;
	[sflag:s11] =	ssyncadd.s32 $0xFFFFF000;
	s11 =	spop (v2sf)  }
0x138: {  	v37 =	vadd.s32 v2, v35;
	v34 =	vld.idx.msk [tilespmem:v34+s9+$0x0], $0xffff;
	s5 =	spop (v2sf)  }
0x139: {  	v35 =	vadd.s32 v3, v35;
	v36 =	vld.idx.msk [tilespmem:v36+s9+$0x0], $0xffff;
	s7 =	spop (v2sf)  }
0x13a: {  	s4 =	spop (v2sf)  }
0x13b: {  	s3 =	spop (v2sf)  }
0x13c: {  	s0 =	sand.u32 $0xFFFFF80, s0;
	[dreg:$0x18] =	wrdreg s4;
	s4 =	spop (v2sf)  }
0x13d: {  	s28 =	sand.u32 $0x7F, s28;
	[tilespmem:v37+s2+$0x0] =	vst.idx.msk $0xffff, v34;
	[dreg:$0x14] =	wrdreg s4;
	s4 =	spop (v2sf)  }
0x13e: {  	s0 =	sadd.s32 s31, s0;
	[tilespmem:v35+s2+$0x0] =	vst.idx.msk $0xffff, v36;
	[dreg:$0x16] =	wrdreg s4;
	s4 =	simm.s32 $0x3  }
0x13f: {  	v34 =	vor.u32 s28, v8;
	[tilespmem:s30], [sflag:$0x3] =	stream.strided.gather [hbm4b:s0+s9], $0x1000, s18, s9, $0x38;
	[tilespmem:$0x18400] =	vst v63  }
0x140: {  	v36 =	vor.u32 s28, v9;
	v35 =	vmov s4;
	s0 =	spop (v2sf);
	s4 =	simm.s32 $0x4  }
0x141: {  	_ =	swait.ge [sflag:s4], $0x1000;
	v37 =	vshll.u32 v35, $0x3  }
0x142: {  	v35 =	vand.u32 $0x73, v35;
	[sflag:s4] =	ssyncset.done $0x0;
	v37 =	vand.u32 $0xFFFFFC00, v37  }
0x143: {  	[sflag:s4] =	ssyncadd.s32 $0xFFFFF000;
	v35 =	vor.u32 v35, v37  }
0x144: {  	v34 =	vld.idx.msk [tilespmem:v34+s9+$0x0], $0xffff;
	v37 =	vadd.s32 v2, v35  }
0x145: {  	v36 =	vld.idx.msk [tilespmem:v36+s9+$0x0], $0xffff;
	v35 =	vadd.s32 v3, v35;
	_ =	sdelay $0x2  }
0x146: {  	s23 =	sand.u32 $0xFFFFF80, s23  }
0x147: {  	s23 =	sadd.s32 s31, s23;
	s26 =	sand.u32 $0x7F, s26;
	[tilespmem:v37+s2+$0x0] =	vst.idx.msk $0xffff, v34  }
0x148: {  	s30 =	simm.s32 $0x3400;
	s4 =	simm.s32 $0x4;
	v34 =	vor.u32 s26, v10;
	[tilespmem:v35+s2+$0x0] =	vst.idx.msk $0xffff, v36;
	v36 =	vor.u32 s26, v11;
	s26 =	simm.s32 $0x5  }
0x149: {  	v35 =	vmov s4;
	[tilespmem:s30], [sflag:$0x4] =	stream.strided.gather [hbm4b:s23+s9], $0x1000, s18, s9, $0x38;
	[tilespmem:$0x18400] =	vst v63  }
0x14a: {  	v37 =	vshll.u32 v35, $0x3;
	_ =	swait.ge [sflag:s26], $0x1000  }
0x14b: {  	v35 =	vand.u32 $0x74, v35;
	v37 =	vand.u32 $0xFFFFFC00, v37;
	[sflag:s26] =	ssyncset.done $0x0  }
0x14c: {  	v35 =	vor.u32 v35, v37;
	[sflag:s26] =	ssyncadd.s32 $0xFFFFF000  }
0x14d: {  	v37 =	vadd.s32 v2, v35;
	v34 =	vld.idx.msk [tilespmem:v34+s9+$0x0], $0xffff  }
0x14e: {  	v35 =	vadd.s32 v3, v35;
	v36 =	vld.idx.msk [tilespmem:v36+s9+$0x0], $0xffff;
	_ =	sdelay $0x3  }
0x14f: {  	s6 =	simm.s32 $0x4400;
	s28 =	sand.u32 $0xFFFFF80, s24;
	s30 =	sand.u32 $0x7F, s25;
	[tilespmem:v37+s2+$0x0] =	vst.idx.msk $0xffff, v34  }
0x150: {  	s4 =	simm.s32 $0x5;
	s23 =	sadd.s32 s31, s28;
	s26 =	simm.s32 $0x6;
	v34 =	vor.u32 s30, v12;
	[tilespmem:v35+s2+$0x0] =	vst.idx.msk $0xffff, v36  }
0x151: {  	v35 =	vmov s4;
	v36 =	vor.u32 s30, v13;
	[tilespmem:s6], [sflag:$0x5] =	stream.strided.gather [hbm4b:s23+s9], $0x1000, s18, s9, $0x38;
	[tilespmem:$0x18400] =	vst v63  }
0x152: {  	v37 =	vshll.u32 v35, $0x3;
	_ =	swait.ge [sflag:s26], $0x1000  }
0x153: {  	v35 =	vand.u32 $0x75, v35;
	v37 =	vand.u32 $0xFFFFFC00, v37;
	[sflag:s26] =	ssyncset.done $0x0  }
0x154: {  	v35 =	vor.u32 v35, v37;
	[sflag:s26] =	ssyncadd.s32 $0xFFFFF000  }
0x155: {  	v37 =	vadd.s32 v2, v35;
	v34 =	vld.idx.msk [tilespmem:v34+s9+$0x0], $0xffff  }
0x156: {  	v35 =	vadd.s32 v3, v35;
	v36 =	vld.idx.msk [tilespmem:v36+s9+$0x0], $0xffff;
	_ =	sdelay $0x2  }
0x157: {  	s21 =	sand.u32 $0xFFFFF80, s21  }
0x158: {  	s22 =	sand.u32 $0x7F, s22;
	s21 =	sadd.s32 s31, s21;
	[tilespmem:v37+s2+$0x0] =	vst.idx.msk $0xffff, v34  }
0x159: {  	s28 =	simm.s32 $0x6;
	s30 =	simm.s32 $0x5400;
	s4 =	simm.s32 $0x7;
	v34 =	vor.u32 s22, v14;
	[tilespmem:v35+s2+$0x0] =	vst.idx.msk $0xffff, v36  }
0x15a: {  	v35 =	vmov s28;
	v36 =	vor.u32 s22, v15;
	[tilespmem:s30], [sflag:$0x6] =	stream.strided.gather [hbm4b:s21+s9], $0x1000, s18, s9, $0x38;
	[tilespmem:$0x18400] =	vst v63  }
0x15b: {  	v37 =	vshll.u32 v35, $0x3;
	_ =	swait.ge [sflag:s4], $0x1000  }
0x15c: {  	v35 =	vand.u32 $0x76, v35;
	v37 =	vand.u32 $0xFFFFFC00, v37;
	[sflag:s4] =	ssyncset.done $0x0  }
0x15d: {  	v35 =	vor.u32 v35, v37;
	[sflag:s4] =	ssyncadd.s32 $0xFFFFF000  }
0x15e: {  	v37 =	vadd.s32 v2, v35;
	v34 =	vld.idx.msk [tilespmem:v34+s9+$0x0], $0xffff  }
0x15f: {  	v35 =	vadd.s32 v3, v35;
	v36 =	vld.idx.msk [tilespmem:v36+s9+$0x0], $0xffff;
	_ =	sdelay $0x2  }
0x160: {  	s20 =	sand.u32 $0xFFFFF80, s20  }
0x161: {  	s20 =	sadd.s32 s31, s20;
	s13 =	sand.u32 $0x7F, s13;
	[tilespmem:v37+s2+$0x0] =	vst.idx.msk $0xffff, v34  }
0x162: {  	s25 =	simm.s32 $0x6400;
	s6 =	simm.s32 $0x7;
	s21 =	simm.s32 $0x8;
	v34 =	vor.u32 s13, v16;
	[tilespmem:v35+s2+$0x0] =	vst.idx.msk $0xffff, v36  }
0x163: {  	v35 =	vmov s6;
	v36 =	vor.u32 s13, v17;
	[tilespmem:s25], [sflag:$0x7] =	stream.strided.gather [hbm4b:s20+s9], $0x1000, s18, s9, $0x38;
	[tilespmem:$0x18400] =	vst v63  }
0x164: {  	v37 =	vshll.u32 v35, $0x3;
	_ =	swait.ge [sflag:s21], $0x1000  }
0x165: {  	v35 =	vand.u32 $0x77, v35;
	v37 =	vand.u32 $0xFFFFFC00, v37;
	[sflag:s21] =	ssyncset.done $0x0  }
0x166: {  	v35 =	vor.u32 v35, v37;
	[sflag:s21] =	ssyncadd.s32 $0xFFFFF000  }
0x167: {  	v37 =	vadd.s32 v2, v35;
	v34 =	vld.idx.msk [tilespmem:v34+s9+$0x0], $0xffff  }
0x168: {  	v35 =	vadd.s32 v3, v35;
	v36 =	vld.idx.msk [tilespmem:v36+s9+$0x0], $0xffff;
	_ =	sdelay $0x3  }
0x169: {  	s24 =	simm.s32 $0x8;
	s23 =	sand.u32 $0x7F, s19;
	s22 =	sand.u32 $0xFFFFF80, s17;
	[tilespmem:v37+s2+$0x0] =	vst.idx.msk $0xffff, v34  }
0x16a: {  	s28 =	simm.s32 $0x9;
	s13 =	sadd.s32 s31, s22;
	s25 =	simm.s32 $0x7400;
	v34 =	vor.u32 s23, v18;
	[tilespmem:v35+s2+$0x0] =	vst.idx.msk $0xffff, v36  }
0x16b: {  	v35 =	vmov s24;
	v36 =	vor.u32 s23, v19;
	[tilespmem:s25], [sflag:$0x8] =	stream.strided.gather [hbm4b:s13+s9], $0x1000, s18, s9, $0x38;
	[tilespmem:$0x18400] =	vst v63  }
0x16c: {  	v37 =	vshll.u32 v35, $0x3;
	_ =	swait.ge [sflag:s28], $0x1000  }
0x16d: {  	v35 =	vand.u32 $0x78, v35;
	v37 =	vand.u32 $0xFFFFFC00, v37;
	[sflag:s28] =	ssyncset.done $0x0  }
0x16e: {  	v35 =	vor.u32 v35, v37;
	[sflag:s28] =	ssyncadd.s32 $0xFFFFF000  }
0x16f: {  	v37 =	vadd.s32 v2, v35;
	v34 =	vld.idx.msk [tilespmem:v34+s9+$0x0], $0xffff  }
0x170: {  	v35 =	vadd.s32 v3, v35;
	v36 =	vld.idx.msk [tilespmem:v36+s9+$0x0], $0xffff;
	_ =	sdelay $0x3  }
0x171: {  	s26 =	simm.s32 $0x8400;
	s30 =	sand.u32 $0xFFFFF80, s15;
	s4 =	sand.u32 $0x7F, s16;
	[tilespmem:v37+s2+$0x0] =	vst.idx.msk $0xffff, v34  }
0x172: {  	s17 =	simm.s32 $0xA;
	s6 =	simm.s32 $0x9;
	s13 =	sadd.s32 s31, s30;
	v34 =	vor.u32 s4, v20;
	[tilespmem:v35+s2+$0x0] =	vst.idx.msk $0xffff, v36  }
0x173: {  	v35 =	vmov s6;
	v36 =	vor.u32 s4, v21;
	[tilespmem:s26], [sflag:$0x9] =	stream.strided.gather [hbm4b:s13+s9], $0x1000, s18, s9, $0x38;
	[tilespmem:$0x18400] =	vst v63  }
0x174: {  	v37 =	vshll.u32 v35, $0x3;
	_ =	swait.ge [sflag:s17], $0x1000  }
0x175: {  	v35 =	vand.u32 $0x79, v35;
	v37 =	vand.u32 $0xFFFFFC00, v37;
	[sflag:s17] =	ssyncset.done $0x0  }
0x176: {  	v35 =	vor.u32 v35, v37;
	[sflag:s17] =	ssyncadd.s32 $0xFFFFF000  }
0x177: {  	v37 =	vadd.s32 v2, v35;
	v34 =	vld.idx.msk [tilespmem:v34+s9+$0x0], $0xffff  }
0x178: {  	v35 =	vadd.s32 v3, v35;
	v36 =	vld.idx.msk [tilespmem:v36+s9+$0x0], $0xffff;
	_ =	sdelay $0x2  }
0x179: {  	s1 =	sand.u32 $0xFFFFF80, s1  }
0x17a: {  	s1 =	sadd.s32 s31, s1;
	s19 =	sand.u32 $0x7F, s14;
	[tilespmem:v37+s2+$0x0] =	vst.idx.msk $0xffff, v34  }
0x17b: {  	s16 =	simm.s32 $0x9400;
	s22 =	simm.s32 $0xB;
	s20 =	simm.s32 $0xA;
	v34 =	vor.u32 s19, v22;
	[tilespmem:v35+s2+$0x0] =	vst.idx.msk $0xffff, v36  }
0x17c: {  	v35 =	vmov s20;
	v36 =	vor.u32 s19, v23;
	[tilespmem:s16], [sflag:$0xA] =	stream.strided.gather [hbm4b:s1+s9], $0x1000, s18, s9, $0x38;
	[tilespmem:$0x18400] =	vst v63  }
0x17d: {  	v37 =	vshll.u32 v35, $0x3;
	_ =	swait.ge [sflag:s22], $0x1000  }
0x17e: {  	v35 =	vand.u32 $0x7A, v35;
	v37 =	vand.u32 $0xFFFFFC00, v37;
	[sflag:s22] =	ssyncset.done $0x0  }
0x17f: {  	v35 =	vor.u32 v35, v37;
	[sflag:s22] =	ssyncadd.s32 $0xFFFFF000  }
0x180: {  	v37 =	vadd.s32 v2, v35;
	v34 =	vld.idx.msk [tilespmem:v34+s9+$0x0], $0xffff  }
0x181: {  	v35 =	vadd.s32 v3, v35;
	v36 =	vld.idx.msk [tilespmem:v36+s9+$0x0], $0xffff;
	_ =	sdelay $0x3  }
0x182: {  	s21 =	simm.s32 $0xA400;
	s23 =	sand.u32 $0xFFFFF80, s10;
	s24 =	sand.u32 $0x7F, s12;
	[tilespmem:v37+s2+$0x0] =	vst.idx.msk $0xffff, v34  }
0x183: {  	s25 =	simm.s32 $0xB;
	s26 =	simm.s32 $0xC;
	s1 =	sadd.s32 s31, s23;
	v34 =	vor.u32 s24, v24;
	[tilespmem:v35+s2+$0x0] =	vst.idx.msk $0xffff, v36  }
0x184: {  	v35 =	vmov s25;
	v36 =	vor.u32 s24, v25;
	[tilespmem:s21], [sflag:$0xB] =	stream.strided.gather [hbm4b:s1+s9], $0x1000, s18, s9, $0x38;
	[tilespmem:$0x18400] =	vst v63  }
0x185: {  	v37 =	vshll.u32 v35, $0x3;
	_ =	swait.ge [sflag:s26], $0x1000  }
0x186: {  	v35 =	vand.u32 $0x7B, v35;
	v37 =	vand.u32 $0xFFFFFC00, v37;
	[sflag:s26] =	ssyncset.done $0x0  }
0x187: {  	v35 =	vor.u32 v35, v37;
	[sflag:s26] =	ssyncadd.s32 $0xFFFFF000  }
0x188: {  	v37 =	vadd.s32 v2, v35;
	v34 =	vld.idx.msk [tilespmem:v34+s9+$0x0], $0xffff  }
0x189: {  	v35 =	vadd.s32 v3, v35;
	v36 =	vld.idx.msk [tilespmem:v36+s9+$0x0], $0xffff;
	_ =	sdelay $0x2  }
0x18a: {  	s12 =	simm.s32 $0x10400  }
0x18b: {  	s14 =	simm.s32 $0xD;
	s30 =	sand.u32 $0x7F, s11;
	s28 =	sand.u32 $0xFFFFF80, s8;
	[tilespmem:v37+s12+$0x0] =	vst.idx.msk $0xffff, v34  }
0x18c: {  	s4 =	simm.s32 $0xC;
	s2 =	simm.s32 $0xB400;
	s1 =	sadd.s32 s31, s28;
	v34 =	vor.u32 s30, v26;
	[tilespmem:v35+s12+$0x0] =	vst.idx.msk $0xffff, v36  }
0x18d: {  	v35 =	vmov s4;
	v36 =	vor.u32 s30, v27;
	[tilespmem:s2], [sflag:$0xC] =	stream.strided.gather [hbm4b:s1+s9], $0x1000, s18, s9, $0x38;
	[tilespmem:$0x18400] =	vst v63  }
0x18e: {  	v37 =	vshll.u32 v35, $0x3;
	_ =	swait.ge [sflag:s14], $0x1000  }
0x18f: {  	v35 =	vand.u32 $0x7C, v35;
	v37 =	vand.u32 $0xFFFFFC00, v37;
	[sflag:s14] =	ssyncset.done $0x0  }
0x190: {  	v35 =	vor.u32 v35, v37;
	[sflag:s14] =	ssyncadd.s32 $0xFFFFF000  }
0x191: {  	v37 =	vadd.s32 v2, v35;
	v34 =	vld.idx.msk [tilespmem:v34+s9+$0x0], $0xffff  }
0x192: {  	v35 =	vadd.s32 v3, v35;
	v36 =	vld.idx.msk [tilespmem:v36+s9+$0x0], $0xffff;
	_ =	sdelay $0x3  }
0x193: {  	s15 =	sand.u32 $0xFFFFF80, s5;
	s13 =	simm.s32 $0xC400;
	s16 =	sand.u32 $0x7F, s7;
	[tilespmem:v37+s12+$0x0] =	vst.idx.msk $0xffff, v34  }
0x194: {  	s17 =	simm.s32 $0xD;
	s20 =	simm.s32 $0xE;
	s1 =	sadd.s32 s31, s15;
	v34 =	vor.u32 s16, v28;
	[tilespmem:v35+s12+$0x0] =	vst.idx.msk $0xffff, v36  }
0x195: {  	v35 =	vmov s17;
	v36 =	vor.u32 s16, v29;
	[tilespmem:s13], [sflag:$0xD] =	stream.strided.gather [hbm4b:s1+s9], $0x1000, s18, s9, $0x38;
	[tilespmem:$0x18400] =	vst v63  }
0x196: {  	v37 =	vshll.u32 v35, $0x3;
	_ =	swait.ge [sflag:s20], $0x1000  }
0x197: {  	v35 =	vand.u32 $0x7D, v35;
	v37 =	vand.u32 $0xFFFFFC00, v37;
	[sflag:s20] =	ssyncset.done $0x0  }
0x198: {  	v35 =	vor.u32 v35, v37;
	[sflag:s20] =	ssyncadd.s32 $0xFFFFF000  }
0x199: {  	v37 =	vadd.s32 v2, v35;
	v34 =	vld.idx.msk [tilespmem:v34+s9+$0x0], $0xffff  }
0x19a: {  	v35 =	vadd.s32 v3, v35;
	v36 =	vld.idx.msk [tilespmem:v36+s9+$0x0], $0xffff;
	_ =	sdelay $0x2  }
0x19b: {  	s21 =	rddreg [dreg:$0x18]  }
0x19c: {  	s19 =	simm.s32 $0xD400;
	s22 =	sand.u32 $0x7F, s3;
	s1 =	sand.u32 $0xFFFFF80, s21;
	[tilespmem:v37+s12+$0x0] =	vst.idx.msk $0xffff, v34  }
0x19d: {  	s23 =	simm.s32 $0xE;
	s24 =	simm.s32 $0xF;
	s1 =	sadd.s32 s31, s1;
	v34 =	vor.u32 s22, v30;
	[tilespmem:v35+s12+$0x0] =	vst.idx.msk $0xffff, v36  }
0x19e: {  	v35 =	vmov s23;
	v36 =	vor.u32 s22, v31;
	[tilespmem:s19], [sflag:$0xE] =	stream.strided.gather [hbm4b:s1+s9], $0x1000, s18, s9, $0x38;
	[tilespmem:$0x18400] =	vst v63  }
0x19f: {  	v37 =	vshll.u32 v35, $0x3;
	_ =	swait.ge [sflag:s24], $0x1000  }
0x1a0: {  	v35 =	vand.u32 $0x7E, v35;
	v37 =	vand.u32 $0xFFFFFC00, v37;
	[sflag:s24] =	ssyncset.done $0x0  }
0x1a1: {  	v35 =	vor.u32 v35, v37;
	[sflag:s24] =	ssyncadd.s32 $0xFFFFF000  }
0x1a2: {  	v37 =	vadd.s32 v2, v35;
	v34 =	vld.idx.msk [tilespmem:v34+s9+$0x0], $0xffff  }
0x1a3: {  	v35 =	vadd.s32 v3, v35;
	v36 =	vld.idx.msk [tilespmem:v36+s9+$0x0], $0xffff;
	_ =	sdelay $0x1  }
0x1a4: {  	s25 =	rddreg [dreg:$0x14]  }
0x1a5: {  	s26 =	rddreg [dreg:$0x16]  }
0x1a6: {  	s1 =	sand.u32 $0xFFFFF80, s25;
	s2 =	sand.u32 $0x7F, s26;
	[tilespmem:v37+s12+$0x0] =	vst.idx.msk $0xffff, v34  }
0x1a7: {  	s6 =	simm.s32 $0xE400;
	s28 =	simm.s32 $0x10;
	s1 =	sadd.s32 s31, s1;
	v34 =	vor.u32 s2, v32;
	[tilespmem:v35+s12+$0x0] =	vst.idx.msk $0xffff, v36  }
0x1a8: {  	v35 =	vor.u32 s2, v33;
	v36 =	vmov s24;
	[tilespmem:s6], [sflag:$0xF] =	stream.strided.gather [hbm4b:s1+s9], $0x1000, s18, s9, $0x38;
	[tilespmem:$0x18400] =	vst v63  }
0x1a9: {  	v37 =	vshll.u32 v36, $0x3;
	_ =	swait.ge [sflag:s28], $0x1000  }
0x1aa: {  	s30 =	simm.s32 $0x10;
	v36 =	vand.u32 $0x7F, v36;
	v37 =	vand.u32 $0xFFFFFC00, v37;
	[sflag:s28] =	ssyncset.done $0x0  }
0x1ab: {  	v36 =	vor.u32 v36, v37;
	[sflag:s30] =	ssyncadd.s32 $0xFFFFF000  }
0x1ac: {  	v37 =	vadd.s32 v2, v36;
	v34 =	vld.idx.msk [tilespmem:v34+s9+$0x0], $0xffff  }
0x1ad: {  	v36 =	vadd.s32 v3, v36;
	v35 =	vld.idx.msk [tilespmem:v35+s9+$0x0], $0xffff;
	_ =	sdelay $0x3  }
0x1ae: {  	s0 =	sand.u32 $0xFFFFF80, s0;
	[tilespmem:v37+s12+$0x0] =	vst.idx.msk $0xffff, v34  }
0x1af: {  	s0 =	sadd.s32 s31, s0;
	s20 =	simm.s32 $0x20;
	s19 =	simm.s32 $0x1F;
	[tilespmem:v36+s12+$0x0] =	vst.idx.msk $0xffff, v35  }
.LBB2_2:
0x1b0: {  	s1 =	simm.s32 $0xF400  }
0x1b1: {  	[tilespmem:s1], [sflag:$0x10] =	stream.strided.gather [hbm4b:s0+s9], $0x1000, s18, s9, $0x38;
	[tilespmem:$0x18400] =	vst v63  }
0x1b2: {  	v34 =	vld [tilespmem:s20+$0xFFFFFFF0]  }
0x1b3: {  	v35 =	vld [tilespmem:s20+$0x0];
	_ =	sdelay $0x3  }
0x1b4: {  	(v2sf) =	vpush v34, $0x0  }
0x1b5: {  	(v2sf) =	vpush v35, $0x0  }
0x1b6: {  	(v2sf) =	vpush v35, $0x3  }
0x1b7: {  	(v2sf) =	vpush v35, $0x1;
	_ =	sdelay $0x1  }
0x1b8: {  	(v2sf) =	vpush v34, $0x2  }
0x1b9: {  	(v2sf) =	vpush v35, $0x2  }
0x1ba: {  	(v2sf) =	vpush v34, $0x3  }
0x1bb: {  	(v2sf) =	vpush v34, $0x4  }
0x1bc: {  	(v2sf) =	vpush v35, $0x4  }
0x1bd: {  	(v2sf) =	vpush v34, $0x5  }
0x1be: {  	(v2sf) =	vpush v35, $0x5  }
0x1bf: {  	(v2sf) =	vpush v34, $0x6  }
0x1c0: {  	(v2sf) =	vpush v34, $0x1  }
0x1c1: {  	(v2sf) =	vpush v35, $0x6  }
0x1c2: {  	s23 =	spop (v2sf)  }
0x1c3: {  	s24 =	spop (v2sf);
	(v2sf) =	vpush v34, $0x7  }
0x1c4: {  	s21 =	smov.u32 s19;
	s0 =	sand.u32 $0x7F, s23;
	s26 =	spop (v2sf);
	(v2sf) =	vpush v35, $0x7  }
0x1c5: {  	s3 =	simm.s32 $0x1;
	s2 =	sadd.s32 $0xFFFFFFF1, s21;
	v36 =	vor.u32 s0, v0;
	s28 =	spop (v2sf);
	(v2sf) =	vpush v34, $0x8  }
0x1c6: {  	v38 =	vmov s2;
	v37 =	vor.u32 s0, v1;
	_ =	swait.ge [sflag:s3], $0x1000  }
0x1c7: {  	v39 =	vshll.u32 v38, $0x3;
	s4 =	spop (v2sf);
	(v2sf) =	vpush v35, $0x8  }
0x1c8: {  	v38 =	vand.u32 $0x70, v38;
	v39 =	vand.u32 $0xFFFFFC00, v39;
	[sflag:s3] =	ssyncset.done $0x0;
	s5 =	spop (v2sf);
	(v2sf) =	vpush v34, $0x9  }
0x1c9: {  	v38 =	vor.u32 v38, v39;
	[sflag:s3] =	ssyncadd.s32 $0xFFFFF000;
	s6 =	spop (v2sf);
	(v2sf) =	vpush v35, $0x9  }
0x1ca: {  	v39 =	vadd.s32 v2, v38;
	v36 =	vld.idx.msk [tilespmem:v36+s9+$0x0], $0xffff;
	s7 =	spop (v2sf);
	(v2sf) =	vpush v34, $0xA  }
0x1cb: {  	v38 =	vadd.s32 v3, v38;
	v37 =	vld.idx.msk [tilespmem:v37+s9+$0x0], $0xffff;
	s8 =	spop (v2sf);
	(v2sf) =	vpush v35, $0xA  }
0x1cc: {  	s10 =	spop (v2sf);
	(v2sf) =	vpush v34, $0xB  }
0x1cd: {  	s11 =	spop (v2sf);
	(v2sf) =	vpush v35, $0xB  }
0x1ce: {  	s25 =	sand.u32 $0xFFFFF80, s24;
	s14 =	spop (v2sf)  }
0x1cf: {  	s23 =	simm.s32 $0x2;
	s0 =	sadd.s32 s31, s25;
	[tilespmem:v39+s12+$0x0] =	vst.idx.msk $0xffff, v36;
	s22 =	spop (v2sf)  }
0x1d0: {  	s2 =	sand.u32 $0x7F, s4;
	[tilespmem:v38+s12+$0x0] =	vst.idx.msk $0xffff, v37;
	s3 =	sand.u32 $0x7F, s22;
	s4 =	spop (v2sf);
	(v2sf) =	vpush v34, $0xC  }
0x1d1: {  	[tilespmem:s9], [sflag:$0x1] =	stream.strided.gather [hbm4b:s0+s9], $0x1000, s18, s9, $0x38;
	(v2sf) =	vpush v35, $0xC;
	[tilespmem:$0x18400] =	vst v63  }
0x1d2: {  	s30 =	sand.u32 $0x7F, s6;
	s6 =	sadd.s32 $0xFFFFFFF2, s21;
	v36 =	vor.u32 s3, v4;
	_ =	swait.ge [sflag:s23], $0x1000  }
0x1d3: {  	v37 =	vmov s6;
	v38 =	vor.u32 s3, v5;
	s25 =	spop (v2sf)  }
0x1d4: {  	s16 =	sand.u32 $0xFFFFF80, s26;
	v39 =	vshll.u32 v37, $0x3;
	(v2sf) =	vpush v34, $0xD;
	s26 =	spop (v2sf)  }
0x1d5: {  	s13 =	sand.u32 $0xFFFFF80, s28;
	v37 =	vand.u32 $0x71, v37;
	v39 =	vand.u32 $0xFFFFFC00, v39;
	[sflag:s23] =	ssyncset.done $0x0;
	(v2sf) =	vpush v35, $0xD;
	s3 =	spop (v2sf)  }
0x1d6: {  	s13 =	sadd.s32 s31, s13;
	v37 =	vor.u32 v37, v39;
	[sflag:s23] =	ssyncadd.s32 $0xFFFFF000;
	(v2sf) =	vpush v34, $0xE;
	s6 =	spop (v2sf)  }
0x1d7: {  	s28 =	sand.u32 $0xFFFFF80, s5;
	s24 =	sand.u32 $0x7F, s7;
	v39 =	vadd.s32 v2, v37;
	v36 =	vld.idx.msk [tilespmem:v36+s9+$0x0], $0xffff;
	(v2sf) =	vpush v35, $0xE;
	s7 =	spop (v2sf)  }
0x1d8: {  	s1 =	sand.u32 $0xFFFFF80, s8;
	s17 =	sand.u32 $0x7F, s10;
	v37 =	vadd.s32 v3, v37;
	v38 =	vld.idx.msk [tilespmem:v38+s9+$0x0], $0xffff;
	(v2sf) =	vpush v34, $0xF;
	s12 =	spop (v2sf)  }
0x1d9: {  	s15 =	sand.u32 $0xFFFFF80, s11;
	s5 =	sand.u32 $0xFFFFF80, s4;
	(v2sf) =	vpush v35, $0xF;
	s22 =	spop (v2sf)  }
0x1da: {  	s10 =	sand.u32 $0x7F, s25;
	s8 =	sand.u32 $0x7F, s3;
	s23 =	spop (v2sf)  }
0x1db: {  	s3 =	simm.s32 $0x10400;
	s11 =	sand.u32 $0xFFFFF80, s6;
	s25 =	spop (v2sf)  }
0x1dc: {  	s6 =	sand.u32 $0x7F, s7;
	s7 =	sand.u32 $0x7F, s22;
	[tilespmem:v39+s3+$0x0] =	vst.idx.msk $0xffff, v36;
	s22 =	spop (v2sf)  }
0x1dd: {  	s4 =	sand.u32 $0xFFFFF80, s26;
	s26 =	sand.u32 $0xFFFFF80, s23;
	[tilespmem:v37+s3+$0x0] =	vst.idx.msk $0xffff, v38;
	s22 =	sand.u32 $0xFFFFF80, s22  }
0x1de: {  	[tilespmem:s29], [sflag:$0x2] =	stream.strided.gather [hbm4b:s13+s9], $0x1000, s18, s9, $0x38;
	[tilespmem:$0x18400] =	vst v63  }
0x1df: {  	v34 =	vor.u32 s2, v6;
	s23 =	sadd.s32 $0xFFFFFFF3, s21;
	s13 =	simm.s32 $0x3;
	[dreg:$0xb] =	wrdreg s22  }
0x1e0: {  	v36 =	vor.u32 s2, v7;
	v35 =	vmov s23;
	_ =	swait.ge [sflag:s13], $0x1000  }
0x1e1: {  	v37 =	vshll.u32 v35, $0x3;
	s22 =	spop (v2sf)  }
0x1e2: {  	s0 =	sand.u32 $0x7F, s25;
	v35 =	vand.u32 $0x72, v35;
	v37 =	vand.u32 $0xFFFFFC00, v37;
	[sflag:s13] =	ssyncset.done $0x0;
	s25 =	spop (v2sf)  }
0x1e3: {  	v35 =	vor.u32 v35, v37;
	s2 =	sand.u32 $0x7F, s22;
	[sflag:s13] =	ssyncadd.s32 $0xFFFFF000;
	s22 =	spop (v2sf)  }
0x1e4: {  	v37 =	vadd.s32 v2, v35;
	v34 =	vld.idx.msk [tilespmem:v34+s9+$0x0], $0xffff;
	s23 =	spop (v2sf)  }
0x1e5: {  	v35 =	vadd.s32 v3, v35;
	s13 =	sand.u32 $0xFFFFF80, s25;
	v36 =	vld.idx.msk [tilespmem:v36+s9+$0x0], $0xffff;
	s25 =	spop (v2sf)  }
0x1e6: {  	s29 =	sand.u32 $0x7F, s22;
	s22 =	spop (v2sf)  }
0x1e7: {  	[dreg:$0xa] =	wrdreg s13;
	s13 =	sand.u32 $0xFFFFF80, s23;
	s23 =	spop (v2sf)  }
0x1e8: {  	[dreg:$0x8] =	wrdreg s13;
	s13 =	sand.u32 $0xFFFFF80, s22;
	s22 =	spop (v2sf)  }
0x1e9: {  	[dreg:$0x6] =	wrdreg s13;
	[tilespmem:v37+s3+$0x0] =	vst.idx.msk $0xffff, v34;
	s13 =	sand.u32 $0xFFFFF80, s22;
	s22 =	simm.s32 $0x2400  }
0x1ea: {  	[tilespmem:v35+s3+$0x0] =	vst.idx.msk $0xffff, v36;
	[dreg:$0x4] =	wrdreg s13;
	s13 =	sadd.s32 s31, s28;
	s28 =	sadd.s32 $0xFFFFFFF4, s21  }
0x1eb: {  	v34 =	vor.u32 s30, v8;
	[tilespmem:s22], [sflag:$0x3] =	stream.strided.gather [hbm4b:s13+s9], $0x1000, s18, s9, $0x38;
	[tilespmem:$0x18400] =	vst v63  }
0x1ec: {  	v36 =	vor.u32 s30, v9;
	v35 =	vmov s28;
	s28 =	simm.s32 $0x4  }
0x1ed: {  	_ =	swait.ge [sflag:s28], $0x1000;
	v37 =	vshll.u32 v35, $0x3  }
0x1ee: {  	v35 =	vand.u32 $0x73, v35;
	[sflag:s28] =	ssyncset.done $0x0;
	v37 =	vand.u32 $0xFFFFFC00, v37  }
0x1ef: {  	[sflag:s28] =	ssyncadd.s32 $0xFFFFF000;
	v35 =	vor.u32 v35, v37  }
0x1f0: {  	v34 =	vld.idx.msk [tilespmem:v34+s9+$0x0], $0xffff;
	v37 =	vadd.s32 v2, v35  }
0x1f1: {  	v36 =	vld.idx.msk [tilespmem:v36+s9+$0x0], $0xffff;
	v35 =	vadd.s32 v3, v35;
	_ =	sdelay $0x3  }
0x1f2: {  	s16 =	sadd.s32 s31, s16;
	[tilespmem:v37+s3+$0x0] =	vst.idx.msk $0xffff, v34  }
0x1f3: {  	s30 =	simm.s32 $0x3400;
	s22 =	sadd.s32 $0xFFFFFFF5, s21;
	v34 =	vor.u32 s24, v10;
	[tilespmem:v35+s3+$0x0] =	vst.idx.msk $0xffff, v36;
	v36 =	vor.u32 s24, v11;
	s24 =	simm.s32 $0x5  }
0x1f4: {  	v35 =	vmov s22;
	[tilespmem:s30], [sflag:$0x4] =	stream.strided.gather [hbm4b:s16+s9], $0x1000, s18, s9, $0x38;
	[tilespmem:$0x18400] =	vst v63  }
0x1f5: {  	v37 =	vshll.u32 v35, $0x3;
	_ =	swait.ge [sflag:s24], $0x1000  }
0x1f6: {  	v35 =	vand.u32 $0x74, v35;
	v37 =	vand.u32 $0xFFFFFC00, v37;
	[sflag:s24] =	ssyncset.done $0x0  }
0x1f7: {  	v35 =	vor.u32 v35, v37;
	[sflag:s24] =	ssyncadd.s32 $0xFFFFF000  }
0x1f8: {  	v37 =	vadd.s32 v2, v35;
	v34 =	vld.idx.msk [tilespmem:v34+s9+$0x0], $0xffff  }
0x1f9: {  	v35 =	vadd.s32 v3, v35;
	v36 =	vld.idx.msk [tilespmem:v36+s9+$0x0], $0xffff;
	_ =	sdelay $0x3  }
0x1fa: {  	s28 =	sadd.s32 $0xFFFFFFF6, s21;
	[tilespmem:v37+s3+$0x0] =	vst.idx.msk $0xffff, v34  }
0x1fb: {  	s1 =	sadd.s32 s31, s1;
	s22 =	simm.s32 $0x4400;
	v34 =	vor.u32 s17, v12;
	[tilespmem:v35+s3+$0x0] =	vst.idx.msk $0xffff, v36;
	v35 =	vmov s28;
	s28 =	simm.s32 $0x6  }
0x1fc: {  	v36 =	vor.u32 s17, v13;
	[tilespmem:s22], [sflag:$0x5] =	stream.strided.gather [hbm4b:s1+s9], $0x1000, s18, s9, $0x38;
	[tilespmem:$0x18400] =	vst v63  }
0x1fd: {  	v37 =	vshll.u32 v35, $0x3;
	_ =	swait.ge [sflag:s28], $0x1000  }
0x1fe: {  	v35 =	vand.u32 $0x75, v35;
	v37 =	vand.u32 $0xFFFFFC00, v37;
	[sflag:s28] =	ssyncset.done $0x0  }
0x1ff: {  	v35 =	vor.u32 v35, v37;
	[sflag:s28] =	ssyncadd.s32 $0xFFFFF000  }
0x200: {  	v37 =	vadd.s32 v2, v35;
	v34 =	vld.idx.msk [tilespmem:v34+s9+$0x0], $0xffff  }
0x201: {  	v35 =	vadd.s32 v3, v35;
	v36 =	vld.idx.msk [tilespmem:v36+s9+$0x0], $0xffff;
	_ =	sdelay $0x3  }
0x202: {  	s14 =	sand.u32 $0x7F, s14;
	s22 =	sadd.s32 $0xFFFFFFF7, s21;
	[tilespmem:v37+s3+$0x0] =	vst.idx.msk $0xffff, v34  }
0x203: {  	s13 =	sadd.s32 s31, s15;
	s28 =	simm.s32 $0x5400;
	v34 =	vor.u32 s14, v14;
	[tilespmem:v35+s3+$0x0] =	vst.idx.msk $0xffff, v36;
	v35 =	vmov s22;
	s22 =	simm.s32 $0x7  }
0x204: {  	v36 =	vor.u32 s14, v15;
	[tilespmem:s28], [sflag:$0x6] =	stream.strided.gather [hbm4b:s13+s9], $0x1000, s18, s9, $0x38;
	[tilespmem:$0x18400] =	vst v63  }
0x205: {  	v37 =	vshll.u32 v35, $0x3;
	_ =	swait.ge [sflag:s22], $0x1000  }
0x206: {  	v35 =	vand.u32 $0x76, v35;
	v37 =	vand.u32 $0xFFFFFC00, v37;
	[sflag:s22] =	ssyncset.done $0x0  }
0x207: {  	v35 =	vor.u32 v35, v37;
	[sflag:s22] =	ssyncadd.s32 $0xFFFFF000  }
0x208: {  	v37 =	vadd.s32 v2, v35;
	v34 =	vld.idx.msk [tilespmem:v34+s9+$0x0], $0xffff  }
0x209: {  	v35 =	vadd.s32 v3, v35;
	v36 =	vld.idx.msk [tilespmem:v36+s9+$0x0], $0xffff;
	_ =	sdelay $0x3  }
0x20a: {  	s16 =	simm.s32 $0x6400;
	[tilespmem:v37+s3+$0x0] =	vst.idx.msk $0xffff, v34  }
0x20b: {  	s24 =	sadd.s32 s31, s5;
	s14 =	simm.s32 $0x8;
	s28 =	sadd.s32 $0xFFFFFFF8, s21;
	v34 =	vor.u32 s10, v16;
	[tilespmem:v35+s3+$0x0] =	vst.idx.msk $0xffff, v36  }
0x20c: {  	v35 =	vmov s28;
	v36 =	vor.u32 s10, v17;
	[tilespmem:s16], [sflag:$0x7] =	stream.strided.gather [hbm4b:s24+s9], $0x1000, s18, s9, $0x38;
	[tilespmem:$0x18400] =	vst v63  }
0x20d: {  	v37 =	vshll.u32 v35, $0x3;
	_ =	swait.ge [sflag:s14], $0x1000  }
0x20e: {  	v35 =	vand.u32 $0x77, v35;
	v37 =	vand.u32 $0xFFFFFC00, v37;
	[sflag:s14] =	ssyncset.done $0x0  }
0x20f: {  	v35 =	vor.u32 v35, v37;
	[sflag:s14] =	ssyncadd.s32 $0xFFFFF000  }
0x210: {  	v37 =	vadd.s32 v2, v35;
	v34 =	vld.idx.msk [tilespmem:v34+s9+$0x0], $0xffff  }
0x211: {  	v35 =	vadd.s32 v3, v35;
	v36 =	vld.idx.msk [tilespmem:v36+s9+$0x0], $0xffff;
	_ =	sdelay $0x3  }
0x212: {  	s5 =	simm.s32 $0x9;
	[tilespmem:v37+s3+$0x0] =	vst.idx.msk $0xffff, v34  }
0x213: {  	s22 =	sadd.s32 s31, s4;
	s28 =	simm.s32 $0x7400;
	s24 =	sadd.s32 $0xFFFFFFF9, s21;
	v34 =	vor.u32 s8, v18;
	[tilespmem:v35+s3+$0x0] =	vst.idx.msk $0xffff, v36  }
0x214: {  	v35 =	vmov s24;
	v36 =	vor.u32 s8, v19;
	[tilespmem:s28], [sflag:$0x8] =	stream.strided.gather [hbm4b:s22+s9], $0x1000, s18, s9, $0x38;
	[tilespmem:$0x18400] =	vst v63  }
0x215: {  	v37 =	vshll.u32 v35, $0x3;
	_ =	swait.ge [sflag:s5], $0x1000  }
0x216: {  	v35 =	vand.u32 $0x78, v35;
	v37 =	vand.u32 $0xFFFFFC00, v37;
	[sflag:s5] =	ssyncset.done $0x0  }
0x217: {  	v35 =	vor.u32 v35, v37;
	[sflag:s5] =	ssyncadd.s32 $0xFFFFF000  }
0x218: {  	v37 =	vadd.s32 v2, v35;
	v34 =	vld.idx.msk [tilespmem:v34+s9+$0x0], $0xffff  }
0x219: {  	v35 =	vadd.s32 v3, v35;
	v36 =	vld.idx.msk [tilespmem:v36+s9+$0x0], $0xffff;
	_ =	sdelay $0x3  }
0x21a: {  	s17 =	simm.s32 $0x8400;
	[tilespmem:v37+s3+$0x0] =	vst.idx.msk $0xffff, v34  }
0x21b: {  	s8 =	sadd.s32 s31, s11;
	s11 =	sadd.s32 $0xFFFFFFFA, s21;
	s22 =	simm.s32 $0xA;
	v34 =	vor.u32 s6, v20;
	[tilespmem:v35+s3+$0x0] =	vst.idx.msk $0xffff, v36  }
0x21c: {  	v35 =	vmov s11;
	v36 =	vor.u32 s6, v21;
	[tilespmem:s17], [sflag:$0x9] =	stream.strided.gather [hbm4b:s8+s9], $0x1000, s18, s9, $0x38;
	[tilespmem:$0x18400] =	vst v63  }
0x21d: {  	v37 =	vshll.u32 v35, $0x3;
	_ =	swait.ge [sflag:s22], $0x1000  }
0x21e: {  	v35 =	vand.u32 $0x79, v35;
	v37 =	vand.u32 $0xFFFFFC00, v37;
	[sflag:s22] =	ssyncset.done $0x0  }
0x21f: {  	v35 =	vor.u32 v35, v37;
	[sflag:s22] =	ssyncadd.s32 $0xFFFFF000  }
0x220: {  	v37 =	vadd.s32 v2, v35;
	v34 =	vld.idx.msk [tilespmem:v34+s9+$0x0], $0xffff  }
0x221: {  	v35 =	vadd.s32 v3, v35;
	v36 =	vld.idx.msk [tilespmem:v36+s9+$0x0], $0xffff;
	_ =	sdelay $0x3  }
0x222: {  	s12 =	sand.u32 $0xFFFFF80, s12;
	s15 =	simm.s32 $0x9400;
	[tilespmem:v37+s3+$0x0] =	vst.idx.msk $0xffff, v34  }
0x223: {  	s24 =	sadd.s32 s31, s12;
	s28 =	sadd.s32 $0xFFFFFFFB, s21;
	s8 =	simm.s32 $0xB;
	v34 =	vor.u32 s7, v22;
	[tilespmem:v35+s3+$0x0] =	vst.idx.msk $0xffff, v36  }
0x224: {  	v35 =	vmov s28;
	v36 =	vor.u32 s7, v23;
	[tilespmem:s15], [sflag:$0xA] =	stream.strided.gather [hbm4b:s24+s9], $0x1000, s18, s9, $0x38;
	[tilespmem:$0x18400] =	vst v63  }
0x225: {  	v37 =	vshll.u32 v35, $0x3;
	_ =	swait.ge [sflag:s8], $0x1000  }
0x226: {  	v35 =	vand.u32 $0x7A, v35;
	v37 =	vand.u32 $0xFFFFFC00, v37;
	[sflag:s8] =	ssyncset.done $0x0  }
0x227: {  	v35 =	vor.u32 v35, v37;
	[sflag:s8] =	ssyncadd.s32 $0xFFFFF000  }
0x228: {  	v37 =	vadd.s32 v2, v35;
	v34 =	vld.idx.msk [tilespmem:v34+s9+$0x0], $0xffff  }
0x229: {  	v35 =	vadd.s32 v3, v35;
	v36 =	vld.idx.msk [tilespmem:v36+s9+$0x0], $0xffff;
	_ =	sdelay $0x3  }
0x22a: {  	s13 =	simm.s32 $0xA400;
	[tilespmem:v37+s3+$0x0] =	vst.idx.msk $0xffff, v34  }
0x22b: {  	s11 =	sadd.s32 s31, s26;
	s22 =	sadd.s32 $0xFFFFFFFC, s21;
	s24 =	simm.s32 $0xC;
	v34 =	vor.u32 s0, v24;
	[tilespmem:v35+s3+$0x0] =	vst.idx.msk $0xffff, v36  }
0x22c: {  	v35 =	vmov s22;
	v36 =	vor.u32 s0, v25;
	[tilespmem:s13], [sflag:$0xB] =	stream.strided.gather [hbm4b:s11+s9], $0x1000, s18, s9, $0x38;
	[tilespmem:$0x18400] =	vst v63  }
0x22d: {  	v37 =	vshll.u32 v35, $0x3;
	_ =	swait.ge [sflag:s24], $0x1000  }
0x22e: {  	v35 =	vand.u32 $0x7B, v35;
	v37 =	vand.u32 $0xFFFFFC00, v37;
	[sflag:s24] =	ssyncset.done $0x0  }
0x22f: {  	v35 =	vor.u32 v35, v37;
	[sflag:s24] =	ssyncadd.s32 $0xFFFFF000  }
0x230: {  	v37 =	vadd.s32 v2, v35;
	v34 =	vld.idx.msk [tilespmem:v34+s9+$0x0], $0xffff  }
0x231: {  	v35 =	vadd.s32 v3, v35;
	v36 =	vld.idx.msk [tilespmem:v36+s9+$0x0], $0xffff;
	_ =	sdelay $0x2  }
0x232: {  	s12 =	simm.s32 $0x10400  }
0x233: {  	s5 =	simm.s32 $0xB400;
	s26 =	rddreg [dreg:$0xb];
	[tilespmem:v37+s12+$0x0] =	vst.idx.msk $0xffff, v34  }
0x234: {  	s28 =	sadd.s32 $0xFFFFFFFD, s21;
	s3 =	simm.s32 $0xD;
	s0 =	sadd.s32 s31, s26;
	v34 =	vor.u32 s2, v26;
	[tilespmem:v35+s12+$0x0] =	vst.idx.msk $0xffff, v36  }
0x235: {  	v35 =	vmov s28;
	v36 =	vor.u32 s2, v27;
	[tilespmem:s5], [sflag:$0xC] =	stream.strided.gather [hbm4b:s0+s9], $0x1000, s18, s9, $0x38;
	[tilespmem:$0x18400] =	vst v63  }
0x236: {  	v37 =	vshll.u32 v35, $0x3;
	_ =	swait.ge [sflag:s3], $0x1000  }
0x237: {  	v35 =	vand.u32 $0x7C, v35;
	v37 =	vand.u32 $0xFFFFFC00, v37;
	[sflag:s3] =	ssyncset.done $0x0  }
0x238: {  	v35 =	vor.u32 v35, v37;
	[sflag:s3] =	ssyncadd.s32 $0xFFFFF000  }
0x239: {  	v37 =	vadd.s32 v2, v35;
	v34 =	vld.idx.msk [tilespmem:v34+s9+$0x0], $0xffff  }
0x23a: {  	v35 =	vadd.s32 v3, v35;
	v36 =	vld.idx.msk [tilespmem:v36+s9+$0x0], $0xffff;
	_ =	sdelay $0x3  }
0x23b: {  	s10 =	simm.s32 $0xC400;
	s4 =	rddreg [dreg:$0xa];
	[tilespmem:v37+s12+$0x0] =	vst.idx.msk $0xffff, v34  }
0x23c: {  	s7 =	sadd.s32 $0xFFFFFFFE, s21;
	s8 =	simm.s32 $0xE;
	s0 =	sadd.s32 s31, s4;
	v34 =	vor.u32 s29, v28;
	[tilespmem:v35+s12+$0x0] =	vst.idx.msk $0xffff, v36  }
0x23d: {  	v35 =	vmov s7;
	v36 =	vor.u32 s29, v29;
	[tilespmem:s10], [sflag:$0xD] =	stream.strided.gather [hbm4b:s0+s9], $0x1000, s18, s9, $0x38;
	[tilespmem:$0x18400] =	vst v63  }
0x23e: {  	v37 =	vshll.u32 v35, $0x3;
	_ =	swait.ge [sflag:s8], $0x1000  }
0x23f: {  	v35 =	vand.u32 $0x7D, v35;
	v37 =	vand.u32 $0xFFFFFC00, v37;
	[sflag:s8] =	ssyncset.done $0x0  }
0x240: {  	v35 =	vor.u32 v35, v37;
	[sflag:s8] =	ssyncadd.s32 $0xFFFFF000  }
0x241: {  	v37 =	vadd.s32 v2, v35;
	v34 =	vld.idx.msk [tilespmem:v34+s9+$0x0], $0xffff  }
0x242: {  	v35 =	vadd.s32 v3, v35;
	v36 =	vld.idx.msk [tilespmem:v36+s9+$0x0], $0xffff;
	_ =	sdelay $0x3  }
0x243: {  	s25 =	sand.u32 $0x7F, s25;
	s14 =	simm.s32 $0xD400;
	s11 =	rddreg [dreg:$0x8];
	[tilespmem:v37+s12+$0x0] =	vst.idx.msk $0xffff, v34  }
0x244: {  	s22 =	sadd.s32 $0xFFFFFFFF, s21;
	s24 =	simm.s32 $0xF;
	s0 =	sadd.s32 s31, s11;
	v34 =	vor.u32 s25, v30;
	[tilespmem:v35+s12+$0x0] =	vst.idx.msk $0xffff, v36  }
0x245: {  	v35 =	vmov s22;
	v36 =	vor.u32 s25, v31;
	[tilespmem:s14], [sflag:$0xE] =	stream.strided.gather [hbm4b:s0+s9], $0x1000, s18, s9, $0x38;
	[tilespmem:$0x18400] =	vst v63  }
0x246: {  	v37 =	vshll.u32 v35, $0x3;
	_ =	swait.ge [sflag:s24], $0x1000  }
0x247: {  	v35 =	vand.u32 $0x7E, v35;
	v37 =	vand.u32 $0xFFFFFC00, v37;
	[sflag:s24] =	ssyncset.done $0x0  }
0x248: {  	v35 =	vor.u32 v35, v37;
	[sflag:s24] =	ssyncadd.s32 $0xFFFFF000  }
0x249: {  	v37 =	vadd.s32 v2, v35;
	v34 =	vld.idx.msk [tilespmem:v34+s9+$0x0], $0xffff  }
0x24a: {  	v35 =	vadd.s32 v3, v35;
	v36 =	vld.idx.msk [tilespmem:v36+s9+$0x0], $0xffff;
	_ =	sdelay $0x3  }
0x24b: {  	s23 =	sand.u32 $0x7F, s23;
	s25 =	rddreg [dreg:$0x6];
	[tilespmem:v37+s12+$0x0] =	vst.idx.msk $0xffff, v34  }
0x24c: {  	s6 =	simm.s32 $0xE400;
	s26 =	simm.s32 $0x10;
	s0 =	sadd.s32 s31, s25;
	v34 =	vor.u32 s23, v32;
	[tilespmem:v35+s12+$0x0] =	vst.idx.msk $0xffff, v36  }
0x24d: {  	v35 =	vor.u32 s23, v33;
	v36 =	vmov s21;
	[tilespmem:s6], [sflag:$0xF] =	stream.strided.gather [hbm4b:s0+s9], $0x1000, s18, s9, $0x38;
	[tilespmem:$0x18400] =	vst v63  }
0x24e: {  	v37 =	vshll.u32 v36, $0x3;
	_ =	swait.ge [sflag:s26], $0x1000  }
0x24f: {  	v36 =	vand.u32 $0x7F, v36;
	v37 =	vand.u32 $0xFFFFFC00, v37;
	[sflag:s26] =	ssyncset.done $0x0  }
0x250: {  	v36 =	vor.u32 v36, v37;
	[sflag:s26] =	ssyncadd.s32 $0xFFFFF000  }
0x251: {  	v37 =	vadd.s32 v2, v36;
	v34 =	vld.idx.msk [tilespmem:v34+s9+$0x0], $0xffff  }
0x252: {  	p0 =	sne.s32 s19, $0x1EF;
	v36 =	vadd.s32 v3, v36;
	v35 =	vld.idx.msk [tilespmem:v35+s9+$0x0], $0xffff  }
.Ltmp0:
0x253: {  	_ = 	snop;
	(pc) =	sbr.rel @p0 .LBB2_2-.Ltmp0, $3  }
0x254: {  	_ =	sdelay $0x1  }
0x255: {  	s19 =	sadd.s32 $0x10, s19;
	s28 =	rddreg [dreg:$0x4];
	[tilespmem:v37+s12+$0x0] =	vst.idx.msk $0xffff, v34  }
0x256: {  	s20 =	sadd.s32 $0x10, s20;
	s29 =	simm.s32 $0x1400;
	s0 =	sadd.s32 s31, s28;
	[tilespmem:v36+s12+$0x0] =	vst.idx.msk $0xffff, v35  }
0x257: {  	s1 =	simm.s32 $0xF400  }
0x258: {  	[tilespmem:s1], [sflag:$0x10] =	stream.strided.gather [hbm4b:s0+s9], $0x1000, s18, s9, $0x38;
	[tilespmem:$0x18400] =	vst v63  }
0x259: {  	v34 =	vld [tilespmem:$0x1F0];
	_ =	sdelay $0x4  }
0x25a: {  	(v2sf) =	vpush v34, $0x0;
	_ =	sdelay $0xe  }
0x25b: {  	s8 =	simm.s32 $0x1;
	s11 =	spop (v2sf)  }
0x25c: {  	_ =	swait.ge [sflag:s8], $0x1000  }
0x25d: {  	(v2sf) =	vpush v34, $0x1;
	_ =	sdelay $0x4  }
0x25e: {  	s0 =	sand.u32 $0x7F, s11  }
0x25f: {  	v35 =	vor.u32 s0, v0  }
0x260: {  	v36 =	vor.u32 s0, v1  }
0x261: {  	v37 =	vld [tilespmem:$0x1FF80]  }
0x262: {  	[sflag:s8] =	ssyncset.done $0x0;
	v39 =	vld [tilespmem:$0x1FF90]  }
0x263: {  	[sflag:s8] =	ssyncadd.s32 $0xFFFFF000  }
0x264: {  	v35 =	vld.idx.msk [tilespmem:v35+s9+$0x0], $0xffff  }
0x265: {  	v36 =	vld.idx.msk [tilespmem:v36+s9+$0x0], $0xffff;
	_ =	sdelay $0x2  }
0x266: {  	s19 =	spop (v2sf)  }
0x267: {  	[tilespmem:v37+s12+$0x0] =	vst.idx.msk $0xffff, v35;
	s0 =	sand.u32 $0x7F, s19  }
0x268: {  	s20 =	simm.s32 $0x2;
	[tilespmem:v39+s12+$0x0] =	vst.idx.msk $0xffff, v36;
	v35 =	vor.u32 s0, v4  }
0x269: {  	_ =	swait.ge [sflag:s20], $0x1000  }
0x26a: {  	v37 =	vld [tilespmem:$0x1FFA0]  }
0x26b: {  	(v2sf) =	vpush v34, $0x2;
	[sflag:s20] =	ssyncset.done $0x0  }
0x26c: {  	v36 =	vor.u32 s0, v5;
	[sflag:s20] =	ssyncadd.s32 $0xFFFFF000  }
0x26d: {  	v35 =	vld.idx.msk [tilespmem:v35+s9+$0x0], $0xffff;
	_ =	sdelay $0x3  }
0x26e: {  	v36 =	vld.idx.msk [tilespmem:v36+s9+$0x0], $0xffff  }
0x26f: {  	[tilespmem:v37+s12+$0x0] =	vst.idx.msk $0xffff, v35;
	v37 =	vld [tilespmem:$0x1FFB0];
	_ =	sdelay $0x7  }
0x270: {  	s11 =	simm.s32 $0x3;
	s21 =	spop (v2sf);
	[tilespmem:v37+s12+$0x0] =	vst.idx.msk $0xffff, v36  }
0x271: {  	_ =	swait.ge [sflag:s11], $0x1000  }
0x272: {  	(v2sf) =	vpush v34, $0x3;
	_ =	sdelay $0x2  }
0x273: {  	s0 =	sand.u32 $0x7F, s21  }
0x274: {  	v35 =	vor.u32 s0, v6  }
0x275: {  	v36 =	vor.u32 s0, v7  }
0x276: {  	v37 =	vld [tilespmem:$0x1FFC0]  }
0x277: {  	[sflag:s11] =	ssyncset.done $0x0;
	v38 =	vld [tilespmem:$0x1FFD0]  }
0x278: {  	[sflag:s11] =	ssyncadd.s32 $0xFFFFF000  }
0x279: {  	v35 =	vld.idx.msk [tilespmem:v35+s9+$0x0], $0xffff  }
0x27a: {  	v36 =	vld.idx.msk [tilespmem:v36+s9+$0x0], $0xffff;
	_ =	sdelay $0x3  }
0x27b: {  	[tilespmem:v37+s12+$0x0] =	vst.idx.msk $0xffff, v35  }
0x27c: {  	s19 =	simm.s32 $0x4;
	[tilespmem:v38+s12+$0x0] =	vst.idx.msk $0xffff, v36;
	s22 =	spop (v2sf)  }
0x27d: {  	_ =	swait.ge [sflag:s19], $0x1000  }
0x27e: {  	(v2sf) =	vpush v34, $0x4;
	_ =	sdelay $0x2  }
0x27f: {  	s0 =	sand.u32 $0x7F, s22  }
0x280: {  	v35 =	vor.u32 s0, v8  }
0x281: {  	v36 =	vor.u32 s0, v9  }
0x282: {  	v37 =	vld [tilespmem:$0x1FFE0]  }
0x283: {  	[sflag:s19] =	ssyncset.done $0x0;
	v39 =	vld [tilespmem:$0x1FFF0]  }
0x284: {  	[sflag:s19] =	ssyncadd.s32 $0xFFFFF000  }
0x285: {  	v35 =	vld.idx.msk [tilespmem:v35+s9+$0x0], $0xffff  }
0x286: {  	v36 =	vld.idx.msk [tilespmem:v36+s9+$0x0], $0xffff;
	_ =	sdelay $0x3  }
0x287: {  	[tilespmem:v37+s12+$0x0] =	vst.idx.msk $0xffff, v35  }
0x288: {  	s2 =	simm.s32 $0x5;
	[tilespmem:v39+s12+$0x0] =	vst.idx.msk $0xffff, v36;
	s23 =	spop (v2sf)  }
0x289: {  	_ =	swait.ge [sflag:s2], $0x1000  }
0x28a: {  	(v2sf) =	vpush v34, $0x5;
	_ =	sdelay $0x2  }
0x28b: {  	s0 =	sand.u32 $0x7F, s23  }
0x28c: {  	v35 =	vor.u32 s0, v10  }
0x28d: {  	v36 =	vor.u32 s0, v11;
	_ =	sdelay $0x1  }
0x28e: {  	[sflag:s2] =	ssyncset.done $0x0  }
0x28f: {  	[sflag:s2] =	ssyncadd.s32 $0xFFFFF000  }
0x290: {  	v35 =	vld.idx.msk [tilespmem:v35+s9+$0x0], $0xffff  }
0x291: {  	v36 =	vld.idx.msk [tilespmem:v36+s9+$0x0], $0xffff;
	_ =	sdelay $0x3  }
0x292: {  	[tilespmem:v40+s12+$0x0] =	vst.idx.msk $0xffff, v35  }
0x293: {  	s25 =	simm.s32 $0x6;
	[tilespmem:v41+s12+$0x0] =	vst.idx.msk $0xffff, v36;
	s24 =	spop (v2sf)  }
0x294: {  	_ =	swait.ge [sflag:s25], $0x1000  }
0x295: {  	(v2sf) =	vpush v34, $0x6;
	_ =	sdelay $0x2  }
0x296: {  	s0 =	sand.u32 $0x7F, s24  }
0x297: {  	v35 =	vor.u32 s0, v12  }
0x298: {  	v36 =	vor.u32 s0, v13;
	_ =	sdelay $0x1  }
0x299: {  	[sflag:s25] =	ssyncset.done $0x0  }
0x29a: {  	[sflag:s25] =	ssyncadd.s32 $0xFFFFF000  }
0x29b: {  	v35 =	vld.idx.msk [tilespmem:v35+s9+$0x0], $0xffff  }
0x29c: {  	v36 =	vld.idx.msk [tilespmem:v36+s9+$0x0], $0xffff;
	_ =	sdelay $0x3  }
0x29d: {  	[tilespmem:v42+s12+$0x0] =	vst.idx.msk $0xffff, v35  }
0x29e: {  	s28 =	simm.s32 $0x7;
	[tilespmem:v43+s12+$0x0] =	vst.idx.msk $0xffff, v36;
	s26 =	spop (v2sf)  }
0x29f: {  	_ =	swait.ge [sflag:s28], $0x1000  }
0x2a0: {  	(v2sf) =	vpush v34, $0x7;
	_ =	sdelay $0x2  }
0x2a1: {  	s0 =	sand.u32 $0x7F, s26  }
0x2a2: {  	v35 =	vor.u32 s0, v14  }
0x2a3: {  	v36 =	vor.u32 s0, v15;
	_ =	sdelay $0x1  }
0x2a4: {  	[sflag:s28] =	ssyncset.done $0x0  }
0x2a5: {  	[sflag:s28] =	ssyncadd.s32 $0xFFFFF000  }
0x2a6: {  	v35 =	vld.idx.msk [tilespmem:v35+s9+$0x0], $0xffff  }
0x2a7: {  	v36 =	vld.idx.msk [tilespmem:v36+s9+$0x0], $0xffff;
	_ =	sdelay $0x3  }
0x2a8: {  	[tilespmem:v44+s12+$0x0] =	vst.idx.msk $0xffff, v35  }
0x2a9: {  	s4 =	simm.s32 $0x8;
	[tilespmem:v45+s12+$0x0] =	vst.idx.msk $0xffff, v36;
	s3 =	spop (v2sf)  }
0x2aa: {  	_ =	swait.ge [sflag:s4], $0x1000  }
0x2ab: {  	(v2sf) =	vpush v34, $0x8;
	_ =	sdelay $0x2  }
0x2ac: {  	s0 =	sand.u32 $0x7F, s3  }
0x2ad: {  	v35 =	vor.u32 s0, v16  }
0x2ae: {  	v36 =	vor.u32 s0, v17;
	_ =	sdelay $0x1  }
0x2af: {  	[sflag:s4] =	ssyncset.done $0x0  }
0x2b0: {  	[sflag:s4] =	ssyncadd.s32 $0xFFFFF000  }
0x2b1: {  	v35 =	vld.idx.msk [tilespmem:v35+s9+$0x0], $0xffff  }
0x2b2: {  	v36 =	vld.idx.msk [tilespmem:v36+s9+$0x0], $0xffff;
	_ =	sdelay $0x3  }
0x2b3: {  	[tilespmem:v46+s12+$0x0] =	vst.idx.msk $0xffff, v35  }
0x2b4: {  	s21 =	simm.s32 $0x9;
	[tilespmem:v47+s12+$0x0] =	vst.idx.msk $0xffff, v36;
	s7 =	spop (v2sf)  }
0x2b5: {  	_ =	swait.ge [sflag:s21], $0x1000  }
0x2b6: {  	(v2sf) =	vpush v34, $0x9;
	_ =	sdelay $0x2  }
0x2b7: {  	s0 =	sand.u32 $0x7F, s7  }
0x2b8: {  	v35 =	vor.u32 s0, v18  }
0x2b9: {  	v36 =	vor.u32 s0, v19;
	_ =	sdelay $0x1  }
0x2ba: {  	[sflag:s21] =	ssyncset.done $0x0  }
0x2bb: {  	[sflag:s21] =	ssyncadd.s32 $0xFFFFF000  }
0x2bc: {  	v35 =	vld.idx.msk [tilespmem:v35+s9+$0x0], $0xffff  }
0x2bd: {  	v36 =	vld.idx.msk [tilespmem:v36+s9+$0x0], $0xffff;
	_ =	sdelay $0x3  }
0x2be: {  	[tilespmem:v48+s12+$0x0] =	vst.idx.msk $0xffff, v35  }
0x2bf: {  	s23 =	simm.s32 $0xA;
	[tilespmem:v49+s12+$0x0] =	vst.idx.msk $0xffff, v36;
	s22 =	spop (v2sf)  }
0x2c0: {  	_ =	swait.ge [sflag:s23], $0x1000  }
0x2c1: {  	(v2sf) =	vpush v34, $0xA;
	_ =	sdelay $0x2  }
0x2c2: {  	s0 =	sand.u32 $0x7F, s22  }
0x2c3: {  	v35 =	vor.u32 s0, v20  }
0x2c4: {  	v36 =	vor.u32 s0, v21;
	_ =	sdelay $0x1  }
0x2c5: {  	[sflag:s23] =	ssyncset.done $0x0  }
0x2c6: {  	[sflag:s23] =	ssyncadd.s32 $0xFFFFF000  }
0x2c7: {  	v35 =	vld.idx.msk [tilespmem:v35+s9+$0x0], $0xffff  }
0x2c8: {  	v36 =	vld.idx.msk [tilespmem:v36+s9+$0x0], $0xffff;
	_ =	sdelay $0x3  }
0x2c9: {  	[tilespmem:v50+s12+$0x0] =	vst.idx.msk $0xffff, v35  }
0x2ca: {  	s25 =	simm.s32 $0xB;
	[tilespmem:v51+s12+$0x0] =	vst.idx.msk $0xffff, v36;
	s24 =	spop (v2sf)  }
0x2cb: {  	_ =	swait.ge [sflag:s25], $0x1000  }
0x2cc: {  	(v2sf) =	vpush v34, $0xB;
	_ =	sdelay $0x2  }
0x2cd: {  	s0 =	sand.u32 $0x7F, s24  }
0x2ce: {  	v35 =	vor.u32 s0, v22  }
0x2cf: {  	v36 =	vor.u32 s0, v23;
	_ =	sdelay $0x1  }
0x2d0: {  	[sflag:s25] =	ssyncset.done $0x0  }
0x2d1: {  	[sflag:s25] =	ssyncadd.s32 $0xFFFFF000  }
0x2d2: {  	v35 =	vld.idx.msk [tilespmem:v35+s9+$0x0], $0xffff  }
0x2d3: {  	v36 =	vld.idx.msk [tilespmem:v36+s9+$0x0], $0xffff;
	_ =	sdelay $0x3  }
0x2d4: {  	[tilespmem:v52+s12+$0x0] =	vst.idx.msk $0xffff, v35  }
0x2d5: {  	s28 =	simm.s32 $0xC;
	[tilespmem:v53+s12+$0x0] =	vst.idx.msk $0xffff, v36;
	s26 =	spop (v2sf)  }
0x2d6: {  	_ =	swait.ge [sflag:s28], $0x1000  }
0x2d7: {  	(v2sf) =	vpush v34, $0xC;
	_ =	sdelay $0x2  }
0x2d8: {  	s0 =	sand.u32 $0x7F, s26  }
0x2d9: {  	v35 =	vor.u32 s0, v24  }
0x2da: {  	v36 =	vor.u32 s0, v25;
	_ =	sdelay $0x1  }
0x2db: {  	[sflag:s28] =	ssyncset.done $0x0  }
0x2dc: {  	[sflag:s28] =	ssyncadd.s32 $0xFFFFF000  }
0x2dd: {  	v35 =	vld.idx.msk [tilespmem:v35+s9+$0x0], $0xffff  }
0x2de: {  	v36 =	vld.idx.msk [tilespmem:v36+s9+$0x0], $0xffff;
	_ =	sdelay $0x3  }
0x2df: {  	[tilespmem:v54+s12+$0x0] =	vst.idx.msk $0xffff, v35  }
0x2e0: {  	s4 =	simm.s32 $0xD;
	[tilespmem:v55+s12+$0x0] =	vst.idx.msk $0xffff, v36;
	s3 =	spop (v2sf)  }
0x2e1: {  	_ =	swait.ge [sflag:s4], $0x1000  }
0x2e2: {  	(v2sf) =	vpush v34, $0xD;
	_ =	sdelay $0x2  }
0x2e3: {  	s0 =	sand.u32 $0x7F, s3  }
0x2e4: {  	v35 =	vor.u32 s0, v26  }
0x2e5: {  	v36 =	vor.u32 s0, v27;
	_ =	sdelay $0x1  }
0x2e6: {  	[sflag:s4] =	ssyncset.done $0x0  }
0x2e7: {  	[sflag:s4] =	ssyncadd.s32 $0xFFFFF000  }
0x2e8: {  	v35 =	vld.idx.msk [tilespmem:v35+s9+$0x0], $0xffff  }
0x2e9: {  	v36 =	vld.idx.msk [tilespmem:v36+s9+$0x0], $0xffff;
	_ =	sdelay $0x3  }
0x2ea: {  	[tilespmem:v56+s12+$0x0] =	vst.idx.msk $0xffff, v35  }
0x2eb: {  	s21 =	simm.s32 $0xE;
	[tilespmem:v57+s12+$0x0] =	vst.idx.msk $0xffff, v36;
	s7 =	spop (v2sf)  }
0x2ec: {  	_ =	swait.ge [sflag:s21], $0x1000  }
0x2ed: {  	(v2sf) =	vpush v34, $0xE;
	_ =	sdelay $0x2  }
0x2ee: {  	s0 =	sand.u32 $0x7F, s7  }
0x2ef: {  	v35 =	vor.u32 s0, v28  }
0x2f0: {  	v36 =	vor.u32 s0, v29;
	_ =	sdelay $0x1  }
0x2f1: {  	[sflag:s21] =	ssyncset.done $0x0  }
0x2f2: {  	[sflag:s21] =	ssyncadd.s32 $0xFFFFF000  }
0x2f3: {  	v35 =	vld.idx.msk [tilespmem:v35+s9+$0x0], $0xffff  }
0x2f4: {  	v36 =	vld.idx.msk [tilespmem:v36+s9+$0x0], $0xffff;
	_ =	sdelay $0x3  }
0x2f5: {  	[tilespmem:v58+s12+$0x0] =	vst.idx.msk $0xffff, v35  }
0x2f6: {  	s23 =	simm.s32 $0xF;
	[tilespmem:v59+s12+$0x0] =	vst.idx.msk $0xffff, v36;
	s22 =	spop (v2sf)  }
0x2f7: {  	_ =	swait.ge [sflag:s23], $0x1000  }
0x2f8: {  	(v2sf) =	vpush v34, $0xF;
	_ =	sdelay $0x5  }
0x2f9: {  	s0 =	sand.u32 $0x7F, s22  }
0x2fa: {  	v36 =	vor.u32 s0, v30  }
0x2fb: {  	v37 =	vor.u32 s0, v31;
	_ =	sdelay $0x1  }
0x2fc: {  	[sflag:s23] =	ssyncset.done $0x0  }
0x2fd: {  	[sflag:s23] =	ssyncadd.s32 $0xFFFFF000  }
0x2fe: {  	v34 =	vld.idx.msk [tilespmem:v36+s9+$0x0], $0xffff  }
0x2ff: {  	v35 =	vld.idx.msk [tilespmem:v37+s9+$0x0], $0xffff;
	_ =	sdelay $0x1  }
0x300: {  	s24 =	spop (v2sf)  }
0x301: {  	s0 =	sand.u32 $0x7F, s24  }
0x302: {  	[tilespmem:v60+s12+$0x0] =	vst.idx.msk $0xffff, v34;
	v38 =	vor.u32 s0, v32  }
0x303: {  	s25 =	simm.s32 $0x10;
	[tilespmem:v61+s12+$0x0] =	vst.idx.msk $0xffff, v35;
	v39 =	vor.u32 s0, v33  }
0x304: {  	_ =	swait.ge [sflag:s25], $0x1000  }
0x305: {  	[sflag:s25] =	ssyncset.done $0x0  }
0x306: {  	[sflag:s25] =	ssyncadd.s32 $0xFFFFF000  }
0x307: {  	v34 =	vld.idx.msk [tilespmem:v38+s9+$0x0], $0xffff  }
0x308: {  	v35 =	vld.idx.msk [tilespmem:v39+s9+$0x0], $0xffff;
	_ =	sdelay $0x3  }
0x309: {  	[tilespmem:v62+s12+$0x0] =	vst.idx.msk $0xffff, v34  }
0x30a: {  	[tilespmem:v63+s12+$0x0] =	vst.idx.msk $0xffff, v35  }
0x30b: {  	v34 =	vld [tilespmem:$0x200];
	_ =	sdelay $0x4  }
0x30c: {  	(v2sf) =	vpush v34, $0x0;
	_ =	sdelay $0x1  }
0x30d: {  	(v2sf) =	vpush v34, $0x1;
	_ =	sdelay $0x2  }
0x30e: {  	(v2sf) =	vpush v34, $0x2;
	_ =	sdelay $0x2  }
0x30f: {  	(v2sf) =	vpush v34, $0x3;
	_ =	sdelay $0x2  }
0x310: {  	(v2sf) =	vpush v34, $0x4;
	_ =	sdelay $0x2  }
0x311: {  	(v2sf) =	vpush v34, $0x5  }
0x312: {  	s26 =	spop (v2sf)  }
0x313: {  	s0 =	sand.u32 $0xFFFFF80, s26  }
0x314: {  	(v2sf) =	vpush v34, $0x6;
	s28 =	spop (v2sf);
	s0 =	sadd.s32 s31, s0  }
0x315: {  	[tilespmem:s9], [sflag:$0x1] =	stream.strided.gather [hbm4b:s0+s9], $0x1000, s18, s9, $0x38;
	[tilespmem:$0x18400] =	vst v63  }
0x316: {  	s0 =	sand.u32 $0xFFFFF80, s28  }
0x317: {  	(v2sf) =	vpush v34, $0x7;
	s2 =	spop (v2sf);
	s0 =	sadd.s32 s31, s0  }
0x318: {  	[tilespmem:s29], [sflag:$0x2] =	stream.strided.gather [hbm4b:s0+s9], $0x1000, s18, s9, $0x38;
	[tilespmem:$0x18400] =	vst v63  }
0x319: {  	s0 =	sand.u32 $0xFFFFF80, s2  }
0x31a: {  	s3 =	simm.s32 $0x2400;
	(v2sf) =	vpush v34, $0x8;
	s4 =	spop (v2sf);
	s0 =	sadd.s32 s31, s0  }
0x31b: {  	[tilespmem:s3], [sflag:$0x3] =	stream.strided.gather [hbm4b:s0+s9], $0x1000, s18, s9, $0x38;
	[tilespmem:$0x18400] =	vst v63  }
0x31c: {  	s0 =	sand.u32 $0xFFFFF80, s4  }
0x31d: {  	(v2sf) =	vpush v34, $0x9;
	s7 =	spop (v2sf);
	s0 =	sadd.s32 s31, s0  }
0x31e: {  	[tilespmem:s30], [sflag:$0x4] =	stream.strided.gather [hbm4b:s0+s9], $0x1000, s18, s9, $0x38;
	[tilespmem:$0x18400] =	vst v63  }
0x31f: {  	s0 =	sand.u32 $0xFFFFF80, s7  }
0x320: {  	s12 =	simm.s32 $0x4400;
	(v2sf) =	vpush v34, $0xA;
	s21 =	spop (v2sf);
	s0 =	sadd.s32 s31, s0  }
0x321: {  	[tilespmem:s12], [sflag:$0x5] =	stream.strided.gather [hbm4b:s0+s9], $0x1000, s18, s9, $0x38;
	[tilespmem:$0x18400] =	vst v63  }
0x322: {  	s0 =	sand.u32 $0xFFFFF80, s21  }
0x323: {  	s22 =	simm.s32 $0x5400;
	(v2sf) =	vpush v34, $0xB;
	s23 =	spop (v2sf);
	s0 =	sadd.s32 s31, s0  }
0x324: {  	[tilespmem:s22], [sflag:$0x6] =	stream.strided.gather [hbm4b:s0+s9], $0x1000, s18, s9, $0x38;
	[tilespmem:$0x18400] =	vst v63  }
0x325: {  	s0 =	sand.u32 $0xFFFFF80, s23  }
0x326: {  	(v2sf) =	vpush v34, $0xC;
	s24 =	spop (v2sf);
	s0 =	sadd.s32 s31, s0  }
0x327: {  	[tilespmem:s16], [sflag:$0x7] =	stream.strided.gather [hbm4b:s0+s9], $0x1000, s18, s9, $0x38;
	[tilespmem:$0x18400] =	vst v63  }
0x328: {  	s0 =	sand.u32 $0xFFFFF80, s24  }
0x329: {  	s25 =	simm.s32 $0x7400;
	(v2sf) =	vpush v34, $0xD;
	s26 =	spop (v2sf);
	s0 =	sadd.s32 s31, s0  }
0x32a: {  	[tilespmem:s25], [sflag:$0x8] =	stream.strided.gather [hbm4b:s0+s9], $0x1000, s18, s9, $0x38;
	[tilespmem:$0x18400] =	vst v63  }
0x32b: {  	s0 =	sand.u32 $0xFFFFF80, s26  }
0x32c: {  	(v2sf) =	vpush v34, $0xE;
	s28 =	spop (v2sf);
	s0 =	sadd.s32 s31, s0  }
0x32d: {  	[tilespmem:s17], [sflag:$0x9] =	stream.strided.gather [hbm4b:s0+s9], $0x1000, s18, s9, $0x38;
	[tilespmem:$0x18400] =	vst v63  }
0x32e: {  	s0 =	sand.u32 $0xFFFFF80, s28  }
0x32f: {  	(v2sf) =	vpush v34, $0xF;
	s2 =	spop (v2sf);
	s0 =	sadd.s32 s31, s0  }
0x330: {  	[tilespmem:s15], [sflag:$0xA] =	stream.strided.gather [hbm4b:s0+s9], $0x1000, s18, s9, $0x38;
	[tilespmem:$0x18400] =	vst v63  }
0x331: {  	s0 =	sand.u32 $0xFFFFF80, s2  }
0x332: {  	s3 =	spop (v2sf);
	s0 =	sadd.s32 s31, s0  }
0x333: {  	[tilespmem:s13], [sflag:$0xB] =	stream.strided.gather [hbm4b:s0+s9], $0x1000, s18, s9, $0x38;
	[tilespmem:$0x18400] =	vst v63  }
0x334: {  	s0 =	sand.u32 $0xFFFFF80, s3  }
0x335: {  	s4 =	spop (v2sf);
	s0 =	sadd.s32 s31, s0  }
0x336: {  	[tilespmem:s5], [sflag:$0xC] =	stream.strided.gather [hbm4b:s0+s9], $0x1000, s18, s9, $0x38;
	[tilespmem:$0x18400] =	vst v63  }
0x337: {  	s0 =	sand.u32 $0xFFFFF80, s4  }
0x338: {  	s5 =	spop (v2sf);
	s0 =	sadd.s32 s31, s0  }
0x339: {  	[tilespmem:s10], [sflag:$0xD] =	stream.strided.gather [hbm4b:s0+s9], $0x1000, s18, s9, $0x38;
	[tilespmem:$0x18400] =	vst v63  }
0x33a: {  	s0 =	sand.u32 $0xFFFFF80, s5  }
0x33b: {  	s7 =	spop (v2sf);
	s0 =	sadd.s32 s31, s0  }
0x33c: {  	[tilespmem:s14], [sflag:$0xE] =	stream.strided.gather [hbm4b:s0+s9], $0x1000, s18, s9, $0x38;
	[tilespmem:$0x18400] =	vst v63  }
0x33d: {  	s0 =	sand.u32 $0xFFFFF80, s7  }
0x33e: {  	s10 =	spop (v2sf);
	s0 =	sadd.s32 s31, s0  }
0x33f: {  	[tilespmem:s6], [sflag:$0xF] =	stream.strided.gather [hbm4b:s0+s9], $0x1000, s18, s9, $0x38;
	[tilespmem:$0x18400] =	vst v63  }
0x340: {  	s0 =	sand.u32 $0xFFFFF80, s10  }
0x341: {  	s12 =	simm.s32 $0x210;
	s0 =	sadd.s32 s31, s0  }
0x342: {  	[tilespmem:s1], [sflag:$0x10] =	stream.strided.gather [hbm4b:s0+s9], $0x1000, s18, s9, $0x38;
	[tilespmem:$0x18400] =	vst v63  }
0x343: {  	v34 =	vld [tilespmem:s12+$0xFFFFFFF0]  }
0x344: {  	v35 =	vld [tilespmem:s12+$0x0];
	_ =	sdelay $0x3  }
0x345: {  	(v2sf) =	vpush v34, $0x0  }
0x346: {  	(v2sf) =	vpush v35, $0x0  }
0x347: {  	(v2sf) =	vpush v35, $0x3  }
0x348: {  	(v2sf) =	vpush v35, $0x1;
	_ =	sdelay $0x1  }
0x349: {  	(v2sf) =	vpush v34, $0x2  }
0x34a: {  	(v2sf) =	vpush v35, $0x2  }
0x34b: {  	(v2sf) =	vpush v34, $0x3  }
0x34c: {  	(v2sf) =	vpush v34, $0x4  }
0x34d: {  	(v2sf) =	vpush v35, $0x4  }
0x34e: {  	(v2sf) =	vpush v34, $0x5  }
0x34f: {  	(v2sf) =	vpush v35, $0x5  }
0x350: {  	(v2sf) =	vpush v34, $0x6  }
0x351: {  	(v2sf) =	vpush v34, $0x1  }
0x352: {  	(v2sf) =	vpush v35, $0x6  }
0x353: {  	s13 =	spop (v2sf)  }
0x354: {  	(v2sf) =	vpush v34, $0x7;
	s14 =	spop (v2sf)  }
0x355: {  	(v2sf) =	vpush v35, $0x7;
	s0 =	sand.u32 $0x7F, s13;
	s24 =	spop (v2sf)  }
0x356: {  	s15 =	simm.s32 $0x0;
	(v2sf) =	vpush v34, $0x8;
	v36 =	vor.u32 s0, v0;
	s3 =	spop (v2sf)  }
0x357: {  	v38 =	vmov s15;
	v37 =	vor.u32 s0, v1;
	_ =	swait.ge [sflag:s8], $0x1000  }
0x358: {  	v39 =	vshll.u32 v38, $0x3;
	s4 =	spop (v2sf);
	(v2sf) =	vpush v35, $0x8  }
0x359: {  	v38 =	vand.u32 $0x70, v38;
	v39 =	vand.u32 $0xFFFFFC00, v39;
	[sflag:s8] =	ssyncset.done $0x0;
	s0 =	spop (v2sf);
	(v2sf) =	vpush v34, $0x9  }
0x35a: {  	v38 =	vor.u32 v38, v39;
	[sflag:s8] =	ssyncadd.s32 $0xFFFFF000;
	s7 =	spop (v2sf);
	(v2sf) =	vpush v35, $0x9  }
0x35b: {  	v39 =	vadd.s32 v2, v38;
	v36 =	vld.idx.msk [tilespmem:v36+s9+$0x0], $0xffff;
	s28 =	spop (v2sf);
	(v2sf) =	vpush v34, $0xA  }
0x35c: {  	v38 =	vadd.s32 v3, v38;
	v37 =	vld.idx.msk [tilespmem:v37+s9+$0x0], $0xffff;
	s25 =	spop (v2sf);
	(v2sf) =	vpush v35, $0xA  }
0x35d: {  	s26 =	spop (v2sf);
	(v2sf) =	vpush v34, $0xB  }
0x35e: {  	s22 =	spop (v2sf);
	(v2sf) =	vpush v35, $0xB  }
0x35f: {  	s2 =	simm.s32 $0x14400;
	s23 =	spop (v2sf)  }
0x360: {  	s17 =	simm.s32 $0x1;
	s1 =	sand.u32 $0xFFFFF80, s14;
	[tilespmem:v39+s2+$0x0] =	vst.idx.msk $0xffff, v36;
	s16 =	spop (v2sf)  }
0x361: {  	s1 =	sadd.s32 s31, s1;
	(v2sf) =	vpush v34, $0xC;
	[tilespmem:v38+s2+$0x0] =	vst.idx.msk $0xffff, v37;
	s5 =	sand.u32 $0x7F, s16;
	s21 =	spop (v2sf)  }
0x362: {  	(v2sf) =	vpush v35, $0xC;
	[tilespmem:s9], [sflag:$0x1] =	stream.strided.gather [hbm4b:s1+s9], $0x1000, s18, s9, $0x38;
	v36 =	vor.u32 s5, v4;
	[tilespmem:$0x18400] =	vst v63  }
0x363: {  	v37 =	vmov s17;
	v38 =	vor.u32 s5, v5;
	_ =	swait.ge [sflag:s20], $0x1000  }
0x364: {  	v39 =	vshll.u32 v37, $0x3;
	s13 =	spop (v2sf)  }
0x365: {  	v37 =	vand.u32 $0x71, v37;
	v39 =	vand.u32 $0xFFFFFC00, v39;
	[sflag:s20] =	ssyncset.done $0x0;
	(v2sf) =	vpush v34, $0xD;
	s17 =	spop (v2sf)  }
0x366: {  	v37 =	vor.u32 v37, v39;
	[sflag:s20] =	ssyncadd.s32 $0xFFFFF000;
	(v2sf) =	vpush v35, $0xD;
	s20 =	spop (v2sf)  }
0x367: {  	v39 =	vadd.s32 v2, v37;
	(v2sf) =	vpush v34, $0xE;
	v36 =	vld.idx.msk [tilespmem:v36+s9+$0x0], $0xffff;
	s15 =	spop (v2sf)  }
0x368: {  	v37 =	vadd.s32 v3, v37;
	v38 =	vld.idx.msk [tilespmem:v38+s9+$0x0], $0xffff;
	(v2sf) =	vpush v35, $0xE;
	s16 =	spop (v2sf)  }
0x369: {  	s1 =	spop (v2sf)  }
0x36a: {  	s14 =	spop (v2sf)  }
0x36b: {  	(v2sf) =	vpush v34, $0xF;
	s10 =	spop (v2sf)  }
0x36c: {  	s3 =	sand.u32 $0xFFFFF80, s3;
	s4 =	sand.u32 $0x7F, s4;
	s12 =	spop (v2sf);
	[tilespmem:v39+s2+$0x0] =	vst.idx.msk $0xffff, v36  }
0x36d: {  	s6 =	simm.s32 $0x2;
	s3 =	sadd.s32 s31, s3;
	v34 =	vor.u32 s4, v6;
	(v2sf) =	vpush v35, $0xF;
	s8 =	spop (v2sf);
	[tilespmem:v37+s2+$0x0] =	vst.idx.msk $0xffff, v38  }
0x36e: {  	v35 =	vmov s6;
	v36 =	vor.u32 s4, v7;
	[tilespmem:s29], [sflag:$0x2] =	stream.strided.gather [hbm4b:s3+s9], $0x1000, s18, s9, $0x38;
	[tilespmem:$0x18400] =	vst v63  }
0x36f: {  	v37 =	vshll.u32 v35, $0x3;
	_ =	swait.ge [sflag:s11], $0x1000  }
0x370: {  	v35 =	vand.u32 $0x72, v35;
	v37 =	vand.u32 $0xFFFFFC00, v37;
	[sflag:s11] =	ssyncset.done $0x0  }
0x371: {  	v35 =	vor.u32 v35, v37;
	[sflag:s11] =	ssyncadd.s32 $0xFFFFF000  }
0x372: {  	v37 =	vadd.s32 v2, v35;
	s11 =	spop (v2sf);
	v34 =	vld.idx.msk [tilespmem:v34+s9+$0x0], $0xffff  }
0x373: {  	v35 =	vadd.s32 v3, v35;
	v36 =	vld.idx.msk [tilespmem:v36+s9+$0x0], $0xffff;
	s5 =	spop (v2sf)  }
0x374: {  	s3 =	spop (v2sf)  }
0x375: {  	s4 =	spop (v2sf)  }
0x376: {  	s6 =	spop (v2sf)  }
0x377: {  	s0 =	sand.u32 $0xFFFFF80, s0;
	s29 =	sand.u32 $0x7F, s7;
	s7 =	spop (v2sf);
	[tilespmem:v37+s2+$0x0] =	vst.idx.msk $0xffff, v34  }
0x378: {  	s0 =	sadd.s32 s31, s0;
	[dreg:$0x15] =	wrdreg s7;
	s7 =	simm.s32 $0x2400;
	[tilespmem:v35+s2+$0x0] =	vst.idx.msk $0xffff, v36  }
0x379: {  	[tilespmem:s7], [sflag:$0x3] =	stream.strided.gather [hbm4b:s0+s9], $0x1000, s18, s9, $0x38;
	[tilespmem:$0x18400] =	vst v63  }
0x37a: {  	s7 =	spop (v2sf)  }
0x37b: {  	v34 =	vor.u32 s29, v8;
	[dreg:$0x17] =	wrdreg s7;
	s7 =	simm.s32 $0x3  }
0x37c: {  	v36 =	vor.u32 s29, v9;
	s0 =	spop (v2sf);
	v35 =	vmov s7  }
0x37d: {  	_ =	swait.ge [sflag:s19], $0x1000;
	v37 =	vshll.u32 v35, $0x3  }
0x37e: {  	[sflag:s19] =	ssyncset.done $0x0;
	v35 =	vand.u32 $0x73, v35;
	v37 =	vand.u32 $0xFFFFFC00, v37  }
0x37f: {  	[sflag:s19] =	ssyncadd.s32 $0xFFFFF000;
	v35 =	vor.u32 v35, v37  }
0x380: {  	v34 =	vld.idx.msk [tilespmem:v34+s9+$0x0], $0xffff;
	v37 =	vadd.s32 v2, v35  }
0x381: {  	v36 =	vld.idx.msk [tilespmem:v36+s9+$0x0], $0xffff;
	v35 =	vadd.s32 v3, v35;
	_ =	sdelay $0x3  }
0x382: {  	s24 =	sand.u32 $0xFFFFF80, s24;
	s28 =	sand.u32 $0x7F, s28;
	[tilespmem:v37+s2+$0x0] =	vst.idx.msk $0xffff, v34  }
0x383: {  	s24 =	sadd.s32 s31, s24;
	s7 =	simm.s32 $0x4;
	s19 =	simm.s32 $0x5;
	v34 =	vor.u32 s28, v10;
	[tilespmem:v35+s2+$0x0] =	vst.idx.msk $0xffff, v36  }
0x384: {  	v35 =	vmov s7;
	v36 =	vor.u32 s28, v11;
	[tilespmem:s30], [sflag:$0x4] =	stream.strided.gather [hbm4b:s24+s9], $0x1000, s18, s9, $0x38;
	[tilespmem:$0x18400] =	vst v63  }
0x385: {  	v37 =	vshll.u32 v35, $0x3;
	_ =	swait.ge [sflag:s19], $0x1000  }
0x386: {  	s24 =	simm.s32 $0x5;
	v35 =	vand.u32 $0x74, v35;
	v37 =	vand.u32 $0xFFFFFC00, v37;
	[sflag:s19] =	ssyncset.done $0x0  }
0x387: {  	v35 =	vor.u32 v35, v37;
	[sflag:s24] =	ssyncadd.s32 $0xFFFFF000  }
0x388: {  	v37 =	vadd.s32 v2, v35;
	v34 =	vld.idx.msk [tilespmem:v34+s9+$0x0], $0xffff  }
0x389: {  	v35 =	vadd.s32 v3, v35;
	v36 =	vld.idx.msk [tilespmem:v36+s9+$0x0], $0xffff;
	_ =	sdelay $0x3  }
0x38a: {  	s29 =	sand.u32 $0x7F, s26;
	s26 =	simm.s32 $0x6;
	s28 =	sand.u32 $0xFFFFF80, s25;
	[tilespmem:v37+s2+$0x0] =	vst.idx.msk $0xffff, v34  }
0x38b: {  	s30 =	simm.s32 $0x5;
	s19 =	simm.s32 $0x4400;
	s24 =	sadd.s32 s31, s28;
	v34 =	vor.u32 s29, v12;
	[tilespmem:v35+s2+$0x0] =	vst.idx.msk $0xffff, v36  }
0x38c: {  	v35 =	vmov s30;
	v36 =	vor.u32 s29, v13;
	[tilespmem:s19], [sflag:$0x5] =	stream.strided.gather [hbm4b:s24+s9], $0x1000, s18, s9, $0x38;
	[tilespmem:$0x18400] =	vst v63  }
0x38d: {  	v37 =	vshll.u32 v35, $0x3;
	_ =	swait.ge [sflag:s26], $0x1000  }
0x38e: {  	s28 =	simm.s32 $0x6;
	v35 =	vand.u32 $0x75, v35;
	v37 =	vand.u32 $0xFFFFFC00, v37;
	[sflag:s26] =	ssyncset.done $0x0  }
0x38f: {  	v35 =	vor.u32 v35, v37;
	[sflag:s28] =	ssyncadd.s32 $0xFFFFF000  }
0x390: {  	v37 =	vadd.s32 v2, v35;
	v34 =	vld.idx.msk [tilespmem:v34+s9+$0x0], $0xffff  }
0x391: {  	v35 =	vadd.s32 v3, v35;
	v36 =	vld.idx.msk [tilespmem:v36+s9+$0x0], $0xffff;
	_ =	sdelay $0x2  }
0x392: {  	s22 =	sand.u32 $0xFFFFF80, s22  }
0x393: {  	s23 =	sand.u32 $0x7F, s23;
	s22 =	sadd.s32 s31, s22;
	[tilespmem:v37+s2+$0x0] =	vst.idx.msk $0xffff, v34  }
0x394: {  	s29 =	simm.s32 $0x6;
	s30 =	simm.s32 $0x5400;
	s19 =	simm.s32 $0x7;
	v34 =	vor.u32 s23, v14;
	[tilespmem:v35+s2+$0x0] =	vst.idx.msk $0xffff, v36  }
0x395: {  	v35 =	vmov s29;
	v36 =	vor.u32 s23, v15;
	[tilespmem:s30], [sflag:$0x6] =	stream.strided.gather [hbm4b:s22+s9], $0x1000, s18, s9, $0x38;
	[tilespmem:$0x18400] =	vst v63  }
0x396: {  	v37 =	vshll.u32 v35, $0x3;
	_ =	swait.ge [sflag:s19], $0x1000  }
0x397: {  	s22 =	simm.s32 $0x7;
	v35 =	vand.u32 $0x76, v35;
	v37 =	vand.u32 $0xFFFFFC00, v37;
	[sflag:s19] =	ssyncset.done $0x0  }
0x398: {  	v35 =	vor.u32 v35, v37;
	[sflag:s22] =	ssyncadd.s32 $0xFFFFF000  }
0x399: {  	v37 =	vadd.s32 v2, v35;
	v34 =	vld.idx.msk [tilespmem:v34+s9+$0x0], $0xffff  }
0x39a: {  	v35 =	vadd.s32 v3, v35;
	v36 =	vld.idx.msk [tilespmem:v36+s9+$0x0], $0xffff;
	_ =	sdelay $0x2  }
0x39b: {  	s21 =	sand.u32 $0xFFFFF80, s21;
	s23 =	simm.s32 $0x14400  }
0x39c: {  	s21 =	sadd.s32 s31, s21;
	s13 =	sand.u32 $0x7F, s13;
	[tilespmem:v37+s23+$0x0] =	vst.idx.msk $0xffff, v34  }
0x39d: {  	s7 =	simm.s32 $0x6400;
	s25 =	simm.s32 $0x7;
	s26 =	simm.s32 $0x8;
	v34 =	vor.u32 s13, v16;
	[tilespmem:v35+s23+$0x0] =	vst.idx.msk $0xffff, v36  }
0x39e: {  	v35 =	vmov s25;
	v36 =	vor.u32 s13, v17;
	[tilespmem:s7], [sflag:$0x7] =	stream.strided.gather [hbm4b:s21+s9], $0x1000, s18, s9, $0x38;
	[tilespmem:$0x18400] =	vst v63  }
0x39f: {  	v37 =	vshll.u32 v35, $0x3;
	_ =	swait.ge [sflag:s26], $0x1000  }
0x3a0: {  	s28 =	simm.s32 $0x8;
	v35 =	vand.u32 $0x77, v35;
	v37 =	vand.u32 $0xFFFFFC00, v37;
	[sflag:s26] =	ssyncset.done $0x0  }
0x3a1: {  	v35 =	vor.u32 v35, v37;
	[sflag:s28] =	ssyncadd.s32 $0xFFFFF000  }
0x3a2: {  	v37 =	vadd.s32 v2, v35;
	v34 =	vld.idx.msk [tilespmem:v34+s9+$0x0], $0xffff  }
0x3a3: {  	v35 =	vadd.s32 v3, v35;
	v36 =	vld.idx.msk [tilespmem:v36+s9+$0x0], $0xffff;
	_ =	sdelay $0x3  }
0x3a4: {  	s29 =	sand.u32 $0xFFFFF80, s17;
	s30 =	sand.u32 $0x7F, s20;
	s19 =	simm.s32 $0x7400;
	[tilespmem:v37+s23+$0x0] =	vst.idx.msk $0xffff, v34  }
0x3a5: {  	s13 =	sadd.s32 s31, s29;
	s7 =	simm.s32 $0x8;
	s21 =	simm.s32 $0x9;
	v34 =	vor.u32 s30, v18;
	[tilespmem:v35+s23+$0x0] =	vst.idx.msk $0xffff, v36  }
0x3a6: {  	v35 =	vmov s7;
	v36 =	vor.u32 s30, v19;
	[tilespmem:s19], [sflag:$0x8] =	stream.strided.gather [hbm4b:s13+s9], $0x1000, s18, s9, $0x38;
	[tilespmem:$0x18400] =	vst v63  }
0x3a7: {  	v37 =	vshll.u32 v35, $0x3;
	_ =	swait.ge [sflag:s21], $0x1000  }
0x3a8: {  	s22 =	simm.s32 $0x9;
	v35 =	vand.u32 $0x78, v35;
	v37 =	vand.u32 $0xFFFFFC00, v37;
	[sflag:s21] =	ssyncset.done $0x0  }
0x3a9: {  	v35 =	vor.u32 v35, v37;
	[sflag:s22] =	ssyncadd.s32 $0xFFFFF000  }
0x3aa: {  	v37 =	vadd.s32 v2, v35;
	v34 =	vld.idx.msk [tilespmem:v34+s9+$0x0], $0xffff  }
0x3ab: {  	v35 =	vadd.s32 v3, v35;
	v36 =	vld.idx.msk [tilespmem:v36+s9+$0x0], $0xffff;
	_ =	sdelay $0x3  }
0x3ac: {  	s24 =	sand.u32 $0xFFFFF80, s15;
	s20 =	simm.s32 $0x8400;
	s25 =	sand.u32 $0x7F, s16;
	[tilespmem:v37+s23+$0x0] =	vst.idx.msk $0xffff, v34  }
0x3ad: {  	s29 =	simm.s32 $0xA;
	s26 =	simm.s32 $0x9;
	s13 =	sadd.s32 s31, s24;
	v34 =	vor.u32 s25, v20;
	[tilespmem:v35+s23+$0x0] =	vst.idx.msk $0xffff, v36  }
0x3ae: {  	v35 =	vmov s26;
	v36 =	vor.u32 s25, v21;
	[tilespmem:s20], [sflag:$0x9] =	stream.strided.gather [hbm4b:s13+s9], $0x1000, s18, s9, $0x38;
	[tilespmem:$0x18400] =	vst v63  }
0x3af: {  	v37 =	vshll.u32 v35, $0x3;
	_ =	swait.ge [sflag:s29], $0x1000  }
0x3b0: {  	s30 =	simm.s32 $0xA;
	v35 =	vand.u32 $0x79, v35;
	v37 =	vand.u32 $0xFFFFFC00, v37;
	[sflag:s29] =	ssyncset.done $0x0  }
0x3b1: {  	v35 =	vor.u32 v35, v37;
	[sflag:s30] =	ssyncadd.s32 $0xFFFFF000  }
0x3b2: {  	v37 =	vadd.s32 v2, v35;
	v34 =	vld.idx.msk [tilespmem:v34+s9+$0x0], $0xffff  }
0x3b3: {  	v35 =	vadd.s32 v3, v35;
	v36 =	vld.idx.msk [tilespmem:v36+s9+$0x0], $0xffff;
	_ =	sdelay $0x2  }
0x3b4: {  	s1 =	sand.u32 $0xFFFFF80, s1  }
0x3b5: {  	s1 =	sadd.s32 s31, s1;
	s2 =	sand.u32 $0x7F, s14;
	[tilespmem:v37+s23+$0x0] =	vst.idx.msk $0xffff, v34  }
0x3b6: {  	s16 =	simm.s32 $0xB;
	s28 =	simm.s32 $0x9400;
	s7 =	simm.s32 $0xA;
	v34 =	vor.u32 s2, v22;
	[tilespmem:v35+s23+$0x0] =	vst.idx.msk $0xffff, v36  }
0x3b7: {  	v35 =	vmov s7;
	v36 =	vor.u32 s2, v23;
	[tilespmem:s28], [sflag:$0xA] =	stream.strided.gather [hbm4b:s1+s9], $0x1000, s18, s9, $0x38;
	[tilespmem:$0x18400] =	vst v63  }
0x3b8: {  	v37 =	vshll.u32 v35, $0x3;
	_ =	swait.ge [sflag:s16], $0x1000  }
0x3b9: {  	s17 =	simm.s32 $0xB;
	v35 =	vand.u32 $0x7A, v35;
	v37 =	vand.u32 $0xFFFFFC00, v37;
	[sflag:s16] =	ssyncset.done $0x0  }
0x3ba: {  	v35 =	vor.u32 v35, v37;
	[sflag:s17] =	ssyncadd.s32 $0xFFFFF000  }
0x3bb: {  	v37 =	vadd.s32 v2, v35;
	v34 =	vld.idx.msk [tilespmem:v34+s9+$0x0], $0xffff  }
0x3bc: {  	v35 =	vadd.s32 v3, v35;
	v36 =	vld.idx.msk [tilespmem:v36+s9+$0x0], $0xffff;
	_ =	sdelay $0x3  }
0x3bd: {  	s15 =	simm.s32 $0xA400;
	s19 =	sand.u32 $0xFFFFF80, s10;
	s20 =	sand.u32 $0x7F, s12;
	[tilespmem:v37+s23+$0x0] =	vst.idx.msk $0xffff, v34  }
0x3be: {  	s21 =	simm.s32 $0xB;
	s22 =	simm.s32 $0xC;
	s1 =	sadd.s32 s31, s19;
	v34 =	vor.u32 s20, v24;
	[tilespmem:v35+s23+$0x0] =	vst.idx.msk $0xffff, v36  }
0x3bf: {  	v35 =	vmov s21;
	v36 =	vor.u32 s20, v25;
	[tilespmem:s15], [sflag:$0xB] =	stream.strided.gather [hbm4b:s1+s9], $0x1000, s18, s9, $0x38;
	[tilespmem:$0x18400] =	vst v63  }
0x3c0: {  	v37 =	vshll.u32 v35, $0x3;
	_ =	swait.ge [sflag:s22], $0x1000  }
0x3c1: {  	s24 =	simm.s32 $0xC;
	v35 =	vand.u32 $0x7B, v35;
	v37 =	vand.u32 $0xFFFFFC00, v37;
	[sflag:s22] =	ssyncset.done $0x0  }
0x3c2: {  	v35 =	vor.u32 v35, v37;
	[sflag:s24] =	ssyncadd.s32 $0xFFFFF000  }
0x3c3: {  	v37 =	vadd.s32 v2, v35;
	v34 =	vld.idx.msk [tilespmem:v34+s9+$0x0], $0xffff  }
0x3c4: {  	v35 =	vadd.s32 v3, v35;
	v36 =	vld.idx.msk [tilespmem:v36+s9+$0x0], $0xffff;
	_ =	sdelay $0x3  }
0x3c5: {  	s25 =	sand.u32 $0xFFFFF80, s8;
	s26 =	sand.u32 $0x7F, s11;
	s8 =	simm.s32 $0xD;
	[tilespmem:v37+s23+$0x0] =	vst.idx.msk $0xffff, v34  }
0x3c6: {  	s29 =	simm.s32 $0xC;
	s28 =	simm.s32 $0xB400;
	s1 =	sadd.s32 s31, s25;
	v34 =	vor.u32 s26, v26;
	[tilespmem:v35+s23+$0x0] =	vst.idx.msk $0xffff, v36  }
0x3c7: {  	v35 =	vmov s29;
	v36 =	vor.u32 s26, v27;
	[tilespmem:s28], [sflag:$0xC] =	stream.strided.gather [hbm4b:s1+s9], $0x1000, s18, s9, $0x38;
	[tilespmem:$0x18400] =	vst v63  }
0x3c8: {  	v37 =	vshll.u32 v35, $0x3;
	_ =	swait.ge [sflag:s8], $0x1000  }
0x3c9: {  	s12 =	simm.s32 $0xD;
	v35 =	vand.u32 $0x7C, v35;
	v37 =	vand.u32 $0xFFFFFC00, v37;
	[sflag:s8] =	ssyncset.done $0x0  }
0x3ca: {  	v35 =	vor.u32 v35, v37;
	[sflag:s12] =	ssyncadd.s32 $0xFFFFF000  }
0x3cb: {  	v37 =	vadd.s32 v2, v35;
	v34 =	vld.idx.msk [tilespmem:v34+s9+$0x0], $0xffff  }
0x3cc: {  	v35 =	vadd.s32 v3, v35;
	v36 =	vld.idx.msk [tilespmem:v36+s9+$0x0], $0xffff;
	_ =	sdelay $0x3  }
0x3cd: {  	s14 =	sand.u32 $0x7F, s3;
	s13 =	sand.u32 $0xFFFFF80, s5;
	s7 =	simm.s32 $0xC400;
	[tilespmem:v37+s23+$0x0] =	vst.idx.msk $0xffff, v34  }
0x3ce: {  	s17 =	simm.s32 $0xE;
	s15 =	simm.s32 $0xD;
	s1 =	sadd.s32 s31, s13;
	v34 =	vor.u32 s14, v28;
	[tilespmem:v35+s23+$0x0] =	vst.idx.msk $0xffff, v36  }
0x3cf: {  	v35 =	vmov s15;
	v36 =	vor.u32 s14, v29;
	[tilespmem:s7], [sflag:$0xD] =	stream.strided.gather [hbm4b:s1+s9], $0x1000, s18, s9, $0x38;
	[tilespmem:$0x18400] =	vst v63  }
0x3d0: {  	v37 =	vshll.u32 v35, $0x3;
	_ =	swait.ge [sflag:s17], $0x1000  }
0x3d1: {  	s19 =	simm.s32 $0xE;
	v35 =	vand.u32 $0x7D, v35;
	v37 =	vand.u32 $0xFFFFFC00, v37;
	[sflag:s17] =	ssyncset.done $0x0  }
0x3d2: {  	v35 =	vor.u32 v35, v37;
	[sflag:s19] =	ssyncadd.s32 $0xFFFFF000  }
0x3d3: {  	v37 =	vadd.s32 v2, v35;
	v34 =	vld.idx.msk [tilespmem:v34+s9+$0x0], $0xffff  }
0x3d4: {  	v35 =	vadd.s32 v3, v35;
	v36 =	vld.idx.msk [tilespmem:v36+s9+$0x0], $0xffff;
	_ =	sdelay $0x3  }
0x3d5: {  	s16 =	simm.s32 $0xD400;
	s20 =	sand.u32 $0xFFFFF80, s4;
	s21 =	sand.u32 $0x7F, s6;
	[tilespmem:v37+s23+$0x0] =	vst.idx.msk $0xffff, v34  }
0x3d6: {  	s22 =	simm.s32 $0xE;
	s24 =	simm.s32 $0xF;
	s1 =	sadd.s32 s31, s20;
	v34 =	vor.u32 s21, v30;
	[tilespmem:v35+s23+$0x0] =	vst.idx.msk $0xffff, v36  }
0x3d7: {  	v35 =	vmov s22;
	v36 =	vor.u32 s21, v31;
	[tilespmem:s16], [sflag:$0xE] =	stream.strided.gather [hbm4b:s1+s9], $0x1000, s18, s9, $0x38;
	[tilespmem:$0x18400] =	vst v63  }
0x3d8: {  	v37 =	vshll.u32 v35, $0x3;
	_ =	swait.ge [sflag:s24], $0x1000  }
0x3d9: {  	v35 =	vand.u32 $0x7E, v35;
	v37 =	vand.u32 $0xFFFFFC00, v37;
	[sflag:s24] =	ssyncset.done $0x0  }
0x3da: {  	v35 =	vor.u32 v35, v37;
	[sflag:s24] =	ssyncadd.s32 $0xFFFFF000  }
0x3db: {  	v37 =	vadd.s32 v2, v35;
	v34 =	vld.idx.msk [tilespmem:v34+s9+$0x0], $0xffff  }
0x3dc: {  	v35 =	vadd.s32 v3, v35;
	v36 =	vld.idx.msk [tilespmem:v36+s9+$0x0], $0xffff;
	_ =	sdelay $0x1  }
0x3dd: {  	s25 =	rddreg [dreg:$0x15]  }
0x3de: {  	s26 =	rddreg [dreg:$0x17]  }
0x3df: {  	s30 =	simm.s32 $0xE400;
	s1 =	sand.u32 $0xFFFFF80, s25;
	s2 =	sand.u32 $0x7F, s26;
	[tilespmem:v37+s23+$0x0] =	vst.idx.msk $0xffff, v34  }
0x3e0: {  	s29 =	simm.s32 $0x10;
	s28 =	simm.s32 $0xF;
	s1 =	sadd.s32 s31, s1;
	v34 =	vor.u32 s2, v32;
	[tilespmem:v35+s23+$0x0] =	vst.idx.msk $0xffff, v36  }
0x3e1: {  	v35 =	vor.u32 s2, v33;
	v36 =	vmov s28;
	[tilespmem:s30], [sflag:$0xF] =	stream.strided.gather [hbm4b:s1+s9], $0x1000, s18, s9, $0x38;
	[tilespmem:$0x18400] =	vst v63  }
0x3e2: {  	v37 =	vshll.u32 v36, $0x3;
	_ =	swait.ge [sflag:s29], $0x1000  }
0x3e3: {  	s30 =	simm.s32 $0x10;
	v36 =	vand.u32 $0x7F, v36;
	v37 =	vand.u32 $0xFFFFFC00, v37;
	[sflag:s29] =	ssyncset.done $0x0  }
0x3e4: {  	v36 =	vor.u32 v36, v37;
	[sflag:s30] =	ssyncadd.s32 $0xFFFFF000  }
0x3e5: {  	v37 =	vadd.s32 v2, v36;
	v34 =	vld.idx.msk [tilespmem:v34+s9+$0x0], $0xffff  }
0x3e6: {  	v36 =	vadd.s32 v3, v36;
	v35 =	vld.idx.msk [tilespmem:v35+s9+$0x0], $0xffff;
	_ =	sdelay $0x3  }
0x3e7: {  	s0 =	sand.u32 $0xFFFFF80, s0;
	[tilespmem:v37+s23+$0x0] =	vst.idx.msk $0xffff, v34  }
0x3e8: {  	s0 =	sadd.s32 s31, s0;
	s20 =	simm.s32 $0x220;
	s19 =	simm.s32 $0x1F;
	[tilespmem:v36+s23+$0x0] =	vst.idx.msk $0xffff, v35  }
.LBB2_4:
0x3e9: {  	s1 =	simm.s32 $0xF400  }
0x3ea: {  	[tilespmem:s1], [sflag:$0x10] =	stream.strided.gather [hbm4b:s0+s9], $0x1000, s18, s9, $0x38;
	[tilespmem:$0x18400] =	vst v63  }
0x3eb: {  	v34 =	vld [tilespmem:s20+$0xFFFFFFF0]  }
0x3ec: {  	v35 =	vld [tilespmem:s20+$0x0];
	_ =	sdelay $0x3  }
0x3ed: {  	(v2sf) =	vpush v34, $0x0  }
0x3ee: {  	(v2sf) =	vpush v35, $0x0  }
0x3ef: {  	(v2sf) =	vpush v35, $0x3  }
0x3f0: {  	(v2sf) =	vpush v35, $0x1;
	_ =	sdelay $0x1  }
0x3f1: {  	(v2sf) =	vpush v34, $0x2  }
0x3f2: {  	(v2sf) =	vpush v35, $0x2  }
0x3f3: {  	(v2sf) =	vpush v34, $0x3  }
0x3f4: {  	(v2sf) =	vpush v34, $0x4  }
0x3f5: {  	(v2sf) =	vpush v35, $0x4  }
0x3f6: {  	(v2sf) =	vpush v34, $0x5  }
0x3f7: {  	(v2sf) =	vpush v35, $0x5  }
0x3f8: {  	(v2sf) =	vpush v34, $0x6  }
0x3f9: {  	(v2sf) =	vpush v34, $0x1  }
0x3fa: {  	(v2sf) =	vpush v35, $0x6  }
0x3fb: {  	s17 =	spop (v2sf)  }
0x3fc: {  	s22 =	spop (v2sf);
	(v2sf) =	vpush v34, $0x7  }
0x3fd: {  	s21 =	smov.u32 s19;
	s0 =	sand.u32 $0x7F, s17;
	s25 =	spop (v2sf);
	(v2sf) =	vpush v35, $0x7  }
0x3fe: {  	s4 =	simm.s32 $0x1;
	s2 =	sadd.s32 $0xFFFFFFF1, s21;
	v36 =	vor.u32 s0, v0;
	s26 =	spop (v2sf);
	(v2sf) =	vpush v34, $0x8  }
0x3ff: {  	v38 =	vmov s2;
	v37 =	vor.u32 s0, v1;
	_ =	swait.ge [sflag:s4], $0x1000  }
0x400: {  	v39 =	vshll.u32 v38, $0x3;
	s28 =	spop (v2sf);
	(v2sf) =	vpush v35, $0x8  }
0x401: {  	v38 =	vand.u32 $0x70, v38;
	v39 =	vand.u32 $0xFFFFFC00, v39;
	[sflag:s4] =	ssyncset.done $0x0;
	s3 =	spop (v2sf);
	(v2sf) =	vpush v34, $0x9  }
0x402: {  	v38 =	vor.u32 v38, v39;
	[sflag:s4] =	ssyncadd.s32 $0xFFFFF000;
	s29 =	spop (v2sf);
	(v2sf) =	vpush v35, $0x9  }
0x403: {  	v39 =	vadd.s32 v2, v38;
	v36 =	vld.idx.msk [tilespmem:v36+s9+$0x0], $0xffff;
	s4 =	spop (v2sf);
	(v2sf) =	vpush v34, $0xA  }
0x404: {  	v38 =	vadd.s32 v3, v38;
	v37 =	vld.idx.msk [tilespmem:v37+s9+$0x0], $0xffff;
	s5 =	spop (v2sf);
	(v2sf) =	vpush v35, $0xA  }
0x405: {  	s6 =	spop (v2sf);
	(v2sf) =	vpush v34, $0xB  }
0x406: {  	s7 =	spop (v2sf);
	(v2sf) =	vpush v35, $0xB  }
0x407: {  	s12 =	simm.s32 $0x2;
	s24 =	sand.u32 $0xFFFFF80, s22;
	s8 =	spop (v2sf)  }
0x408: {  	s0 =	sadd.s32 s31, s24;
	s2 =	sand.u32 $0xFFFFF80, s26;
	[tilespmem:v39+s23+$0x0] =	vst.idx.msk $0xffff, v36;
	s10 =	spop (v2sf)  }
0x409: {  	s30 =	sand.u32 $0xFFFFF80, s3;
	[tilespmem:v38+s23+$0x0] =	vst.idx.msk $0xffff, v37;
	s3 =	sand.u32 $0x7F, s10;
	s11 =	spop (v2sf);
	(v2sf) =	vpush v34, $0xC  }
0x40a: {  	[tilespmem:s9], [sflag:$0x1] =	stream.strided.gather [hbm4b:s0+s9], $0x1000, s18, s9, $0x38;
	(v2sf) =	vpush v35, $0xC;
	[tilespmem:$0x18400] =	vst v63  }
0x40b: {  	s17 =	sand.u32 $0x7F, s6;
	s6 =	sadd.s32 $0xFFFFFFF2, s21;
	v36 =	vor.u32 s3, v4;
	_ =	swait.ge [sflag:s12], $0x1000  }
0x40c: {  	s16 =	sand.u32 $0xFFFFF80, s25;
	s2 =	sadd.s32 s31, s2;
	v37 =	vmov s6;
	v38 =	vor.u32 s3, v5;
	s24 =	spop (v2sf)  }
0x40d: {  	s1 =	sand.u32 $0x7F, s28;
	s13 =	sand.u32 $0x7F, s29;
	v39 =	vshll.u32 v37, $0x3;
	(v2sf) =	vpush v34, $0xD;
	s25 =	spop (v2sf)  }
0x40e: {  	s26 =	sand.u32 $0x7F, s4;
	v37 =	vand.u32 $0x71, v37;
	v39 =	vand.u32 $0xFFFFFC00, v39;
	[sflag:s12] =	ssyncset.done $0x0;
	(v2sf) =	vpush v35, $0xD;
	s28 =	spop (v2sf)  }
0x40f: {  	s22 =	sand.u32 $0xFFFFF80, s5;
	v37 =	vor.u32 v37, v39;
	[sflag:s12] =	ssyncadd.s32 $0xFFFFF000;
	(v2sf) =	vpush v34, $0xE;
	s29 =	spop (v2sf)  }
0x410: {  	s15 =	sand.u32 $0xFFFFF80, s7;
	s14 =	sand.u32 $0x7F, s8;
	v39 =	vadd.s32 v2, v37;
	v36 =	vld.idx.msk [tilespmem:v36+s9+$0x0], $0xffff;
	(v2sf) =	vpush v35, $0xE;
	s3 =	spop (v2sf)  }
0x411: {  	s5 =	sand.u32 $0xFFFFF80, s11;
	v37 =	vadd.s32 v3, v37;
	s10 =	sand.u32 $0x7F, s24;
	v38 =	vld.idx.msk [tilespmem:v38+s9+$0x0], $0xffff;
	(v2sf) =	vpush v34, $0xF;
	s6 =	spop (v2sf)  }
0x412: {  	s4 =	sand.u32 $0xFFFFF80, s25;
	s8 =	sand.u32 $0x7F, s28;
	(v2sf) =	vpush v35, $0xF;
	s7 =	spop (v2sf)  }
0x413: {  	s12 =	sand.u32 $0xFFFFF80, s29;
	s28 =	sand.u32 $0xFFFFF80, s6;
	s11 =	spop (v2sf)  }
0x414: {  	s6 =	simm.s32 $0x14400;
	s0 =	sand.u32 $0xFFFFF80, s11;
	s24 =	spop (v2sf)  }
0x415: {  	[tilespmem:v39+s23+$0x0] =	vst.idx.msk $0xffff, v36;
	s23 =	simm.s32 $0x1400;
	[dreg:$0xd] =	wrdreg s0;
	s25 =	spop (v2sf)  }
0x416: {  	s11 =	sand.u32 $0x7F, s24;
	[tilespmem:v37+s6+$0x0] =	vst.idx.msk $0xffff, v38;
	s24 =	sadd.s32 $0xFFFFFFF3, s21;
	s29 =	sand.u32 $0xFFFFF80, s25  }
0x417: {  	[tilespmem:s23], [sflag:$0x2] =	stream.strided.gather [hbm4b:s2+s9], $0x1000, s18, s9, $0x38;
	[tilespmem:$0x18400] =	vst v63  }
0x418: {  	v34 =	vor.u32 s1, v6;
	v35 =	vmov s24;
	s24 =	simm.s32 $0x3;
	[dreg:$0xc] =	wrdreg s29  }
0x419: {  	v36 =	vor.u32 s1, v7;
	_ =	swait.ge [sflag:s24], $0x1000  }
0x41a: {  	v37 =	vshll.u32 v35, $0x3;
	s25 =	spop (v2sf)  }
0x41b: {  	v35 =	vand.u32 $0x72, v35;
	v37 =	vand.u32 $0xFFFFFC00, v37;
	[sflag:s24] =	ssyncset.done $0x0;
	s29 =	spop (v2sf)  }
0x41c: {  	v35 =	vor.u32 v35, v37;
	[sflag:s24] =	ssyncadd.s32 $0xFFFFF000;
	s18 =	spop (v2sf)  }
0x41d: {  	s30 =	sadd.s32 s31, s30;
	s2 =	sand.u32 $0x7F, s25;
	v37 =	vadd.s32 v2, v35;
	v34 =	vld.idx.msk [tilespmem:v34+s9+$0x0], $0xffff;
	s24 =	spop (v2sf)  }
0x41e: {  	v35 =	vadd.s32 v3, v35;
	s1 =	sand.u32 $0xFFFFF80, s29;
	v36 =	vld.idx.msk [tilespmem:v36+s9+$0x0], $0xffff;
	s25 =	sand.u32 $0xFFFFF80, s24;
	s0 =	spop (v2sf)  }
0x41f: {  	s29 =	sand.u32 $0x7F, s18;
	[dreg:$0x9] =	wrdreg s25;
	s18 =	spop (v2sf)  }
0x420: {  	s25 =	sand.u32 $0x7F, s0;
	s24 =	sand.u32 $0xFFFFF80, s18;
	s18 =	spop (v2sf)  }
0x421: {  	s0 =	simm.s32 $0x7A1400;
	[dreg:$0x7] =	wrdreg s24;
	s24 =	spop (v2sf)  }
0x422: {  	s23 =	sand.u32 $0x7F, s18;
	[tilespmem:v37+s6+$0x0] =	vst.idx.msk $0xffff, v34;
	s18 =	sand.u32 $0xFFFFF80, s24;
	s24 =	simm.s32 $0x2400  }
0x423: {  	v34 =	vor.u32 s13, v8;
	[tilespmem:v35+s6+$0x0] =	vst.idx.msk $0xffff, v36;
	v36 =	vor.u32 s13, v9;
	s13 =	simm.s32 $0x4;
	[dreg:$0x5] =	wrdreg s18;
	s18 =	sadd.s32 $0xFFFFFFF4, s21  }
0x424: {  	[tilespmem:s24], [sflag:$0x3] =	stream.strided.gather [hbm4b:s30+s9], $0x1000, s0, s9, $0x38;
	v35 =	vmov s18;
	[tilespmem:$0x18400] =	vst v63  }
0x425: {  	_ =	swait.ge [sflag:s13], $0x1000;
	v37 =	vshll.u32 v35, $0x3  }
0x426: {  	[sflag:s13] =	ssyncset.done $0x0;
	v35 =	vand.u32 $0x73, v35;
	v37 =	vand.u32 $0xFFFFFC00, v37  }
0x427: {  	[sflag:s13] =	ssyncadd.s32 $0xFFFFF000;
	v35 =	vor.u32 v35, v37  }
0x428: {  	v34 =	vld.idx.msk [tilespmem:v34+s9+$0x0], $0xffff;
	v37 =	vadd.s32 v2, v35  }
0x429: {  	v36 =	vld.idx.msk [tilespmem:v36+s9+$0x0], $0xffff;
	v35 =	vadd.s32 v3, v35;
	_ =	sdelay $0x3  }
0x42a: {  	s0 =	simm.s32 $0x3400;
	[tilespmem:v37+s6+$0x0] =	vst.idx.msk $0xffff, v34  }
0x42b: {  	s18 =	simm.s32 $0x7A1400;
	s13 =	sadd.s32 s31, s16;
	s16 =	sadd.s32 $0xFFFFFFF5, s21;
	[tilespmem:v35+s6+$0x0] =	vst.idx.msk $0xffff, v36  }
0x42c: {  	v34 =	vor.u32 s26, v10;
	[tilespmem:s0], [sflag:$0x4] =	stream.strided.gather [hbm4b:s13+s9], $0x1000, s18, s9, $0x38;
	[tilespmem:$0x18400] =	vst v63  }
0x42d: {  	v35 =	vmov s16;
	v36 =	vor.u32 s26, v11;
	s13 =	simm.s32 $0x5  }
0x42e: {  	v37 =	vshll.u32 v35, $0x3;
	_ =	swait.ge [sflag:s13], $0x1000  }
0x42f: {  	v35 =	vand.u32 $0x74, v35;
	v37 =	vand.u32 $0xFFFFFC00, v37;
	[sflag:s13] =	ssyncset.done $0x0  }
0x430: {  	v35 =	vor.u32 v35, v37;
	[sflag:s13] =	ssyncadd.s32 $0xFFFFF000  }
0x431: {  	v37 =	vadd.s32 v2, v35;
	v34 =	vld.idx.msk [tilespmem:v34+s9+$0x0], $0xffff  }
0x432: {  	v35 =	vadd.s32 v3, v35;
	v36 =	vld.idx.msk [tilespmem:v36+s9+$0x0], $0xffff;
	_ =	sdelay $0x3  }
0x433: {  	s16 =	sadd.s32 s31, s22;
	[tilespmem:v37+s6+$0x0] =	vst.idx.msk $0xffff, v34  }
0x434: {  	s22 =	sadd.s32 $0xFFFFFFF6, s21;
	s26 =	simm.s32 $0x4400;
	s13 =	simm.s32 $0x6;
	v34 =	vor.u32 s17, v12;
	[tilespmem:v35+s6+$0x0] =	vst.idx.msk $0xffff, v36  }
0x435: {  	v35 =	vmov s22;
	v36 =	vor.u32 s17, v13;
	[tilespmem:s26], [sflag:$0x5] =	stream.strided.gather [hbm4b:s16+s9], $0x1000, s18, s9, $0x38;
	[tilespmem:$0x18400] =	vst v63  }
0x436: {  	v37 =	vshll.u32 v35, $0x3;
	_ =	swait.ge [sflag:s13], $0x1000  }
0x437: {  	v35 =	vand.u32 $0x75, v35;
	v37 =	vand.u32 $0xFFFFFC00, v37;
	[sflag:s13] =	ssyncset.done $0x0  }
0x438: {  	v35 =	vor.u32 v35, v37;
	[sflag:s13] =	ssyncadd.s32 $0xFFFFF000  }
0x439: {  	v37 =	vadd.s32 v2, v35;
	v34 =	vld.idx.msk [tilespmem:v34+s9+$0x0], $0xffff  }
0x43a: {  	v35 =	vadd.s32 v3, v35;
	v36 =	vld.idx.msk [tilespmem:v36+s9+$0x0], $0xffff;
	_ =	sdelay $0x3  }
0x43b: {  	s17 =	sadd.s32 s31, s15;
	[tilespmem:v37+s6+$0x0] =	vst.idx.msk $0xffff, v34  }
0x43c: {  	s22 =	sadd.s32 $0xFFFFFFF7, s21;
	s26 =	simm.s32 $0x5400;
	s13 =	simm.s32 $0x7;
	v34 =	vor.u32 s14, v14;
	[tilespmem:v35+s6+$0x0] =	vst.idx.msk $0xffff, v36  }
0x43d: {  	v35 =	vmov s22;
	v36 =	vor.u32 s14, v15;
	[tilespmem:s26], [sflag:$0x6] =	stream.strided.gather [hbm4b:s17+s9], $0x1000, s18, s9, $0x38;
	[tilespmem:$0x18400] =	vst v63  }
0x43e: {  	v37 =	vshll.u32 v35, $0x3;
	_ =	swait.ge [sflag:s13], $0x1000  }
0x43f: {  	v35 =	vand.u32 $0x76, v35;
	v37 =	vand.u32 $0xFFFFFC00, v37;
	[sflag:s13] =	ssyncset.done $0x0  }
0x440: {  	v35 =	vor.u32 v35, v37;
	[sflag:s13] =	ssyncadd.s32 $0xFFFFF000  }
0x441: {  	v37 =	vadd.s32 v2, v35;
	v34 =	vld.idx.msk [tilespmem:v34+s9+$0x0], $0xffff  }
0x442: {  	v35 =	vadd.s32 v3, v35;
	v36 =	vld.idx.msk [tilespmem:v36+s9+$0x0], $0xffff;
	_ =	sdelay $0x3  }
0x443: {  	s5 =	sadd.s32 s31, s5;
	[tilespmem:v37+s6+$0x0] =	vst.idx.msk $0xffff, v34  }
0x444: {  	s24 =	simm.s32 $0x6400;
	s14 =	sadd.s32 $0xFFFFFFF8, s21;
	s17 =	simm.s32 $0x8;
	v34 =	vor.u32 s10, v16;
	[tilespmem:v35+s6+$0x0] =	vst.idx.msk $0xffff, v36  }
0x445: {  	v35 =	vmov s14;
	v36 =	vor.u32 s10, v17;
	[tilespmem:s24], [sflag:$0x7] =	stream.strided.gather [hbm4b:s5+s9], $0x1000, s18, s9, $0x38;
	[tilespmem:$0x18400] =	vst v63  }
0x446: {  	v37 =	vshll.u32 v35, $0x3;
	_ =	swait.ge [sflag:s17], $0x1000  }
0x447: {  	v35 =	vand.u32 $0x77, v35;
	v37 =	vand.u32 $0xFFFFFC00, v37;
	[sflag:s17] =	ssyncset.done $0x0  }
0x448: {  	v35 =	vor.u32 v35, v37;
	[sflag:s17] =	ssyncadd.s32 $0xFFFFF000  }
0x449: {  	v37 =	vadd.s32 v2, v35;
	v34 =	vld.idx.msk [tilespmem:v34+s9+$0x0], $0xffff  }
0x44a: {  	v35 =	vadd.s32 v3, v35;
	v36 =	vld.idx.msk [tilespmem:v36+s9+$0x0], $0xffff;
	_ =	sdelay $0x3  }
0x44b: {  	s4 =	sadd.s32 s31, s4;
	[tilespmem:v37+s6+$0x0] =	vst.idx.msk $0xffff, v34  }
0x44c: {  	s22 =	sadd.s32 $0xFFFFFFF9, s21;
	s26 =	simm.s32 $0x7400;
	s14 =	simm.s32 $0x9;
	v34 =	vor.u32 s8, v18;
	[tilespmem:v35+s6+$0x0] =	vst.idx.msk $0xffff, v36  }
0x44d: {  	v35 =	vmov s22;
	v36 =	vor.u32 s8, v19;
	[tilespmem:s26], [sflag:$0x8] =	stream.strided.gather [hbm4b:s4+s9], $0x1000, s18, s9, $0x38;
	[tilespmem:$0x18400] =	vst v63  }
0x44e: {  	v37 =	vshll.u32 v35, $0x3;
	_ =	swait.ge [sflag:s14], $0x1000  }
0x44f: {  	v35 =	vand.u32 $0x78, v35;
	v37 =	vand.u32 $0xFFFFFC00, v37;
	[sflag:s14] =	ssyncset.done $0x0  }
0x450: {  	v35 =	vor.u32 v35, v37;
	[sflag:s14] =	ssyncadd.s32 $0xFFFFF000  }
0x451: {  	v37 =	vadd.s32 v2, v35;
	v34 =	vld.idx.msk [tilespmem:v34+s9+$0x0], $0xffff  }
0x452: {  	v35 =	vadd.s32 v3, v35;
	v36 =	vld.idx.msk [tilespmem:v36+s9+$0x0], $0xffff;
	_ =	sdelay $0x3  }
0x453: {  	s3 =	sand.u32 $0x7F, s3;
	s16 =	simm.s32 $0x8400;
	[tilespmem:v37+s6+$0x0] =	vst.idx.msk $0xffff, v34  }
0x454: {  	s17 =	sadd.s32 s31, s12;
	s22 =	sadd.s32 $0xFFFFFFFA, s21;
	s26 =	simm.s32 $0xA;
	v34 =	vor.u32 s3, v20;
	[tilespmem:v35+s6+$0x0] =	vst.idx.msk $0xffff, v36  }
0x455: {  	v35 =	vmov s22;
	v36 =	vor.u32 s3, v21;
	[tilespmem:s16], [sflag:$0x9] =	stream.strided.gather [hbm4b:s17+s9], $0x1000, s18, s9, $0x38;
	[tilespmem:$0x18400] =	vst v63  }
0x456: {  	v37 =	vshll.u32 v35, $0x3;
	_ =	swait.ge [sflag:s26], $0x1000  }
0x457: {  	v35 =	vand.u32 $0x79, v35;
	v37 =	vand.u32 $0xFFFFFC00, v37;
	[sflag:s26] =	ssyncset.done $0x0  }
0x458: {  	v35 =	vor.u32 v35, v37;
	[sflag:s26] =	ssyncadd.s32 $0xFFFFF000  }
0x459: {  	v37 =	vadd.s32 v2, v35;
	v34 =	vld.idx.msk [tilespmem:v34+s9+$0x0], $0xffff  }
0x45a: {  	v35 =	vadd.s32 v3, v35;
	v36 =	vld.idx.msk [tilespmem:v36+s9+$0x0], $0xffff;
	_ =	sdelay $0x3  }
0x45b: {  	s7 =	sand.u32 $0x7F, s7;
	s0 =	sadd.s32 s31, s28;
	[tilespmem:v37+s6+$0x0] =	vst.idx.msk $0xffff, v34  }
0x45c: {  	s15 =	simm.s32 $0x9400;
	s5 =	simm.s32 $0xB;
	s3 =	sadd.s32 $0xFFFFFFFB, s21;
	v34 =	vor.u32 s7, v22;
	[tilespmem:v35+s6+$0x0] =	vst.idx.msk $0xffff, v36  }
0x45d: {  	v35 =	vmov s3;
	v36 =	vor.u32 s7, v23;
	[tilespmem:s15], [sflag:$0xA] =	stream.strided.gather [hbm4b:s0+s9], $0x1000, s18, s9, $0x38;
	[tilespmem:$0x18400] =	vst v63  }
0x45e: {  	v37 =	vshll.u32 v35, $0x3;
	_ =	swait.ge [sflag:s5], $0x1000  }
0x45f: {  	v35 =	vand.u32 $0x7A, v35;
	v37 =	vand.u32 $0xFFFFFC00, v37;
	[sflag:s5] =	ssyncset.done $0x0  }
0x460: {  	v35 =	vor.u32 v35, v37;
	[sflag:s5] =	ssyncadd.s32 $0xFFFFF000  }
0x461: {  	v37 =	vadd.s32 v2, v35;
	v34 =	vld.idx.msk [tilespmem:v34+s9+$0x0], $0xffff  }
0x462: {  	v35 =	vadd.s32 v3, v35;
	v36 =	vld.idx.msk [tilespmem:v36+s9+$0x0], $0xffff;
	_ =	sdelay $0x3  }
0x463: {  	s13 =	simm.s32 $0xA400;
	s7 =	rddreg [dreg:$0xd];
	[tilespmem:v37+s6+$0x0] =	vst.idx.msk $0xffff, v34  }
0x464: {  	s22 =	simm.s32 $0xC;
	s17 =	sadd.s32 $0xFFFFFFFC, s21;
	s12 =	sadd.s32 s31, s7;
	v34 =	vor.u32 s11, v24;
	[tilespmem:v35+s6+$0x0] =	vst.idx.msk $0xffff, v36  }
0x465: {  	v35 =	vmov s17;
	v36 =	vor.u32 s11, v25;
	[tilespmem:s13], [sflag:$0xB] =	stream.strided.gather [hbm4b:s12+s9], $0x1000, s18, s9, $0x38;
	[tilespmem:$0x18400] =	vst v63  }
0x466: {  	v37 =	vshll.u32 v35, $0x3;
	_ =	swait.ge [sflag:s22], $0x1000  }
0x467: {  	v35 =	vand.u32 $0x7B, v35;
	v37 =	vand.u32 $0xFFFFFC00, v37;
	[sflag:s22] =	ssyncset.done $0x0  }
0x468: {  	v35 =	vor.u32 v35, v37;
	[sflag:s22] =	ssyncadd.s32 $0xFFFFF000  }
0x469: {  	v37 =	vadd.s32 v2, v35;
	v34 =	vld.idx.msk [tilespmem:v34+s9+$0x0], $0xffff  }
0x46a: {  	v35 =	vadd.s32 v3, v35;
	v36 =	vld.idx.msk [tilespmem:v36+s9+$0x0], $0xffff;
	_ =	sdelay $0x3  }
0x46b: {  	s28 =	sadd.s32 $0xFFFFFFFD, s21;
	s26 =	rddreg [dreg:$0xc];
	[tilespmem:v37+s6+$0x0] =	vst.idx.msk $0xffff, v34  }
0x46c: {  	s8 =	simm.s32 $0xB400;
	s4 =	simm.s32 $0xD;
	s0 =	sadd.s32 s31, s26;
	v34 =	vor.u32 s2, v26;
	[tilespmem:v35+s6+$0x0] =	vst.idx.msk $0xffff, v36  }
0x46d: {  	v35 =	vmov s28;
	v36 =	vor.u32 s2, v27;
	[tilespmem:s8], [sflag:$0xC] =	stream.strided.gather [hbm4b:s0+s9], $0x1000, s18, s9, $0x38;
	[tilespmem:$0x18400] =	vst v63  }
0x46e: {  	v37 =	vshll.u32 v35, $0x3;
	_ =	swait.ge [sflag:s4], $0x1000  }
0x46f: {  	v35 =	vand.u32 $0x7C, v35;
	v37 =	vand.u32 $0xFFFFFC00, v37;
	[sflag:s4] =	ssyncset.done $0x0  }
0x470: {  	v35 =	vor.u32 v35, v37;
	[sflag:s4] =	ssyncadd.s32 $0xFFFFF000  }
0x471: {  	v37 =	vadd.s32 v2, v35;
	v34 =	vld.idx.msk [tilespmem:v34+s9+$0x0], $0xffff  }
0x472: {  	v35 =	vadd.s32 v3, v35;
	v36 =	vld.idx.msk [tilespmem:v36+s9+$0x0], $0xffff;
	_ =	sdelay $0x3  }
0x473: {  	s10 =	simm.s32 $0xC400;
	[tilespmem:v37+s6+$0x0] =	vst.idx.msk $0xffff, v34  }
0x474: {  	s5 =	sadd.s32 s31, s1;
	s11 =	sadd.s32 $0xFFFFFFFE, s21;
	s12 =	simm.s32 $0xE;
	v34 =	vor.u32 s29, v28;
	[tilespmem:v35+s6+$0x0] =	vst.idx.msk $0xffff, v36  }
0x475: {  	v35 =	vmov s11;
	v36 =	vor.u32 s29, v29;
	[tilespmem:s10], [sflag:$0xD] =	stream.strided.gather [hbm4b:s5+s9], $0x1000, s18, s9, $0x38;
	[tilespmem:$0x18400] =	vst v63  }
0x476: {  	v37 =	vshll.u32 v35, $0x3;
	_ =	swait.ge [sflag:s12], $0x1000  }
0x477: {  	v35 =	vand.u32 $0x7D, v35;
	v37 =	vand.u32 $0xFFFFFC00, v37;
	[sflag:s12] =	ssyncset.done $0x0  }
0x478: {  	v35 =	vor.u32 v35, v37;
	[sflag:s12] =	ssyncadd.s32 $0xFFFFF000  }
0x479: {  	v37 =	vadd.s32 v2, v35;
	v34 =	vld.idx.msk [tilespmem:v34+s9+$0x0], $0xffff  }
0x47a: {  	v35 =	vadd.s32 v3, v35;
	v36 =	vld.idx.msk [tilespmem:v36+s9+$0x0], $0xffff;
	_ =	sdelay $0x3  }
0x47b: {  	s7 =	simm.s32 $0xD400;
	s17 =	rddreg [dreg:$0x9];
	[tilespmem:v37+s6+$0x0] =	vst.idx.msk $0xffff, v34  }
0x47c: {  	s22 =	sadd.s32 $0xFFFFFFFF, s21;
	s0 =	sadd.s32 s31, s17;
	v34 =	vor.u32 s25, v30;
	[tilespmem:v35+s6+$0x0] =	vst.idx.msk $0xffff, v36;
	v36 =	vor.u32 s25, v31;
	s25 =	simm.s32 $0xF  }
0x47d: {  	v35 =	vmov s22;
	[tilespmem:s7], [sflag:$0xE] =	stream.strided.gather [hbm4b:s0+s9], $0x1000, s18, s9, $0x38;
	[tilespmem:$0x18400] =	vst v63  }
0x47e: {  	v37 =	vshll.u32 v35, $0x3;
	_ =	swait.ge [sflag:s25], $0x1000  }
0x47f: {  	v35 =	vand.u32 $0x7E, v35;
	v37 =	vand.u32 $0xFFFFFC00, v37;
	[sflag:s25] =	ssyncset.done $0x0  }
0x480: {  	v35 =	vor.u32 v35, v37;
	[sflag:s25] =	ssyncadd.s32 $0xFFFFF000  }
0x481: {  	v37 =	vadd.s32 v2, v35;
	v34 =	vld.idx.msk [tilespmem:v34+s9+$0x0], $0xffff  }
0x482: {  	v35 =	vadd.s32 v3, v35;
	v36 =	vld.idx.msk [tilespmem:v36+s9+$0x0], $0xffff;
	_ =	sdelay $0x3  }
0x483: {  	s26 =	rddreg [dreg:$0x7];
	[tilespmem:v37+s6+$0x0] =	vst.idx.msk $0xffff, v34  }
0x484: {  	s14 =	simm.s32 $0xE400;
	s28 =	simm.s32 $0x10;
	s0 =	sadd.s32 s31, s26;
	v34 =	vor.u32 s23, v32;
	[tilespmem:v35+s6+$0x0] =	vst.idx.msk $0xffff, v36  }
0x485: {  	v35 =	vor.u32 s23, v33;
	v36 =	vmov s21;
	[tilespmem:s14], [sflag:$0xF] =	stream.strided.gather [hbm4b:s0+s9], $0x1000, s18, s9, $0x38;
	[tilespmem:$0x18400] =	vst v63  }
0x486: {  	v37 =	vshll.u32 v36, $0x3;
	_ =	swait.ge [sflag:s28], $0x1000  }
0x487: {  	v36 =	vand.u32 $0x7F, v36;
	v37 =	vand.u32 $0xFFFFFC00, v37;
	[sflag:s28] =	ssyncset.done $0x0  }
0x488: {  	v36 =	vor.u32 v36, v37;
	[sflag:s28] =	ssyncadd.s32 $0xFFFFF000  }
0x489: {  	v37 =	vadd.s32 v2, v36;
	v34 =	vld.idx.msk [tilespmem:v34+s9+$0x0], $0xffff  }
0x48a: {  	p0 =	sne.s32 s19, $0x1EF;
	v36 =	vadd.s32 v3, v36;
	v35 =	vld.idx.msk [tilespmem:v35+s9+$0x0], $0xffff  }
.Ltmp1:
0x48b: {  	_ = 	snop;
	(pc) =	sbr.rel @p0 .LBB2_4-.Ltmp1, $4  }
0x48c: {  	_ = 	snop  }
0x48d: {  	s23 =	simm.s32 $0x14400  }
0x48e: {  	s19 =	sadd.s32 $0x10, s19;
	s29 =	rddreg [dreg:$0x5];
	[tilespmem:v37+s23+$0x0] =	vst.idx.msk $0xffff, v34  }
0x48f: {  	s20 =	sadd.s32 $0x10, s20;
	s30 =	simm.s32 $0x2400;
	s0 =	sadd.s32 s31, s29;
	[tilespmem:v36+s23+$0x0] =	vst.idx.msk $0xffff, v35  }
0x490: {  	s1 =	simm.s32 $0xF400  }
0x491: {  	[tilespmem:s1], [sflag:$0x10] =	stream.strided.gather [hbm4b:s0+s9], $0x1000, s18, s9, $0x38;
	[tilespmem:$0x18400] =	vst v63  }
0x492: {  	v34 =	vld [tilespmem:$0x3F0];
	_ =	sdelay $0x4  }
0x493: {  	(v2sf) =	vpush v34, $0x0;
	_ =	sdelay $0xe  }
0x494: {  	s21 =	simm.s32 $0x1;
	s20 =	spop (v2sf)  }
0x495: {  	_ =	swait.ge [sflag:s21], $0x1000  }
0x496: {  	(v2sf) =	vpush v34, $0x1;
	_ =	sdelay $0x4  }
0x497: {  	s0 =	sand.u32 $0x7F, s20  }
0x498: {  	v35 =	vor.u32 s0, v0  }
0x499: {  	v36 =	vor.u32 s0, v1  }
0x49a: {  	v37 =	vld [tilespmem:$0x1FF80]  }
0x49b: {  	[sflag:s21] =	ssyncset.done $0x0;
	v39 =	vld [tilespmem:$0x1FF90]  }
0x49c: {  	[sflag:s21] =	ssyncadd.s32 $0xFFFFF000  }
0x49d: {  	v35 =	vld.idx.msk [tilespmem:v35+s9+$0x0], $0xffff  }
0x49e: {  	v36 =	vld.idx.msk [tilespmem:v36+s9+$0x0], $0xffff;
	_ =	sdelay $0x2  }
0x49f: {  	s22 =	spop (v2sf)  }
0x4a0: {  	[tilespmem:v37+s23+$0x0] =	vst.idx.msk $0xffff, v35;
	s0 =	sand.u32 $0x7F, s22  }
0x4a1: {  	s25 =	simm.s32 $0x2;
	[tilespmem:v39+s23+$0x0] =	vst.idx.msk $0xffff, v36;
	v35 =	vor.u32 s0, v4  }
0x4a2: {  	_ =	swait.ge [sflag:s25], $0x1000  }
0x4a3: {  	v37 =	vld [tilespmem:$0x1FFA0]  }
0x4a4: {  	(v2sf) =	vpush v34, $0x2;
	[sflag:s25] =	ssyncset.done $0x0  }
0x4a5: {  	v36 =	vor.u32 s0, v5;
	[sflag:s25] =	ssyncadd.s32 $0xFFFFF000  }
0x4a6: {  	v35 =	vld.idx.msk [tilespmem:v35+s9+$0x0], $0xffff;
	_ =	sdelay $0x3  }
0x4a7: {  	v36 =	vld.idx.msk [tilespmem:v36+s9+$0x0], $0xffff  }
0x4a8: {  	[tilespmem:v37+s23+$0x0] =	vst.idx.msk $0xffff, v35;
	v37 =	vld [tilespmem:$0x1FFB0];
	_ =	sdelay $0x7  }
0x4a9: {  	s28 =	simm.s32 $0x3;
	s26 =	spop (v2sf);
	[tilespmem:v37+s23+$0x0] =	vst.idx.msk $0xffff, v36  }
0x4aa: {  	_ =	swait.ge [sflag:s28], $0x1000  }
0x4ab: {  	(v2sf) =	vpush v34, $0x3;
	_ =	sdelay $0x2  }
0x4ac: {  	s0 =	sand.u32 $0x7F, s26  }
0x4ad: {  	v35 =	vor.u32 s0, v6  }
0x4ae: {  	v36 =	vor.u32 s0, v7  }
0x4af: {  	v37 =	vld [tilespmem:$0x1FFC0]  }
0x4b0: {  	[sflag:s28] =	ssyncset.done $0x0;
	v38 =	vld [tilespmem:$0x1FFD0]  }
0x4b1: {  	[sflag:s28] =	ssyncadd.s32 $0xFFFFF000  }
0x4b2: {  	v35 =	vld.idx.msk [tilespmem:v35+s9+$0x0], $0xffff  }
0x4b3: {  	v36 =	vld.idx.msk [tilespmem:v36+s9+$0x0], $0xffff;
	_ =	sdelay $0x3  }
0x4b4: {  	[tilespmem:v37+s23+$0x0] =	vst.idx.msk $0xffff, v35  }
0x4b5: {  	s2 =	simm.s32 $0x4;
	[tilespmem:v38+s23+$0x0] =	vst.idx.msk $0xffff, v36;
	s1 =	spop (v2sf)  }
0x4b6: {  	_ =	swait.ge [sflag:s2], $0x1000  }
0x4b7: {  	(v2sf) =	vpush v34, $0x4;
	_ =	sdelay $0x2  }
0x4b8: {  	s0 =	sand.u32 $0x7F, s1  }
0x4b9: {  	v35 =	vor.u32 s0, v8  }
0x4ba: {  	v36 =	vor.u32 s0, v9  }
0x4bb: {  	v37 =	vld [tilespmem:$0x1FFE0]  }
0x4bc: {  	[sflag:s2] =	ssyncset.done $0x0;
	v39 =	vld [tilespmem:$0x1FFF0]  }
0x4bd: {  	[sflag:s2] =	ssyncadd.s32 $0xFFFFF000  }
0x4be: {  	v35 =	vld.idx.msk [tilespmem:v35+s9+$0x0], $0xffff  }
0x4bf: {  	v36 =	vld.idx.msk [tilespmem:v36+s9+$0x0], $0xffff;
	_ =	sdelay $0x3  }
0x4c0: {  	[tilespmem:v37+s23+$0x0] =	vst.idx.msk $0xffff, v35  }
0x4c1: {  	s4 =	simm.s32 $0x5;
	[tilespmem:v39+s23+$0x0] =	vst.idx.msk $0xffff, v36;
	s3 =	spop (v2sf)  }
0x4c2: {  	_ =	swait.ge [sflag:s4], $0x1000  }
0x4c3: {  	(v2sf) =	vpush v34, $0x5;
	_ =	sdelay $0x2  }
0x4c4: {  	s0 =	sand.u32 $0x7F, s3  }
0x4c5: {  	v35 =	vor.u32 s0, v10  }
0x4c6: {  	v36 =	vor.u32 s0, v11;
	_ =	sdelay $0x1  }
0x4c7: {  	[sflag:s4] =	ssyncset.done $0x0  }
0x4c8: {  	[sflag:s4] =	ssyncadd.s32 $0xFFFFF000  }
0x4c9: {  	v35 =	vld.idx.msk [tilespmem:v35+s9+$0x0], $0xffff  }
0x4ca: {  	v36 =	vld.idx.msk [tilespmem:v36+s9+$0x0], $0xffff;
	_ =	sdelay $0x3  }
0x4cb: {  	[tilespmem:v40+s23+$0x0] =	vst.idx.msk $0xffff, v35  }
0x4cc: {  	s6 =	simm.s32 $0x6;
	[tilespmem:v41+s23+$0x0] =	vst.idx.msk $0xffff, v36;
	s5 =	spop (v2sf)  }
0x4cd: {  	_ =	swait.ge [sflag:s6], $0x1000  }
0x4ce: {  	(v2sf) =	vpush v34, $0x6;
	_ =	sdelay $0x2  }
0x4cf: {  	s0 =	sand.u32 $0x7F, s5  }
0x4d0: {  	v35 =	vor.u32 s0, v12  }
0x4d1: {  	v36 =	vor.u32 s0, v13;
	_ =	sdelay $0x1  }
0x4d2: {  	[sflag:s6] =	ssyncset.done $0x0  }
0x4d3: {  	[sflag:s6] =	ssyncadd.s32 $0xFFFFF000  }
0x4d4: {  	v35 =	vld.idx.msk [tilespmem:v35+s9+$0x0], $0xffff  }
0x4d5: {  	v36 =	vld.idx.msk [tilespmem:v36+s9+$0x0], $0xffff;
	_ =	sdelay $0x3  }
0x4d6: {  	[tilespmem:v42+s23+$0x0] =	vst.idx.msk $0xffff, v35  }
0x4d7: {  	s12 =	simm.s32 $0x7;
	[tilespmem:v43+s23+$0x0] =	vst.idx.msk $0xffff, v36;
	s11 =	spop (v2sf)  }
0x4d8: {  	_ =	swait.ge [sflag:s12], $0x1000  }
0x4d9: {  	(v2sf) =	vpush v34, $0x7;
	_ =	sdelay $0x2  }
0x4da: {  	s0 =	sand.u32 $0x7F, s11  }
0x4db: {  	v35 =	vor.u32 s0, v14  }
0x4dc: {  	v36 =	vor.u32 s0, v15;
	_ =	sdelay $0x1  }
0x4dd: {  	[sflag:s12] =	ssyncset.done $0x0  }
0x4de: {  	[sflag:s12] =	ssyncadd.s32 $0xFFFFF000  }
0x4df: {  	v35 =	vld.idx.msk [tilespmem:v35+s9+$0x0], $0xffff  }
0x4e0: {  	v36 =	vld.idx.msk [tilespmem:v36+s9+$0x0], $0xffff;
	_ =	sdelay $0x3  }
0x4e1: {  	[tilespmem:v44+s23+$0x0] =	vst.idx.msk $0xffff, v35  }
0x4e2: {  	s19 =	simm.s32 $0x8;
	[tilespmem:v45+s23+$0x0] =	vst.idx.msk $0xffff, v36;
	s17 =	spop (v2sf)  }
0x4e3: {  	_ =	swait.ge [sflag:s19], $0x1000  }
0x4e4: {  	(v2sf) =	vpush v34, $0x8;
	_ =	sdelay $0x2  }
0x4e5: {  	s0 =	sand.u32 $0x7F, s17  }
0x4e6: {  	v35 =	vor.u32 s0, v16  }
0x4e7: {  	v36 =	vor.u32 s0, v17;
	_ =	sdelay $0x1  }
0x4e8: {  	[sflag:s19] =	ssyncset.done $0x0  }
0x4e9: {  	[sflag:s19] =	ssyncadd.s32 $0xFFFFF000  }
0x4ea: {  	v35 =	vld.idx.msk [tilespmem:v35+s9+$0x0], $0xffff  }
0x4eb: {  	v36 =	vld.idx.msk [tilespmem:v36+s9+$0x0], $0xffff;
	_ =	sdelay $0x3  }
0x4ec: {  	[tilespmem:v46+s23+$0x0] =	vst.idx.msk $0xffff, v35  }
0x4ed: {  	s21 =	simm.s32 $0x9;
	[tilespmem:v47+s23+$0x0] =	vst.idx.msk $0xffff, v36;
	s20 =	spop (v2sf)  }
0x4ee: {  	_ =	swait.ge [sflag:s21], $0x1000  }
0x4ef: {  	(v2sf) =	vpush v34, $0x9;
	_ =	sdelay $0x2  }
0x4f0: {  	s0 =	sand.u32 $0x7F, s20  }
0x4f1: {  	v35 =	vor.u32 s0, v18  }
0x4f2: {  	v36 =	vor.u32 s0, v19;
	_ =	sdelay $0x1  }
0x4f3: {  	[sflag:s21] =	ssyncset.done $0x0  }
0x4f4: {  	[sflag:s21] =	ssyncadd.s32 $0xFFFFF000  }
0x4f5: {  	v35 =	vld.idx.msk [tilespmem:v35+s9+$0x0], $0xffff  }
0x4f6: {  	v36 =	vld.idx.msk [tilespmem:v36+s9+$0x0], $0xffff;
	_ =	sdelay $0x3  }
0x4f7: {  	[tilespmem:v48+s23+$0x0] =	vst.idx.msk $0xffff, v35  }
0x4f8: {  	s25 =	simm.s32 $0xA;
	[tilespmem:v49+s23+$0x0] =	vst.idx.msk $0xffff, v36;
	s22 =	spop (v2sf)  }
0x4f9: {  	_ =	swait.ge [sflag:s25], $0x1000  }
0x4fa: {  	(v2sf) =	vpush v34, $0xA;
	_ =	sdelay $0x2  }
0x4fb: {  	s0 =	sand.u32 $0x7F, s22  }
0x4fc: {  	v35 =	vor.u32 s0, v20  }
0x4fd: {  	v36 =	vor.u32 s0, v21;
	_ =	sdelay $0x1  }
0x4fe: {  	[sflag:s25] =	ssyncset.done $0x0  }
0x4ff: {  	[sflag:s25] =	ssyncadd.s32 $0xFFFFF000  }
0x500: {  	v35 =	vld.idx.msk [tilespmem:v35+s9+$0x0], $0xffff  }
0x501: {  	v36 =	vld.idx.msk [tilespmem:v36+s9+$0x0], $0xffff;
	_ =	sdelay $0x3  }
0x502: {  	[tilespmem:v50+s23+$0x0] =	vst.idx.msk $0xffff, v35  }
0x503: {  	s28 =	simm.s32 $0xB;
	[tilespmem:v51+s23+$0x0] =	vst.idx.msk $0xffff, v36;
	s26 =	spop (v2sf)  }
0x504: {  	_ =	swait.ge [sflag:s28], $0x1000  }
0x505: {  	(v2sf) =	vpush v34, $0xB;
	_ =	sdelay $0x2  }
0x506: {  	s0 =	sand.u32 $0x7F, s26  }
0x507: {  	v35 =	vor.u32 s0, v22  }
0x508: {  	v36 =	vor.u32 s0, v23;
	_ =	sdelay $0x1  }
0x509: {  	[sflag:s28] =	ssyncset.done $0x0  }
0x50a: {  	[sflag:s28] =	ssyncadd.s32 $0xFFFFF000  }
0x50b: {  	v35 =	vld.idx.msk [tilespmem:v35+s9+$0x0], $0xffff  }
0x50c: {  	v36 =	vld.idx.msk [tilespmem:v36+s9+$0x0], $0xffff;
	_ =	sdelay $0x3  }
0x50d: {  	[tilespmem:v52+s23+$0x0] =	vst.idx.msk $0xffff, v35  }
0x50e: {  	s3 =	simm.s32 $0xC;
	[tilespmem:v53+s23+$0x0] =	vst.idx.msk $0xffff, v36;
	s2 =	spop (v2sf)  }
0x50f: {  	_ =	swait.ge [sflag:s3], $0x1000  }
0x510: {  	(v2sf) =	vpush v34, $0xC;
	_ =	sdelay $0x2  }
0x511: {  	s0 =	sand.u32 $0x7F, s2  }
0x512: {  	v35 =	vor.u32 s0, v24  }
0x513: {  	v36 =	vor.u32 s0, v25;
	_ =	sdelay $0x1  }
0x514: {  	[sflag:s3] =	ssyncset.done $0x0  }
0x515: {  	[sflag:s3] =	ssyncadd.s32 $0xFFFFF000  }
0x516: {  	v35 =	vld.idx.msk [tilespmem:v35+s9+$0x0], $0xffff  }
0x517: {  	v36 =	vld.idx.msk [tilespmem:v36+s9+$0x0], $0xffff;
	_ =	sdelay $0x3  }
0x518: {  	[tilespmem:v54+s23+$0x0] =	vst.idx.msk $0xffff, v35  }
0x519: {  	s5 =	simm.s32 $0xD;
	[tilespmem:v55+s23+$0x0] =	vst.idx.msk $0xffff, v36;
	s4 =	spop (v2sf)  }
0x51a: {  	_ =	swait.ge [sflag:s5], $0x1000  }
0x51b: {  	(v2sf) =	vpush v34, $0xD;
	_ =	sdelay $0x2  }
0x51c: {  	s0 =	sand.u32 $0x7F, s4  }
0x51d: {  	v35 =	vor.u32 s0, v26  }
0x51e: {  	v36 =	vor.u32 s0, v27;
	_ =	sdelay $0x1  }
0x51f: {  	[sflag:s5] =	ssyncset.done $0x0  }
0x520: {  	[sflag:s5] =	ssyncadd.s32 $0xFFFFF000  }
0x521: {  	v35 =	vld.idx.msk [tilespmem:v35+s9+$0x0], $0xffff  }
0x522: {  	v36 =	vld.idx.msk [tilespmem:v36+s9+$0x0], $0xffff;
	_ =	sdelay $0x3  }
0x523: {  	[tilespmem:v56+s23+$0x0] =	vst.idx.msk $0xffff, v35  }
0x524: {  	s11 =	simm.s32 $0xE;
	[tilespmem:v57+s23+$0x0] =	vst.idx.msk $0xffff, v36;
	s6 =	spop (v2sf)  }
0x525: {  	_ =	swait.ge [sflag:s11], $0x1000  }
0x526: {  	(v2sf) =	vpush v34, $0xE;
	_ =	sdelay $0x2  }
0x527: {  	s0 =	sand.u32 $0x7F, s6  }
0x528: {  	v35 =	vor.u32 s0, v28  }
0x529: {  	v36 =	vor.u32 s0, v29;
	_ =	sdelay $0x1  }
0x52a: {  	[sflag:s11] =	ssyncset.done $0x0  }
0x52b: {  	[sflag:s11] =	ssyncadd.s32 $0xFFFFF000  }
0x52c: {  	v35 =	vld.idx.msk [tilespmem:v35+s9+$0x0], $0xffff  }
0x52d: {  	v36 =	vld.idx.msk [tilespmem:v36+s9+$0x0], $0xffff;
	_ =	sdelay $0x3  }
0x52e: {  	[tilespmem:v58+s23+$0x0] =	vst.idx.msk $0xffff, v35  }
0x52f: {  	s17 =	simm.s32 $0xF;
	[tilespmem:v59+s23+$0x0] =	vst.idx.msk $0xffff, v36;
	s12 =	spop (v2sf)  }
0x530: {  	_ =	swait.ge [sflag:s17], $0x1000  }
0x531: {  	(v2sf) =	vpush v34, $0xF;
	_ =	sdelay $0x5  }
0x532: {  	s0 =	sand.u32 $0x7F, s12  }
0x533: {  	v37 =	vor.u32 s0, v30  }
0x534: {  	v38 =	vor.u32 s0, v31;
	_ =	sdelay $0x1  }
0x535: {  	[sflag:s17] =	ssyncset.done $0x0  }
0x536: {  	[sflag:s17] =	ssyncadd.s32 $0xFFFFF000  }
0x537: {  	v34 =	vld.idx.msk [tilespmem:v37+s9+$0x0], $0xffff  }
0x538: {  	v35 =	vld.idx.msk [tilespmem:v38+s9+$0x0], $0xffff;
	_ =	sdelay $0x1  }
0x539: {  	s19 =	spop (v2sf)  }
0x53a: {  	s0 =	sand.u32 $0x7F, s19  }
0x53b: {  	[tilespmem:v60+s23+$0x0] =	vst.idx.msk $0xffff, v34;
	v34 =	vor.u32 s0, v32  }
0x53c: {  	s20 =	simm.s32 $0x10;
	[tilespmem:v61+s23+$0x0] =	vst.idx.msk $0xffff, v35;
	v36 =	vor.u32 s0, v33  }
0x53d: {  	_ =	swait.ge [sflag:s20], $0x1000  }
0x53e: {  	[sflag:s20] =	ssyncset.done $0x0  }
0x53f: {  	[sflag:s20] =	ssyncadd.s32 $0xFFFFF000  }
0x540: {  	v34 =	vld.idx.msk [tilespmem:v34+s9+$0x0], $0xffff  }
0x541: {  	v39 =	vld.idx.msk [tilespmem:v36+s9+$0x0], $0xffff;
	_ =	sdelay $0x3  }
0x542: {  	s22 =	simm.s32 $0x1000;
	s2 =	simm.s32 $0x11;
	[tilespmem:v62+s23+$0x0] =	vst.idx.msk $0xffff, v34  }
0x543: {  	s3 =	simm.s32 $0x20000;
	s12 =	simm.s32 $0x10400;
	s21 =	rddreg [dreg:$0xf];
	[tilespmem:v63+s23+$0x0] =	vst.idx.msk $0xffff, v39  }
0x544: {  	[hbm4b:s21+s22] =	stream.strided.scatter [tilespmem:s12], [sflag:$0x11], $0x4000, s3, s22, $0x38;
	[tilespmem:$0x18400] =	vst v63  }
0x545: {  	_ =	swait.ge [sflag:s2], $0x4000  }
0x546: {  	[sflag:s2] =	ssyncset.done $0x0  }
0x547: {  	s25 =	rddreg [dreg:$0x11];
	[sflag:s2] =	ssyncadd.s32 $0xFFFFC000  }
0x548: {  	[hbm4b:s25+s22] =	stream.strided.scatter [tilespmem:s23], [sflag:$0x11], $0x4000, s3, s22, $0x38;
	[tilespmem:$0x18400] =	vst v63  }
0x549: {  	_ =	swait.ge [sflag:s2], $0x4000  }
0x54a: {  	s26 =	rddreg [dreg:$0x13]  }
0x54b: {  	s28 =	rddreg [dreg:$0x12];
	s1 =	sadd.s32 $0x1, s26  }
0x54c: {  	p0 =	sne.s32 s1, s28  }
.Ltmp2:
0x54d: {  	_ = 	snop;
	(pc) =	sbr.rel @p0 .LBB2_1-.Ltmp2, $3  }
0x54e: {  	_ =	sdelay $0x1  }
0x54f: {  	s29 =	simm.s32 $0x1400;
	s4 =	simm.s32 $0x4400;
	[sflag:s2] =	ssyncset.done $0x0  }
0x550: {  	s5 =	simm.s32 $0x5400;
	s6 =	simm.s32 $0x7400;
	[sflag:s2] =	ssyncadd.s32 $0xFFFFC000  }
0x551: {  	_ =	sfence.sel $0x180000  }
0x552: {  	[bflag:$0x0] =	sbarrier.arrive $0xFFFF  }
0x553: {  	_ =	strace $0x90000047  }
0x554: {  	s0 =	stileid.u32;
	[bflag:$0x2] =	sbarrier.arrive $0xFFFF  }
0x555: {  	p0 =	sne.s32 s0, $0x0;
	s0 =	rddreg [dreg:$0x3]  }
0x556: {  	s0 =	sadd.s32 @!p0 $0x100000, s0  }
0x557: {  	[sflag:s0] =	ssyncadd.tile.s32 @!p0 $0x1;
	_ =	shalt  }
.Lfunc_end2:
_tile_overlayer_lowered:
.L_overlay_start_2:
0x558: {  	(tag) =	ssettag $0x2  }
0x559: {  	s0 =	rddreg [dreg:$0x0];
	s2 =	stileid.u32  }
0x55a: {  	s1 =	rddreg [dreg:$0x1];
	p0 =	sne.s32 s2, $0x0  }
0x55b: {  	s3 =	rddreg [dreg:$0x2];
	[bflag:$0x3] =	sbarrier.arrive $0xFFFF;
	s2 =	simm.s32 @!p0 $0x1C11  }
0x55c: {  	[timem:s3], [sflag:s2] =	dma.local @!p0 [hbm:s0], s1  }
0x55d: {  	s0 =	simm.s32 @!p0 $0x11  }
0x55e: {  	_ =	swait.ge @!p0 [sflag:s0], s1  }
0x55f: {  	s1 =	ssub.s32 @!p0 $0x0, s1;
	[sflag:s0] =	ssyncset.done @!p0 $0x0  }
0x560: {  	[sflag:s0] =	ssyncadd.s32 @!p0 s1  }
0x561: {  	[bflag:$0x3] =	sbarrier.arrive $0xFFFF  }
0x562: {  	_ =	shalt  }

</sc_bundles>
